<compile_context>
chip_gen: v7x
topology: tpu7x:2x2x1
jax: 0.10.2.dev20260603
libtpu: 0.0.44.dev20260713+nightly
codegen_flags: <defaults>
</compile_context>

<pallas_src>
import functools

import jax
import jax.numpy as jnp
from jax import lax
from jax.experimental import pallas as pl
from jax.experimental.pallas import tpu as pltpu
from jax.experimental.pallas import tpu_sc as plsc

N = 10000
E = 320000
D = 128
HW = 32
K = 100
B = 64
NP = 10240
TLD = 97
TPAD = 112
ROWT = 1280
NT = NP // ROWT
POOL = K * B
POOL_ACC = 7680
NC_SC = 2
NS_SC = 16
CH = 80


_MESH = dict(core_axis_name="c", subcore_axis_name="s")
_SC_PARAMS = pltpu.CompilerParams(use_tc_tiling_on_sc=False)


def _sc_degree(dst, ones_hbm, z_hbm):
    epc = E // NC_SC
    eps = epc // NS_SC
    nch = eps // CH
    rps = NP // NS_SC

    @functools.partial(
        pl.kernel,
        out_type=jax.ShapeDtypeStruct((NC_SC * NP, 16), jnp.float32),
        mesh=plsc.VectorSubcoreMesh(**_MESH),
        compiler_params=_SC_PARAMS,
        scratch_types=[
            pltpu.VMEM((CH,), jnp.int32),
            pltpu.VMEM((CH, 16), jnp.float32),
            pltpu.VMEM_SHARED((NP, 16), jnp.float32),
            pltpu.SemaphoreType.DMA,
        ],
    )
    def k(dst_hbm, ones_h, z_h, out_hbm, dstv, ones_v, accum, sem):
        cid = lax.axis_index("c")
        sid = lax.axis_index("s")
        pltpu.sync_copy(ones_h, ones_v)
        pltpu.sync_copy(z_h.at[pl.ds(sid * rps, rps)],
                        accum.at[pl.ds(sid * rps, rps)])
        plsc.subcore_barrier()
        base = cid * epc + sid * eps

        @pl.loop(0, nch)
        def _(i):
            pltpu.sync_copy(dst_hbm.at[pl.ds(base + i * CH, CH)], dstv)
            pltpu.sync_copy(ones_v, accum.at[dstv], add=True)

        plsc.subcore_barrier()
        pltpu.sync_copy(accum.at[pl.ds(sid * rps, rps)],
                        out_hbm.at[pl.ds(cid * NP + sid * rps, rps)])

    return k(dst, ones_hbm, z_hbm)


def _sc_edge_scatter(g, src, dst, z_hbm, width):
    epc = E // NC_SC
    eps = epc // NS_SC
    nch = eps // CH
    rps = NP // NS_SC

    @functools.partial(
        pl.kernel,
        out_type=jax.ShapeDtypeStruct((NC_SC * NP, width), jnp.float32),
        mesh=plsc.VectorSubcoreMesh(**_MESH),
        compiler_params=_SC_PARAMS,
        scratch_types=[
            pltpu.VMEM((2, CH), jnp.int32),
            pltpu.VMEM((2, CH), jnp.int32),
            pltpu.VMEM((2, CH, width), jnp.float32),
            pltpu.SemaphoreType.DMA,
            pltpu.SemaphoreType.DMA,
            pltpu.SemaphoreType.DMA,
            pltpu.SemaphoreType.DMA,
            pltpu.VMEM_SHARED((NP, width), jnp.float32),
        ],
    )
    def k(g_hbm, src_hbm, dst_hbm, z_h, out_hbm, srcv, dstv, rows,
          sem_i0, sem_i1, sem_g0, sem_g1, accum):
        cid = lax.axis_index("c")
        sid = lax.axis_index("s")
        pltpu.sync_copy(z_h.at[pl.ds(sid * rps, rps)],
                        accum.at[pl.ds(sid * rps, rps)])
        plsc.subcore_barrier()
        base = cid * epc + sid * eps
        isems = (sem_i0, sem_i1)
        gsems = (sem_g0, sem_g1)

        def idx_start(i, b):
            e0 = base + i * CH
            pltpu.async_copy(src_hbm.at[pl.ds(e0, CH)], srcv.at[b], isems[b])
            pltpu.async_copy(dst_hbm.at[pl.ds(e0, CH)], dstv.at[b], isems[b])

        def idx_wait(i, b):
            e0 = base + i * CH
            pltpu.make_async_copy(src_hbm.at[pl.ds(e0, CH)], srcv.at[b],
                                  isems[b]).wait()
            pltpu.make_async_copy(dst_hbm.at[pl.ds(e0, CH)], dstv.at[b],
                                  isems[b]).wait()

        def gather_start(b):
            pltpu.async_copy(g_hbm.at[srcv.at[b]], rows.at[b], gsems[b])

        def gather_wait(b):
            pltpu.make_async_copy(g_hbm.at[srcv.at[b]], rows.at[b],
                                  gsems[b]).wait()

        def scatter(b):
            pltpu.sync_copy(rows.at[b], accum.at[dstv.at[b]], add=True)

        idx_start(0, 0)

        @pl.loop(0, nch // 2)
        def _(t):
            i0 = 2 * t
            idx_wait(i0, 0)
            gather_start(0)
            idx_start(i0 + 1, 1)
            gather_wait(0)
            idx_wait(i0 + 1, 1)
            gather_start(1)
            scatter(0)
            idx_start(i0 + 2, 0)
            gather_wait(1)
            scatter(1)

        idx_wait(nch - 1, 0)
        gather_start(0)
        gather_wait(0)
        scatter(0)

        plsc.subcore_barrier()
        pltpu.sync_copy(accum.at[pl.ds(sid * rps, rps)],
                        out_hbm.at[pl.ds(cid * NP + sid * rps, rps)])

    return k(g, src, dst, z_hbm)


def _sc_pool_scatter(hcat, slot, z_hbm):
    rpc = NP // NC_SC
    rpsub = rpc // NS_SC
    nch = rpsub // CH
    zps = POOL_ACC // NS_SC
    ops = POOL // NS_SC

    @functools.partial(
        pl.kernel,
        out_type=jax.ShapeDtypeStruct((NC_SC * POOL, TPAD), jnp.float32),
        mesh=plsc.VectorSubcoreMesh(**_MESH),
        compiler_params=_SC_PARAMS,
        scratch_types=[
            pltpu.VMEM((CH,), jnp.int32),
            pltpu.VMEM((CH, TPAD), jnp.float32),
            pltpu.VMEM_SHARED((POOL_ACC, TPAD), jnp.float32),
            pltpu.SemaphoreType.DMA,
        ],
    )
    def k(h_hbm, slot_hbm, z_h, out_hbm, slotv, rows, accum, sem):
        cid = lax.axis_index("c")
        sid = lax.axis_index("s")
        pltpu.sync_copy(z_h.at[pl.ds(sid * zps, zps)],
                        accum.at[pl.ds(sid * zps, zps)])
        plsc.subcore_barrier()
        base = cid * rpc + sid * rpsub

        @pl.loop(0, nch)
        def _(i):
            pltpu.sync_copy(h_hbm.at[pl.ds(base + i * CH, CH)], rows)
            pltpu.sync_copy(slot_hbm.at[pl.ds(base + i * CH, CH)], slotv)
            pltpu.sync_copy(rows, accum.at[slotv], add=True)

        plsc.subcore_barrier()
        pltpu.sync_copy(accum.at[pl.ds(sid * ops, ops)],
                        out_hbm.at[pl.ds(cid * POOL + sid * ops, ops)])

    return k(hcat, slot, z_hbm)




def _tc_dinv_g0(degp, x, W0):

    def body(degp_ref, x_ref, w_ref, dinv_ref, g0_ref):
        deg = degp_ref[0, :, 0] + degp_ref[1, :, 0] + 1.0
        dinv = lax.rsqrt(jnp.maximum(deg, 1e-12))
        hw = jnp.dot(x_ref[...], w_ref[...], preferred_element_type=jnp.float32)
        dinv_ref[:, 0] = dinv
        g0_ref[...] = dinv[:, None] * hw

    return pl.pallas_call(
        body,
        grid=(NT,),
        in_specs=[
            pl.BlockSpec((2, ROWT, 16), lambda t: (0, t, 0)),
            pl.BlockSpec((ROWT, D), lambda t: (t, 0)),
            pl.BlockSpec((D, HW), lambda t: (0, 0)),
        ],
        out_specs=[
            pl.BlockSpec((ROWT, 1), lambda t: (t, 0)),
            pl.BlockSpec((ROWT, HW), lambda t: (t, 0)),
        ],
        out_shape=[
            jax.ShapeDtypeStruct((NP, 1), jnp.float32),
            jax.ShapeDtypeStruct((NP, HW), jnp.float32),
        ],
    )(degp, x, W0)


def _tc_layer(p, g, dinv, bias, Wn, wout):

    def body(p_ref, g_ref, dinv_ref, b_ref, w_ref, h_ref, gn_ref):
        dinv = dinv_ref[:, 0]
        s = p_ref[0] + p_ref[1] + g_ref[...]
        h = jnp.tanh(dinv[:, None] * s + b_ref[...])
        gn_ref[...] = dinv[:, None] * jnp.dot(
            h, w_ref[...], preferred_element_type=jnp.float32)
        h_ref[...] = h

    return pl.pallas_call(
        body,
        grid=(NT,),
        in_specs=[
            pl.BlockSpec((2, ROWT, HW), lambda t: (0, t, 0)),
            pl.BlockSpec((ROWT, HW), lambda t: (t, 0)),
            pl.BlockSpec((ROWT, 1), lambda t: (t, 0)),
            pl.BlockSpec((1, HW), lambda t: (0, 0)),
            pl.BlockSpec((HW, wout), lambda t: (0, 0)),
        ],
        out_specs=[
            pl.BlockSpec((ROWT, HW), lambda t: (t, 0)),
            pl.BlockSpec((ROWT, wout), lambda t: (t, 0)),
        ],
        out_shape=[
            jax.ShapeDtypeStruct((NP, HW), jnp.float32),
            jax.ShapeDtypeStruct((NP, wout), jnp.float32),
        ],
    )(p, g, dinv, bias, Wn)


def _tc_concat(h1, h2, h3, p3, g3, dinv, b3):

    def body(h1_ref, h2_ref, h3_ref, p3_ref, g3_ref, dinv_ref, b3_ref,
             hcat_ref, key_ref):
        dinv = dinv_ref[:, 0]
        s = p3_ref[0] + p3_ref[1] + g3_ref[...]
        h4 = jnp.tanh(dinv[:, None] * s + b3_ref[0, 0])
        hcat_ref[:, 0:HW] = h1_ref[...]
        hcat_ref[:, HW:2 * HW] = h2_ref[...]
        hcat_ref[:, 2 * HW:3 * HW] = h3_ref[...]
        hcat_ref[:, 3 * HW:TPAD] = jnp.where(
            lax.broadcasted_iota(jnp.int32, (ROWT, 16), 1) == 0, h4, 0.0)
        key_ref[:, 0] = h4[:, 0]

    return pl.pallas_call(
        body,
        grid=(NT,),
        in_specs=[
            pl.BlockSpec((ROWT, HW), lambda t: (t, 0)),
            pl.BlockSpec((ROWT, HW), lambda t: (t, 0)),
            pl.BlockSpec((ROWT, HW), lambda t: (t, 0)),
            pl.BlockSpec((2, ROWT, 16), lambda t: (0, t, 0)),
            pl.BlockSpec((ROWT, 16), lambda t: (t, 0)),
            pl.BlockSpec((ROWT, 1), lambda t: (t, 0)),
            pl.BlockSpec((1, 1), lambda t: (0, 0)),
        ],
        out_specs=[
            pl.BlockSpec((ROWT, TPAD), lambda t: (t, 0)),
            pl.BlockSpec((ROWT, 1), lambda t: (t, 0)),
        ],
        out_shape=[
            jax.ShapeDtypeStruct((NP, TPAD), jnp.float32),
            jax.ShapeDtypeStruct((NP, 1), jnp.float32),
        ],
    )(h1, h2, h3, p3, g3, dinv, b3)


_IT = 256
_JC = 512


def _tc_rank(keyc, batc, keyr, batr):

    def body(kc_ref, bc_ref, kr_ref, br_ref, slot_ref):
        pid = pl.program_id(0)
        i0 = pid * _IT
        ki = kc_ref[...]
        bi = bc_ref[...]
        iidx = i0 + lax.broadcasted_iota(jnp.int32, (_IT, 1), 0)
        ball = br_ref[...]
        bmin = jnp.min(bi)
        bmax = jnp.max(bi)
        jlo = jnp.sum((ball < bmin).astype(jnp.int32))
        jhi = jnp.sum((ball <= bmax).astype(jnp.int32))
        t0 = jlo // _JC
        t1 = (jhi + _JC - 1) // _JC

        def chunk(t, w):
            j0 = t * _JC
            kj = kr_ref[:, pl.ds(j0, _JC)]
            bj = br_ref[:, pl.ds(j0, _JC)]
            jidx = j0 + lax.broadcasted_iota(jnp.int32, (1, _JC), 1)
            eqb = bj == bi
            gt = kj > ki
            tie = (kj == ki) & (jidx < iidx)
            hit = eqb & (gt | tie)
            return w + jnp.sum(hit.astype(jnp.int32), axis=1, keepdims=True)

        w = lax.fori_loop(t0, t1, chunk, jnp.zeros((_IT, 1), jnp.int32))
        valid = (w < K) & (iidx < N)
        dump = POOL + (iidx & 1023)
        slot_ref[...] = jnp.where(valid, bi * K + w, dump)

    return pl.pallas_call(
        body,
        grid=(NP // _IT,),
        in_specs=[
            pl.BlockSpec((_IT, 1), lambda t: (t, 0)),
            pl.BlockSpec((_IT, 1), lambda t: (t, 0)),
            pl.BlockSpec((1, NP), lambda t: (0, 0)),
            pl.BlockSpec((1, NP), lambda t: (0, 0)),
        ],
        out_specs=pl.BlockSpec((_IT, 1), lambda t: (t, 0)),
        out_shape=jax.ShapeDtypeStruct((NP, 1), jnp.int32),
    )(keyc, batc, keyr, batr)


def _tc_head1(pp, c1b2, c1bias, c2d, c2b):

    def body(pp_ref, c1_ref, c1b_ref, c2_ref, c2b_ref, y_ref):
        p = pp_ref[0] + pp_ref[1]
        y1 = jnp.dot(p, c1_ref[...], preferred_element_type=jnp.float32)
        y1 = jnp.maximum(y1 + c1b_ref[...], 0.0)
        y2 = jnp.maximum(y1[:, :16], y1[:, 16:])
        acc = jnp.zeros((POOL // 2, HW), jnp.float32)
        for d in range(5):
            if d == 0:
                sh = y2
            else:
                sh = jnp.concatenate(
                    [y2[d:], jnp.zeros((d, 16), jnp.float32)], axis=0)
            acc = acc + jnp.dot(sh, c2_ref[d],
                                preferred_element_type=jnp.float32)
        y_ref[...] = jnp.maximum(acc + c2b_ref[...], 0.0)

    return pl.pallas_call(
        body,
        in_specs=[
            pl.BlockSpec((2, POOL // 2, 2 * TPAD), lambda: (0, 0, 0)),
            pl.BlockSpec((2 * TPAD, HW), lambda: (0, 0)),
            pl.BlockSpec((1, HW), lambda: (0, 0)),
            pl.BlockSpec((5, 16, HW), lambda: (0, 0, 0)),
            pl.BlockSpec((1, HW), lambda: (0, 0)),
        ],
        out_specs=pl.BlockSpec((POOL // 2, HW), lambda: (0, 0)),
        out_shape=jax.ShapeDtypeStruct((POOL // 2, HW), jnp.float32),
    )(pp, c1b2, c1bias, c2d, c2b)


def _tc_head2(y3f, m1p, m1b, m2w, m2b):

    def body(y_ref, w1_ref, b1_ref, w2_ref, b2_ref, out_ref):
        y4 = jnp.dot(y_ref[...], w1_ref[...],
                     preferred_element_type=jnp.float32)
        y4 = jnp.maximum(y4 + b1_ref[...], 0.0)
        out_ref[...] = jnp.dot(y4, w2_ref[...],
                               preferred_element_type=jnp.float32) + b2_ref[...]

    return pl.pallas_call(
        body,
        in_specs=[
            pl.BlockSpec((B, 1600), lambda: (0, 0)),
            pl.BlockSpec((1600, HW), lambda: (0, 0)),
            pl.BlockSpec((1, HW), lambda: (0, 0)),
            pl.BlockSpec((HW, 2), lambda: (0, 0)),
            pl.BlockSpec((1, 2), lambda: (0, 0)),
        ],
        out_specs=pl.BlockSpec((B, 2), lambda: (0, 0)),
        out_shape=jax.ShapeDtypeStruct((B, 2), jnp.float32),
    )(y3f, m1p, m1b, m2w, m2b)




def kernel(x, edge_index, batch, W0, b0, W1, b1, W2, b2, W3, b3,
           c1w, c1b, c2w, c2b, m1w, m1b, m2w, m2b):
    src = edge_index[0]
    dst = edge_index[1]

    xp = jnp.concatenate([x, jnp.zeros((NP - N, D), jnp.float32)], axis=0)
    bp = jnp.concatenate(
        [batch, jnp.full((NP - N,), 127, jnp.int32)])[:, None]
    ones16 = jnp.ones((CH, 16), jnp.float32)
    zN16 = jnp.zeros((NP, 16), jnp.float32)
    zN32 = jnp.zeros((NP, HW), jnp.float32)
    zPOOL = jnp.zeros((POOL_ACC, TPAD), jnp.float32)
    W3pad = jnp.concatenate([W3, jnp.zeros((HW, 15), jnp.float32)], axis=1)
    c1pad = jnp.concatenate(
        [c1w[:, 0, :], jnp.zeros((16, TPAD - TLD), jnp.float32)], axis=1).T
    c1b2 = jnp.block([[c1pad, jnp.zeros((TPAD, 16), jnp.float32)],
                      [jnp.zeros((TPAD, 16), jnp.float32), c1pad]])
    c1bias2 = jnp.concatenate([c1b, c1b])[None, :]
    c2d = jnp.transpose(c2w, (2, 1, 0))
    m1p = jnp.concatenate(
        [m1w.reshape(32, 46, 32).transpose(1, 0, 2).reshape(46 * 32, 32),
         jnp.zeros((128, 32), jnp.float32)], axis=0)

    degp = _sc_degree(dst, ones16, zN16).reshape(2, NP, 16)
    dinv, g0 = _tc_dinv_g0(degp, xp, W0)

    p0 = _sc_edge_scatter(g0, src, dst, zN32, HW).reshape(2, NP, HW)
    h1, g1 = _tc_layer(p0, g0, dinv, b0[None, :], W1, HW)
    p1 = _sc_edge_scatter(g1, src, dst, zN32, HW).reshape(2, NP, HW)
    h2, g2 = _tc_layer(p1, g1, dinv, b1[None, :], W2, HW)
    p2 = _sc_edge_scatter(g2, src, dst, zN32, HW).reshape(2, NP, HW)
    h3, g3 = _tc_layer(p2, g2, dinv, b2[None, :], W3pad, 16)
    p3 = _sc_edge_scatter(g3, src, dst, zN16, 16).reshape(2, NP, 16)

    hcat, keyv = _tc_concat(h1, h2, h3, p3, g3, dinv, b3[None, :])
    slot = _tc_rank(keyv, bp, keyv.reshape(1, NP), bp.reshape(1, NP))
    pp = _sc_pool_scatter(hcat, slot[:, 0], zPOOL)
    pp = pp.reshape(2, POOL // 2, 2 * TPAD)

    y3 = _tc_head1(pp, c1b2, c1bias2, c2d, c2b[None, :])
    y3f = y3.reshape(B, 1600)
    return _tc_head2(y3f, m1p, m1b[None, :], m2w, m2b[None, :])

# --- scband reference (transcript-rebuilt; emitter-appended) ---
"""Pipeline reference for scband-gnns-18193481465997 (READ-ONLY COPY).

The authoritative reference and input builder live on the scoring server;
editing this copy changes nothing except your own understanding.
"""

import jax, jax.numpy as jnp
import numpy as np

N = 10000
E = 320000
D = 128
H = 32
L = 3
K = 100
B = 64
NC = 2


def setup_inputs(seed: int = 0):
    key = jax.random.key(seed)
    ks = jax.random.split(key, 24)
    inp = {}
    inp['x'] = jax.random.normal(ks[0], (N, D), dtype=jnp.float32)
    inp['edge_index'] = jax.random.randint(ks[1], (2, E), 0, N, dtype=jnp.int32)
    inp['batch'] = jnp.sort(jax.random.randint(ks[2], (N,), 0, B, dtype=jnp.int32))
    dims = [(D, H), (H, H), (H, H), (H, 1)]
    for i, (din, dout) in enumerate(dims):
        inp['W%d' % i] = jax.random.normal(ks[3 + i], (din, dout), dtype=jnp.float32) / np.float32(np.sqrt(din))
        inp['b%d' % i] = jnp.zeros((dout,), dtype=jnp.float32)
    tld = H * L + 1
    inp['c1w'] = jax.random.normal(ks[10], (16, 1, tld), dtype=jnp.float32) / np.float32(np.sqrt(tld))
    inp['c1b'] = jnp.zeros((16,), dtype=jnp.float32)
    inp['c2w'] = jax.random.normal(ks[11], (32, 16, 5), dtype=jnp.float32) / np.float32(np.sqrt(16 * 5))
    inp['c2b'] = jnp.zeros((32,), dtype=jnp.float32)
    dense_dim = ((K - 2) // 2 + 1 - 5 + 1) * 32
    inp['m1w'] = jax.random.normal(ks[12], (dense_dim, 32), dtype=jnp.float32) / np.float32(np.sqrt(dense_dim))
    inp['m1b'] = jnp.zeros((32,), dtype=jnp.float32)
    inp['m2w'] = jax.random.normal(ks[13], (32, NC), dtype=jnp.float32) / np.float32(np.sqrt(32))
    inp['m2b'] = jnp.zeros((NC,), dtype=jnp.float32)
    return inp


def _gcn(h, src, dst, norm, W, b, n):
    h = h @ W
    msg = h[src] * norm[:, None]
    return jax.ops.segment_sum(msg, dst, num_segments=n) + b


def reference(x, edge_index, batch, W0, b0, W1, b1, W2, b2, W3, b3, c1w, c1b, c2w, c2b, m1w, m1b, m2w, m2b):
    n = x.shape[0]
    loop = jnp.arange(n, dtype=edge_index.dtype)
    src = jnp.concatenate([edge_index[0], loop])
    dst = jnp.concatenate([edge_index[1], loop])
    deg = jnp.zeros((n,), jnp.float32).at[dst].add(1.0)
    dinv = jax.lax.rsqrt(jnp.maximum(deg, 1e-12))
    norm = dinv[src] * dinv[dst]
    xs = []
    h = x
    for (W, b) in [(W0, b0), (W1, b1), (W2, b2), (W3, b3)]:
        h = jnp.tanh(_gcn(h, src, dst, norm, W, b, n))
        xs.append(h)
    h = jnp.concatenate(xs, axis=-1)
    tld = h.shape[-1]
    keyv = h[:, -1]
    order = jnp.lexsort((-keyv, batch))
    hs = h[order]
    bs = batch[order]
    counts = jnp.bincount(batch, length=B)
    starts = jnp.concatenate([jnp.zeros((1,), counts.dtype), jnp.cumsum(counts)[:-1]])
    rank = jnp.arange(n) - starts[bs]
    valid = rank < K
    pooled = jnp.zeros((B, K, tld), jnp.float32)
    pooled = pooled.at[bs, jnp.where(valid, rank, 0)].add(jnp.where(valid[:, None], hs, 0.0))
    y = pooled.reshape(B, 1, K * tld)
    y = jax.lax.conv_general_dilated(y, c1w, (tld,), 'VALID', dimension_numbers=('NCH', 'OIH', 'NCH')) + c1b[None, :, None]
    y = jax.nn.relu(y)
    y = jax.lax.reduce_window(y, jnp.float32(-jnp.inf), jax.lax.max, (1, 1, 2), (1, 1, 2), 'VALID')
    y = jax.lax.conv_general_dilated(y, c2w, (1,), 'VALID', dimension_numbers=('NCH', 'OIH', 'NCH')) + c2b[None, :, None]
    y = jax.nn.relu(y)
    y = y.reshape(B, -1)
    y = jax.nn.relu(y @ m1w + m1b)
    y = y @ m2w + m2b
    return y

if __name__ == "__main__":
    import jax
    _d = setup_inputs()
    print(jax.jit(kernel)(*tuple(_d.values())))

</pallas_src>

<mosaic_0001>
#map = affine_map<(d0, d1) -> (0, 0)>
#map1 = affine_map<(d0, d1) -> (0)>
module attributes {stable_mosaic.version = 14 : i64} {
  func.func @k(%arg0: i32, %arg1: i32, %arg2: memref<10240x32xf32, #tpu.memory_space<hbm>>, %arg3: memref<320000xi32, #tpu.memory_space<hbm>>, %arg4: memref<320000xi32, #tpu.memory_space<hbm>>, %arg5: memref<10240x32xf32, #tpu.memory_space<hbm>>, %arg6: memref<20480x32xf32, #tpu.memory_space<hbm>>, %arg7: memref<2x80xi32, #tpu.memory_space<vmem>>, %arg8: memref<2x80xi32, #tpu.memory_space<vmem>>, %arg9: memref<2x80x32xf32, #tpu.memory_space<vmem>>, %arg10: memref<!tpu.dma_semaphore, #tpu.memory_space<semaphore_mem>>, %arg11: memref<!tpu.dma_semaphore, #tpu.memory_space<semaphore_mem>>, %arg12: memref<!tpu.dma_semaphore, #tpu.memory_space<semaphore_mem>>, %arg13: memref<!tpu.dma_semaphore, #tpu.memory_space<semaphore_mem>>, %arg14: memref<10240x32xf32, #tpu.memory_space<vmem_shared>>) attributes {dimension_semantics = [#tpu.dimension_semantics<core_parallel>, #tpu.dimension_semantics<subcore_parallel>], iteration_bounds = array<i64: 2, 16>, scalar_prefetch = 0 : i64, scratch_operands = 8 : i64, tpu.core_type = #tpu.core_type<sc_vector_subcore>, window_params = [{transform_indices = #map}, {transform_indices = #map1}, {transform_indices = #map1}, {transform_indices = #map}, {transform_indices = #map}]} {
    %mul3A = arith.constant 640 : i32
    %mul3A_0 = arith.muli %arg1, %mul3A : i32
    %mul3A_1 = arith.constant 640 : i32
    %mul3A_2 = arith.muli %arg1, %mul3A_1 : i32
    "tpu.region"() ({
      %run_scoped3A_82 = tpu.sem_alloc : memref<!tpu.dma_semaphore, #tpu.memory_space<semaphore_mem>>
      %dma_start3A_83 = arith.constant 0 : i32
      %dma_start3A_84 = tpu.memref_slice %arg14[%mul3A_2, %dma_start3A_83] : memref<10240x32xf32, #tpu.memory_space<vmem_shared>> -> memref<640x32xf32, #tpu.memory_space<vmem_shared>>
      %dma_start3A_85 = arith.constant 0 : i32
      %dma_start3A_86 = tpu.memref_slice %arg5[%mul3A_0, %dma_start3A_85] : memref<10240x32xf32, #tpu.memory_space<hbm>> -> memref<640x32xf32, #tpu.memory_space<hbm>>
      tpu.enqueue_dma source(%dma_start3A_86 : memref<640x32xf32, #tpu.memory_space<hbm>>) target(%dma_start3A_84 : memref<640x32xf32, #tpu.memory_space<vmem_shared>>) target_semaphore(%run_scoped3A_82 : memref<!tpu.dma_semaphore, #tpu.memory_space<semaphore_mem>>)
      %dma_wait3A_87 = arith.constant 0 : i32
      %dma_wait3A_88 = tpu.memref_slice %arg14[%mul3A_2, %dma_wait3A_87] : memref<10240x32xf32, #tpu.memory_space<vmem_shared>> -> memref<640x32xf32, #tpu.memory_space<vmem_shared>>
      %dma_wait3A_89 = arith.constant 0 : i32
      %dma_wait3A_90 = tpu.memref_slice %arg5[%mul3A_0, %dma_wait3A_89] : memref<10240x32xf32, #tpu.memory_space<hbm>> -> memref<640x32xf32, #tpu.memory_space<hbm>>
      tpu.wait_dma2 semaphore(%run_scoped3A_82 : memref<!tpu.dma_semaphore, #tpu.memory_space<semaphore_mem>>) src(%dma_wait3A_90 : memref<640x32xf32, #tpu.memory_space<hbm>>) dst(%dma_wait3A_88 : memref<640x32xf32, #tpu.memory_space<vmem_shared>>)
      tpu.yield
    }) : () -> ()
    %barrier3A = arith.constant 0 : index
    tpu.barrier barrier_id(%barrier3A)
    %mul3A_3 = arith.constant 160000 : i32
    %mul3A_4 = arith.muli %arg0, %mul3A_3 : i32
    %mul3A_5 = arith.constant 10000 : i32
    %mul3A_6 = arith.muli %arg1, %mul3A_5 : i32
    %add3A = arith.addi %mul3A_4, %mul3A_6 : i32
    %add3A_7 = arith.constant 0 : i32
    %add3A_8 = arith.addi %add3A, %add3A_7 : i32
    %dma_start3A = arith.constant 0 : i32
    %dma_start3A_9 = arith.constant 0 : i32
    %dma_start3A_10 = tpu.memref_slice %arg7[%dma_start3A, %dma_start3A_9] : memref<2x80xi32, #tpu.memory_space<vmem>> -> memref<1x80xi32, #tpu.memory_space<vmem>>
    %dma_start3A_11 = tpu.memref_squeeze %dma_start3A_10 : memref<1x80xi32, #tpu.memory_space<vmem>> -> memref<80xi32, #tpu.memory_space<vmem>>
    %dma_start3A_12 = tpu.memref_slice %arg3[%add3A_8] : memref<320000xi32, #tpu.memory_space<hbm>> -> memref<80xi32, #tpu.memory_space<hbm>>
    %dma_start3A_13 = arith.constant 0 : i32
    %dma_start3A_14 = tpu.memref_slice %arg7[%dma_start3A, %dma_start3A_13] : memref<2x80xi32, #tpu.memory_space<vmem>> -> memref<1x80xi32, #tpu.memory_space<vmem>>
    %dma_start3A_15 = tpu.memref_squeeze %dma_start3A_14 : memref<1x80xi32, #tpu.memory_space<vmem>> -> memref<80xi32, #tpu.memory_space<vmem>>
    %dma_start3A_16 = tpu.memref_slice %arg3[%add3A_8] : memref<320000xi32, #tpu.memory_space<hbm>> -> memref<80xi32, #tpu.memory_space<hbm>>
    tpu.enqueue_dma source(%dma_start3A_16 : memref<80xi32, #tpu.memory_space<hbm>>) target(%dma_start3A_15 : memref<80xi32, #tpu.memory_space<vmem>>) target_semaphore(%arg10 : memref<!tpu.dma_semaphore, #tpu.memory_space<semaphore_mem>>)
    %dma_start3A_17 = arith.constant 0 : i32
    %dma_start3A_18 = arith.constant 0 : i32
    %dma_start3A_19 = tpu.memref_slice %arg8[%dma_start3A_17, %dma_start3A_18] : memref<2x80xi32, #tpu.memory_space<vmem>> -> memref<1x80xi32, #tpu.memory_space<vmem>>
    %dma_start3A_20 = tpu.memref_squeeze %dma_start3A_19 : memref<1x80xi32, #tpu.memory_space<vmem>> -> memref<80xi32, #tpu.memory_space<vmem>>
    %dma_start3A_21 = tpu.memref_slice %arg4[%add3A_8] : memref<320000xi32, #tpu.memory_space<hbm>> -> memref<80xi32, #tpu.memory_space<hbm>>
    %dma_start3A_22 = arith.constant 0 : i32
    %dma_start3A_23 = tpu.memref_slice %arg8[%dma_start3A_17, %dma_start3A_22] : memref<2x80xi32, #tpu.memory_space<vmem>> -> memref<1x80xi32, #tpu.memory_space<vmem>>
    %dma_start3A_24 = tpu.memref_squeeze %dma_start3A_23 : memref<1x80xi32, #tpu.memory_space<vmem>> -> memref<80xi32, #tpu.memory_space<vmem>>
    %dma_start3A_25 = tpu.memref_slice %arg4[%add3A_8] : memref<320000xi32, #tpu.memory_space<hbm>> -> memref<80xi32, #tpu.memory_space<hbm>>
    tpu.enqueue_dma source(%dma_start3A_25 : memref<80xi32, #tpu.memory_space<hbm>>) target(%dma_start3A_24 : memref<80xi32, #tpu.memory_space<vmem>>) target_semaphore(%arg10 : memref<!tpu.dma_semaphore, #tpu.memory_space<semaphore_mem>>)
    %scan3A = arith.constant 0 : i32
    %scan3A_26 = arith.constant 62 : i32
    %scan3A_27 = arith.addi %scan3A, %scan3A_26 : i32
    %scan3A_28 = arith.constant 1 : i32
    scf.for %scan3A_82 = %scan3A to %scan3A_27 step %scan3A_28  : i32 {
      %mul3A_83 = arith.constant 1 : i32
      %mul3A_84 = arith.muli %scan3A_82, %mul3A_83 : i32
      %add3A_85 = arith.constant 0 : i32
      %add3A_86 = arith.addi %add3A_85, %mul3A_84 : i32
      %mul3A_87 = arith.constant 2 : i32
      %mul3A_88 = arith.muli %mul3A_87, %add3A_86 : i32
      %mul3A_89 = arith.constant 80 : i32
      %mul3A_90 = arith.muli %mul3A_88, %mul3A_89 : i32
      %add3A_91 = arith.addi %add3A, %mul3A_90 : i32
      %dma_wait3A_92 = arith.constant 0 : i32
      %dma_wait3A_93 = arith.constant 0 : i32
      %dma_wait3A_94 = tpu.memref_slice %arg7[%dma_wait3A_92, %dma_wait3A_93] : memref<2x80xi32, #tpu.memory_space<vmem>> -> memref<1x80xi32, #tpu.memory_space<vmem>>
      %dma_wait3A_95 = tpu.memref_squeeze %dma_wait3A_94 : memref<1x80xi32, #tpu.memory_space<vmem>> -> memref<80xi32, #tpu.memory_space<vmem>>
      %dma_wait3A_96 = tpu.memref_slice %arg3[%add3A_91] : memref<320000xi32, #tpu.memory_space<hbm>> -> memref<80xi32, #tpu.memory_space<hbm>>
      %dma_wait3A_97 = arith.constant 0 : i32
      %dma_wait3A_98 = tpu.memref_slice %arg7[%dma_wait3A_92, %dma_wait3A_97] : memref<2x80xi32, #tpu.memory_space<vmem>> -> memref<1x80xi32, #tpu.memory_space<vmem>>
      %dma_wait3A_99 = tpu.memref_squeeze %dma_wait3A_98 : memref<1x80xi32, #tpu.memory_space<vmem>> -> memref<80xi32, #tpu.memory_space<vmem>>
      %dma_wait3A_100 = tpu.memref_slice %arg3[%add3A_91] : memref<320000xi32, #tpu.memory_space<hbm>> -> memref<80xi32, #tpu.memory_space<hbm>>
      tpu.wait_dma2 semaphore(%arg10 : memref<!tpu.dma_semaphore, #tpu.memory_space<semaphore_mem>>) src(%dma_wait3A_100 : memref<80xi32, #tpu.memory_space<hbm>>) dst(%dma_wait3A_99 : memref<80xi32, #tpu.memory_space<vmem>>)
      %dma_wait3A_101 = arith.constant 0 : i32
      %dma_wait3A_102 = arith.constant 0 : i32
      %dma_wait3A_103 = tpu.memref_slice %arg8[%dma_wait3A_101, %dma_wait3A_102] : memref<2x80xi32, #tpu.memory_space<vmem>> -> memref<1x80xi32, #tpu.memory_space<vmem>>
      %dma_wait3A_104 = tpu.memref_squeeze %dma_wait3A_103 : memref<1x80xi32, #tpu.memory_space<vmem>> -> memref<80xi32, #tpu.memory_space<vmem>>
      %dma_wait3A_105 = tpu.memref_slice %arg4[%add3A_91] : memref<320000xi32, #tpu.memory_space<hbm>> -> memref<80xi32, #tpu.memory_space<hbm>>
      %dma_wait3A_106 = arith.constant 0 : i32
      %dma_wait3A_107 = tpu.memref_slice %arg8[%dma_wait3A_101, %dma_wait3A_106] : memref<2x80xi32, #tpu.memory_space<vmem>> -> memref<1x80xi32, #tpu.memory_space<vmem>>
      %dma_wait3A_108 = tpu.memref_squeeze %dma_wait3A_107 : memref<1x80xi32, #tpu.memory_space<vmem>> -> memref<80xi32, #tpu.memory_space<vmem>>
      %dma_wait3A_109 = tpu.memref_slice %arg4[%add3A_91] : memref<320000xi32, #tpu.memory_space<hbm>> -> memref<80xi32, #tpu.memory_space<hbm>>
      tpu.wait_dma2 semaphore(%arg10 : memref<!tpu.dma_semaphore, #tpu.memory_space<semaphore_mem>>) src(%dma_wait3A_109 : memref<80xi32, #tpu.memory_space<hbm>>) dst(%dma_wait3A_108 : memref<80xi32, #tpu.memory_space<vmem>>)
      %dma_start3A_110 = arith.constant 0 : i32
      %dma_start3A_111 = arith.constant 0 : i32
      %dma_start3A_112 = arith.constant 0 : i32
      %dma_start3A_113 = arith.constant 0 : i32
      %dma_start3A_114 = tpu.memref_slice %arg9[%dma_start3A_111, %dma_start3A_112, %dma_start3A_113] : memref<2x80x32xf32, #tpu.memory_space<vmem>> -> memref<1x80x32xf32, #tpu.memory_space<vmem>>
      %dma_start3A_115 = tpu.memref_squeeze %dma_start3A_114 : memref<1x80x32xf32, #tpu.memory_space<vmem>> -> memref<80x32xf32, #tpu.memory_space<vmem>>
      %dma_start3A_116 = arith.constant 0 : i32
      %dma_start3A_117 = tpu.memref_slice %arg7[%dma_start3A_110, %dma_start3A_116] : memref<2x80xi32, #tpu.memory_space<vmem>> -> memref<1x80xi32, #tpu.memory_space<vmem>>
      %dma_start3A_118 = tpu.memref_squeeze %dma_start3A_117 : memref<1x80xi32, #tpu.memory_space<vmem>> -> memref<80xi32, #tpu.memory_space<vmem>>
      %dma_start3A_119 = arith.constant 0 : i32
      %dma_start3A_120 = arith.constant 0 : i32
      %dma_start3A_121 = tpu.memref_slice %arg2[%dma_start3A_119, %dma_start3A_120] : memref<10240x32xf32, #tpu.memory_space<hbm>> -> memref<10240x32xf32, #tpu.memory_space<hbm>>
      tpu.enqueue_indirect_dma source(%dma_start3A_121 : memref<10240x32xf32, #tpu.memory_space<hbm>>) target(%dma_start3A_115 : memref<80x32xf32, #tpu.memory_space<vmem>>) offsets(%dma_start3A_118 : memref<80xi32, #tpu.memory_space<vmem>>) semaphore(%arg12 : memref<!tpu.dma_semaphore, #tpu.memory_space<semaphore_mem>>)
      %add3A_122 = arith.constant 1 : i32
      %add3A_123 = arith.addi %mul3A_88, %add3A_122 : i32
      %mul3A_124 = arith.constant 80 : i32
      %mul3A_125 = arith.muli %add3A_123, %mul3A_124 : i32
      %add3A_126 = arith.addi %add3A, %mul3A_125 : i32
      %dma_start3A_127 = arith.constant 1 : i32
      %dma_start3A_128 = arith.constant 0 : i32
      %dma_start3A_129 = tpu.memref_slice %arg7[%dma_start3A_127, %dma_start3A_128] : memref<2x80xi32, #tpu.memory_space<vmem>> -> memref<1x80xi32, #tpu.memory_space<vmem>>
      %dma_start3A_130 = tpu.memref_squeeze %dma_start3A_129 : memref<1x80xi32, #tpu.memory_space<vmem>> -> memref<80xi32, #tpu.memory_space<vmem>>
      %dma_start3A_131 = tpu.memref_slice %arg3[%add3A_126] : memref<320000xi32, #tpu.memory_space<hbm>> -> memref<80xi32, #tpu.memory_space<hbm>>
      %dma_start3A_132 = arith.constant 0 : i32
      %dma_start3A_133 = tpu.memref_slice %arg7[%dma_start3A_127, %dma_start3A_132] : memref<2x80xi32, #tpu.memory_space<vmem>> -> memref<1x80xi32, #tpu.memory_space<vmem>>
      %dma_start3A_134 = tpu.memref_squeeze %dma_start3A_133 : memref<1x80xi32, #tpu.memory_space<vmem>> -> memref<80xi32, #tpu.memory_space<vmem>>
      %dma_start3A_135 = tpu.memref_slice %arg3[%add3A_126] : memref<320000xi32, #tpu.memory_space<hbm>> -> memref<80xi32, #tpu.memory_space<hbm>>
      tpu.enqueue_dma source(%dma_start3A_135 : memref<80xi32, #tpu.memory_space<hbm>>) target(%dma_start3A_134 : memref<80xi32, #tpu.memory_space<vmem>>) target_semaphore(%arg11 : memref<!tpu.dma_semaphore, #tpu.memory_space<semaphore_mem>>)
      %dma_start3A_136 = arith.constant 1 : i32
      %dma_start3A_137 = arith.constant 0 : i32
      %dma_start3A_138 = tpu.memref_slice %arg8[%dma_start3A_136, %dma_start3A_137] : memref<2x80xi32, #tpu.memory_space<vmem>> -> memref<1x80xi32, #tpu.memory_space<vmem>>
      %dma_start3A_139 = tpu.memref_squeeze %dma_start3A_138 : memref<1x80xi32, #tpu.memory_space<vmem>> -> memref<80xi32, #tpu.memory_space<vmem>>
      %dma_start3A_140 = tpu.memref_slice %arg4[%add3A_126] : memref<320000xi32, #tpu.memory_space<hbm>> -> memref<80xi32, #tpu.memory_space<hbm>>
      %dma_start3A_141 = arith.constant 0 : i32
      %dma_start3A_142 = tpu.memref_slice %arg8[%dma_start3A_136, %dma_start3A_141] : memref<2x80xi32, #tpu.memory_space<vmem>> -> memref<1x80xi32, #tpu.memory_space<vmem>>
      %dma_start3A_143 = tpu.memref_squeeze %dma_start3A_142 : memref<1x80xi32, #tpu.memory_space<vmem>> -> memref<80xi32, #tpu.memory_space<vmem>>
      %dma_start3A_144 = tpu.memref_slice %arg4[%add3A_126] : memref<320000xi32, #tpu.memory_space<hbm>> -> memref<80xi32, #tpu.memory_space<hbm>>
      tpu.enqueue_dma source(%dma_start3A_144 : memref<80xi32, #tpu.memory_space<hbm>>) target(%dma_start3A_143 : memref<80xi32, #tpu.memory_space<vmem>>) target_semaphore(%arg11 : memref<!tpu.dma_semaphore, #tpu.memory_space<semaphore_mem>>)
      %dma_wait3A_145 = arith.constant 0 : i32
      %dma_wait3A_146 = arith.constant 0 : i32
      %dma_wait3A_147 = arith.constant 0 : i32
      %dma_wait3A_148 = arith.constant 0 : i32
      %dma_wait3A_149 = tpu.memref_slice %arg9[%dma_wait3A_146, %dma_wait3A_147, %dma_wait3A_148] : memref<2x80x32xf32, #tpu.memory_space<vmem>> -> memref<1x80x32xf32, #tpu.memory_space<vmem>>
      %dma_wait3A_150 = tpu.memref_squeeze %dma_wait3A_149 : memref<1x80x32xf32, #tpu.memory_space<vmem>> -> memref<80x32xf32, #tpu.memory_space<vmem>>
      %dma_wait3A_151 = arith.constant 0 : i32
      %dma_wait3A_152 = tpu.memref_slice %arg7[%dma_wait3A_145, %dma_wait3A_151] : memref<2x80xi32, #tpu.memory_space<vmem>> -> memref<1x80xi32, #tpu.memory_space<vmem>>
      %dma_wait3A_153 = tpu.memref_squeeze %dma_wait3A_152 : memref<1x80xi32, #tpu.memory_space<vmem>> -> memref<80xi32, #tpu.memory_space<vmem>>
      %dma_wait3A_154 = arith.constant 0 : i32
      %dma_wait3A_155 = arith.constant 0 : i32
      %dma_wait3A_156 = tpu.memref_slice %arg2[%dma_wait3A_154, %dma_wait3A_155] : memref<10240x32xf32, #tpu.memory_space<hbm>> -> memref<10240x32xf32, #tpu.memory_space<hbm>>
      tpu.wait_indirect_dma semaphore(%arg12 : memref<!tpu.dma_semaphore, #tpu.memory_space<semaphore_mem>>) src(%dma_wait3A_156 : memref<10240x32xf32, #tpu.memory_space<hbm>>) dst(%dma_wait3A_150 : memref<80x32xf32, #tpu.memory_space<vmem>>)
      %add3A_157 = arith.constant 1 : i32
      %add3A_158 = arith.addi %mul3A_88, %add3A_157 : i32
      %mul3A_159 = arith.constant 80 : i32
      %mul3A_160 = arith.muli %add3A_158, %mul3A_159 : i32
      %add3A_161 = arith.addi %add3A, %mul3A_160 : i32
      %dma_wait3A_162 = arith.constant 1 : i32
      %dma_wait3A_163 = arith.constant 0 : i32
      %dma_wait3A_164 = tpu.memref_slice %arg7[%dma_wait3A_162, %dma_wait3A_163] : memref<2x80xi32, #tpu.memory_space<vmem>> -> memref<1x80xi32, #tpu.memory_space<vmem>>
      %dma_wait3A_165 = tpu.memref_squeeze %dma_wait3A_164 : memref<1x80xi32, #tpu.memory_space<vmem>> -> memref<80xi32, #tpu.memory_space<vmem>>
      %dma_wait3A_166 = tpu.memref_slice %arg3[%add3A_161] : memref<320000xi32, #tpu.memory_space<hbm>> -> memref<80xi32, #tpu.memory_space<hbm>>
      %dma_wait3A_167 = arith.constant 0 : i32
      %dma_wait3A_168 = tpu.memref_slice %arg7[%dma_wait3A_162, %dma_wait3A_167] : memref<2x80xi32, #tpu.memory_space<vmem>> -> memref<1x80xi32, #tpu.memory_space<vmem>>
      %dma_wait3A_169 = tpu.memref_squeeze %dma_wait3A_168 : memref<1x80xi32, #tpu.memory_space<vmem>> -> memref<80xi32, #tpu.memory_space<vmem>>
      %dma_wait3A_170 = tpu.memref_slice %arg3[%add3A_161] : memref<320000xi32, #tpu.memory_space<hbm>> -> memref<80xi32, #tpu.memory_space<hbm>>
      tpu.wait_dma2 semaphore(%arg11 : memref<!tpu.dma_semaphore, #tpu.memory_space<semaphore_mem>>) src(%dma_wait3A_170 : memref<80xi32, #tpu.memory_space<hbm>>) dst(%dma_wait3A_169 : memref<80xi32, #tpu.memory_space<vmem>>)
      %dma_wait3A_171 = arith.constant 1 : i32
      %dma_wait3A_172 = arith.constant 0 : i32
      %dma_wait3A_173 = tpu.memref_slice %arg8[%dma_wait3A_171, %dma_wait3A_172] : memref<2x80xi32, #tpu.memory_space<vmem>> -> memref<1x80xi32, #tpu.memory_space<vmem>>
      %dma_wait3A_174 = tpu.memref_squeeze %dma_wait3A_173 : memref<1x80xi32, #tpu.memory_space<vmem>> -> memref<80xi32, #tpu.memory_space<vmem>>
      %dma_wait3A_175 = tpu.memref_slice %arg4[%add3A_161] : memref<320000xi32, #tpu.memory_space<hbm>> -> memref<80xi32, #tpu.memory_space<hbm>>
      %dma_wait3A_176 = arith.constant 0 : i32
      %dma_wait3A_177 = tpu.memref_slice %arg8[%dma_wait3A_171, %dma_wait3A_176] : memref<2x80xi32, #tpu.memory_space<vmem>> -> memref<1x80xi32, #tpu.memory_space<vmem>>
      %dma_wait3A_178 = tpu.memref_squeeze %dma_wait3A_177 : memref<1x80xi32, #tpu.memory_space<vmem>> -> memref<80xi32, #tpu.memory_space<vmem>>
      %dma_wait3A_179 = tpu.memref_slice %arg4[%add3A_161] : memref<320000xi32, #tpu.memory_space<hbm>> -> memref<80xi32, #tpu.memory_space<hbm>>
      tpu.wait_dma2 semaphore(%arg11 : memref<!tpu.dma_semaphore, #tpu.memory_space<semaphore_mem>>) src(%dma_wait3A_179 : memref<80xi32, #tpu.memory_space<hbm>>) dst(%dma_wait3A_178 : memref<80xi32, #tpu.memory_space<vmem>>)
      %dma_start3A_180 = arith.constant 1 : i32
      %dma_start3A_181 = arith.constant 1 : i32
      %dma_start3A_182 = arith.constant 0 : i32
      %dma_start3A_183 = arith.constant 0 : i32
      %dma_start3A_184 = tpu.memref_slice %arg9[%dma_start3A_181, %dma_start3A_182, %dma_start3A_183] : memref<2x80x32xf32, #tpu.memory_space<vmem>> -> memref<1x80x32xf32, #tpu.memory_space<vmem>>
      %dma_start3A_185 = tpu.memref_squeeze %dma_start3A_184 : memref<1x80x32xf32, #tpu.memory_space<vmem>> -> memref<80x32xf32, #tpu.memory_space<vmem>>
      %dma_start3A_186 = arith.constant 0 : i32
      %dma_start3A_187 = tpu.memref_slice %arg7[%dma_start3A_180, %dma_start3A_186] : memref<2x80xi32, #tpu.memory_space<vmem>> -> memref<1x80xi32, #tpu.memory_space<vmem>>
      %dma_start3A_188 = tpu.memref_squeeze %dma_start3A_187 : memref<1x80xi32, #tpu.memory_space<vmem>> -> memref<80xi32, #tpu.memory_space<vmem>>
      %dma_start3A_189 = arith.constant 0 : i32
      %dma_start3A_190 = arith.constant 0 : i32
      %dma_start3A_191 = tpu.memref_slice %arg2[%dma_start3A_189, %dma_start3A_190] : memref<10240x32xf32, #tpu.memory_space<hbm>> -> memref<10240x32xf32, #tpu.memory_space<hbm>>
      tpu.enqueue_indirect_dma source(%dma_start3A_191 : memref<10240x32xf32, #tpu.memory_space<hbm>>) target(%dma_start3A_185 : memref<80x32xf32, #tpu.memory_space<vmem>>) offsets(%dma_start3A_188 : memref<80xi32, #tpu.memory_space<vmem>>) semaphore(%arg13 : memref<!tpu.dma_semaphore, #tpu.memory_space<semaphore_mem>>)
      %run_scoped3A_192 = arith.constant 0 : i32
      %run_scoped3A_193 = arith.constant 0 : i32
      "tpu.region"() ({
        %run_scoped3A_231 = tpu.sem_alloc : memref<!tpu.dma_semaphore, #tpu.memory_space<semaphore_mem>>
        %dma_start3A_232 = arith.constant 0 : i32
        %dma_start3A_233 = arith.constant 0 : i32
        %dma_start3A_234 = tpu.memref_slice %arg9[%run_scoped3A_192, %dma_start3A_232, %dma_start3A_233] : memref<2x80x32xf32, #tpu.memory_space<vmem>> -> memref<1x80x32xf32, #tpu.memory_space<vmem>>
        %dma_start3A_235 = tpu.memref_squeeze %dma_start3A_234 : memref<1x80x32xf32, #tpu.memory_space<vmem>> -> memref<80x32xf32, #tpu.memory_space<vmem>>
        %dma_start3A_236 = arith.constant 0 : i32
        %dma_start3A_237 = tpu.memref_slice %arg8[%run_scoped3A_193, %dma_start3A_236] : memref<2x80xi32, #tpu.memory_space<vmem>> -> memref<1x80xi32, #tpu.memory_space<vmem>>
        %dma_start3A_238 = tpu.memref_squeeze %dma_start3A_237 : memref<1x80xi32, #tpu.memory_space<vmem>> -> memref<80xi32, #tpu.memory_space<vmem>>
        %dma_start3A_239 = arith.constant 0 : i32
        %dma_start3A_240 = arith.constant 0 : i32
        %dma_start3A_241 = tpu.memref_slice %arg14[%dma_start3A_239, %dma_start3A_240] : memref<10240x32xf32, #tpu.memory_space<vmem_shared>> -> memref<10240x32xf32, #tpu.memory_space<vmem_shared>>
        tpu.enqueue_indirect_dma source(%dma_start3A_235 : memref<80x32xf32, #tpu.memory_space<vmem>>) target(%dma_start3A_241 : memref<10240x32xf32, #tpu.memory_space<vmem_shared>>) offsets(%dma_start3A_238 : memref<80xi32, #tpu.memory_space<vmem>>) semaphore(%run_scoped3A_231 : memref<!tpu.dma_semaphore, #tpu.memory_space<semaphore_mem>>) {add = true}
        %dma_wait3A_242 = arith.constant 0 : i32
        %dma_wait3A_243 = arith.constant 0 : i32
        %dma_wait3A_244 = tpu.memref_slice %arg9[%run_scoped3A_192, %dma_wait3A_242, %dma_wait3A_243] : memref<2x80x32xf32, #tpu.memory_space<vmem>> -> memref<1x80x32xf32, #tpu.memory_space<vmem>>
        %dma_wait3A_245 = tpu.memref_squeeze %dma_wait3A_244 : memref<1x80x32xf32, #tpu.memory_space<vmem>> -> memref<80x32xf32, #tpu.memory_space<vmem>>
        %dma_wait3A_246 = arith.constant 0 : i32
        %dma_wait3A_247 = tpu.memref_slice %arg8[%run_scoped3A_193, %dma_wait3A_246] : memref<2x80xi32, #tpu.memory_space<vmem>> -> memref<1x80xi32, #tpu.memory_space<vmem>>
        %dma_wait3A_248 = tpu.memref_squeeze %dma_wait3A_247 : memref<1x80xi32, #tpu.memory_space<vmem>> -> memref<80xi32, #tpu.memory_space<vmem>>
        %dma_wait3A_249 = arith.constant 0 : i32
        %dma_wait3A_250 = arith.constant 0 : i32
        %dma_wait3A_251 = tpu.memref_slice %arg14[%dma_wait3A_249, %dma_wait3A_250] : memref<10240x32xf32, #tpu.memory_space<vmem_shared>> -> memref<10240x32xf32, #tpu.memory_space<vmem_shared>>
        tpu.wait_indirect_dma semaphore(%run_scoped3A_231 : memref<!tpu.dma_semaphore, #tpu.memory_space<semaphore_mem>>) src(%dma_wait3A_245 : memref<80x32xf32, #tpu.memory_space<vmem>>) dst(%dma_wait3A_251 : memref<10240x32xf32, #tpu.memory_space<vmem_shared>>)
        tpu.yield
      }) : () -> ()
      %add3A_194 = arith.constant 2 : i32
      %add3A_195 = arith.addi %mul3A_88, %add3A_194 : i32
      %mul3A_196 = arith.constant 80 : i32
      %mul3A_197 = arith.muli %add3A_195, %mul3A_196 : i32
      %add3A_198 = arith.addi %add3A, %mul3A_197 : i32
      %dma_start3A_199 = arith.constant 0 : i32
      %dma_start3A_200 = arith.constant 0 : i32
      %dma_start3A_201 = tpu.memref_slice %arg7[%dma_start3A_199, %dma_start3A_200] : memref<2x80xi32, #tpu.memory_space<vmem>> -> memref<1x80xi32, #tpu.memory_space<vmem>>
      %dma_start3A_202 = tpu.memref_squeeze %dma_start3A_201 : memref<1x80xi32, #tpu.memory_space<vmem>> -> memref<80xi32, #tpu.memory_space<vmem>>
      %dma_start3A_203 = tpu.memref_slice %arg3[%add3A_198] : memref<320000xi32, #tpu.memory_space<hbm>> -> memref<80xi32, #tpu.memory_space<hbm>>
      %dma_start3A_204 = arith.constant 0 : i32
      %dma_start3A_205 = tpu.memref_slice %arg7[%dma_start3A_199, %dma_start3A_204] : memref<2x80xi32, #tpu.memory_space<vmem>> -> memref<1x80xi32, #tpu.memory_space<vmem>>
      %dma_start3A_206 = tpu.memref_squeeze %dma_start3A_205 : memref<1x80xi32, #tpu.memory_space<vmem>> -> memref<80xi32, #tpu.memory_space<vmem>>
      %dma_start3A_207 = tpu.memref_slice %arg3[%add3A_198] : memref<320000xi32, #tpu.memory_space<hbm>> -> memref<80xi32, #tpu.memory_space<hbm>>
      tpu.enqueue_dma source(%dma_start3A_207 : memref<80xi32, #tpu.memory_space<hbm>>) target(%dma_start3A_206 : memref<80xi32, #tpu.memory_space<vmem>>) target_semaphore(%arg10 : memref<!tpu.dma_semaphore, #tpu.memory_space<semaphore_mem>>)
      %dma_start3A_208 = arith.constant 0 : i32
      %dma_start3A_209 = arith.constant 0 : i32
      %dma_start3A_210 = tpu.memref_slice %arg8[%dma_start3A_208, %dma_start3A_209] : memref<2x80xi32, #tpu.memory_space<vmem>> -> memref<1x80xi32, #tpu.memory_space<vmem>>
      %dma_start3A_211 = tpu.memref_squeeze %dma_start3A_210 : memref<1x80xi32, #tpu.memory_space<vmem>> -> memref<80xi32, #tpu.memory_space<vmem>>
      %dma_start3A_212 = tpu.memref_slice %arg4[%add3A_198] : memref<320000xi32, #tpu.memory_space<hbm>> -> memref<80xi32, #tpu.memory_space<hbm>>
      %dma_start3A_213 = arith.constant 0 : i32
      %dma_start3A_214 = tpu.memref_slice %arg8[%dma_start3A_208, %dma_start3A_213] : memref<2x80xi32, #tpu.memory_space<vmem>> -> memref<1x80xi32, #tpu.memory_space<vmem>>
      %dma_start3A_215 = tpu.memref_squeeze %dma_start3A_214 : memref<1x80xi32, #tpu.memory_space<vmem>> -> memref<80xi32, #tpu.memory_space<vmem>>
      %dma_start3A_216 = tpu.memref_slice %arg4[%add3A_198] : memref<320000xi32, #tpu.memory_space<hbm>> -> memref<80xi32, #tpu.memory_space<hbm>>
      tpu.enqueue_dma source(%dma_start3A_216 : memref<80xi32, #tpu.memory_space<hbm>>) target(%dma_start3A_215 : memref<80xi32, #tpu.memory_space<vmem>>) target_semaphore(%arg10 : memref<!tpu.dma_semaphore, #tpu.memory_space<semaphore_mem>>)
      %dma_wait3A_217 = arith.constant 1 : i32
      %dma_wait3A_218 = arith.constant 1 : i32
      %dma_wait3A_219 = arith.constant 0 : i32
      %dma_wait3A_220 = arith.constant 0 : i32
      %dma_wait3A_221 = tpu.memref_slice %arg9[%dma_wait3A_218, %dma_wait3A_219, %dma_wait3A_220] : memref<2x80x32xf32, #tpu.memory_space<vmem>> -> memref<1x80x32xf32, #tpu.memory_space<vmem>>
      %dma_wait3A_222 = tpu.memref_squeeze %dma_wait3A_221 : memref<1x80x32xf32, #tpu.memory_space<vmem>> -> memref<80x32xf32, #tpu.memory_space<vmem>>
      %dma_wait3A_223 = arith.constant 0 : i32
      %dma_wait3A_224 = tpu.memref_slice %arg7[%dma_wait3A_217, %dma_wait3A_223] : memref<2x80xi32, #tpu.memory_space<vmem>> -> memref<1x80xi32, #tpu.memory_space<vmem>>
      %dma_wait3A_225 = tpu.memref_squeeze %dma_wait3A_224 : memref<1x80xi32, #tpu.memory_space<vmem>> -> memref<80xi32, #tpu.memory_space<vmem>>
      %dma_wait3A_226 = arith.constant 0 : i32
      %dma_wait3A_227 = arith.constant 0 : i32
      %dma_wait3A_228 = tpu.memref_slice %arg2[%dma_wait3A_226, %dma_wait3A_227] : memref<10240x32xf32, #tpu.memory_space<hbm>> -> memref<10240x32xf32, #tpu.memory_space<hbm>>
      tpu.wait_indirect_dma semaphore(%arg13 : memref<!tpu.dma_semaphore, #tpu.memory_space<semaphore_mem>>) src(%dma_wait3A_228 : memref<10240x32xf32, #tpu.memory_space<hbm>>) dst(%dma_wait3A_222 : memref<80x32xf32, #tpu.memory_space<vmem>>)
      %run_scoped3A_229 = arith.constant 1 : i32
      %run_scoped3A_230 = arith.constant 1 : i32
      "tpu.region"() ({
        %run_scoped3A_231 = tpu.sem_alloc : memref<!tpu.dma_semaphore, #tpu.memory_space<semaphore_mem>>
        %dma_start3A_232 = arith.constant 0 : i32
        %dma_start3A_233 = arith.constant 0 : i32
        %dma_start3A_234 = tpu.memref_slice %arg9[%run_scoped3A_229, %dma_start3A_232, %dma_start3A_233] : memref<2x80x32xf32, #tpu.memory_space<vmem>> -> memref<1x80x32xf32, #tpu.memory_space<vmem>>
        %dma_start3A_235 = tpu.memref_squeeze %dma_start3A_234 : memref<1x80x32xf32, #tpu.memory_space<vmem>> -> memref<80x32xf32, #tpu.memory_space<vmem>>
        %dma_start3A_236 = arith.constant 0 : i32
        %dma_start3A_237 = tpu.memref_slice %arg8[%run_scoped3A_230, %dma_start3A_236] : memref<2x80xi32, #tpu.memory_space<vmem>> -> memref<1x80xi32, #tpu.memory_space<vmem>>
        %dma_start3A_238 = tpu.memref_squeeze %dma_start3A_237 : memref<1x80xi32, #tpu.memory_space<vmem>> -> memref<80xi32, #tpu.memory_space<vmem>>
        %dma_start3A_239 = arith.constant 0 : i32
        %dma_start3A_240 = arith.constant 0 : i32
        %dma_start3A_241 = tpu.memref_slice %arg14[%dma_start3A_239, %dma_start3A_240] : memref<10240x32xf32, #tpu.memory_space<vmem_shared>> -> memref<10240x32xf32, #tpu.memory_space<vmem_shared>>
        tpu.enqueue_indirect_dma source(%dma_start3A_235 : memref<80x32xf32, #tpu.memory_space<vmem>>) target(%dma_start3A_241 : memref<10240x32xf32, #tpu.memory_space<vmem_shared>>) offsets(%dma_start3A_238 : memref<80xi32, #tpu.memory_space<vmem>>) semaphore(%run_scoped3A_231 : memref<!tpu.dma_semaphore, #tpu.memory_space<semaphore_mem>>) {add = true}
        %dma_wait3A_242 = arith.constant 0 : i32
        %dma_wait3A_243 = arith.constant 0 : i32
        %dma_wait3A_244 = tpu.memref_slice %arg9[%run_scoped3A_229, %dma_wait3A_242, %dma_wait3A_243] : memref<2x80x32xf32, #tpu.memory_space<vmem>> -> memref<1x80x32xf32, #tpu.memory_space<vmem>>
        %dma_wait3A_245 = tpu.memref_squeeze %dma_wait3A_244 : memref<1x80x32xf32, #tpu.memory_space<vmem>> -> memref<80x32xf32, #tpu.memory_space<vmem>>
        %dma_wait3A_246 = arith.constant 0 : i32
        %dma_wait3A_247 = tpu.memref_slice %arg8[%run_scoped3A_230, %dma_wait3A_246] : memref<2x80xi32, #tpu.memory_space<vmem>> -> memref<1x80xi32, #tpu.memory_space<vmem>>
        %dma_wait3A_248 = tpu.memref_squeeze %dma_wait3A_247 : memref<1x80xi32, #tpu.memory_space<vmem>> -> memref<80xi32, #tpu.memory_space<vmem>>
        %dma_wait3A_249 = arith.constant 0 : i32
        %dma_wait3A_250 = arith.constant 0 : i32
        %dma_wait3A_251 = tpu.memref_slice %arg14[%dma_wait3A_249, %dma_wait3A_250] : memref<10240x32xf32, #tpu.memory_space<vmem_shared>> -> memref<10240x32xf32, #tpu.memory_space<vmem_shared>>
        tpu.wait_indirect_dma semaphore(%run_scoped3A_231 : memref<!tpu.dma_semaphore, #tpu.memory_space<semaphore_mem>>) src(%dma_wait3A_245 : memref<80x32xf32, #tpu.memory_space<vmem>>) dst(%dma_wait3A_251 : memref<10240x32xf32, #tpu.memory_space<vmem_shared>>)
        tpu.yield
      }) : () -> ()
    }
    %scan3A_29 = arith.constant 62 : i32
    %add3A_30 = arith.constant 9920 : i32
    %add3A_31 = arith.addi %add3A, %add3A_30 : i32
    %dma_wait3A = arith.constant 0 : i32
    %dma_wait3A_32 = arith.constant 0 : i32
    %dma_wait3A_33 = tpu.memref_slice %arg7[%dma_wait3A, %dma_wait3A_32] : memref<2x80xi32, #tpu.memory_space<vmem>> -> memref<1x80xi32, #tpu.memory_space<vmem>>
    %dma_wait3A_34 = tpu.memref_squeeze %dma_wait3A_33 : memref<1x80xi32, #tpu.memory_space<vmem>> -> memref<80xi32, #tpu.memory_space<vmem>>
    %dma_wait3A_35 = tpu.memref_slice %arg3[%add3A_31] : memref<320000xi32, #tpu.memory_space<hbm>> -> memref<80xi32, #tpu.memory_space<hbm>>
    %dma_wait3A_36 = arith.constant 0 : i32
    %dma_wait3A_37 = tpu.memref_slice %arg7[%dma_wait3A, %dma_wait3A_36] : memref<2x80xi32, #tpu.memory_space<vmem>> -> memref<1x80xi32, #tpu.memory_space<vmem>>
    %dma_wait3A_38 = tpu.memref_squeeze %dma_wait3A_37 : memref<1x80xi32, #tpu.memory_space<vmem>> -> memref<80xi32, #tpu.memory_space<vmem>>
    %dma_wait3A_39 = tpu.memref_slice %arg3[%add3A_31] : memref<320000xi32, #tpu.memory_space<hbm>> -> memref<80xi32, #tpu.memory_space<hbm>>
    tpu.wait_dma2 semaphore(%arg10 : memref<!tpu.dma_semaphore, #tpu.memory_space<semaphore_mem>>) src(%dma_wait3A_39 : memref<80xi32, #tpu.memory_space<hbm>>) dst(%dma_wait3A_38 : memref<80xi32, #tpu.memory_space<vmem>>)
    %dma_wait3A_40 = arith.constant 0 : i32
    %dma_wait3A_41 = arith.constant 0 : i32
    %dma_wait3A_42 = tpu.memref_slice %arg8[%dma_wait3A_40, %dma_wait3A_41] : memref<2x80xi32, #tpu.memory_space<vmem>> -> memref<1x80xi32, #tpu.memory_space<vmem>>
    %dma_wait3A_43 = tpu.memref_squeeze %dma_wait3A_42 : memref<1x80xi32, #tpu.memory_space<vmem>> -> memref<80xi32, #tpu.memory_space<vmem>>
    %dma_wait3A_44 = tpu.memref_slice %arg4[%add3A_31] : memref<320000xi32, #tpu.memory_space<hbm>> -> memref<80xi32, #tpu.memory_space<hbm>>
    %dma_wait3A_45 = arith.constant 0 : i32
    %dma_wait3A_46 = tpu.memref_slice %arg8[%dma_wait3A_40, %dma_wait3A_45] : memref<2x80xi32, #tpu.memory_space<vmem>> -> memref<1x80xi32, #tpu.memory_space<vmem>>
    %dma_wait3A_47 = tpu.memref_squeeze %dma_wait3A_46 : memref<1x80xi32, #tpu.memory_space<vmem>> -> memref<80xi32, #tpu.memory_space<vmem>>
    %dma_wait3A_48 = tpu.memref_slice %arg4[%add3A_31] : memref<320000xi32, #tpu.memory_space<hbm>> -> memref<80xi32, #tpu.memory_space<hbm>>
    tpu.wait_dma2 semaphore(%arg10 : memref<!tpu.dma_semaphore, #tpu.memory_space<semaphore_mem>>) src(%dma_wait3A_48 : memref<80xi32, #tpu.memory_space<hbm>>) dst(%dma_wait3A_47 : memref<80xi32, #tpu.memory_space<vmem>>)
    %dma_start3A_49 = arith.constant 0 : i32
    %dma_start3A_50 = arith.constant 0 : i32
    %dma_start3A_51 = arith.constant 0 : i32
    %dma_start3A_52 = arith.constant 0 : i32
    %dma_start3A_53 = tpu.memref_slice %arg9[%dma_start3A_50, %dma_start3A_51, %dma_start3A_52] : memref<2x80x32xf32, #tpu.memory_space<vmem>> -> memref<1x80x32xf32, #tpu.memory_space<vmem>>
    %dma_start3A_54 = tpu.memref_squeeze %dma_start3A_53 : memref<1x80x32xf32, #tpu.memory_space<vmem>> -> memref<80x32xf32, #tpu.memory_space<vmem>>
    %dma_start3A_55 = arith.constant 0 : i32
    %dma_start3A_56 = tpu.memref_slice %arg7[%dma_start3A_49, %dma_start3A_55] : memref<2x80xi32, #tpu.memory_space<vmem>> -> memref<1x80xi32, #tpu.memory_space<vmem>>
    %dma_start3A_57 = tpu.memref_squeeze %dma_start3A_56 : memref<1x80xi32, #tpu.memory_space<vmem>> -> memref<80xi32, #tpu.memory_space<vmem>>
    %dma_start3A_58 = arith.constant 0 : i32
    %dma_start3A_59 = arith.constant 0 : i32
    %dma_start3A_60 = tpu.memref_slice %arg2[%dma_start3A_58, %dma_start3A_59] : memref<10240x32xf32, #tpu.memory_space<hbm>> -> memref<10240x32xf32, #tpu.memory_space<hbm>>
    tpu.enqueue_indirect_dma source(%dma_start3A_60 : memref<10240x32xf32, #tpu.memory_space<hbm>>) target(%dma_start3A_54 : memref<80x32xf32, #tpu.memory_space<vmem>>) offsets(%dma_start3A_57 : memref<80xi32, #tpu.memory_space<vmem>>) semaphore(%arg12 : memref<!tpu.dma_semaphore, #tpu.memory_space<semaphore_mem>>)
    %dma_wait3A_61 = arith.constant 0 : i32
    %dma_wait3A_62 = arith.constant 0 : i32
    %dma_wait3A_63 = arith.constant 0 : i32
    %dma_wait3A_64 = arith.constant 0 : i32
    %dma_wait3A_65 = tpu.memref_slice %arg9[%dma_wait3A_62, %dma_wait3A_63, %dma_wait3A_64] : memref<2x80x32xf32, #tpu.memory_space<vmem>> -> memref<1x80x32xf32, #tpu.memory_space<vmem>>
    %dma_wait3A_66 = tpu.memref_squeeze %dma_wait3A_65 : memref<1x80x32xf32, #tpu.memory_space<vmem>> -> memref<80x32xf32, #tpu.memory_space<vmem>>
    %dma_wait3A_67 = arith.constant 0 : i32
    %dma_wait3A_68 = tpu.memref_slice %arg7[%dma_wait3A_61, %dma_wait3A_67] : memref<2x80xi32, #tpu.memory_space<vmem>> -> memref<1x80xi32, #tpu.memory_space<vmem>>
    %dma_wait3A_69 = tpu.memref_squeeze %dma_wait3A_68 : memref<1x80xi32, #tpu.memory_space<vmem>> -> memref<80xi32, #tpu.memory_space<vmem>>
    %dma_wait3A_70 = arith.constant 0 : i32
    %dma_wait3A_71 = arith.constant 0 : i32
    %dma_wait3A_72 = tpu.memref_slice %arg2[%dma_wait3A_70, %dma_wait3A_71] : memref<10240x32xf32, #tpu.memory_space<hbm>> -> memref<10240x32xf32, #tpu.memory_space<hbm>>
    tpu.wait_indirect_dma semaphore(%arg12 : memref<!tpu.dma_semaphore, #tpu.memory_space<semaphore_mem>>) src(%dma_wait3A_72 : memref<10240x32xf32, #tpu.memory_space<hbm>>) dst(%dma_wait3A_66 : memref<80x32xf32, #tpu.memory_space<vmem>>)
    %run_scoped3A = arith.constant 0 : i32
    %run_scoped3A_73 = arith.constant 0 : i32
    "tpu.region"() ({
      %run_scoped3A_82 = tpu.sem_alloc : memref<!tpu.dma_semaphore, #tpu.memory_space<semaphore_mem>>
      %dma_start3A_83 = arith.constant 0 : i32
      %dma_start3A_84 = arith.constant 0 : i32
      %dma_start3A_85 = tpu.memref_slice %arg9[%run_scoped3A, %dma_start3A_83, %dma_start3A_84] : memref<2x80x32xf32, #tpu.memory_space<vmem>> -> memref<1x80x32xf32, #tpu.memory_space<vmem>>
      %dma_start3A_86 = tpu.memref_squeeze %dma_start3A_85 : memref<1x80x32xf32, #tpu.memory_space<vmem>> -> memref<80x32xf32, #tpu.memory_space<vmem>>
      %dma_start3A_87 = arith.constant 0 : i32
      %dma_start3A_88 = tpu.memref_slice %arg8[%run_scoped3A_73, %dma_start3A_87] : memref<2x80xi32, #tpu.memory_space<vmem>> -> memref<1x80xi32, #tpu.memory_space<vmem>>
      %dma_start3A_89 = tpu.memref_squeeze %dma_start3A_88 : memref<1x80xi32, #tpu.memory_space<vmem>> -> memref<80xi32, #tpu.memory_space<vmem>>
      %dma_start3A_90 = arith.constant 0 : i32
      %dma_start3A_91 = arith.constant 0 : i32
      %dma_start3A_92 = tpu.memref_slice %arg14[%dma_start3A_90, %dma_start3A_91] : memref<10240x32xf32, #tpu.memory_space<vmem_shared>> -> memref<10240x32xf32, #tpu.memory_space<vmem_shared>>
      tpu.enqueue_indirect_dma source(%dma_start3A_86 : memref<80x32xf32, #tpu.memory_space<vmem>>) target(%dma_start3A_92 : memref<10240x32xf32, #tpu.memory_space<vmem_shared>>) offsets(%dma_start3A_89 : memref<80xi32, #tpu.memory_space<vmem>>) semaphore(%run_scoped3A_82 : memref<!tpu.dma_semaphore, #tpu.memory_space<semaphore_mem>>) {add = true}
      %dma_wait3A_93 = arith.constant 0 : i32
      %dma_wait3A_94 = arith.constant 0 : i32
      %dma_wait3A_95 = tpu.memref_slice %arg9[%run_scoped3A, %dma_wait3A_93, %dma_wait3A_94] : memref<2x80x32xf32, #tpu.memory_space<vmem>> -> memref<1x80x32xf32, #tpu.memory_space<vmem>>
      %dma_wait3A_96 = tpu.memref_squeeze %dma_wait3A_95 : memref<1x80x32xf32, #tpu.memory_space<vmem>> -> memref<80x32xf32, #tpu.memory_space<vmem>>
      %dma_wait3A_97 = arith.constant 0 : i32
      %dma_wait3A_98 = tpu.memref_slice %arg8[%run_scoped3A_73, %dma_wait3A_97] : memref<2x80xi32, #tpu.memory_space<vmem>> -> memref<1x80xi32, #tpu.memory_space<vmem>>
      %dma_wait3A_99 = tpu.memref_squeeze %dma_wait3A_98 : memref<1x80xi32, #tpu.memory_space<vmem>> -> memref<80xi32, #tpu.memory_space<vmem>>
      %dma_wait3A_100 = arith.constant 0 : i32
      %dma_wait3A_101 = arith.constant 0 : i32
      %dma_wait3A_102 = tpu.memref_slice %arg14[%dma_wait3A_100, %dma_wait3A_101] : memref<10240x32xf32, #tpu.memory_space<vmem_shared>> -> memref<10240x32xf32, #tpu.memory_space<vmem_shared>>
      tpu.wait_indirect_dma semaphore(%run_scoped3A_82 : memref<!tpu.dma_semaphore, #tpu.memory_space<semaphore_mem>>) src(%dma_wait3A_96 : memref<80x32xf32, #tpu.memory_space<vmem>>) dst(%dma_wait3A_102 : memref<10240x32xf32, #tpu.memory_space<vmem_shared>>)
      tpu.yield
    }) : () -> ()
    %barrier3A_74 = arith.constant 0 : index
    tpu.barrier barrier_id(%barrier3A_74)
    %mul3A_75 = arith.constant 640 : i32
    %mul3A_76 = arith.muli %arg1, %mul3A_75 : i32
    %mul3A_77 = arith.constant 10240 : i32
    %mul3A_78 = arith.muli %arg0, %mul3A_77 : i32
    %mul3A_79 = arith.constant 640 : i32
    %mul3A_80 = arith.muli %arg1, %mul3A_79 : i32
    %add3A_81 = arith.addi %mul3A_78, %mul3A_80 : i32
    "tpu.region"() ({
      %run_scoped3A_82 = tpu.sem_alloc : memref<!tpu.dma_semaphore, #tpu.memory_space<semaphore_mem>>
      %dma_start3A_83 = arith.constant 0 : i32
      %dma_start3A_84 = tpu.memref_slice %arg6[%add3A_81, %dma_start3A_83] : memref<20480x32xf32, #tpu.memory_space<hbm>> -> memref<640x32xf32, #tpu.memory_space<hbm>>
      %dma_start3A_85 = arith.constant 0 : i32
      %dma_start3A_86 = tpu.memref_slice %arg14[%mul3A_76, %dma_start3A_85] : memref<10240x32xf32, #tpu.memory_space<vmem_shared>> -> memref<640x32xf32, #tpu.memory_space<vmem_shared>>
      tpu.enqueue_dma source(%dma_start3A_86 : memref<640x32xf32, #tpu.memory_space<vmem_shared>>) target(%dma_start3A_84 : memref<640x32xf32, #tpu.memory_space<hbm>>) target_semaphore(%run_scoped3A_82 : memref<!tpu.dma_semaphore, #tpu.memory_space<semaphore_mem>>)
      %dma_wait3A_87 = arith.constant 0 : i32
      %dma_wait3A_88 = tpu.memref_slice %arg6[%add3A_81, %dma_wait3A_87] : memref<20480x32xf32, #tpu.memory_space<hbm>> -> memref<640x32xf32, #tpu.memory_space<hbm>>
      %dma_wait3A_89 = arith.constant 0 : i32
      %dma_wait3A_90 = tpu.memref_slice %arg14[%mul3A_76, %dma_wait3A_89] : memref<10240x32xf32, #tpu.memory_space<vmem_shared>> -> memref<640x32xf32, #tpu.memory_space<vmem_shared>>
      tpu.wait_dma2 semaphore(%run_scoped3A_82 : memref<!tpu.dma_semaphore, #tpu.memory_space<semaphore_mem>>) src(%dma_wait3A_90 : memref<640x32xf32, #tpu.memory_space<vmem_shared>>) dst(%dma_wait3A_88 : memref<640x32xf32, #tpu.memory_space<hbm>>)
      tpu.yield
    }) : () -> ()
    return
  }
}

#map = affine_map<(d0, d1) -> (0)>
#map1 = affine_map<(d0, d1) -> (0, 0)>
module attributes {stable_mosaic.version = 14 : i64} {
  func.func @k(%arg0: i32, %arg1: i32, %arg2: memref<320000xi32, #tpu.memory_space<hbm>>, %arg3: memref<80x16xf32, #tpu.memory_space<hbm>>, %arg4: memref<10240x16xf32, #tpu.memory_space<hbm>>, %arg5: memref<20480x16xf32, #tpu.memory_space<hbm>>, %arg6: memref<80xi32, #tpu.memory_space<vmem>>, %arg7: memref<80x16xf32, #tpu.memory_space<vmem>>, %arg8: memref<10240x16xf32, #tpu.memory_space<vmem_shared>>, %arg9: memref<!tpu.dma_semaphore, #tpu.memory_space<semaphore_mem>>) attributes {dimension_semantics = [#tpu.dimension_semantics<core_parallel>, #tpu.dimension_semantics<subcore_parallel>], iteration_bounds = array<i64: 2, 16>, scalar_prefetch = 0 : i64, scratch_operands = 4 : i64, tpu.core_type = #tpu.core_type<sc_vector_subcore>, window_params = [{transform_indices = #map}, {transform_indices = #map1}, {transform_indices = #map1}, {transform_indices = #map1}]} {
    "tpu.region"() ({
      %run_scoped3A = tpu.sem_alloc : memref<!tpu.dma_semaphore, #tpu.memory_space<semaphore_mem>>
      tpu.enqueue_dma source(%arg3 : memref<80x16xf32, #tpu.memory_space<hbm>>) target(%arg7 : memref<80x16xf32, #tpu.memory_space<vmem>>) target_semaphore(%run_scoped3A : memref<!tpu.dma_semaphore, #tpu.memory_space<semaphore_mem>>)
      tpu.wait_dma2 semaphore(%run_scoped3A : memref<!tpu.dma_semaphore, #tpu.memory_space<semaphore_mem>>) src(%arg3 : memref<80x16xf32, #tpu.memory_space<hbm>>) dst(%arg7 : memref<80x16xf32, #tpu.memory_space<vmem>>)
      tpu.yield
    }) : () -> ()
    %mul3A = arith.constant 640 : i32
    %mul3A_0 = arith.muli %arg1, %mul3A : i32
    %mul3A_1 = arith.constant 640 : i32
    %mul3A_2 = arith.muli %arg1, %mul3A_1 : i32
    "tpu.region"() ({
      %run_scoped3A = tpu.sem_alloc : memref<!tpu.dma_semaphore, #tpu.memory_space<semaphore_mem>>
      %dma_start3A = arith.constant 0 : i32
      %dma_start3A_19 = tpu.memref_slice %arg8[%mul3A_2, %dma_start3A] : memref<10240x16xf32, #tpu.memory_space<vmem_shared>> -> memref<640x16xf32, #tpu.memory_space<vmem_shared>>
      %dma_start3A_20 = arith.constant 0 : i32
      %dma_start3A_21 = tpu.memref_slice %arg4[%mul3A_0, %dma_start3A_20] : memref<10240x16xf32, #tpu.memory_space<hbm>> -> memref<640x16xf32, #tpu.memory_space<hbm>>
      tpu.enqueue_dma source(%dma_start3A_21 : memref<640x16xf32, #tpu.memory_space<hbm>>) target(%dma_start3A_19 : memref<640x16xf32, #tpu.memory_space<vmem_shared>>) target_semaphore(%run_scoped3A : memref<!tpu.dma_semaphore, #tpu.memory_space<semaphore_mem>>)
      %dma_wait3A = arith.constant 0 : i32
      %dma_wait3A_22 = tpu.memref_slice %arg8[%mul3A_2, %dma_wait3A] : memref<10240x16xf32, #tpu.memory_space<vmem_shared>> -> memref<640x16xf32, #tpu.memory_space<vmem_shared>>
      %dma_wait3A_23 = arith.constant 0 : i32
      %dma_wait3A_24 = tpu.memref_slice %arg4[%mul3A_0, %dma_wait3A_23] : memref<10240x16xf32, #tpu.memory_space<hbm>> -> memref<640x16xf32, #tpu.memory_space<hbm>>
      tpu.wait_dma2 semaphore(%run_scoped3A : memref<!tpu.dma_semaphore, #tpu.memory_space<semaphore_mem>>) src(%dma_wait3A_24 : memref<640x16xf32, #tpu.memory_space<hbm>>) dst(%dma_wait3A_22 : memref<640x16xf32, #tpu.memory_space<vmem_shared>>)
      tpu.yield
    }) : () -> ()
    %barrier3A = arith.constant 0 : index
    tpu.barrier barrier_id(%barrier3A)
    %mul3A_3 = arith.constant 160000 : i32
    %mul3A_4 = arith.muli %arg0, %mul3A_3 : i32
    %mul3A_5 = arith.constant 10000 : i32
    %mul3A_6 = arith.muli %arg1, %mul3A_5 : i32
    %add3A = arith.addi %mul3A_4, %mul3A_6 : i32
    %scan3A = arith.constant 0 : i32
    %scan3A_7 = arith.constant 125 : i32
    %scan3A_8 = arith.addi %scan3A, %scan3A_7 : i32
    %scan3A_9 = arith.constant 1 : i32
    scf.for %scan3A_19 = %scan3A to %scan3A_8 step %scan3A_9  : i32 {
      %mul3A_20 = arith.constant 1 : i32
      %mul3A_21 = arith.muli %scan3A_19, %mul3A_20 : i32
      %add3A_22 = arith.constant 0 : i32
      %add3A_23 = arith.addi %add3A_22, %mul3A_21 : i32
      %mul3A_24 = arith.constant 80 : i32
      %mul3A_25 = arith.muli %add3A_23, %mul3A_24 : i32
      %add3A_26 = arith.addi %add3A, %mul3A_25 : i32
      "tpu.region"() ({
        %run_scoped3A = tpu.sem_alloc : memref<!tpu.dma_semaphore, #tpu.memory_space<semaphore_mem>>
        %dma_start3A = tpu.memref_slice %arg2[%add3A_26] : memref<320000xi32, #tpu.memory_space<hbm>> -> memref<80xi32, #tpu.memory_space<hbm>>
        %dma_start3A_27 = tpu.memref_slice %arg2[%add3A_26] : memref<320000xi32, #tpu.memory_space<hbm>> -> memref<80xi32, #tpu.memory_space<hbm>>
        tpu.enqueue_dma source(%dma_start3A_27 : memref<80xi32, #tpu.memory_space<hbm>>) target(%arg6 : memref<80xi32, #tpu.memory_space<vmem>>) target_semaphore(%run_scoped3A : memref<!tpu.dma_semaphore, #tpu.memory_space<semaphore_mem>>)
        %dma_wait3A = tpu.memref_slice %arg2[%add3A_26] : memref<320000xi32, #tpu.memory_space<hbm>> -> memref<80xi32, #tpu.memory_space<hbm>>
        %dma_wait3A_28 = tpu.memref_slice %arg2[%add3A_26] : memref<320000xi32, #tpu.memory_space<hbm>> -> memref<80xi32, #tpu.memory_space<hbm>>
        tpu.wait_dma2 semaphore(%run_scoped3A : memref<!tpu.dma_semaphore, #tpu.memory_space<semaphore_mem>>) src(%dma_wait3A_28 : memref<80xi32, #tpu.memory_space<hbm>>) dst(%arg6 : memref<80xi32, #tpu.memory_space<vmem>>)
        tpu.yield
      }) : () -> ()
      "tpu.region"() ({
        %run_scoped3A = tpu.sem_alloc : memref<!tpu.dma_semaphore, #tpu.memory_space<semaphore_mem>>
        %dma_start3A = arith.constant 0 : i32
        %dma_start3A_27 = arith.constant 0 : i32
        %dma_start3A_28 = tpu.memref_slice %arg8[%dma_start3A, %dma_start3A_27] : memref<10240x16xf32, #tpu.memory_space<vmem_shared>> -> memref<10240x16xf32, #tpu.memory_space<vmem_shared>>
        tpu.enqueue_indirect_dma source(%arg7 : memref<80x16xf32, #tpu.memory_space<vmem>>) target(%dma_start3A_28 : memref<10240x16xf32, #tpu.memory_space<vmem_shared>>) offsets(%arg6 : memref<80xi32, #tpu.memory_space<vmem>>) semaphore(%run_scoped3A : memref<!tpu.dma_semaphore, #tpu.memory_space<semaphore_mem>>) {add = true}
        %dma_wait3A = arith.constant 0 : i32
        %dma_wait3A_29 = arith.constant 0 : i32
        %dma_wait3A_30 = tpu.memref_slice %arg8[%dma_wait3A, %dma_wait3A_29] : memref<10240x16xf32, #tpu.memory_space<vmem_shared>> -> memref<10240x16xf32, #tpu.memory_space<vmem_shared>>
        tpu.wait_indirect_dma semaphore(%run_scoped3A : memref<!tpu.dma_semaphore, #tpu.memory_space<semaphore_mem>>) src(%arg7 : memref<80x16xf32, #tpu.memory_space<vmem>>) dst(%dma_wait3A_30 : memref<10240x16xf32, #tpu.memory_space<vmem_shared>>)
        tpu.yield
      }) : () -> ()
    }
    %scan3A_10 = arith.constant 125 : i32
    %barrier3A_11 = arith.constant 0 : index
    tpu.barrier barrier_id(%barrier3A_11)
    %mul3A_12 = arith.constant 640 : i32
    %mul3A_13 = arith.muli %arg1, %mul3A_12 : i32
    %mul3A_14 = arith.constant 10240 : i32
    %mul3A_15 = arith.muli %arg0, %mul3A_14 : i32
    %mul3A_16 = arith.constant 640 : i32
    %mul3A_17 = arith.muli %arg1, %mul3A_16 : i32
    %add3A_18 = arith.addi %mul3A_15, %mul3A_17 : i32
    "tpu.region"() ({
      %run_scoped3A = tpu.sem_alloc : memref<!tpu.dma_semaphore, #tpu.memory_space<semaphore_mem>>
      %dma_start3A = arith.constant 0 : i32
      %dma_start3A_19 = tpu.memref_slice %arg5[%add3A_18, %dma_start3A] : memref<20480x16xf32, #tpu.memory_space<hbm>> -> memref<640x16xf32, #tpu.memory_space<hbm>>
      %dma_start3A_20 = arith.constant 0 : i32
      %dma_start3A_21 = tpu.memref_slice %arg8[%mul3A_13, %dma_start3A_20] : memref<10240x16xf32, #tpu.memory_space<vmem_shared>> -> memref<640x16xf32, #tpu.memory_space<vmem_shared>>
      tpu.enqueue_dma source(%dma_start3A_21 : memref<640x16xf32, #tpu.memory_space<vmem_shared>>) target(%dma_start3A_19 : memref<640x16xf32, #tpu.memory_space<hbm>>) target_semaphore(%run_scoped3A : memref<!tpu.dma_semaphore, #tpu.memory_space<semaphore_mem>>)
      %dma_wait3A = arith.constant 0 : i32
      %dma_wait3A_22 = tpu.memref_slice %arg5[%add3A_18, %dma_wait3A] : memref<20480x16xf32, #tpu.memory_space<hbm>> -> memref<640x16xf32, #tpu.memory_space<hbm>>
      %dma_wait3A_23 = arith.constant 0 : i32
      %dma_wait3A_24 = tpu.memref_slice %arg8[%mul3A_13, %dma_wait3A_23] : memref<10240x16xf32, #tpu.memory_space<vmem_shared>> -> memref<640x16xf32, #tpu.memory_space<vmem_shared>>
      tpu.wait_dma2 semaphore(%run_scoped3A : memref<!tpu.dma_semaphore, #tpu.memory_space<semaphore_mem>>) src(%dma_wait3A_24 : memref<640x16xf32, #tpu.memory_space<vmem_shared>>) dst(%dma_wait3A_22 : memref<640x16xf32, #tpu.memory_space<hbm>>)
      tpu.yield
    }) : () -> ()
    return
  }
}

#map = affine_map<(d0, d1) -> (0, 0)>
#map1 = affine_map<(d0, d1) -> (0)>
module attributes {stable_mosaic.version = 14 : i64} {
  func.func @k(%arg0: i32, %arg1: i32, %arg2: memref<10240x32xf32, #tpu.memory_space<hbm>>, %arg3: memref<320000xi32, #tpu.memory_space<hbm>>, %arg4: memref<320000xi32, #tpu.memory_space<hbm>>, %arg5: memref<10240x32xf32, #tpu.memory_space<hbm>>, %arg6: memref<20480x32xf32, #tpu.memory_space<hbm>>, %arg7: memref<2x80xi32, #tpu.memory_space<vmem>>, %arg8: memref<2x80xi32, #tpu.memory_space<vmem>>, %arg9: memref<2x80x32xf32, #tpu.memory_space<vmem>>, %arg10: memref<!tpu.dma_semaphore, #tpu.memory_space<semaphore_mem>>, %arg11: memref<!tpu.dma_semaphore, #tpu.memory_space<semaphore_mem>>, %arg12: memref<!tpu.dma_semaphore, #tpu.memory_space<semaphore_mem>>, %arg13: memref<!tpu.dma_semaphore, #tpu.memory_space<semaphore_mem>>, %arg14: memref<10240x32xf32, #tpu.memory_space<vmem_shared>>) attributes {dimension_semantics = [#tpu.dimension_semantics<core_parallel>, #tpu.dimension_semantics<subcore_parallel>], iteration_bounds = array<i64: 2, 16>, scalar_prefetch = 0 : i64, scratch_operands = 8 : i64, tpu.core_type = #tpu.core_type<sc_vector_subcore>, window_params = [{transform_indices = #map}, {transform_indices = #map1}, {transform_indices = #map1}, {transform_indices = #map}, {transform_indices = #map}]} {
    %mul3A = arith.constant 640 : i32
    %mul3A_0 = arith.muli %arg1, %mul3A : i32
    %mul3A_1 = arith.constant 640 : i32
    %mul3A_2 = arith.muli %arg1, %mul3A_1 : i32
    "tpu.region"() ({
      %run_scoped3A_82 = tpu.sem_alloc : memref<!tpu.dma_semaphore, #tpu.memory_space<semaphore_mem>>
      %dma_start3A_83 = arith.constant 0 : i32
      %dma_start3A_84 = tpu.memref_slice %arg14[%mul3A_2, %dma_start3A_83] : memref<10240x32xf32, #tpu.memory_space<vmem_shared>> -> memref<640x32xf32, #tpu.memory_space<vmem_shared>>
      %dma_start3A_85 = arith.constant 0 : i32
      %dma_start3A_86 = tpu.memref_slice %arg5[%mul3A_0, %dma_start3A_85] : memref<10240x32xf32, #tpu.memory_space<hbm>> -> memref<640x32xf32, #tpu.memory_space<hbm>>
      tpu.enqueue_dma source(%dma_start3A_86 : memref<640x32xf32, #tpu.memory_space<hbm>>) target(%dma_start3A_84 : memref<640x32xf32, #tpu.memory_space<vmem_shared>>) target_semaphore(%run_scoped3A_82 : memref<!tpu.dma_semaphore, #tpu.memory_space<semaphore_mem>>)
      %dma_wait3A_87 = arith.constant 0 : i32
      %dma_wait3A_88 = tpu.memref_slice %arg14[%mul3A_2, %dma_wait3A_87] : memref<10240x32xf32, #tpu.memory_space<vmem_shared>> -> memref<640x32xf32, #tpu.memory_space<vmem_shared>>
      %dma_wait3A_89 = arith.constant 0 : i32
      %dma_wait3A_90 = tpu.memref_slice %arg5[%mul3A_0, %dma_wait3A_89] : memref<10240x32xf32, #tpu.memory_space<hbm>> -> memref<640x32xf32, #tpu.memory_space<hbm>>
      tpu.wait_dma2 semaphore(%run_scoped3A_82 : memref<!tpu.dma_semaphore, #tpu.memory_space<semaphore_mem>>) src(%dma_wait3A_90 : memref<640x32xf32, #tpu.memory_space<hbm>>) dst(%dma_wait3A_88 : memref<640x32xf32, #tpu.memory_space<vmem_shared>>)
      tpu.yield
    }) : () -> ()
    %barrier3A = arith.constant 0 : index
    tpu.barrier barrier_id(%barrier3A)
    %mul3A_3 = arith.constant 160000 : i32
    %mul3A_4 = arith.muli %arg0, %mul3A_3 : i32
    %mul3A_5 = arith.constant 10000 : i32
    %mul3A_6 = arith.muli %arg1, %mul3A_5 : i32
    %add3A = arith.addi %mul3A_4, %mul3A_6 : i32
    %add3A_7 = arith.constant 0 : i32
    %add3A_8 = arith.addi %add3A, %add3A_7 : i32
    %dma_start3A = arith.constant 0 : i32
    %dma_start3A_9 = arith.constant 0 : i32
    %dma_start3A_10 = tpu.memref_slice %arg7[%dma_start3A, %dma_start3A_9] : memref<2x80xi32, #tpu.memory_space<vmem>> -> memref<1x80xi32, #tpu.memory_space<vmem>>
    %dma_start3A_11 = tpu.memref_squeeze %dma_start3A_10 : memref<1x80xi32, #tpu.memory_space<vmem>> -> memref<80xi32, #tpu.memory_space<vmem>>
    %dma_start3A_12 = tpu.memref_slice %arg3[%add3A_8] : memref<320000xi32, #tpu.memory_space<hbm>> -> memref<80xi32, #tpu.memory_space<hbm>>
    %dma_start3A_13 = arith.constant 0 : i32
    %dma_start3A_14 = tpu.memref_slice %arg7[%dma_start3A, %dma_start3A_13] : memref<2x80xi32, #tpu.memory_space<vmem>> -> memref<1x80xi32, #tpu.memory_space<vmem>>
    %dma_start3A_15 = tpu.memref_squeeze %dma_start3A_14 : memref<1x80xi32, #tpu.memory_space<vmem>> -> memref<80xi32, #tpu.memory_space<vmem>>
    %dma_start3A_16 = tpu.memref_slice %arg3[%add3A_8] : memref<320000xi32, #tpu.memory_space<hbm>> -> memref<80xi32, #tpu.memory_space<hbm>>
    tpu.enqueue_dma source(%dma_start3A_16 : memref<80xi32, #tpu.memory_space<hbm>>) target(%dma_start3A_15 : memref<80xi32, #tpu.memory_space<vmem>>) target_semaphore(%arg10 : memref<!tpu.dma_semaphore, #tpu.memory_space<semaphore_mem>>)
    %dma_start3A_17 = arith.constant 0 : i32
    %dma_start3A_18 = arith.constant 0 : i32
    %dma_start3A_19 = tpu.memref_slice %arg8[%dma_start3A_17, %dma_start3A_18] : memref<2x80xi32, #tpu.memory_space<vmem>> -> memref<1x80xi32, #tpu.memory_space<vmem>>
    %dma_start3A_20 = tpu.memref_squeeze %dma_start3A_19 : memref<1x80xi32, #tpu.memory_space<vmem>> -> memref<80xi32, #tpu.memory_space<vmem>>
    %dma_start3A_21 = tpu.memref_slice %arg4[%add3A_8] : memref<320000xi32, #tpu.memory_space<hbm>> -> memref<80xi32, #tpu.memory_space<hbm>>
    %dma_start3A_22 = arith.constant 0 : i32
    %dma_start3A_23 = tpu.memref_slice %arg8[%dma_start3A_17, %dma_start3A_22] : memref<2x80xi32, #tpu.memory_space<vmem>> -> memref<1x80xi32, #tpu.memory_space<vmem>>
    %dma_start3A_24 = tpu.memref_squeeze %dma_start3A_23 : memref<1x80xi32, #tpu.memory_space<vmem>> -> memref<80xi32, #tpu.memory_space<vmem>>
    %dma_start3A_25 = tpu.memref_slice %arg4[%add3A_8] : memref<320000xi32, #tpu.memory_space<hbm>> -> memref<80xi32, #tpu.memory_space<hbm>>
    tpu.enqueue_dma source(%dma_start3A_25 : memref<80xi32, #tpu.memory_space<hbm>>) target(%dma_start3A_24 : memref<80xi32, #tpu.memory_space<vmem>>) target_semaphore(%arg10 : memref<!tpu.dma_semaphore, #tpu.memory_space<semaphore_mem>>)
    %scan3A = arith.constant 0 : i32
    %scan3A_26 = arith.constant 62 : i32
    %scan3A_27 = arith.addi %scan3A, %scan3A_26 : i32
    %scan3A_28 = arith.constant 1 : i32
    scf.for %scan3A_82 = %scan3A to %scan3A_27 step %scan3A_28  : i32 {
      %mul3A_83 = arith.constant 1 : i32
      %mul3A_84 = arith.muli %scan3A_82, %mul3A_83 : i32
      %add3A_85 = arith.constant 0 : i32
      %add3A_86 = arith.addi %add3A_85, %mul3A_84 : i32
      %mul3A_87 = arith.constant 2 : i32
      %mul3A_88 = arith.muli %mul3A_87, %add3A_86 : i32
      %mul3A_89 = arith.constant 80 : i32
      %mul3A_90 = arith.muli %mul3A_88, %mul3A_89 : i32
      %add3A_91 = arith.addi %add3A, %mul3A_90 : i32
      %dma_wait3A_92 = arith.constant 0 : i32
      %dma_wait3A_93 = arith.constant 0 : i32
      %dma_wait3A_94 = tpu.memref_slice %arg7[%dma_wait3A_92, %dma_wait3A_93] : memref<2x80xi32, #tpu.memory_space<vmem>> -> memref<1x80xi32, #tpu.memory_space<vmem>>
      %dma_wait3A_95 = tpu.memref_squeeze %dma_wait3A_94 : memref<1x80xi32, #tpu.memory_space<vmem>> -> memref<80xi32, #tpu.memory_space<vmem>>
      %dma_wait3A_96 = tpu.memref_slice %arg3[%add3A_91] : memref<320000xi32, #tpu.memory_space<hbm>> -> memref<80xi32, #tpu.memory_space<hbm>>
      %dma_wait3A_97 = arith.constant 0 : i32
      %dma_wait3A_98 = tpu.memref_slice %arg7[%dma_wait3A_92, %dma_wait3A_97] : memref<2x80xi32, #tpu.memory_space<vmem>> -> memref<1x80xi32, #tpu.memory_space<vmem>>
      %dma_wait3A_99 = tpu.memref_squeeze %dma_wait3A_98 : memref<1x80xi32, #tpu.memory_space<vmem>> -> memref<80xi32, #tpu.memory_space<vmem>>
      %dma_wait3A_100 = tpu.memref_slice %arg3[%add3A_91] : memref<320000xi32, #tpu.memory_space<hbm>> -> memref<80xi32, #tpu.memory_space<hbm>>
      tpu.wait_dma2 semaphore(%arg10 : memref<!tpu.dma_semaphore, #tpu.memory_space<semaphore_mem>>) src(%dma_wait3A_100 : memref<80xi32, #tpu.memory_space<hbm>>) dst(%dma_wait3A_99 : memref<80xi32, #tpu.memory_space<vmem>>)
      %dma_wait3A_101 = arith.constant 0 : i32
      %dma_wait3A_102 = arith.constant 0 : i32
      %dma_wait3A_103 = tpu.memref_slice %arg8[%dma_wait3A_101, %dma_wait3A_102] : memref<2x80xi32, #tpu.memory_space<vmem>> -> memref<1x80xi32, #tpu.memory_space<vmem>>
      %dma_wait3A_104 = tpu.memref_squeeze %dma_wait3A_103 : memref<1x80xi32, #tpu.memory_space<vmem>> -> memref<80xi32, #tpu.memory_space<vmem>>
      %dma_wait3A_105 = tpu.memref_slice %arg4[%add3A_91] : memref<320000xi32, #tpu.memory_space<hbm>> -> memref<80xi32, #tpu.memory_space<hbm>>
      %dma_wait3A_106 = arith.constant 0 : i32
      %dma_wait3A_107 = tpu.memref_slice %arg8[%dma_wait3A_101, %dma_wait3A_106] : memref<2x80xi32, #tpu.memory_space<vmem>> -> memref<1x80xi32, #tpu.memory_space<vmem>>
      %dma_wait3A_108 = tpu.memref_squeeze %dma_wait3A_107 : memref<1x80xi32, #tpu.memory_space<vmem>> -> memref<80xi32, #tpu.memory_space<vmem>>
      %dma_wait3A_109 = tpu.memref_slice %arg4[%add3A_91] : memref<320000xi32, #tpu.memory_space<hbm>> -> memref<80xi32, #tpu.memory_space<hbm>>
      tpu.wait_dma2 semaphore(%arg10 : memref<!tpu.dma_semaphore, #tpu.memory_space<semaphore_mem>>) src(%dma_wait3A_109 : memref<80xi32, #tpu.memory_space<hbm>>) dst(%dma_wait3A_108 : memref<80xi32, #tpu.memory_space<vmem>>)
      %dma_start3A_110 = arith.constant 0 : i32
      %dma_start3A_111 = arith.constant 0 : i32
      %dma_start3A_112 = arith.constant 0 : i32
      %dma_start3A_113 = arith.constant 0 : i32
      %dma_start3A_114 = tpu.memref_slice %arg9[%dma_start3A_111, %dma_start3A_112, %dma_start3A_113] : memref<2x80x32xf32, #tpu.memory_space<vmem>> -> memref<1x80x32xf32, #tpu.memory_space<vmem>>
      %dma_start3A_115 = tpu.memref_squeeze %dma_start3A_114 : memref<1x80x32xf32, #tpu.memory_space<vmem>> -> memref<80x32xf32, #tpu.memory_space<vmem>>
      %dma_start3A_116 = arith.constant 0 : i32
      %dma_start3A_117 = tpu.memref_slice %arg7[%dma_start3A_110, %dma_start3A_116] : memref<2x80xi32, #tpu.memory_space<vmem>> -> memref<1x80xi32, #tpu.memory_space<vmem>>
      %dma_start3A_118 = tpu.memref_squeeze %dma_start3A_117 : memref<1x80xi32, #tpu.memory_space<vmem>> -> memref<80xi32, #tpu.memory_space<vmem>>
      %dma_start3A_119 = arith.constant 0 : i32
      %dma_start3A_120 = arith.constant 0 : i32
      %dma_start3A_121 = tpu.memref_slice %arg2[%dma_start3A_119, %dma_start3A_120] : memref<10240x32xf32, #tpu.memory_space<hbm>> -> memref<10240x32xf32, #tpu.memory_space<hbm>>
      tpu.enqueue_indirect_dma source(%dma_start3A_121 : memref<10240x32xf32, #tpu.memory_space<hbm>>) target(%dma_start3A_115 : memref<80x32xf32, #tpu.memory_space<vmem>>) offsets(%dma_start3A_118 : memref<80xi32, #tpu.memory_space<vmem>>) semaphore(%arg12 : memref<!tpu.dma_semaphore, #tpu.memory_space<semaphore_mem>>)
      %add3A_122 = arith.constant 1 : i32
      %add3A_123 = arith.addi %mul3A_88, %add3A_122 : i32
      %mul3A_124 = arith.constant 80 : i32
      %mul3A_125 = arith.muli %add3A_123, %mul3A_124 : i32
      %add3A_126 = arith.addi %add3A, %mul3A_125 : i32
      %dma_start3A_127 = arith.constant 1 : i32
      %dma_start3A_128 = arith.constant 0 : i32
      %dma_start3A_129 = tpu.memref_slice %arg7[%dma_start3A_127, %dma_start3A_128] : memref<2x80xi32, #tpu.memory_space<vmem>> -> memref<1x80xi32, #tpu.memory_space<vmem>>
      %dma_start3A_130 = tpu.memref_squeeze %dma_start3A_129 : memref<1x80xi32, #tpu.memory_space<vmem>> -> memref<80xi32, #tpu.memory_space<vmem>>
      %dma_start3A_131 = tpu.memref_slice %arg3[%add3A_126] : memref<320000xi32, #tpu.memory_space<hbm>> -> memref<80xi32, #tpu.memory_space<hbm>>
      %dma_start3A_132 = arith.constant 0 : i32
      %dma_start3A_133 = tpu.memref_slice %arg7[%dma_start3A_127, %dma_start3A_132] : memref<2x80xi32, #tpu.memory_space<vmem>> -> memref<1x80xi32, #tpu.memory_space<vmem>>
      %dma_start3A_134 = tpu.memref_squeeze %dma_start3A_133 : memref<1x80xi32, #tpu.memory_space<vmem>> -> memref<80xi32, #tpu.memory_space<vmem>>
      %dma_start3A_135 = tpu.memref_slice %arg3[%add3A_126] : memref<320000xi32, #tpu.memory_space<hbm>> -> memref<80xi32, #tpu.memory_space<hbm>>
      tpu.enqueue_dma source(%dma_start3A_135 : memref<80xi32, #tpu.memory_space<hbm>>) target(%dma_start3A_134 : memref<80xi32, #tpu.memory_space<vmem>>) target_semaphore(%arg11 : memref<!tpu.dma_semaphore, #tpu.memory_space<semaphore_mem>>)
      %dma_start3A_136 = arith.constant 1 : i32
      %dma_start3A_137 = arith.constant 0 : i32
      %dma_start3A_138 = tpu.memref_slice %arg8[%dma_start3A_136, %dma_start3A_137] : memref<2x80xi32, #tpu.memory_space<vmem>> -> memref<1x80xi32, #tpu.memory_space<vmem>>
      %dma_start3A_139 = tpu.memref_squeeze %dma_start3A_138 : memref<1x80xi32, #tpu.memory_space<vmem>> -> memref<80xi32, #tpu.memory_space<vmem>>
      %dma_start3A_140 = tpu.memref_slice %arg4[%add3A_126] : memref<320000xi32, #tpu.memory_space<hbm>> -> memref<80xi32, #tpu.memory_space<hbm>>
      %dma_start3A_141 = arith.constant 0 : i32
      %dma_start3A_142 = tpu.memref_slice %arg8[%dma_start3A_136, %dma_start3A_141] : memref<2x80xi32, #tpu.memory_space<vmem>> -> memref<1x80xi32, #tpu.memory_space<vmem>>
      %dma_start3A_143 = tpu.memref_squeeze %dma_start3A_142 : memref<1x80xi32, #tpu.memory_space<vmem>> -> memref<80xi32, #tpu.memory_space<vmem>>
      %dma_start3A_144 = tpu.memref_slice %arg4[%add3A_126] : memref<320000xi32, #tpu.memory_space<hbm>> -> memref<80xi32, #tpu.memory_space<hbm>>
      tpu.enqueue_dma source(%dma_start3A_144 : memref<80xi32, #tpu.memory_space<hbm>>) target(%dma_start3A_143 : memref<80xi32, #tpu.memory_space<vmem>>) target_semaphore(%arg11 : memref<!tpu.dma_semaphore, #tpu.memory_space<semaphore_mem>>)
      %dma_wait3A_145 = arith.constant 0 : i32
      %dma_wait3A_146 = arith.constant 0 : i32
      %dma_wait3A_147 = arith.constant 0 : i32
      %dma_wait3A_148 = arith.constant 0 : i32
      %dma_wait3A_149 = tpu.memref_slice %arg9[%dma_wait3A_146, %dma_wait3A_147, %dma_wait3A_148] : memref<2x80x32xf32, #tpu.memory_space<vmem>> -> memref<1x80x32xf32, #tpu.memory_space<vmem>>
      %dma_wait3A_150 = tpu.memref_squeeze %dma_wait3A_149 : memref<1x80x32xf32, #tpu.memory_space<vmem>> -> memref<80x32xf32, #tpu.memory_space<vmem>>
      %dma_wait3A_151 = arith.constant 0 : i32
      %dma_wait3A_152 = tpu.memref_slice %arg7[%dma_wait3A_145, %dma_wait3A_151] : memref<2x80xi32, #tpu.memory_space<vmem>> -> memref<1x80xi32, #tpu.memory_space<vmem>>
      %dma_wait3A_153 = tpu.memref_squeeze %dma_wait3A_152 : memref<1x80xi32, #tpu.memory_space<vmem>> -> memref<80xi32, #tpu.memory_space<vmem>>
      %dma_wait3A_154 = arith.constant 0 : i32
      %dma_wait3A_155 = arith.constant 0 : i32
      %dma_wait3A_156 = tpu.memref_slice %arg2[%dma_wait3A_154, %dma_wait3A_155] : memref<10240x32xf32, #tpu.memory_space<hbm>> -> memref<10240x32xf32, #tpu.memory_space<hbm>>
      tpu.wait_indirect_dma semaphore(%arg12 : memref<!tpu.dma_semaphore, #tpu.memory_space<semaphore_mem>>) src(%dma_wait3A_156 : memref<10240x32xf32, #tpu.memory_space<hbm>>) dst(%dma_wait3A_150 : memref<80x32xf32, #tpu.memory_space<vmem>>)
      %add3A_157 = arith.constant 1 : i32
      %add3A_158 = arith.addi %mul3A_88, %add3A_157 : i32
      %mul3A_159 = arith.constant 80 : i32
      %mul3A_160 = arith.muli %add3A_158, %mul3A_159 : i32
      %add3A_161 = arith.addi %add3A, %mul3A_160 : i32
      %dma_wait3A_162 = arith.constant 1 : i32
      %dma_wait3A_163 = arith.constant 0 : i32
      %dma_wait3A_164 = tpu.memref_slice %arg7[%dma_wait3A_162, %dma_wait3A_163] : memref<2x80xi32, #tpu.memory_space<vmem>> -> memref<1x80xi32, #tpu.memory_space<vmem>>
      %dma_wait3A_165 = tpu.memref_squeeze %dma_wait3A_164 : memref<1x80xi32, #tpu.memory_space<vmem>> -> memref<80xi32, #tpu.memory_space<vmem>>
      %dma_wait3A_166 = tpu.memref_slice %arg3[%add3A_161] : memref<320000xi32, #tpu.memory_space<hbm>> -> memref<80xi32, #tpu.memory_space<hbm>>
      %dma_wait3A_167 = arith.constant 0 : i32
      %dma_wait3A_168 = tpu.memref_slice %arg7[%dma_wait3A_162, %dma_wait3A_167] : memref<2x80xi32, #tpu.memory_space<vmem>> -> memref<1x80xi32, #tpu.memory_space<vmem>>
      %dma_wait3A_169 = tpu.memref_squeeze %dma_wait3A_168 : memref<1x80xi32, #tpu.memory_space<vmem>> -> memref<80xi32, #tpu.memory_space<vmem>>
      %dma_wait3A_170 = tpu.memref_slice %arg3[%add3A_161] : memref<320000xi32, #tpu.memory_space<hbm>> -> memref<80xi32, #tpu.memory_space<hbm>>
      tpu.wait_dma2 semaphore(%arg11 : memref<!tpu.dma_semaphore, #tpu.memory_space<semaphore_mem>>) src(%dma_wait3A_170 : memref<80xi32, #tpu.memory_space<hbm>>) dst(%dma_wait3A_169 : memref<80xi32, #tpu.memory_space<vmem>>)
      %dma_wait3A_171 = arith.constant 1 : i32
      %dma_wait3A_172 = arith.constant 0 : i32
      %dma_wait3A_173 = tpu.memref_slice %arg8[%dma_wait3A_171, %dma_wait3A_172] : memref<2x80xi32, #tpu.memory_space<vmem>> -> memref<1x80xi32, #tpu.memory_space<vmem>>
      %dma_wait3A_174 = tpu.memref_squeeze %dma_wait3A_173 : memref<1x80xi32, #tpu.memory_space<vmem>> -> memref<80xi32, #tpu.memory_space<vmem>>
      %dma_wait3A_175 = tpu.memref_slice %arg4[%add3A_161] : memref<320000xi32, #tpu.memory_space<hbm>> -> memref<80xi32, #tpu.memory_space<hbm>>
      %dma_wait3A_176 = arith.constant 0 : i32
      %dma_wait3A_177 = tpu.memref_slice %arg8[%dma_wait3A_171, %dma_wait3A_176] : memref<2x80xi32, #tpu.memory_space<vmem>> -> memref<1x80xi32, #tpu.memory_space<vmem>>
      %dma_wait3A_178 = tpu.memref_squeeze %dma_wait3A_177 : memref<1x80xi32, #tpu.memory_space<vmem>> -> memref<80xi32, #tpu.memory_space<vmem>>
      %dma_wait3A_179 = tpu.memref_slice %arg4[%add3A_161] : memref<320000xi32, #tpu.memory_space<hbm>> -> memref<80xi32, #tpu.memory_space<hbm>>
      tpu.wait_dma2 semaphore(%arg11 : memref<!tpu.dma_semaphore, #tpu.memory_space<semaphore_mem>>) src(%dma_wait3A_179 : memref<80xi32, #tpu.memory_space<hbm>>) dst(%dma_wait3A_178 : memref<80xi32, #tpu.memory_space<vmem>>)
      %dma_start3A_180 = arith.constant 1 : i32
      %dma_start3A_181 = arith.constant 1 : i32
      %dma_start3A_182 = arith.constant 0 : i32
      %dma_start3A_183 = arith.constant 0 : i32
      %dma_start3A_184 = tpu.memref_slice %arg9[%dma_start3A_181, %dma_start3A_182, %dma_start3A_183] : memref<2x80x32xf32, #tpu.memory_space<vmem>> -> memref<1x80x32xf32, #tpu.memory_space<vmem>>
      %dma_start3A_185 = tpu.memref_squeeze %dma_start3A_184 : memref<1x80x32xf32, #tpu.memory_space<vmem>> -> memref<80x32xf32, #tpu.memory_space<vmem>>
      %dma_start3A_186 = arith.constant 0 : i32
      %dma_start3A_187 = tpu.memref_slice %arg7[%dma_start3A_180, %dma_start3A_186] : memref<2x80xi32, #tpu.memory_space<vmem>> -> memref<1x80xi32, #tpu.memory_space<vmem>>
      %dma_start3A_188 = tpu.memref_squeeze %dma_start3A_187 : memref<1x80xi32, #tpu.memory_space<vmem>> -> memref<80xi32, #tpu.memory_space<vmem>>
      %dma_start3A_189 = arith.constant 0 : i32
      %dma_start3A_190 = arith.constant 0 : i32
      %dma_start3A_191 = tpu.memref_slice %arg2[%dma_start3A_189, %dma_start3A_190] : memref<10240x32xf32, #tpu.memory_space<hbm>> -> memref<10240x32xf32, #tpu.memory_space<hbm>>
      tpu.enqueue_indirect_dma source(%dma_start3A_191 : memref<10240x32xf32, #tpu.memory_space<hbm>>) target(%dma_start3A_185 : memref<80x32xf32, #tpu.memory_space<vmem>>) offsets(%dma_start3A_188 : memref<80xi32, #tpu.memory_space<vmem>>) semaphore(%arg13 : memref<!tpu.dma_semaphore, #tpu.memory_space<semaphore_mem>>)
      %run_scoped3A_192 = arith.constant 0 : i32
      %run_scoped3A_193 = arith.constant 0 : i32
      "tpu.region"() ({
        %run_scoped3A_231 = tpu.sem_alloc : memref<!tpu.dma_semaphore, #tpu.memory_space<semaphore_mem>>
        %dma_start3A_232 = arith.constant 0 : i32
        %dma_start3A_233 = arith.constant 0 : i32
        %dma_start3A_234 = tpu.memref_slice %arg9[%run_scoped3A_192, %dma_start3A_232, %dma_start3A_233] : memref<2x80x32xf32, #tpu.memory_space<vmem>> -> memref<1x80x32xf32, #tpu.memory_space<vmem>>
        %dma_start3A_235 = tpu.memref_squeeze %dma_start3A_234 : memref<1x80x32xf32, #tpu.memory_space<vmem>> -> memref<80x32xf32, #tpu.memory_space<vmem>>
        %dma_start3A_236 = arith.constant 0 : i32
        %dma_start3A_237 = tpu.memref_slice %arg8[%run_scoped3A_193, %dma_start3A_236] : memref<2x80xi32, #tpu.memory_space<vmem>> -> memref<1x80xi32, #tpu.memory_space<vmem>>
        %dma_start3A_238 = tpu.memref_squeeze %dma_start3A_237 : memref<1x80xi32, #tpu.memory_space<vmem>> -> memref<80xi32, #tpu.memory_space<vmem>>
        %dma_start3A_239 = arith.constant 0 : i32
        %dma_start3A_240 = arith.constant 0 : i32
        %dma_start3A_241 = tpu.memref_slice %arg14[%dma_start3A_239, %dma_start3A_240] : memref<10240x32xf32, #tpu.memory_space<vmem_shared>> -> memref<10240x32xf32, #tpu.memory_space<vmem_shared>>
        tpu.enqueue_indirect_dma source(%dma_start3A_235 : memref<80x32xf32, #tpu.memory_space<vmem>>) target(%dma_start3A_241 : memref<10240x32xf32, #tpu.memory_space<vmem_shared>>) offsets(%dma_start3A_238 : memref<80xi32, #tpu.memory_space<vmem>>) semaphore(%run_scoped3A_231 : memref<!tpu.dma_semaphore, #tpu.memory_space<semaphore_mem>>) {add = true}
        %dma_wait3A_242 = arith.constant 0 : i32
        %dma_wait3A_243 = arith.constant 0 : i32
        %dma_wait3A_244 = tpu.memref_slice %arg9[%run_scoped3A_192, %dma_wait3A_242, %dma_wait3A_243] : memref<2x80x32xf32, #tpu.memory_space<vmem>> -> memref<1x80x32xf32, #tpu.memory_space<vmem>>
        %dma_wait3A_245 = tpu.memref_squeeze %dma_wait3A_244 : memref<1x80x32xf32, #tpu.memory_space<vmem>> -> memref<80x32xf32, #tpu.memory_space<vmem>>
        %dma_wait3A_246 = arith.constant 0 : i32
        %dma_wait3A_247 = tpu.memref_slice %arg8[%run_scoped3A_193, %dma_wait3A_246] : memref<2x80xi32, #tpu.memory_space<vmem>> -> memref<1x80xi32, #tpu.memory_space<vmem>>
        %dma_wait3A_248 = tpu.memref_squeeze %dma_wait3A_247 : memref<1x80xi32, #tpu.memory_space<vmem>> -> memref<80xi32, #tpu.memory_space<vmem>>
        %dma_wait3A_249 = arith.constant 0 : i32
        %dma_wait3A_250 = arith.constant 0 : i32
        %dma_wait3A_251 = tpu.memref_slice %arg14[%dma_wait3A_249, %dma_wait3A_250] : memref<10240x32xf32, #tpu.memory_space<vmem_shared>> -> memref<10240x32xf32, #tpu.memory_space<vmem_shared>>
        tpu.wait_indirect_dma semaphore(%run_scoped3A_231 : memref<!tpu.dma_semaphore, #tpu.memory_space<semaphore_mem>>) src(%dma_wait3A_245 : memref<80x32xf32, #tpu.memory_space<vmem>>) dst(%dma_wait3A_251 : memref<10240x32xf32, #tpu.memory_space<vmem_shared>>)
        tpu.yield
      }) : () -> ()
      %add3A_194 = arith.constant 2 : i32
      %add3A_195 = arith.addi %mul3A_88, %add3A_194 : i32
      %mul3A_196 = arith.constant 80 : i32
      %mul3A_197 = arith.muli %add3A_195, %mul3A_196 : i32
      %add3A_198 = arith.addi %add3A, %mul3A_197 : i32
      %dma_start3A_199 = arith.constant 0 : i32
      %dma_start3A_200 = arith.constant 0 : i32
      %dma_start3A_201 = tpu.memref_slice %arg7[%dma_start3A_199, %dma_start3A_200] : memref<2x80xi32, #tpu.memory_space<vmem>> -> memref<1x80xi32, #tpu.memory_space<vmem>>
      %dma_start3A_202 = tpu.memref_squeeze %dma_start3A_201 : memref<1x80xi32, #tpu.memory_space<vmem>> -> memref<80xi32, #tpu.memory_space<vmem>>
      %dma_start3A_203 = tpu.memref_slice %arg3[%add3A_198] : memref<320000xi32, #tpu.memory_space<hbm>> -> memref<80xi32, #tpu.memory_space<hbm>>
      %dma_start3A_204 = arith.constant 0 : i32
      %dma_start3A_205 = tpu.memref_slice %arg7[%dma_start3A_199, %dma_start3A_204] : memref<2x80xi32, #tpu.memory_space<vmem>> -> memref<1x80xi32, #tpu.memory_space<vmem>>
      %dma_start3A_206 = tpu.memref_squeeze %dma_start3A_205 : memref<1x80xi32, #tpu.memory_space<vmem>> -> memref<80xi32, #tpu.memory_space<vmem>>
      %dma_start3A_207 = tpu.memref_slice %arg3[%add3A_198] : memref<320000xi32, #tpu.memory_space<hbm>> -> memref<80xi32, #tpu.memory_space<hbm>>
      tpu.enqueue_dma source(%dma_start3A_207 : memref<80xi32, #tpu.memory_space<hbm>>) target(%dma_start3A_206 : memref<80xi32, #tpu.memory_space<vmem>>) target_semaphore(%arg10 : memref<!tpu.dma_semaphore, #tpu.memory_space<semaphore_mem>>)
      %dma_start3A_208 = arith.constant 0 : i32
      %dma_start3A_209 = arith.constant 0 : i32
      %dma_start3A_210 = tpu.memref_slice %arg8[%dma_start3A_208, %dma_start3A_209] : memref<2x80xi32, #tpu.memory_space<vmem>> -> memref<1x80xi32, #tpu.memory_space<vmem>>
      %dma_start3A_211 = tpu.memref_squeeze %dma_start3A_210 : memref<1x80xi32, #tpu.memory_space<vmem>> -> memref<80xi32, #tpu.memory_space<vmem>>
      %dma_start3A_212 = tpu.memref_slice %arg4[%add3A_198] : memref<320000xi32, #tpu.memory_space<hbm>> -> memref<80xi32, #tpu.memory_space<hbm>>
      %dma_start3A_213 = arith.constant 0 : i32
      %dma_start3A_214 = tpu.memref_slice %arg8[%dma_start3A_208, %dma_start3A_213] : memref<2x80xi32, #tpu.memory_space<vmem>> -> memref<1x80xi32, #tpu.memory_space<vmem>>
      %dma_start3A_215 = tpu.memref_squeeze %dma_start3A_214 : memref<1x80xi32, #tpu.memory_space<vmem>> -> memref<80xi32, #tpu.memory_space<vmem>>
      %dma_start3A_216 = tpu.memref_slice %arg4[%add3A_198] : memref<320000xi32, #tpu.memory_space<hbm>> -> memref<80xi32, #tpu.memory_space<hbm>>
      tpu.enqueue_dma source(%dma_start3A_216 : memref<80xi32, #tpu.memory_space<hbm>>) target(%dma_start3A_215 : memref<80xi32, #tpu.memory_space<vmem>>) target_semaphore(%arg10 : memref<!tpu.dma_semaphore, #tpu.memory_space<semaphore_mem>>)
      %dma_wait3A_217 = arith.constant 1 : i32
      %dma_wait3A_218 = arith.constant 1 : i32
      %dma_wait3A_219 = arith.constant 0 : i32
      %dma_wait3A_220 = arith.constant 0 : i32
      %dma_wait3A_221 = tpu.memref_slice %arg9[%dma_wait3A_218, %dma_wait3A_219, %dma_wait3A_220] : memref<2x80x32xf32, #tpu.memory_space<vmem>> -> memref<1x80x32xf32, #tpu.memory_space<vmem>>
      %dma_wait3A_222 = tpu.memref_squeeze %dma_wait3A_221 : memref<1x80x32xf32, #tpu.memory_space<vmem>> -> memref<80x32xf32, #tpu.memory_space<vmem>>
      %dma_wait3A_223 = arith.constant 0 : i32
      %dma_wait3A_224 = tpu.memref_slice %arg7[%dma_wait3A_217, %dma_wait3A_223] : memref<2x80xi32, #tpu.memory_space<vmem>> -> memref<1x80xi32, #tpu.memory_space<vmem>>
      %dma_wait3A_225 = tpu.memref_squeeze %dma_wait3A_224 : memref<1x80xi32, #tpu.memory_space<vmem>> -> memref<80xi32, #tpu.memory_space<vmem>>
      %dma_wait3A_226 = arith.constant 0 : i32
      %dma_wait3A_227 = arith.constant 0 : i32
      %dma_wait3A_228 = tpu.memref_slice %arg2[%dma_wait3A_226, %dma_wait3A_227] : memref<10240x32xf32, #tpu.memory_space<hbm>> -> memref<10240x32xf32, #tpu.memory_space<hbm>>
      tpu.wait_indirect_dma semaphore(%arg13 : memref<!tpu.dma_semaphore, #tpu.memory_space<semaphore_mem>>) src(%dma_wait3A_228 : memref<10240x32xf32, #tpu.memory_space<hbm>>) dst(%dma_wait3A_222 : memref<80x32xf32, #tpu.memory_space<vmem>>)
      %run_scoped3A_229 = arith.constant 1 : i32
      %run_scoped3A_230 = arith.constant 1 : i32
      "tpu.region"() ({
        %run_scoped3A_231 = tpu.sem_alloc : memref<!tpu.dma_semaphore, #tpu.memory_space<semaphore_mem>>
        %dma_start3A_232 = arith.constant 0 : i32
        %dma_start3A_233 = arith.constant 0 : i32
        %dma_start3A_234 = tpu.memref_slice %arg9[%run_scoped3A_229, %dma_start3A_232, %dma_start3A_233] : memref<2x80x32xf32, #tpu.memory_space<vmem>> -> memref<1x80x32xf32, #tpu.memory_space<vmem>>
        %dma_start3A_235 = tpu.memref_squeeze %dma_start3A_234 : memref<1x80x32xf32, #tpu.memory_space<vmem>> -> memref<80x32xf32, #tpu.memory_space<vmem>>
        %dma_start3A_236 = arith.constant 0 : i32
        %dma_start3A_237 = tpu.memref_slice %arg8[%run_scoped3A_230, %dma_start3A_236] : memref<2x80xi32, #tpu.memory_space<vmem>> -> memref<1x80xi32, #tpu.memory_space<vmem>>
        %dma_start3A_238 = tpu.memref_squeeze %dma_start3A_237 : memref<1x80xi32, #tpu.memory_space<vmem>> -> memref<80xi32, #tpu.memory_space<vmem>>
        %dma_start3A_239 = arith.constant 0 : i32
        %dma_start3A_240 = arith.constant 0 : i32
        %dma_start3A_241 = tpu.memref_slice %arg14[%dma_start3A_239, %dma_start3A_240] : memref<10240x32xf32, #tpu.memory_space<vmem_shared>> -> memref<10240x32xf32, #tpu.memory_space<vmem_shared>>
        tpu.enqueue_indirect_dma source(%dma_start3A_235 : memref<80x32xf32, #tpu.memory_space<vmem>>) target(%dma_start3A_241 : memref<10240x32xf32, #tpu.memory_space<vmem_shared>>) offsets(%dma_start3A_238 : memref<80xi32, #tpu.memory_space<vmem>>) semaphore(%run_scoped3A_231 : memref<!tpu.dma_semaphore, #tpu.memory_space<semaphore_mem>>) {add = true}
        %dma_wait3A_242 = arith.constant 0 : i32
        %dma_wait3A_243 = arith.constant 0 : i32
        %dma_wait3A_244 = tpu.memref_slice %arg9[%run_scoped3A_229, %dma_wait3A_242, %dma_wait3A_243] : memref<2x80x32xf32, #tpu.memory_space<vmem>> -> memref<1x80x32xf32, #tpu.memory_space<vmem>>
        %dma_wait3A_245 = tpu.memref_squeeze %dma_wait3A_244 : memref<1x80x32xf32, #tpu.memory_space<vmem>> -> memref<80x32xf32, #tpu.memory_space<vmem>>
        %dma_wait3A_246 = arith.constant 0 : i32
        %dma_wait3A_247 = tpu.memref_slice %arg8[%run_scoped3A_230, %dma_wait3A_246] : memref<2x80xi32, #tpu.memory_space<vmem>> -> memref<1x80xi32, #tpu.memory_space<vmem>>
        %dma_wait3A_248 = tpu.memref_squeeze %dma_wait3A_247 : memref<1x80xi32, #tpu.memory_space<vmem>> -> memref<80xi32, #tpu.memory_space<vmem>>
        %dma_wait3A_249 = arith.constant 0 : i32
        %dma_wait3A_250 = arith.constant 0 : i32
        %dma_wait3A_251 = tpu.memref_slice %arg14[%dma_wait3A_249, %dma_wait3A_250] : memref<10240x32xf32, #tpu.memory_space<vmem_shared>> -> memref<10240x32xf32, #tpu.memory_space<vmem_shared>>
        tpu.wait_indirect_dma semaphore(%run_scoped3A_231 : memref<!tpu.dma_semaphore, #tpu.memory_space<semaphore_mem>>) src(%dma_wait3A_245 : memref<80x32xf32, #tpu.memory_space<vmem>>) dst(%dma_wait3A_251 : memref<10240x32xf32, #tpu.memory_space<vmem_shared>>)
        tpu.yield
      }) : () -> ()
    }
    %scan3A_29 = arith.constant 62 : i32
    %add3A_30 = arith.constant 9920 : i32
    %add3A_31 = arith.addi %add3A, %add3A_30 : i32
    %dma_wait3A = arith.constant 0 : i32
    %dma_wait3A_32 = arith.constant 0 : i32
    %dma_wait3A_33 = tpu.memref_slice %arg7[%dma_wait3A, %dma_wait3A_32] : memref<2x80xi32, #tpu.memory_space<vmem>> -> memref<1x80xi32, #tpu.memory_space<vmem>>
    %dma_wait3A_34 = tpu.memref_squeeze %dma_wait3A_33 : memref<1x80xi32, #tpu.memory_space<vmem>> -> memref<80xi32, #tpu.memory_space<vmem>>
    %dma_wait3A_35 = tpu.memref_slice %arg3[%add3A_31] : memref<320000xi32, #tpu.memory_space<hbm>> -> memref<80xi32, #tpu.memory_space<hbm>>
    %dma_wait3A_36 = arith.constant 0 : i32
    %dma_wait3A_37 = tpu.memref_slice %arg7[%dma_wait3A, %dma_wait3A_36] : memref<2x80xi32, #tpu.memory_space<vmem>> -> memref<1x80xi32, #tpu.memory_space<vmem>>
    %dma_wait3A_38 = tpu.memref_squeeze %dma_wait3A_37 : memref<1x80xi32, #tpu.memory_space<vmem>> -> memref<80xi32, #tpu.memory_space<vmem>>
    %dma_wait3A_39 = tpu.memref_slice %arg3[%add3A_31] : memref<320000xi32, #tpu.memory_space<hbm>> -> memref<80xi32, #tpu.memory_space<hbm>>
    tpu.wait_dma2 semaphore(%arg10 : memref<!tpu.dma_semaphore, #tpu.memory_space<semaphore_mem>>) src(%dma_wait3A_39 : memref<80xi32, #tpu.memory_space<hbm>>) dst(%dma_wait3A_38 : memref<80xi32, #tpu.memory_space<vmem>>)
    %dma_wait3A_40 = arith.constant 0 : i32
    %dma_wait3A_41 = arith.constant 0 : i32
    %dma_wait3A_42 = tpu.memref_slice %arg8[%dma_wait3A_40, %dma_wait3A_41] : memref<2x80xi32, #tpu.memory_space<vmem>> -> memref<1x80xi32, #tpu.memory_space<vmem>>
    %dma_wait3A_43 = tpu.memref_squeeze %dma_wait3A_42 : memref<1x80xi32, #tpu.memory_space<vmem>> -> memref<80xi32, #tpu.memory_space<vmem>>
    %dma_wait3A_44 = tpu.memref_slice %arg4[%add3A_31] : memref<320000xi32, #tpu.memory_space<hbm>> -> memref<80xi32, #tpu.memory_space<hbm>>
    %dma_wait3A_45 = arith.constant 0 : i32
    %dma_wait3A_46 = tpu.memref_slice %arg8[%dma_wait3A_40, %dma_wait3A_45] : memref<2x80xi32, #tpu.memory_space<vmem>> -> memref<1x80xi32, #tpu.memory_space<vmem>>
    %dma_wait3A_47 = tpu.memref_squeeze %dma_wait3A_46 : memref<1x80xi32, #tpu.memory_space<vmem>> -> memref<80xi32, #tpu.memory_space<vmem>>
    %dma_wait3A_48 = tpu.memref_slice %arg4[%add3A_31] : memref<320000xi32, #tpu.memory_space<hbm>> -> memref<80xi32, #tpu.memory_space<hbm>>
    tpu.wait_dma2 semaphore(%arg10 : memref<!tpu.dma_semaphore, #tpu.memory_space<semaphore_mem>>) src(%dma_wait3A_48 : memref<80xi32, #tpu.memory_space<hbm>>) dst(%dma_wait3A_47 : memref<80xi32, #tpu.memory_space<vmem>>)
    %dma_start3A_49 = arith.constant 0 : i32
    %dma_start3A_50 = arith.constant 0 : i32
    %dma_start3A_51 = arith.constant 0 : i32
    %dma_start3A_52 = arith.constant 0 : i32
    %dma_start3A_53 = tpu.memref_slice %arg9[%dma_start3A_50, %dma_start3A_51, %dma_start3A_52] : memref<2x80x32xf32, #tpu.memory_space<vmem>> -> memref<1x80x32xf32, #tpu.memory_space<vmem>>
    %dma_start3A_54 = tpu.memref_squeeze %dma_start3A_53 : memref<1x80x32xf32, #tpu.memory_space<vmem>> -> memref<80x32xf32, #tpu.memory_space<vmem>>
    %dma_start3A_55 = arith.constant 0 : i32
    %dma_start3A_56 = tpu.memref_slice %arg7[%dma_start3A_49, %dma_start3A_55] : memref<2x80xi32, #tpu.memory_space<vmem>> -> memref<1x80xi32, #tpu.memory_space<vmem>>
    %dma_start3A_57 = tpu.memref_squeeze %dma_start3A_56 : memref<1x80xi32, #tpu.memory_space<vmem>> -> memref<80xi32, #tpu.memory_space<vmem>>
    %dma_start3A_58 = arith.constant 0 : i32
    %dma_start3A_59 = arith.constant 0 : i32
    %dma_start3A_60 = tpu.memref_slice %arg2[%dma_start3A_58, %dma_start3A_59] : memref<10240x32xf32, #tpu.memory_space<hbm>> -> memref<10240x32xf32, #tpu.memory_space<hbm>>
    tpu.enqueue_indirect_dma source(%dma_start3A_60 : memref<10240x32xf32, #tpu.memory_space<hbm>>) target(%dma_start3A_54 : memref<80x32xf32, #tpu.memory_space<vmem>>) offsets(%dma_start3A_57 : memref<80xi32, #tpu.memory_space<vmem>>) semaphore(%arg12 : memref<!tpu.dma_semaphore, #tpu.memory_space<semaphore_mem>>)
    %dma_wait3A_61 = arith.constant 0 : i32
    %dma_wait3A_62 = arith.constant 0 : i32
    %dma_wait3A_63 = arith.constant 0 : i32
    %dma_wait3A_64 = arith.constant 0 : i32
    %dma_wait3A_65 = tpu.memref_slice %arg9[%dma_wait3A_62, %dma_wait3A_63, %dma_wait3A_64] : memref<2x80x32xf32, #tpu.memory_space<vmem>> -> memref<1x80x32xf32, #tpu.memory_space<vmem>>
    %dma_wait3A_66 = tpu.memref_squeeze %dma_wait3A_65 : memref<1x80x32xf32, #tpu.memory_space<vmem>> -> memref<80x32xf32, #tpu.memory_space<vmem>>
    %dma_wait3A_67 = arith.constant 0 : i32
    %dma_wait3A_68 = tpu.memref_slice %arg7[%dma_wait3A_61, %dma_wait3A_67] : memref<2x80xi32, #tpu.memory_space<vmem>> -> memref<1x80xi32, #tpu.memory_space<vmem>>
    %dma_wait3A_69 = tpu.memref_squeeze %dma_wait3A_68 : memref<1x80xi32, #tpu.memory_space<vmem>> -> memref<80xi32, #tpu.memory_space<vmem>>
    %dma_wait3A_70 = arith.constant 0 : i32
    %dma_wait3A_71 = arith.constant 0 : i32
    %dma_wait3A_72 = tpu.memref_slice %arg2[%dma_wait3A_70, %dma_wait3A_71] : memref<10240x32xf32, #tpu.memory_space<hbm>> -> memref<10240x32xf32, #tpu.memory_space<hbm>>
    tpu.wait_indirect_dma semaphore(%arg12 : memref<!tpu.dma_semaphore, #tpu.memory_space<semaphore_mem>>) src(%dma_wait3A_72 : memref<10240x32xf32, #tpu.memory_space<hbm>>) dst(%dma_wait3A_66 : memref<80x32xf32, #tpu.memory_space<vmem>>)
    %run_scoped3A = arith.constant 0 : i32
    %run_scoped3A_73 = arith.constant 0 : i32
    "tpu.region"() ({
      %run_scoped3A_82 = tpu.sem_alloc : memref<!tpu.dma_semaphore, #tpu.memory_space<semaphore_mem>>
      %dma_start3A_83 = arith.constant 0 : i32
      %dma_start3A_84 = arith.constant 0 : i32
      %dma_start3A_85 = tpu.memref_slice %arg9[%run_scoped3A, %dma_start3A_83, %dma_start3A_84] : memref<2x80x32xf32, #tpu.memory_space<vmem>> -> memref<1x80x32xf32, #tpu.memory_space<vmem>>
      %dma_start3A_86 = tpu.memref_squeeze %dma_start3A_85 : memref<1x80x32xf32, #tpu.memory_space<vmem>> -> memref<80x32xf32, #tpu.memory_space<vmem>>
      %dma_start3A_87 = arith.constant 0 : i32
      %dma_start3A_88 = tpu.memref_slice %arg8[%run_scoped3A_73, %dma_start3A_87] : memref<2x80xi32, #tpu.memory_space<vmem>> -> memref<1x80xi32, #tpu.memory_space<vmem>>
      %dma_start3A_89 = tpu.memref_squeeze %dma_start3A_88 : memref<1x80xi32, #tpu.memory_space<vmem>> -> memref<80xi32, #tpu.memory_space<vmem>>
      %dma_start3A_90 = arith.constant 0 : i32
      %dma_start3A_91 = arith.constant 0 : i32
      %dma_start3A_92 = tpu.memref_slice %arg14[%dma_start3A_90, %dma_start3A_91] : memref<10240x32xf32, #tpu.memory_space<vmem_shared>> -> memref<10240x32xf32, #tpu.memory_space<vmem_shared>>
      tpu.enqueue_indirect_dma source(%dma_start3A_86 : memref<80x32xf32, #tpu.memory_space<vmem>>) target(%dma_start3A_92 : memref<10240x32xf32, #tpu.memory_space<vmem_shared>>) offsets(%dma_start3A_89 : memref<80xi32, #tpu.memory_space<vmem>>) semaphore(%run_scoped3A_82 : memref<!tpu.dma_semaphore, #tpu.memory_space<semaphore_mem>>) {add = true}
      %dma_wait3A_93 = arith.constant 0 : i32
      %dma_wait3A_94 = arith.constant 0 : i32
      %dma_wait3A_95 = tpu.memref_slice %arg9[%run_scoped3A, %dma_wait3A_93, %dma_wait3A_94] : memref<2x80x32xf32, #tpu.memory_space<vmem>> -> memref<1x80x32xf32, #tpu.memory_space<vmem>>
      %dma_wait3A_96 = tpu.memref_squeeze %dma_wait3A_95 : memref<1x80x32xf32, #tpu.memory_space<vmem>> -> memref<80x32xf32, #tpu.memory_space<vmem>>
      %dma_wait3A_97 = arith.constant 0 : i32
      %dma_wait3A_98 = tpu.memref_slice %arg8[%run_scoped3A_73, %dma_wait3A_97] : memref<2x80xi32, #tpu.memory_space<vmem>> -> memref<1x80xi32, #tpu.memory_space<vmem>>
      %dma_wait3A_99 = tpu.memref_squeeze %dma_wait3A_98 : memref<1x80xi32, #tpu.memory_space<vmem>> -> memref<80xi32, #tpu.memory_space<vmem>>
      %dma_wait3A_100 = arith.constant 0 : i32
      %dma_wait3A_101 = arith.constant 0 : i32
      %dma_wait3A_102 = tpu.memref_slice %arg14[%dma_wait3A_100, %dma_wait3A_101] : memref<10240x32xf32, #tpu.memory_space<vmem_shared>> -> memref<10240x32xf32, #tpu.memory_space<vmem_shared>>
      tpu.wait_indirect_dma semaphore(%run_scoped3A_82 : memref<!tpu.dma_semaphore, #tpu.memory_space<semaphore_mem>>) src(%dma_wait3A_96 : memref<80x32xf32, #tpu.memory_space<vmem>>) dst(%dma_wait3A_102 : memref<10240x32xf32, #tpu.memory_space<vmem_shared>>)
      tpu.yield
    }) : () -> ()
    %barrier3A_74 = arith.constant 0 : index
    tpu.barrier barrier_id(%barrier3A_74)
    %mul3A_75 = arith.constant 640 : i32
    %mul3A_76 = arith.muli %arg1, %mul3A_75 : i32
    %mul3A_77 = arith.constant 10240 : i32
    %mul3A_78 = arith.muli %arg0, %mul3A_77 : i32
    %mul3A_79 = arith.constant 640 : i32
    %mul3A_80 = arith.muli %arg1, %mul3A_79 : i32
    %add3A_81 = arith.addi %mul3A_78, %mul3A_80 : i32
    "tpu.region"() ({
      %run_scoped3A_82 = tpu.sem_alloc : memref<!tpu.dma_semaphore, #tpu.memory_space<semaphore_mem>>
      %dma_start3A_83 = arith.constant 0 : i32
      %dma_start3A_84 = tpu.memref_slice %arg6[%add3A_81, %dma_start3A_83] : memref<20480x32xf32, #tpu.memory_space<hbm>> -> memref<640x32xf32, #tpu.memory_space<hbm>>
      %dma_start3A_85 = arith.constant 0 : i32
      %dma_start3A_86 = tpu.memref_slice %arg14[%mul3A_76, %dma_start3A_85] : memref<10240x32xf32, #tpu.memory_space<vmem_shared>> -> memref<640x32xf32, #tpu.memory_space<vmem_shared>>
      tpu.enqueue_dma source(%dma_start3A_86 : memref<640x32xf32, #tpu.memory_space<vmem_shared>>) target(%dma_start3A_84 : memref<640x32xf32, #tpu.memory_space<hbm>>) target_semaphore(%run_scoped3A_82 : memref<!tpu.dma_semaphore, #tpu.memory_space<semaphore_mem>>)
      %dma_wait3A_87 = arith.constant 0 : i32
      %dma_wait3A_88 = tpu.memref_slice %arg6[%add3A_81, %dma_wait3A_87] : memref<20480x32xf32, #tpu.memory_space<hbm>> -> memref<640x32xf32, #tpu.memory_space<hbm>>
      %dma_wait3A_89 = arith.constant 0 : i32
      %dma_wait3A_90 = tpu.memref_slice %arg14[%mul3A_76, %dma_wait3A_89] : memref<10240x32xf32, #tpu.memory_space<vmem_shared>> -> memref<640x32xf32, #tpu.memory_space<vmem_shared>>
      tpu.wait_dma2 semaphore(%run_scoped3A_82 : memref<!tpu.dma_semaphore, #tpu.memory_space<semaphore_mem>>) src(%dma_wait3A_90 : memref<640x32xf32, #tpu.memory_space<vmem_shared>>) dst(%dma_wait3A_88 : memref<640x32xf32, #tpu.memory_space<hbm>>)
      tpu.yield
    }) : () -> ()
    return
  }
}

#map = affine_map<(d0, d1) -> (0, 0)>
#map1 = affine_map<(d0, d1) -> (0)>
module attributes {stable_mosaic.version = 14 : i64} {
  func.func @k(%arg0: i32, %arg1: i32, %arg2: memref<10240x32xf32, #tpu.memory_space<hbm>>, %arg3: memref<320000xi32, #tpu.memory_space<hbm>>, %arg4: memref<320000xi32, #tpu.memory_space<hbm>>, %arg5: memref<10240x32xf32, #tpu.memory_space<hbm>>, %arg6: memref<20480x32xf32, #tpu.memory_space<hbm>>, %arg7: memref<2x80xi32, #tpu.memory_space<vmem>>, %arg8: memref<2x80xi32, #tpu.memory_space<vmem>>, %arg9: memref<2x80x32xf32, #tpu.memory_space<vmem>>, %arg10: memref<!tpu.dma_semaphore, #tpu.memory_space<semaphore_mem>>, %arg11: memref<!tpu.dma_semaphore, #tpu.memory_space<semaphore_mem>>, %arg12: memref<!tpu.dma_semaphore, #tpu.memory_space<semaphore_mem>>, %arg13: memref<!tpu.dma_semaphore, #tpu.memory_space<semaphore_mem>>, %arg14: memref<10240x32xf32, #tpu.memory_space<vmem_shared>>) attributes {dimension_semantics = [#tpu.dimension_semantics<core_parallel>, #tpu.dimension_semantics<subcore_parallel>], iteration_bounds = array<i64: 2, 16>, scalar_prefetch = 0 : i64, scratch_operands = 8 : i64, tpu.core_type = #tpu.core_type<sc_vector_subcore>, window_params = [{transform_indices = #map}, {transform_indices = #map1}, {transform_indices = #map1}, {transform_indices = #map}, {transform_indices = #map}]} {
    %mul3A = arith.constant 640 : i32
    %mul3A_0 = arith.muli %arg1, %mul3A : i32
    %mul3A_1 = arith.constant 640 : i32
    %mul3A_2 = arith.muli %arg1, %mul3A_1 : i32
    "tpu.region"() ({
      %run_scoped3A_82 = tpu.sem_alloc : memref<!tpu.dma_semaphore, #tpu.memory_space<semaphore_mem>>
      %dma_start3A_83 = arith.constant 0 : i32
      %dma_start3A_84 = tpu.memref_slice %arg14[%mul3A_2, %dma_start3A_83] : memref<10240x32xf32, #tpu.memory_space<vmem_shared>> -> memref<640x32xf32, #tpu.memory_space<vmem_shared>>
      %dma_start3A_85 = arith.constant 0 : i32
      %dma_start3A_86 = tpu.memref_slice %arg5[%mul3A_0, %dma_start3A_85] : memref<10240x32xf32, #tpu.memory_space<hbm>> -> memref<640x32xf32, #tpu.memory_space<hbm>>
      tpu.enqueue_dma source(%dma_start3A_86 : memref<640x32xf32, #tpu.memory_space<hbm>>) target(%dma_start3A_84 : memref<640x32xf32, #tpu.memory_space<vmem_shared>>) target_semaphore(%run_scoped3A_82 : memref<!tpu.dma_semaphore, #tpu.memory_space<semaphore_mem>>)
      %dma_wait3A_87 = arith.constant 0 : i32
      %dma_wait3A_88 = tpu.memref_slice %arg14[%mul3A_2, %dma_wait3A_87] : memref<10240x32xf32, #tpu.memory_space<vmem_shared>> -> memref<640x32xf32, #tpu.memory_space<vmem_shared>>
      %dma_wait3A_89 = arith.constant 0 : i32
      %dma_wait3A_90 = tpu.memref_slice %arg5[%mul3A_0, %dma_wait3A_89] : memref<10240x32xf32, #tpu.memory_space<hbm>> -> memref<640x32xf32, #tpu.memory_space<hbm>>
      tpu.wait_dma2 semaphore(%run_scoped3A_82 : memref<!tpu.dma_semaphore, #tpu.memory_space<semaphore_mem>>) src(%dma_wait3A_90 : memref<640x32xf32, #tpu.memory_space<hbm>>) dst(%dma_wait3A_88 : memref<640x32xf32, #tpu.memory_space<vmem_shared>>)
      tpu.yield
    }) : () -> ()
    %barrier3A = arith.constant 0 : index
    tpu.barrier barrier_id(%barrier3A)
    %mul3A_3 = arith.constant 160000 : i32
    %mul3A_4 = arith.muli %arg0, %mul3A_3 : i32
    %mul3A_5 = arith.constant 10000 : i32
    %mul3A_6 = arith.muli %arg1, %mul3A_5 : i32
    %add3A = arith.addi %mul3A_4, %mul3A_6 : i32
    %add3A_7 = arith.constant 0 : i32
    %add3A_8 = arith.addi %add3A, %add3A_7 : i32
    %dma_start3A = arith.constant 0 : i32
    %dma_start3A_9 = arith.constant 0 : i32
    %dma_start3A_10 = tpu.memref_slice %arg7[%dma_start3A, %dma_start3A_9] : memref<2x80xi32, #tpu.memory_space<vmem>> -> memref<1x80xi32, #tpu.memory_space<vmem>>
    %dma_start3A_11 = tpu.memref_squeeze %dma_start3A_10 : memref<1x80xi32, #tpu.memory_space<vmem>> -> memref<80xi32, #tpu.memory_space<vmem>>
    %dma_start3A_12 = tpu.memref_slice %arg3[%add3A_8] : memref<320000xi32, #tpu.memory_space<hbm>> -> memref<80xi32, #tpu.memory_space<hbm>>
    %dma_start3A_13 = arith.constant 0 : i32
    %dma_start3A_14 = tpu.memref_slice %arg7[%dma_start3A, %dma_start3A_13] : memref<2x80xi32, #tpu.memory_space<vmem>> -> memref<1x80xi32, #tpu.memory_space<vmem>>
    %dma_start3A_15 = tpu.memref_squeeze %dma_start3A_14 : memref<1x80xi32, #tpu.memory_space<vmem>> -> memref<80xi32, #tpu.memory_space<vmem>>
    %dma_start3A_16 = tpu.memref_slice %arg3[%add3A_8] : memref<320000xi32, #tpu.memory_space<hbm>> -> memref<80xi32, #tpu.memory_space<hbm>>
    tpu.enqueue_dma source(%dma_start3A_16 : memref<80xi32, #tpu.memory_space<hbm>>) target(%dma_start3A_15 : memref<80xi32, #tpu.memory_space<vmem>>) target_semaphore(%arg10 : memref<!tpu.dma_semaphore, #tpu.memory_space<semaphore_mem>>)
    %dma_start3A_17 = arith.constant 0 : i32
    %dma_start3A_18 = arith.constant 0 : i32
    %dma_start3A_19 = tpu.memref_slice %arg8[%dma_start3A_17, %dma_start3A_18] : memref<2x80xi32, #tpu.memory_space<vmem>> -> memref<1x80xi32, #tpu.memory_space<vmem>>
    %dma_start3A_20 = tpu.memref_squeeze %dma_start3A_19 : memref<1x80xi32, #tpu.memory_space<vmem>> -> memref<80xi32, #tpu.memory_space<vmem>>
    %dma_start3A_21 = tpu.memref_slice %arg4[%add3A_8] : memref<320000xi32, #tpu.memory_space<hbm>> -> memref<80xi32, #tpu.memory_space<hbm>>
    %dma_start3A_22 = arith.constant 0 : i32
    %dma_start3A_23 = tpu.memref_slice %arg8[%dma_start3A_17, %dma_start3A_22] : memref<2x80xi32, #tpu.memory_space<vmem>> -> memref<1x80xi32, #tpu.memory_space<vmem>>
    %dma_start3A_24 = tpu.memref_squeeze %dma_start3A_23 : memref<1x80xi32, #tpu.memory_space<vmem>> -> memref<80xi32, #tpu.memory_space<vmem>>
    %dma_start3A_25 = tpu.memref_slice %arg4[%add3A_8] : memref<320000xi32, #tpu.memory_space<hbm>> -> memref<80xi32, #tpu.memory_space<hbm>>
    tpu.enqueue_dma source(%dma_start3A_25 : memref<80xi32, #tpu.memory_space<hbm>>) target(%dma_start3A_24 : memref<80xi32, #tpu.memory_space<vmem>>) target_semaphore(%arg10 : memref<!tpu.dma_semaphore, #tpu.memory_space<semaphore_mem>>)
    %scan3A = arith.constant 0 : i32
    %scan3A_26 = arith.constant 62 : i32
    %scan3A_27 = arith.addi %scan3A, %scan3A_26 : i32
    %scan3A_28 = arith.constant 1 : i32
    scf.for %scan3A_82 = %scan3A to %scan3A_27 step %scan3A_28  : i32 {
      %mul3A_83 = arith.constant 1 : i32
      %mul3A_84 = arith.muli %scan3A_82, %mul3A_83 : i32
      %add3A_85 = arith.constant 0 : i32
      %add3A_86 = arith.addi %add3A_85, %mul3A_84 : i32
      %mul3A_87 = arith.constant 2 : i32
      %mul3A_88 = arith.muli %mul3A_87, %add3A_86 : i32
      %mul3A_89 = arith.constant 80 : i32
      %mul3A_90 = arith.muli %mul3A_88, %mul3A_89 : i32
      %add3A_91 = arith.addi %add3A, %mul3A_90 : i32
      %dma_wait3A_92 = arith.constant 0 : i32
      %dma_wait3A_93 = arith.constant 0 : i32
      %dma_wait3A_94 = tpu.memref_slice %arg7[%dma_wait3A_92, %dma_wait3A_93] : memref<2x80xi32, #tpu.memory_space<vmem>> -> memref<1x80xi32, #tpu.memory_space<vmem>>
      %dma_wait3A_95 = tpu.memref_squeeze %dma_wait3A_94 : memref<1x80xi32, #tpu.memory_space<vmem>> -> memref<80xi32, #tpu.memory_space<vmem>>
      %dma_wait3A_96 = tpu.memref_slice %arg3[%add3A_91] : memref<320000xi32, #tpu.memory_space<hbm>> -> memref<80xi32, #tpu.memory_space<hbm>>
      %dma_wait3A_97 = arith.constant 0 : i32
      %dma_wait3A_98 = tpu.memref_slice %arg7[%dma_wait3A_92, %dma_wait3A_97] : memref<2x80xi32, #tpu.memory_space<vmem>> -> memref<1x80xi32, #tpu.memory_space<vmem>>
      %dma_wait3A_99 = tpu.memref_squeeze %dma_wait3A_98 : memref<1x80xi32, #tpu.memory_space<vmem>> -> memref<80xi32, #tpu.memory_space<vmem>>
      %dma_wait3A_100 = tpu.memref_slice %arg3[%add3A_91] : memref<320000xi32, #tpu.memory_space<hbm>> -> memref<80xi32, #tpu.memory_space<hbm>>
      tpu.wait_dma2 semaphore(%arg10 : memref<!tpu.dma_semaphore, #tpu.memory_space<semaphore_mem>>) src(%dma_wait3A_100 : memref<80xi32, #tpu.memory_space<hbm>>) dst(%dma_wait3A_99 : memref<80xi32, #tpu.memory_space<vmem>>)
      %dma_wait3A_101 = arith.constant 0 : i32
      %dma_wait3A_102 = arith.constant 0 : i32
      %dma_wait3A_103 = tpu.memref_slice %arg8[%dma_wait3A_101, %dma_wait3A_102] : memref<2x80xi32, #tpu.memory_space<vmem>> -> memref<1x80xi32, #tpu.memory_space<vmem>>
      %dma_wait3A_104 = tpu.memref_squeeze %dma_wait3A_103 : memref<1x80xi32, #tpu.memory_space<vmem>> -> memref<80xi32, #tpu.memory_space<vmem>>
      %dma_wait3A_105 = tpu.memref_slice %arg4[%add3A_91] : memref<320000xi32, #tpu.memory_space<hbm>> -> memref<80xi32, #tpu.memory_space<hbm>>
      %dma_wait3A_106 = arith.constant 0 : i32
      %dma_wait3A_107 = tpu.memref_slice %arg8[%dma_wait3A_101, %dma_wait3A_106] : memref<2x80xi32, #tpu.memory_space<vmem>> -> memref<1x80xi32, #tpu.memory_space<vmem>>
      %dma_wait3A_108 = tpu.memref_squeeze %dma_wait3A_107 : memref<1x80xi32, #tpu.memory_space<vmem>> -> memref<80xi32, #tpu.memory_space<vmem>>
      %dma_wait3A_109 = tpu.memref_slice %arg4[%add3A_91] : memref<320000xi32, #tpu.memory_space<hbm>> -> memref<80xi32, #tpu.memory_space<hbm>>
      tpu.wait_dma2 semaphore(%arg10 : memref<!tpu.dma_semaphore, #tpu.memory_space<semaphore_mem>>) src(%dma_wait3A_109 : memref<80xi32, #tpu.memory_space<hbm>>) dst(%dma_wait3A_108 : memref<80xi32, #tpu.memory_space<vmem>>)
      %dma_start3A_110 = arith.constant 0 : i32
      %dma_start3A_111 = arith.constant 0 : i32
      %dma_start3A_112 = arith.constant 0 : i32
      %dma_start3A_113 = arith.constant 0 : i32
      %dma_start3A_114 = tpu.memref_slice %arg9[%dma_start3A_111, %dma_start3A_112, %dma_start3A_113] : memref<2x80x32xf32, #tpu.memory_space<vmem>> -> memref<1x80x32xf32, #tpu.memory_space<vmem>>
      %dma_start3A_115 = tpu.memref_squeeze %dma_start3A_114 : memref<1x80x32xf32, #tpu.memory_space<vmem>> -> memref<80x32xf32, #tpu.memory_space<vmem>>
      %dma_start3A_116 = arith.constant 0 : i32
      %dma_start3A_117 = tpu.memref_slice %arg7[%dma_start3A_110, %dma_start3A_116] : memref<2x80xi32, #tpu.memory_space<vmem>> -> memref<1x80xi32, #tpu.memory_space<vmem>>
      %dma_start3A_118 = tpu.memref_squeeze %dma_start3A_117 : memref<1x80xi32, #tpu.memory_space<vmem>> -> memref<80xi32, #tpu.memory_space<vmem>>
      %dma_start3A_119 = arith.constant 0 : i32
      %dma_start3A_120 = arith.constant 0 : i32
      %dma_start3A_121 = tpu.memref_slice %arg2[%dma_start3A_119, %dma_start3A_120] : memref<10240x32xf32, #tpu.memory_space<hbm>> -> memref<10240x32xf32, #tpu.memory_space<hbm>>
      tpu.enqueue_indirect_dma source(%dma_start3A_121 : memref<10240x32xf32, #tpu.memory_space<hbm>>) target(%dma_start3A_115 : memref<80x32xf32, #tpu.memory_space<vmem>>) offsets(%dma_start3A_118 : memref<80xi32, #tpu.memory_space<vmem>>) semaphore(%arg12 : memref<!tpu.dma_semaphore, #tpu.memory_space<semaphore_mem>>)
      %add3A_122 = arith.constant 1 : i32
      %add3A_123 = arith.addi %mul3A_88, %add3A_122 : i32
      %mul3A_124 = arith.constant 80 : i32
      %mul3A_125 = arith.muli %add3A_123, %mul3A_124 : i32
      %add3A_126 = arith.addi %add3A, %mul3A_125 : i32
      %dma_start3A_127 = arith.constant 1 : i32
      %dma_start3A_128 = arith.constant 0 : i32
      %dma_start3A_129 = tpu.memref_slice %arg7[%dma_start3A_127, %dma_start3A_128] : memref<2x80xi32, #tpu.memory_space<vmem>> -> memref<1x80xi32, #tpu.memory_space<vmem>>
      %dma_start3A_130 = tpu.memref_squeeze %dma_start3A_129 : memref<1x80xi32, #tpu.memory_space<vmem>> -> memref<80xi32, #tpu.memory_space<vmem>>
      %dma_start3A_131 = tpu.memref_slice %arg3[%add3A_126] : memref<320000xi32, #tpu.memory_space<hbm>> -> memref<80xi32, #tpu.memory_space<hbm>>
      %dma_start3A_132 = arith.constant 0 : i32
      %dma_start3A_133 = tpu.memref_slice %arg7[%dma_start3A_127, %dma_start3A_132] : memref<2x80xi32, #tpu.memory_space<vmem>> -> memref<1x80xi32, #tpu.memory_space<vmem>>
      %dma_start3A_134 = tpu.memref_squeeze %dma_start3A_133 : memref<1x80xi32, #tpu.memory_space<vmem>> -> memref<80xi32, #tpu.memory_space<vmem>>
      %dma_start3A_135 = tpu.memref_slice %arg3[%add3A_126] : memref<320000xi32, #tpu.memory_space<hbm>> -> memref<80xi32, #tpu.memory_space<hbm>>
      tpu.enqueue_dma source(%dma_start3A_135 : memref<80xi32, #tpu.memory_space<hbm>>) target(%dma_start3A_134 : memref<80xi32, #tpu.memory_space<vmem>>) target_semaphore(%arg11 : memref<!tpu.dma_semaphore, #tpu.memory_space<semaphore_mem>>)
      %dma_start3A_136 = arith.constant 1 : i32
      %dma_start3A_137 = arith.constant 0 : i32
      %dma_start3A_138 = tpu.memref_slice %arg8[%dma_start3A_136, %dma_start3A_137] : memref<2x80xi32, #tpu.memory_space<vmem>> -> memref<1x80xi32, #tpu.memory_space<vmem>>
      %dma_start3A_139 = tpu.memref_squeeze %dma_start3A_138 : memref<1x80xi32, #tpu.memory_space<vmem>> -> memref<80xi32, #tpu.memory_space<vmem>>
      %dma_start3A_140 = tpu.memref_slice %arg4[%add3A_126] : memref<320000xi32, #tpu.memory_space<hbm>> -> memref<80xi32, #tpu.memory_space<hbm>>
      %dma_start3A_141 = arith.constant 0 : i32
      %dma_start3A_142 = tpu.memref_slice %arg8[%dma_start3A_136, %dma_start3A_141] : memref<2x80xi32, #tpu.memory_space<vmem>> -> memref<1x80xi32, #tpu.memory_space<vmem>>
      %dma_start3A_143 = tpu.memref_squeeze %dma_start3A_142 : memref<1x80xi32, #tpu.memory_space<vmem>> -> memref<80xi32, #tpu.memory_space<vmem>>
      %dma_start3A_144 = tpu.memref_slice %arg4[%add3A_126] : memref<320000xi32, #tpu.memory_space<hbm>> -> memref<80xi32, #tpu.memory_space<hbm>>
      tpu.enqueue_dma source(%dma_start3A_144 : memref<80xi32, #tpu.memory_space<hbm>>) target(%dma_start3A_143 : memref<80xi32, #tpu.memory_space<vmem>>) target_semaphore(%arg11 : memref<!tpu.dma_semaphore, #tpu.memory_space<semaphore_mem>>)
      %dma_wait3A_145 = arith.constant 0 : i32
      %dma_wait3A_146 = arith.constant 0 : i32
      %dma_wait3A_147 = arith.constant 0 : i32
      %dma_wait3A_148 = arith.constant 0 : i32
      %dma_wait3A_149 = tpu.memref_slice %arg9[%dma_wait3A_146, %dma_wait3A_147, %dma_wait3A_148] : memref<2x80x32xf32, #tpu.memory_space<vmem>> -> memref<1x80x32xf32, #tpu.memory_space<vmem>>
      %dma_wait3A_150 = tpu.memref_squeeze %dma_wait3A_149 : memref<1x80x32xf32, #tpu.memory_space<vmem>> -> memref<80x32xf32, #tpu.memory_space<vmem>>
      %dma_wait3A_151 = arith.constant 0 : i32
      %dma_wait3A_152 = tpu.memref_slice %arg7[%dma_wait3A_145, %dma_wait3A_151] : memref<2x80xi32, #tpu.memory_space<vmem>> -> memref<1x80xi32, #tpu.memory_space<vmem>>
      %dma_wait3A_153 = tpu.memref_squeeze %dma_wait3A_152 : memref<1x80xi32, #tpu.memory_space<vmem>> -> memref<80xi32, #tpu.memory_space<vmem>>
      %dma_wait3A_154 = arith.constant 0 : i32
      %dma_wait3A_155 = arith.constant 0 : i32
      %dma_wait3A_156 = tpu.memref_slice %arg2[%dma_wait3A_154, %dma_wait3A_155] : memref<10240x32xf32, #tpu.memory_space<hbm>> -> memref<10240x32xf32, #tpu.memory_space<hbm>>
      tpu.wait_indirect_dma semaphore(%arg12 : memref<!tpu.dma_semaphore, #tpu.memory_space<semaphore_mem>>) src(%dma_wait3A_156 : memref<10240x32xf32, #tpu.memory_space<hbm>>) dst(%dma_wait3A_150 : memref<80x32xf32, #tpu.memory_space<vmem>>)
      %add3A_157 = arith.constant 1 : i32
      %add3A_158 = arith.addi %mul3A_88, %add3A_157 : i32
      %mul3A_159 = arith.constant 80 : i32
      %mul3A_160 = arith.muli %add3A_158, %mul3A_159 : i32
      %add3A_161 = arith.addi %add3A, %mul3A_160 : i32
      %dma_wait3A_162 = arith.constant 1 : i32
      %dma_wait3A_163 = arith.constant 0 : i32
      %dma_wait3A_164 = tpu.memref_slice %arg7[%dma_wait3A_162, %dma_wait3A_163] : memref<2x80xi32, #tpu.memory_space<vmem>> -> memref<1x80xi32, #tpu.memory_space<vmem>>
      %dma_wait3A_165 = tpu.memref_squeeze %dma_wait3A_164 : memref<1x80xi32, #tpu.memory_space<vmem>> -> memref<80xi32, #tpu.memory_space<vmem>>
      %dma_wait3A_166 = tpu.memref_slice %arg3[%add3A_161] : memref<320000xi32, #tpu.memory_space<hbm>> -> memref<80xi32, #tpu.memory_space<hbm>>
      %dma_wait3A_167 = arith.constant 0 : i32
      %dma_wait3A_168 = tpu.memref_slice %arg7[%dma_wait3A_162, %dma_wait3A_167] : memref<2x80xi32, #tpu.memory_space<vmem>> -> memref<1x80xi32, #tpu.memory_space<vmem>>
      %dma_wait3A_169 = tpu.memref_squeeze %dma_wait3A_168 : memref<1x80xi32, #tpu.memory_space<vmem>> -> memref<80xi32, #tpu.memory_space<vmem>>
      %dma_wait3A_170 = tpu.memref_slice %arg3[%add3A_161] : memref<320000xi32, #tpu.memory_space<hbm>> -> memref<80xi32, #tpu.memory_space<hbm>>
      tpu.wait_dma2 semaphore(%arg11 : memref<!tpu.dma_semaphore, #tpu.memory_space<semaphore_mem>>) src(%dma_wait3A_170 : memref<80xi32, #tpu.memory_space<hbm>>) dst(%dma_wait3A_169 : memref<80xi32, #tpu.memory_space<vmem>>)
      %dma_wait3A_171 = arith.constant 1 : i32
      %dma_wait3A_172 = arith.constant 0 : i32
      %dma_wait3A_173 = tpu.memref_slice %arg8[%dma_wait3A_171, %dma_wait3A_172] : memref<2x80xi32, #tpu.memory_space<vmem>> -> memref<1x80xi32, #tpu.memory_space<vmem>>
      %dma_wait3A_174 = tpu.memref_squeeze %dma_wait3A_173 : memref<1x80xi32, #tpu.memory_space<vmem>> -> memref<80xi32, #tpu.memory_space<vmem>>
      %dma_wait3A_175 = tpu.memref_slice %arg4[%add3A_161] : memref<320000xi32, #tpu.memory_space<hbm>> -> memref<80xi32, #tpu.memory_space<hbm>>
      %dma_wait3A_176 = arith.constant 0 : i32
      %dma_wait3A_177 = tpu.memref_slice %arg8[%dma_wait3A_171, %dma_wait3A_176] : memref<2x80xi32, #tpu.memory_space<vmem>> -> memref<1x80xi32, #tpu.memory_space<vmem>>
      %dma_wait3A_178 = tpu.memref_squeeze %dma_wait3A_177 : memref<1x80xi32, #tpu.memory_space<vmem>> -> memref<80xi32, #tpu.memory_space<vmem>>
      %dma_wait3A_179 = tpu.memref_slice %arg4[%add3A_161] : memref<320000xi32, #tpu.memory_space<hbm>> -> memref<80xi32, #tpu.memory_space<hbm>>
      tpu.wait_dma2 semaphore(%arg11 : memref<!tpu.dma_semaphore, #tpu.memory_space<semaphore_mem>>) src(%dma_wait3A_179 : memref<80xi32, #tpu.memory_space<hbm>>) dst(%dma_wait3A_178 : memref<80xi32, #tpu.memory_space<vmem>>)
      %dma_start3A_180 = arith.constant 1 : i32
      %dma_start3A_181 = arith.constant 1 : i32
      %dma_start3A_182 = arith.constant 0 : i32
      %dma_start3A_183 = arith.constant 0 : i32
      %dma_start3A_184 = tpu.memref_slice %arg9[%dma_start3A_181, %dma_start3A_182, %dma_start3A_183] : memref<2x80x32xf32, #tpu.memory_space<vmem>> -> memref<1x80x32xf32, #tpu.memory_space<vmem>>
      %dma_start3A_185 = tpu.memref_squeeze %dma_start3A_184 : memref<1x80x32xf32, #tpu.memory_space<vmem>> -> memref<80x32xf32, #tpu.memory_space<vmem>>
      %dma_start3A_186 = arith.constant 0 : i32
      %dma_start3A_187 = tpu.memref_slice %arg7[%dma_start3A_180, %dma_start3A_186] : memref<2x80xi32, #tpu.memory_space<vmem>> -> memref<1x80xi32, #tpu.memory_space<vmem>>
      %dma_start3A_188 = tpu.memref_squeeze %dma_start3A_187 : memref<1x80xi32, #tpu.memory_space<vmem>> -> memref<80xi32, #tpu.memory_space<vmem>>
      %dma_start3A_189 = arith.constant 0 : i32
      %dma_start3A_190 = arith.constant 0 : i32
      %dma_start3A_191 = tpu.memref_slice %arg2[%dma_start3A_189, %dma_start3A_190] : memref<10240x32xf32, #tpu.memory_space<hbm>> -> memref<10240x32xf32, #tpu.memory_space<hbm>>
      tpu.enqueue_indirect_dma source(%dma_start3A_191 : memref<10240x32xf32, #tpu.memory_space<hbm>>) target(%dma_start3A_185 : memref<80x32xf32, #tpu.memory_space<vmem>>) offsets(%dma_start3A_188 : memref<80xi32, #tpu.memory_space<vmem>>) semaphore(%arg13 : memref<!tpu.dma_semaphore, #tpu.memory_space<semaphore_mem>>)
      %run_scoped3A_192 = arith.constant 0 : i32
      %run_scoped3A_193 = arith.constant 0 : i32
      "tpu.region"() ({
        %run_scoped3A_231 = tpu.sem_alloc : memref<!tpu.dma_semaphore, #tpu.memory_space<semaphore_mem>>
        %dma_start3A_232 = arith.constant 0 : i32
        %dma_start3A_233 = arith.constant 0 : i32
        %dma_start3A_234 = tpu.memref_slice %arg9[%run_scoped3A_192, %dma_start3A_232, %dma_start3A_233] : memref<2x80x32xf32, #tpu.memory_space<vmem>> -> memref<1x80x32xf32, #tpu.memory_space<vmem>>
        %dma_start3A_235 = tpu.memref_squeeze %dma_start3A_234 : memref<1x80x32xf32, #tpu.memory_space<vmem>> -> memref<80x32xf32, #tpu.memory_space<vmem>>
        %dma_start3A_236 = arith.constant 0 : i32
        %dma_start3A_237 = tpu.memref_slice %arg8[%run_scoped3A_193, %dma_start3A_236] : memref<2x80xi32, #tpu.memory_space<vmem>> -> memref<1x80xi32, #tpu.memory_space<vmem>>
        %dma_start3A_238 = tpu.memref_squeeze %dma_start3A_237 : memref<1x80xi32, #tpu.memory_space<vmem>> -> memref<80xi32, #tpu.memory_space<vmem>>
        %dma_start3A_239 = arith.constant 0 : i32
        %dma_start3A_240 = arith.constant 0 : i32
        %dma_start3A_241 = tpu.memref_slice %arg14[%dma_start3A_239, %dma_start3A_240] : memref<10240x32xf32, #tpu.memory_space<vmem_shared>> -> memref<10240x32xf32, #tpu.memory_space<vmem_shared>>
        tpu.enqueue_indirect_dma source(%dma_start3A_235 : memref<80x32xf32, #tpu.memory_space<vmem>>) target(%dma_start3A_241 : memref<10240x32xf32, #tpu.memory_space<vmem_shared>>) offsets(%dma_start3A_238 : memref<80xi32, #tpu.memory_space<vmem>>) semaphore(%run_scoped3A_231 : memref<!tpu.dma_semaphore, #tpu.memory_space<semaphore_mem>>) {add = true}
        %dma_wait3A_242 = arith.constant 0 : i32
        %dma_wait3A_243 = arith.constant 0 : i32
        %dma_wait3A_244 = tpu.memref_slice %arg9[%run_scoped3A_192, %dma_wait3A_242, %dma_wait3A_243] : memref<2x80x32xf32, #tpu.memory_space<vmem>> -> memref<1x80x32xf32, #tpu.memory_space<vmem>>
        %dma_wait3A_245 = tpu.memref_squeeze %dma_wait3A_244 : memref<1x80x32xf32, #tpu.memory_space<vmem>> -> memref<80x32xf32, #tpu.memory_space<vmem>>
        %dma_wait3A_246 = arith.constant 0 : i32
        %dma_wait3A_247 = tpu.memref_slice %arg8[%run_scoped3A_193, %dma_wait3A_246] : memref<2x80xi32, #tpu.memory_space<vmem>> -> memref<1x80xi32, #tpu.memory_space<vmem>>
        %dma_wait3A_248 = tpu.memref_squeeze %dma_wait3A_247 : memref<1x80xi32, #tpu.memory_space<vmem>> -> memref<80xi32, #tpu.memory_space<vmem>>
        %dma_wait3A_249 = arith.constant 0 : i32
        %dma_wait3A_250 = arith.constant 0 : i32
        %dma_wait3A_251 = tpu.memref_slice %arg14[%dma_wait3A_249, %dma_wait3A_250] : memref<10240x32xf32, #tpu.memory_space<vmem_shared>> -> memref<10240x32xf32, #tpu.memory_space<vmem_shared>>
        tpu.wait_indirect_dma semaphore(%run_scoped3A_231 : memref<!tpu.dma_semaphore, #tpu.memory_space<semaphore_mem>>) src(%dma_wait3A_245 : memref<80x32xf32, #tpu.memory_space<vmem>>) dst(%dma_wait3A_251 : memref<10240x32xf32, #tpu.memory_space<vmem_shared>>)
        tpu.yield
      }) : () -> ()
      %add3A_194 = arith.constant 2 : i32
      %add3A_195 = arith.addi %mul3A_88, %add3A_194 : i32
      %mul3A_196 = arith.constant 80 : i32
      %mul3A_197 = arith.muli %add3A_195, %mul3A_196 : i32
      %add3A_198 = arith.addi %add3A, %mul3A_197 : i32
      %dma_start3A_199 = arith.constant 0 : i32
      %dma_start3A_200 = arith.constant 0 : i32
      %dma_start3A_201 = tpu.memref_slice %arg7[%dma_start3A_199, %dma_start3A_200] : memref<2x80xi32, #tpu.memory_space<vmem>> -> memref<1x80xi32, #tpu.memory_space<vmem>>
      %dma_start3A_202 = tpu.memref_squeeze %dma_start3A_201 : memref<1x80xi32, #tpu.memory_space<vmem>> -> memref<80xi32, #tpu.memory_space<vmem>>
      %dma_start3A_203 = tpu.memref_slice %arg3[%add3A_198] : memref<320000xi32, #tpu.memory_space<hbm>> -> memref<80xi32, #tpu.memory_space<hbm>>
      %dma_start3A_204 = arith.constant 0 : i32
      %dma_start3A_205 = tpu.memref_slice %arg7[%dma_start3A_199, %dma_start3A_204] : memref<2x80xi32, #tpu.memory_space<vmem>> -> memref<1x80xi32, #tpu.memory_space<vmem>>
      %dma_start3A_206 = tpu.memref_squeeze %dma_start3A_205 : memref<1x80xi32, #tpu.memory_space<vmem>> -> memref<80xi32, #tpu.memory_space<vmem>>
      %dma_start3A_207 = tpu.memref_slice %arg3[%add3A_198] : memref<320000xi32, #tpu.memory_space<hbm>> -> memref<80xi32, #tpu.memory_space<hbm>>
      tpu.enqueue_dma source(%dma_start3A_207 : memref<80xi32, #tpu.memory_space<hbm>>) target(%dma_start3A_206 : memref<80xi32, #tpu.memory_space<vmem>>) target_semaphore(%arg10 : memref<!tpu.dma_semaphore, #tpu.memory_space<semaphore_mem>>)
      %dma_start3A_208 = arith.constant 0 : i32
      %dma_start3A_209 = arith.constant 0 : i32
      %dma_start3A_210 = tpu.memref_slice %arg8[%dma_start3A_208, %dma_start3A_209] : memref<2x80xi32, #tpu.memory_space<vmem>> -> memref<1x80xi32, #tpu.memory_space<vmem>>
      %dma_start3A_211 = tpu.memref_squeeze %dma_start3A_210 : memref<1x80xi32, #tpu.memory_space<vmem>> -> memref<80xi32, #tpu.memory_space<vmem>>
      %dma_start3A_212 = tpu.memref_slice %arg4[%add3A_198] : memref<320000xi32, #tpu.memory_space<hbm>> -> memref<80xi32, #tpu.memory_space<hbm>>
      %dma_start3A_213 = arith.constant 0 : i32
      %dma_start3A_214 = tpu.memref_slice %arg8[%dma_start3A_208, %dma_start3A_213] : memref<2x80xi32, #tpu.memory_space<vmem>> -> memref<1x80xi32, #tpu.memory_space<vmem>>
      %dma_start3A_215 = tpu.memref_squeeze %dma_start3A_214 : memref<1x80xi32, #tpu.memory_space<vmem>> -> memref<80xi32, #tpu.memory_space<vmem>>
      %dma_start3A_216 = tpu.memref_slice %arg4[%add3A_198] : memref<320000xi32, #tpu.memory_space<hbm>> -> memref<80xi32, #tpu.memory_space<hbm>>
      tpu.enqueue_dma source(%dma_start3A_216 : memref<80xi32, #tpu.memory_space<hbm>>) target(%dma_start3A_215 : memref<80xi32, #tpu.memory_space<vmem>>) target_semaphore(%arg10 : memref<!tpu.dma_semaphore, #tpu.memory_space<semaphore_mem>>)
      %dma_wait3A_217 = arith.constant 1 : i32
      %dma_wait3A_218 = arith.constant 1 : i32
      %dma_wait3A_219 = arith.constant 0 : i32
      %dma_wait3A_220 = arith.constant 0 : i32
      %dma_wait3A_221 = tpu.memref_slice %arg9[%dma_wait3A_218, %dma_wait3A_219, %dma_wait3A_220] : memref<2x80x32xf32, #tpu.memory_space<vmem>> -> memref<1x80x32xf32, #tpu.memory_space<vmem>>
      %dma_wait3A_222 = tpu.memref_squeeze %dma_wait3A_221 : memref<1x80x32xf32, #tpu.memory_space<vmem>> -> memref<80x32xf32, #tpu.memory_space<vmem>>
      %dma_wait3A_223 = arith.constant 0 : i32
      %dma_wait3A_224 = tpu.memref_slice %arg7[%dma_wait3A_217, %dma_wait3A_223] : memref<2x80xi32, #tpu.memory_space<vmem>> -> memref<1x80xi32, #tpu.memory_space<vmem>>
      %dma_wait3A_225 = tpu.memref_squeeze %dma_wait3A_224 : memref<1x80xi32, #tpu.memory_space<vmem>> -> memref<80xi32, #tpu.memory_space<vmem>>
      %dma_wait3A_226 = arith.constant 0 : i32
      %dma_wait3A_227 = arith.constant 0 : i32
      %dma_wait3A_228 = tpu.memref_slice %arg2[%dma_wait3A_226, %dma_wait3A_227] : memref<10240x32xf32, #tpu.memory_space<hbm>> -> memref<10240x32xf32, #tpu.memory_space<hbm>>
      tpu.wait_indirect_dma semaphore(%arg13 : memref<!tpu.dma_semaphore, #tpu.memory_space<semaphore_mem>>) src(%dma_wait3A_228 : memref<10240x32xf32, #tpu.memory_space<hbm>>) dst(%dma_wait3A_222 : memref<80x32xf32, #tpu.memory_space<vmem>>)
      %run_scoped3A_229 = arith.constant 1 : i32
      %run_scoped3A_230 = arith.constant 1 : i32
      "tpu.region"() ({
        %run_scoped3A_231 = tpu.sem_alloc : memref<!tpu.dma_semaphore, #tpu.memory_space<semaphore_mem>>
        %dma_start3A_232 = arith.constant 0 : i32
        %dma_start3A_233 = arith.constant 0 : i32
        %dma_start3A_234 = tpu.memref_slice %arg9[%run_scoped3A_229, %dma_start3A_232, %dma_start3A_233] : memref<2x80x32xf32, #tpu.memory_space<vmem>> -> memref<1x80x32xf32, #tpu.memory_space<vmem>>
        %dma_start3A_235 = tpu.memref_squeeze %dma_start3A_234 : memref<1x80x32xf32, #tpu.memory_space<vmem>> -> memref<80x32xf32, #tpu.memory_space<vmem>>
        %dma_start3A_236 = arith.constant 0 : i32
        %dma_start3A_237 = tpu.memref_slice %arg8[%run_scoped3A_230, %dma_start3A_236] : memref<2x80xi32, #tpu.memory_space<vmem>> -> memref<1x80xi32, #tpu.memory_space<vmem>>
        %dma_start3A_238 = tpu.memref_squeeze %dma_start3A_237 : memref<1x80xi32, #tpu.memory_space<vmem>> -> memref<80xi32, #tpu.memory_space<vmem>>
        %dma_start3A_239 = arith.constant 0 : i32
        %dma_start3A_240 = arith.constant 0 : i32
        %dma_start3A_241 = tpu.memref_slice %arg14[%dma_start3A_239, %dma_start3A_240] : memref<10240x32xf32, #tpu.memory_space<vmem_shared>> -> memref<10240x32xf32, #tpu.memory_space<vmem_shared>>
        tpu.enqueue_indirect_dma source(%dma_start3A_235 : memref<80x32xf32, #tpu.memory_space<vmem>>) target(%dma_start3A_241 : memref<10240x32xf32, #tpu.memory_space<vmem_shared>>) offsets(%dma_start3A_238 : memref<80xi32, #tpu.memory_space<vmem>>) semaphore(%run_scoped3A_231 : memref<!tpu.dma_semaphore, #tpu.memory_space<semaphore_mem>>) {add = true}
        %dma_wait3A_242 = arith.constant 0 : i32
        %dma_wait3A_243 = arith.constant 0 : i32
        %dma_wait3A_244 = tpu.memref_slice %arg9[%run_scoped3A_229, %dma_wait3A_242, %dma_wait3A_243] : memref<2x80x32xf32, #tpu.memory_space<vmem>> -> memref<1x80x32xf32, #tpu.memory_space<vmem>>
        %dma_wait3A_245 = tpu.memref_squeeze %dma_wait3A_244 : memref<1x80x32xf32, #tpu.memory_space<vmem>> -> memref<80x32xf32, #tpu.memory_space<vmem>>
        %dma_wait3A_246 = arith.constant 0 : i32
        %dma_wait3A_247 = tpu.memref_slice %arg8[%run_scoped3A_230, %dma_wait3A_246] : memref<2x80xi32, #tpu.memory_space<vmem>> -> memref<1x80xi32, #tpu.memory_space<vmem>>
        %dma_wait3A_248 = tpu.memref_squeeze %dma_wait3A_247 : memref<1x80xi32, #tpu.memory_space<vmem>> -> memref<80xi32, #tpu.memory_space<vmem>>
        %dma_wait3A_249 = arith.constant 0 : i32
        %dma_wait3A_250 = arith.constant 0 : i32
        %dma_wait3A_251 = tpu.memref_slice %arg14[%dma_wait3A_249, %dma_wait3A_250] : memref<10240x32xf32, #tpu.memory_space<vmem_shared>> -> memref<10240x32xf32, #tpu.memory_space<vmem_shared>>
        tpu.wait_indirect_dma semaphore(%run_scoped3A_231 : memref<!tpu.dma_semaphore, #tpu.memory_space<semaphore_mem>>) src(%dma_wait3A_245 : memref<80x32xf32, #tpu.memory_space<vmem>>) dst(%dma_wait3A_251 : memref<10240x32xf32, #tpu.memory_space<vmem_shared>>)
        tpu.yield
      }) : () -> ()
    }
    %scan3A_29 = arith.constant 62 : i32
    %add3A_30 = arith.constant 9920 : i32
    %add3A_31 = arith.addi %add3A, %add3A_30 : i32
    %dma_wait3A = arith.constant 0 : i32
    %dma_wait3A_32 = arith.constant 0 : i32
    %dma_wait3A_33 = tpu.memref_slice %arg7[%dma_wait3A, %dma_wait3A_32] : memref<2x80xi32, #tpu.memory_space<vmem>> -> memref<1x80xi32, #tpu.memory_space<vmem>>
    %dma_wait3A_34 = tpu.memref_squeeze %dma_wait3A_33 : memref<1x80xi32, #tpu.memory_space<vmem>> -> memref<80xi32, #tpu.memory_space<vmem>>
    %dma_wait3A_35 = tpu.memref_slice %arg3[%add3A_31] : memref<320000xi32, #tpu.memory_space<hbm>> -> memref<80xi32, #tpu.memory_space<hbm>>
    %dma_wait3A_36 = arith.constant 0 : i32
    %dma_wait3A_37 = tpu.memref_slice %arg7[%dma_wait3A, %dma_wait3A_36] : memref<2x80xi32, #tpu.memory_space<vmem>> -> memref<1x80xi32, #tpu.memory_space<vmem>>
    %dma_wait3A_38 = tpu.memref_squeeze %dma_wait3A_37 : memref<1x80xi32, #tpu.memory_space<vmem>> -> memref<80xi32, #tpu.memory_space<vmem>>
    %dma_wait3A_39 = tpu.memref_slice %arg3[%add3A_31] : memref<320000xi32, #tpu.memory_space<hbm>> -> memref<80xi32, #tpu.memory_space<hbm>>
    tpu.wait_dma2 semaphore(%arg10 : memref<!tpu.dma_semaphore, #tpu.memory_space<semaphore_mem>>) src(%dma_wait3A_39 : memref<80xi32, #tpu.memory_space<hbm>>) dst(%dma_wait3A_38 : memref<80xi32, #tpu.memory_space<vmem>>)
    %dma_wait3A_40 = arith.constant 0 : i32
    %dma_wait3A_41 = arith.constant 0 : i32
    %dma_wait3A_42 = tpu.memref_slice %arg8[%dma_wait3A_40, %dma_wait3A_41] : memref<2x80xi32, #tpu.memory_space<vmem>> -> memref<1x80xi32, #tpu.memory_space<vmem>>
    %dma_wait3A_43 = tpu.memref_squeeze %dma_wait3A_42 : memref<1x80xi32, #tpu.memory_space<vmem>> -> memref<80xi32, #tpu.memory_space<vmem>>
    %dma_wait3A_44 = tpu.memref_slice %arg4[%add3A_31] : memref<320000xi32, #tpu.memory_space<hbm>> -> memref<80xi32, #tpu.memory_space<hbm>>
    %dma_wait3A_45 = arith.constant 0 : i32
    %dma_wait3A_46 = tpu.memref_slice %arg8[%dma_wait3A_40, %dma_wait3A_45] : memref<2x80xi32, #tpu.memory_space<vmem>> -> memref<1x80xi32, #tpu.memory_space<vmem>>
    %dma_wait3A_47 = tpu.memref_squeeze %dma_wait3A_46 : memref<1x80xi32, #tpu.memory_space<vmem>> -> memref<80xi32, #tpu.memory_space<vmem>>
    %dma_wait3A_48 = tpu.memref_slice %arg4[%add3A_31] : memref<320000xi32, #tpu.memory_space<hbm>> -> memref<80xi32, #tpu.memory_space<hbm>>
    tpu.wait_dma2 semaphore(%arg10 : memref<!tpu.dma_semaphore, #tpu.memory_space<semaphore_mem>>) src(%dma_wait3A_48 : memref<80xi32, #tpu.memory_space<hbm>>) dst(%dma_wait3A_47 : memref<80xi32, #tpu.memory_space<vmem>>)
    %dma_start3A_49 = arith.constant 0 : i32
    %dma_start3A_50 = arith.constant 0 : i32
    %dma_start3A_51 = arith.constant 0 : i32
    %dma_start3A_52 = arith.constant 0 : i32
    %dma_start3A_53 = tpu.memref_slice %arg9[%dma_start3A_50, %dma_start3A_51, %dma_start3A_52] : memref<2x80x32xf32, #tpu.memory_space<vmem>> -> memref<1x80x32xf32, #tpu.memory_space<vmem>>
    %dma_start3A_54 = tpu.memref_squeeze %dma_start3A_53 : memref<1x80x32xf32, #tpu.memory_space<vmem>> -> memref<80x32xf32, #tpu.memory_space<vmem>>
    %dma_start3A_55 = arith.constant 0 : i32
    %dma_start3A_56 = tpu.memref_slice %arg7[%dma_start3A_49, %dma_start3A_55] : memref<2x80xi32, #tpu.memory_space<vmem>> -> memref<1x80xi32, #tpu.memory_space<vmem>>
    %dma_start3A_57 = tpu.memref_squeeze %dma_start3A_56 : memref<1x80xi32, #tpu.memory_space<vmem>> -> memref<80xi32, #tpu.memory_space<vmem>>
    %dma_start3A_58 = arith.constant 0 : i32
    %dma_start3A_59 = arith.constant 0 : i32
    %dma_start3A_60 = tpu.memref_slice %arg2[%dma_start3A_58, %dma_start3A_59] : memref<10240x32xf32, #tpu.memory_space<hbm>> -> memref<10240x32xf32, #tpu.memory_space<hbm>>
    tpu.enqueue_indirect_dma source(%dma_start3A_60 : memref<10240x32xf32, #tpu.memory_space<hbm>>) target(%dma_start3A_54 : memref<80x32xf32, #tpu.memory_space<vmem>>) offsets(%dma_start3A_57 : memref<80xi32, #tpu.memory_space<vmem>>) semaphore(%arg12 : memref<!tpu.dma_semaphore, #tpu.memory_space<semaphore_mem>>)
    %dma_wait3A_61 = arith.constant 0 : i32
    %dma_wait3A_62 = arith.constant 0 : i32
    %dma_wait3A_63 = arith.constant 0 : i32
    %dma_wait3A_64 = arith.constant 0 : i32
    %dma_wait3A_65 = tpu.memref_slice %arg9[%dma_wait3A_62, %dma_wait3A_63, %dma_wait3A_64] : memref<2x80x32xf32, #tpu.memory_space<vmem>> -> memref<1x80x32xf32, #tpu.memory_space<vmem>>
    %dma_wait3A_66 = tpu.memref_squeeze %dma_wait3A_65 : memref<1x80x32xf32, #tpu.memory_space<vmem>> -> memref<80x32xf32, #tpu.memory_space<vmem>>
    %dma_wait3A_67 = arith.constant 0 : i32
    %dma_wait3A_68 = tpu.memref_slice %arg7[%dma_wait3A_61, %dma_wait3A_67] : memref<2x80xi32, #tpu.memory_space<vmem>> -> memref<1x80xi32, #tpu.memory_space<vmem>>
    %dma_wait3A_69 = tpu.memref_squeeze %dma_wait3A_68 : memref<1x80xi32, #tpu.memory_space<vmem>> -> memref<80xi32, #tpu.memory_space<vmem>>
    %dma_wait3A_70 = arith.constant 0 : i32
    %dma_wait3A_71 = arith.constant 0 : i32
    %dma_wait3A_72 = tpu.memref_slice %arg2[%dma_wait3A_70, %dma_wait3A_71] : memref<10240x32xf32, #tpu.memory_space<hbm>> -> memref<10240x32xf32, #tpu.memory_space<hbm>>
    tpu.wait_indirect_dma semaphore(%arg12 : memref<!tpu.dma_semaphore, #tpu.memory_space<semaphore_mem>>) src(%dma_wait3A_72 : memref<10240x32xf32, #tpu.memory_space<hbm>>) dst(%dma_wait3A_66 : memref<80x32xf32, #tpu.memory_space<vmem>>)
    %run_scoped3A = arith.constant 0 : i32
    %run_scoped3A_73 = arith.constant 0 : i32
    "tpu.region"() ({
      %run_scoped3A_82 = tpu.sem_alloc : memref<!tpu.dma_semaphore, #tpu.memory_space<semaphore_mem>>
      %dma_start3A_83 = arith.constant 0 : i32
      %dma_start3A_84 = arith.constant 0 : i32
      %dma_start3A_85 = tpu.memref_slice %arg9[%run_scoped3A, %dma_start3A_83, %dma_start3A_84] : memref<2x80x32xf32, #tpu.memory_space<vmem>> -> memref<1x80x32xf32, #tpu.memory_space<vmem>>
      %dma_start3A_86 = tpu.memref_squeeze %dma_start3A_85 : memref<1x80x32xf32, #tpu.memory_space<vmem>> -> memref<80x32xf32, #tpu.memory_space<vmem>>
      %dma_start3A_87 = arith.constant 0 : i32
      %dma_start3A_88 = tpu.memref_slice %arg8[%run_scoped3A_73, %dma_start3A_87] : memref<2x80xi32, #tpu.memory_space<vmem>> -> memref<1x80xi32, #tpu.memory_space<vmem>>
      %dma_start3A_89 = tpu.memref_squeeze %dma_start3A_88 : memref<1x80xi32, #tpu.memory_space<vmem>> -> memref<80xi32, #tpu.memory_space<vmem>>
      %dma_start3A_90 = arith.constant 0 : i32
      %dma_start3A_91 = arith.constant 0 : i32
      %dma_start3A_92 = tpu.memref_slice %arg14[%dma_start3A_90, %dma_start3A_91] : memref<10240x32xf32, #tpu.memory_space<vmem_shared>> -> memref<10240x32xf32, #tpu.memory_space<vmem_shared>>
      tpu.enqueue_indirect_dma source(%dma_start3A_86 : memref<80x32xf32, #tpu.memory_space<vmem>>) target(%dma_start3A_92 : memref<10240x32xf32, #tpu.memory_space<vmem_shared>>) offsets(%dma_start3A_89 : memref<80xi32, #tpu.memory_space<vmem>>) semaphore(%run_scoped3A_82 : memref<!tpu.dma_semaphore, #tpu.memory_space<semaphore_mem>>) {add = true}
      %dma_wait3A_93 = arith.constant 0 : i32
      %dma_wait3A_94 = arith.constant 0 : i32
      %dma_wait3A_95 = tpu.memref_slice %arg9[%run_scoped3A, %dma_wait3A_93, %dma_wait3A_94] : memref<2x80x32xf32, #tpu.memory_space<vmem>> -> memref<1x80x32xf32, #tpu.memory_space<vmem>>
      %dma_wait3A_96 = tpu.memref_squeeze %dma_wait3A_95 : memref<1x80x32xf32, #tpu.memory_space<vmem>> -> memref<80x32xf32, #tpu.memory_space<vmem>>
      %dma_wait3A_97 = arith.constant 0 : i32
      %dma_wait3A_98 = tpu.memref_slice %arg8[%run_scoped3A_73, %dma_wait3A_97] : memref<2x80xi32, #tpu.memory_space<vmem>> -> memref<1x80xi32, #tpu.memory_space<vmem>>
      %dma_wait3A_99 = tpu.memref_squeeze %dma_wait3A_98 : memref<1x80xi32, #tpu.memory_space<vmem>> -> memref<80xi32, #tpu.memory_space<vmem>>
      %dma_wait3A_100 = arith.constant 0 : i32
      %dma_wait3A_101 = arith.constant 0 : i32
      %dma_wait3A_102 = tpu.memref_slice %arg14[%dma_wait3A_100, %dma_wait3A_101] : memref<10240x32xf32, #tpu.memory_space<vmem_shared>> -> memref<10240x32xf32, #tpu.memory_space<vmem_shared>>
      tpu.wait_indirect_dma semaphore(%run_scoped3A_82 : memref<!tpu.dma_semaphore, #tpu.memory_space<semaphore_mem>>) src(%dma_wait3A_96 : memref<80x32xf32, #tpu.memory_space<vmem>>) dst(%dma_wait3A_102 : memref<10240x32xf32, #tpu.memory_space<vmem_shared>>)
      tpu.yield
    }) : () -> ()
    %barrier3A_74 = arith.constant 0 : index
    tpu.barrier barrier_id(%barrier3A_74)
    %mul3A_75 = arith.constant 640 : i32
    %mul3A_76 = arith.muli %arg1, %mul3A_75 : i32
    %mul3A_77 = arith.constant 10240 : i32
    %mul3A_78 = arith.muli %arg0, %mul3A_77 : i32
    %mul3A_79 = arith.constant 640 : i32
    %mul3A_80 = arith.muli %arg1, %mul3A_79 : i32
    %add3A_81 = arith.addi %mul3A_78, %mul3A_80 : i32
    "tpu.region"() ({
      %run_scoped3A_82 = tpu.sem_alloc : memref<!tpu.dma_semaphore, #tpu.memory_space<semaphore_mem>>
      %dma_start3A_83 = arith.constant 0 : i32
      %dma_start3A_84 = tpu.memref_slice %arg6[%add3A_81, %dma_start3A_83] : memref<20480x32xf32, #tpu.memory_space<hbm>> -> memref<640x32xf32, #tpu.memory_space<hbm>>
      %dma_start3A_85 = arith.constant 0 : i32
      %dma_start3A_86 = tpu.memref_slice %arg14[%mul3A_76, %dma_start3A_85] : memref<10240x32xf32, #tpu.memory_space<vmem_shared>> -> memref<640x32xf32, #tpu.memory_space<vmem_shared>>
      tpu.enqueue_dma source(%dma_start3A_86 : memref<640x32xf32, #tpu.memory_space<vmem_shared>>) target(%dma_start3A_84 : memref<640x32xf32, #tpu.memory_space<hbm>>) target_semaphore(%run_scoped3A_82 : memref<!tpu.dma_semaphore, #tpu.memory_space<semaphore_mem>>)
      %dma_wait3A_87 = arith.constant 0 : i32
      %dma_wait3A_88 = tpu.memref_slice %arg6[%add3A_81, %dma_wait3A_87] : memref<20480x32xf32, #tpu.memory_space<hbm>> -> memref<640x32xf32, #tpu.memory_space<hbm>>
      %dma_wait3A_89 = arith.constant 0 : i32
      %dma_wait3A_90 = tpu.memref_slice %arg14[%mul3A_76, %dma_wait3A_89] : memref<10240x32xf32, #tpu.memory_space<vmem_shared>> -> memref<640x32xf32, #tpu.memory_space<vmem_shared>>
      tpu.wait_dma2 semaphore(%run_scoped3A_82 : memref<!tpu.dma_semaphore, #tpu.memory_space<semaphore_mem>>) src(%dma_wait3A_90 : memref<640x32xf32, #tpu.memory_space<vmem_shared>>) dst(%dma_wait3A_88 : memref<640x32xf32, #tpu.memory_space<hbm>>)
      tpu.yield
    }) : () -> ()
    return
  }
}

#map = affine_map<(d0, d1) -> (0, 0)>
#map1 = affine_map<(d0, d1) -> (0)>
module attributes {stable_mosaic.version = 14 : i64} {
  func.func @k(%arg0: i32, %arg1: i32, %arg2: memref<10240x16xf32, #tpu.memory_space<hbm>>, %arg3: memref<320000xi32, #tpu.memory_space<hbm>>, %arg4: memref<320000xi32, #tpu.memory_space<hbm>>, %arg5: memref<10240x16xf32, #tpu.memory_space<hbm>>, %arg6: memref<20480x16xf32, #tpu.memory_space<hbm>>, %arg7: memref<2x80xi32, #tpu.memory_space<vmem>>, %arg8: memref<2x80xi32, #tpu.memory_space<vmem>>, %arg9: memref<2x80x16xf32, #tpu.memory_space<vmem>>, %arg10: memref<!tpu.dma_semaphore, #tpu.memory_space<semaphore_mem>>, %arg11: memref<!tpu.dma_semaphore, #tpu.memory_space<semaphore_mem>>, %arg12: memref<!tpu.dma_semaphore, #tpu.memory_space<semaphore_mem>>, %arg13: memref<!tpu.dma_semaphore, #tpu.memory_space<semaphore_mem>>, %arg14: memref<10240x16xf32, #tpu.memory_space<vmem_shared>>) attributes {dimension_semantics = [#tpu.dimension_semantics<core_parallel>, #tpu.dimension_semantics<subcore_parallel>], iteration_bounds = array<i64: 2, 16>, scalar_prefetch = 0 : i64, scratch_operands = 8 : i64, tpu.core_type = #tpu.core_type<sc_vector_subcore>, window_params = [{transform_indices = #map}, {transform_indices = #map1}, {transform_indices = #map1}, {transform_indices = #map}, {transform_indices = #map}]} {
    %mul3A = arith.constant 640 : i32
    %mul3A_0 = arith.muli %arg1, %mul3A : i32
    %mul3A_1 = arith.constant 640 : i32
    %mul3A_2 = arith.muli %arg1, %mul3A_1 : i32
    "tpu.region"() ({
      %run_scoped3A_82 = tpu.sem_alloc : memref<!tpu.dma_semaphore, #tpu.memory_space<semaphore_mem>>
      %dma_start3A_83 = arith.constant 0 : i32
      %dma_start3A_84 = tpu.memref_slice %arg14[%mul3A_2, %dma_start3A_83] : memref<10240x16xf32, #tpu.memory_space<vmem_shared>> -> memref<640x16xf32, #tpu.memory_space<vmem_shared>>
      %dma_start3A_85 = arith.constant 0 : i32
      %dma_start3A_86 = tpu.memref_slice %arg5[%mul3A_0, %dma_start3A_85] : memref<10240x16xf32, #tpu.memory_space<hbm>> -> memref<640x16xf32, #tpu.memory_space<hbm>>
      tpu.enqueue_dma source(%dma_start3A_86 : memref<640x16xf32, #tpu.memory_space<hbm>>) target(%dma_start3A_84 : memref<640x16xf32, #tpu.memory_space<vmem_shared>>) target_semaphore(%run_scoped3A_82 : memref<!tpu.dma_semaphore, #tpu.memory_space<semaphore_mem>>)
      %dma_wait3A_87 = arith.constant 0 : i32
      %dma_wait3A_88 = tpu.memref_slice %arg14[%mul3A_2, %dma_wait3A_87] : memref<10240x16xf32, #tpu.memory_space<vmem_shared>> -> memref<640x16xf32, #tpu.memory_space<vmem_shared>>
      %dma_wait3A_89 = arith.constant 0 : i32
      %dma_wait3A_90 = tpu.memref_slice %arg5[%mul3A_0, %dma_wait3A_89] : memref<10240x16xf32, #tpu.memory_space<hbm>> -> memref<640x16xf32, #tpu.memory_space<hbm>>
      tpu.wait_dma2 semaphore(%run_scoped3A_82 : memref<!tpu.dma_semaphore, #tpu.memory_space<semaphore_mem>>) src(%dma_wait3A_90 : memref<640x16xf32, #tpu.memory_space<hbm>>) dst(%dma_wait3A_88 : memref<640x16xf32, #tpu.memory_space<vmem_shared>>)
      tpu.yield
    }) : () -> ()
    %barrier3A = arith.constant 0 : index
    tpu.barrier barrier_id(%barrier3A)
    %mul3A_3 = arith.constant 160000 : i32
    %mul3A_4 = arith.muli %arg0, %mul3A_3 : i32
    %mul3A_5 = arith.constant 10000 : i32
    %mul3A_6 = arith.muli %arg1, %mul3A_5 : i32
    %add3A = arith.addi %mul3A_4, %mul3A_6 : i32
    %add3A_7 = arith.constant 0 : i32
    %add3A_8 = arith.addi %add3A, %add3A_7 : i32
    %dma_start3A = arith.constant 0 : i32
    %dma_start3A_9 = arith.constant 0 : i32
    %dma_start3A_10 = tpu.memref_slice %arg7[%dma_start3A, %dma_start3A_9] : memref<2x80xi32, #tpu.memory_space<vmem>> -> memref<1x80xi32, #tpu.memory_space<vmem>>
    %dma_start3A_11 = tpu.memref_squeeze %dma_start3A_10 : memref<1x80xi32, #tpu.memory_space<vmem>> -> memref<80xi32, #tpu.memory_space<vmem>>
    %dma_start3A_12 = tpu.memref_slice %arg3[%add3A_8] : memref<320000xi32, #tpu.memory_space<hbm>> -> memref<80xi32, #tpu.memory_space<hbm>>
    %dma_start3A_13 = arith.constant 0 : i32
    %dma_start3A_14 = tpu.memref_slice %arg7[%dma_start3A, %dma_start3A_13] : memref<2x80xi32, #tpu.memory_space<vmem>> -> memref<1x80xi32, #tpu.memory_space<vmem>>
    %dma_start3A_15 = tpu.memref_squeeze %dma_start3A_14 : memref<1x80xi32, #tpu.memory_space<vmem>> -> memref<80xi32, #tpu.memory_space<vmem>>
    %dma_start3A_16 = tpu.memref_slice %arg3[%add3A_8] : memref<320000xi32, #tpu.memory_space<hbm>> -> memref<80xi32, #tpu.memory_space<hbm>>
    tpu.enqueue_dma source(%dma_start3A_16 : memref<80xi32, #tpu.memory_space<hbm>>) target(%dma_start3A_15 : memref<80xi32, #tpu.memory_space<vmem>>) target_semaphore(%arg10 : memref<!tpu.dma_semaphore, #tpu.memory_space<semaphore_mem>>)
    %dma_start3A_17 = arith.constant 0 : i32
    %dma_start3A_18 = arith.constant 0 : i32
    %dma_start3A_19 = tpu.memref_slice %arg8[%dma_start3A_17, %dma_start3A_18] : memref<2x80xi32, #tpu.memory_space<vmem>> -> memref<1x80xi32, #tpu.memory_space<vmem>>
    %dma_start3A_20 = tpu.memref_squeeze %dma_start3A_19 : memref<1x80xi32, #tpu.memory_space<vmem>> -> memref<80xi32, #tpu.memory_space<vmem>>
    %dma_start3A_21 = tpu.memref_slice %arg4[%add3A_8] : memref<320000xi32, #tpu.memory_space<hbm>> -> memref<80xi32, #tpu.memory_space<hbm>>
    %dma_start3A_22 = arith.constant 0 : i32
    %dma_start3A_23 = tpu.memref_slice %arg8[%dma_start3A_17, %dma_start3A_22] : memref<2x80xi32, #tpu.memory_space<vmem>> -> memref<1x80xi32, #tpu.memory_space<vmem>>
    %dma_start3A_24 = tpu.memref_squeeze %dma_start3A_23 : memref<1x80xi32, #tpu.memory_space<vmem>> -> memref<80xi32, #tpu.memory_space<vmem>>
    %dma_start3A_25 = tpu.memref_slice %arg4[%add3A_8] : memref<320000xi32, #tpu.memory_space<hbm>> -> memref<80xi32, #tpu.memory_space<hbm>>
    tpu.enqueue_dma source(%dma_start3A_25 : memref<80xi32, #tpu.memory_space<hbm>>) target(%dma_start3A_24 : memref<80xi32, #tpu.memory_space<vmem>>) target_semaphore(%arg10 : memref<!tpu.dma_semaphore, #tpu.memory_space<semaphore_mem>>)
    %scan3A = arith.constant 0 : i32
    %scan3A_26 = arith.constant 62 : i32
    %scan3A_27 = arith.addi %scan3A, %scan3A_26 : i32
    %scan3A_28 = arith.constant 1 : i32
    scf.for %scan3A_82 = %scan3A to %scan3A_27 step %scan3A_28  : i32 {
      %mul3A_83 = arith.constant 1 : i32
      %mul3A_84 = arith.muli %scan3A_82, %mul3A_83 : i32
      %add3A_85 = arith.constant 0 : i32
      %add3A_86 = arith.addi %add3A_85, %mul3A_84 : i32
      %mul3A_87 = arith.constant 2 : i32
      %mul3A_88 = arith.muli %mul3A_87, %add3A_86 : i32
      %mul3A_89 = arith.constant 80 : i32
      %mul3A_90 = arith.muli %mul3A_88, %mul3A_89 : i32
      %add3A_91 = arith.addi %add3A, %mul3A_90 : i32
      %dma_wait3A_92 = arith.constant 0 : i32
      %dma_wait3A_93 = arith.constant 0 : i32
      %dma_wait3A_94 = tpu.memref_slice %arg7[%dma_wait3A_92, %dma_wait3A_93] : memref<2x80xi32, #tpu.memory_space<vmem>> -> memref<1x80xi32, #tpu.memory_space<vmem>>
      %dma_wait3A_95 = tpu.memref_squeeze %dma_wait3A_94 : memref<1x80xi32, #tpu.memory_space<vmem>> -> memref<80xi32, #tpu.memory_space<vmem>>
      %dma_wait3A_96 = tpu.memref_slice %arg3[%add3A_91] : memref<320000xi32, #tpu.memory_space<hbm>> -> memref<80xi32, #tpu.memory_space<hbm>>
      %dma_wait3A_97 = arith.constant 0 : i32
      %dma_wait3A_98 = tpu.memref_slice %arg7[%dma_wait3A_92, %dma_wait3A_97] : memref<2x80xi32, #tpu.memory_space<vmem>> -> memref<1x80xi32, #tpu.memory_space<vmem>>
      %dma_wait3A_99 = tpu.memref_squeeze %dma_wait3A_98 : memref<1x80xi32, #tpu.memory_space<vmem>> -> memref<80xi32, #tpu.memory_space<vmem>>
      %dma_wait3A_100 = tpu.memref_slice %arg3[%add3A_91] : memref<320000xi32, #tpu.memory_space<hbm>> -> memref<80xi32, #tpu.memory_space<hbm>>
      tpu.wait_dma2 semaphore(%arg10 : memref<!tpu.dma_semaphore, #tpu.memory_space<semaphore_mem>>) src(%dma_wait3A_100 : memref<80xi32, #tpu.memory_space<hbm>>) dst(%dma_wait3A_99 : memref<80xi32, #tpu.memory_space<vmem>>)
      %dma_wait3A_101 = arith.constant 0 : i32
      %dma_wait3A_102 = arith.constant 0 : i32
      %dma_wait3A_103 = tpu.memref_slice %arg8[%dma_wait3A_101, %dma_wait3A_102] : memref<2x80xi32, #tpu.memory_space<vmem>> -> memref<1x80xi32, #tpu.memory_space<vmem>>
      %dma_wait3A_104 = tpu.memref_squeeze %dma_wait3A_103 : memref<1x80xi32, #tpu.memory_space<vmem>> -> memref<80xi32, #tpu.memory_space<vmem>>
      %dma_wait3A_105 = tpu.memref_slice %arg4[%add3A_91] : memref<320000xi32, #tpu.memory_space<hbm>> -> memref<80xi32, #tpu.memory_space<hbm>>
      %dma_wait3A_106 = arith.constant 0 : i32
      %dma_wait3A_107 = tpu.memref_slice %arg8[%dma_wait3A_101, %dma_wait3A_106] : memref<2x80xi32, #tpu.memory_space<vmem>> -> memref<1x80xi32, #tpu.memory_space<vmem>>
      %dma_wait3A_108 = tpu.memref_squeeze %dma_wait3A_107 : memref<1x80xi32, #tpu.memory_space<vmem>> -> memref<80xi32, #tpu.memory_space<vmem>>
      %dma_wait3A_109 = tpu.memref_slice %arg4[%add3A_91] : memref<320000xi32, #tpu.memory_space<hbm>> -> memref<80xi32, #tpu.memory_space<hbm>>
      tpu.wait_dma2 semaphore(%arg10 : memref<!tpu.dma_semaphore, #tpu.memory_space<semaphore_mem>>) src(%dma_wait3A_109 : memref<80xi32, #tpu.memory_space<hbm>>) dst(%dma_wait3A_108 : memref<80xi32, #tpu.memory_space<vmem>>)
      %dma_start3A_110 = arith.constant 0 : i32
      %dma_start3A_111 = arith.constant 0 : i32
      %dma_start3A_112 = arith.constant 0 : i32
      %dma_start3A_113 = arith.constant 0 : i32
      %dma_start3A_114 = tpu.memref_slice %arg9[%dma_start3A_111, %dma_start3A_112, %dma_start3A_113] : memref<2x80x16xf32, #tpu.memory_space<vmem>> -> memref<1x80x16xf32, #tpu.memory_space<vmem>>
      %dma_start3A_115 = tpu.memref_squeeze %dma_start3A_114 : memref<1x80x16xf32, #tpu.memory_space<vmem>> -> memref<80x16xf32, #tpu.memory_space<vmem>>
      %dma_start3A_116 = arith.constant 0 : i32
      %dma_start3A_117 = tpu.memref_slice %arg7[%dma_start3A_110, %dma_start3A_116] : memref<2x80xi32, #tpu.memory_space<vmem>> -> memref<1x80xi32, #tpu.memory_space<vmem>>
      %dma_start3A_118 = tpu.memref_squeeze %dma_start3A_117 : memref<1x80xi32, #tpu.memory_space<vmem>> -> memref<80xi32, #tpu.memory_space<vmem>>
      %dma_start3A_119 = arith.constant 0 : i32
      %dma_start3A_120 = arith.constant 0 : i32
      %dma_start3A_121 = tpu.memref_slice %arg2[%dma_start3A_119, %dma_start3A_120] : memref<10240x16xf32, #tpu.memory_space<hbm>> -> memref<10240x16xf32, #tpu.memory_space<hbm>>
      tpu.enqueue_indirect_dma source(%dma_start3A_121 : memref<10240x16xf32, #tpu.memory_space<hbm>>) target(%dma_start3A_115 : memref<80x16xf32, #tpu.memory_space<vmem>>) offsets(%dma_start3A_118 : memref<80xi32, #tpu.memory_space<vmem>>) semaphore(%arg12 : memref<!tpu.dma_semaphore, #tpu.memory_space<semaphore_mem>>)
      %add3A_122 = arith.constant 1 : i32
      %add3A_123 = arith.addi %mul3A_88, %add3A_122 : i32
      %mul3A_124 = arith.constant 80 : i32
      %mul3A_125 = arith.muli %add3A_123, %mul3A_124 : i32
      %add3A_126 = arith.addi %add3A, %mul3A_125 : i32
      %dma_start3A_127 = arith.constant 1 : i32
      %dma_start3A_128 = arith.constant 0 : i32
      %dma_start3A_129 = tpu.memref_slice %arg7[%dma_start3A_127, %dma_start3A_128] : memref<2x80xi32, #tpu.memory_space<vmem>> -> memref<1x80xi32, #tpu.memory_space<vmem>>
      %dma_start3A_130 = tpu.memref_squeeze %dma_start3A_129 : memref<1x80xi32, #tpu.memory_space<vmem>> -> memref<80xi32, #tpu.memory_space<vmem>>
      %dma_start3A_131 = tpu.memref_slice %arg3[%add3A_126] : memref<320000xi32, #tpu.memory_space<hbm>> -> memref<80xi32, #tpu.memory_space<hbm>>
      %dma_start3A_132 = arith.constant 0 : i32
      %dma_start3A_133 = tpu.memref_slice %arg7[%dma_start3A_127, %dma_start3A_132] : memref<2x80xi32, #tpu.memory_space<vmem>> -> memref<1x80xi32, #tpu.memory_space<vmem>>
      %dma_start3A_134 = tpu.memref_squeeze %dma_start3A_133 : memref<1x80xi32, #tpu.memory_space<vmem>> -> memref<80xi32, #tpu.memory_space<vmem>>
      %dma_start3A_135 = tpu.memref_slice %arg3[%add3A_126] : memref<320000xi32, #tpu.memory_space<hbm>> -> memref<80xi32, #tpu.memory_space<hbm>>
      tpu.enqueue_dma source(%dma_start3A_135 : memref<80xi32, #tpu.memory_space<hbm>>) target(%dma_start3A_134 : memref<80xi32, #tpu.memory_space<vmem>>) target_semaphore(%arg11 : memref<!tpu.dma_semaphore, #tpu.memory_space<semaphore_mem>>)
      %dma_start3A_136 = arith.constant 1 : i32
      %dma_start3A_137 = arith.constant 0 : i32
      %dma_start3A_138 = tpu.memref_slice %arg8[%dma_start3A_136, %dma_start3A_137] : memref<2x80xi32, #tpu.memory_space<vmem>> -> memref<1x80xi32, #tpu.memory_space<vmem>>
      %dma_start3A_139 = tpu.memref_squeeze %dma_start3A_138 : memref<1x80xi32, #tpu.memory_space<vmem>> -> memref<80xi32, #tpu.memory_space<vmem>>
      %dma_start3A_140 = tpu.memref_slice %arg4[%add3A_126] : memref<320000xi32, #tpu.memory_space<hbm>> -> memref<80xi32, #tpu.memory_space<hbm>>
      %dma_start3A_141 = arith.constant 0 : i32
      %dma_start3A_142 = tpu.memref_slice %arg8[%dma_start3A_136, %dma_start3A_141] : memref<2x80xi32, #tpu.memory_space<vmem>> -> memref<1x80xi32, #tpu.memory_space<vmem>>
      %dma_start3A_143 = tpu.memref_squeeze %dma_start3A_142 : memref<1x80xi32, #tpu.memory_space<vmem>> -> memref<80xi32, #tpu.memory_space<vmem>>
      %dma_start3A_144 = tpu.memref_slice %arg4[%add3A_126] : memref<320000xi32, #tpu.memory_space<hbm>> -> memref<80xi32, #tpu.memory_space<hbm>>
      tpu.enqueue_dma source(%dma_start3A_144 : memref<80xi32, #tpu.memory_space<hbm>>) target(%dma_start3A_143 : memref<80xi32, #tpu.memory_space<vmem>>) target_semaphore(%arg11 : memref<!tpu.dma_semaphore, #tpu.memory_space<semaphore_mem>>)
      %dma_wait3A_145 = arith.constant 0 : i32
      %dma_wait3A_146 = arith.constant 0 : i32
      %dma_wait3A_147 = arith.constant 0 : i32
      %dma_wait3A_148 = arith.constant 0 : i32
      %dma_wait3A_149 = tpu.memref_slice %arg9[%dma_wait3A_146, %dma_wait3A_147, %dma_wait3A_148] : memref<2x80x16xf32, #tpu.memory_space<vmem>> -> memref<1x80x16xf32, #tpu.memory_space<vmem>>
      %dma_wait3A_150 = tpu.memref_squeeze %dma_wait3A_149 : memref<1x80x16xf32, #tpu.memory_space<vmem>> -> memref<80x16xf32, #tpu.memory_space<vmem>>
      %dma_wait3A_151 = arith.constant 0 : i32
      %dma_wait3A_152 = tpu.memref_slice %arg7[%dma_wait3A_145, %dma_wait3A_151] : memref<2x80xi32, #tpu.memory_space<vmem>> -> memref<1x80xi32, #tpu.memory_space<vmem>>
      %dma_wait3A_153 = tpu.memref_squeeze %dma_wait3A_152 : memref<1x80xi32, #tpu.memory_space<vmem>> -> memref<80xi32, #tpu.memory_space<vmem>>
      %dma_wait3A_154 = arith.constant 0 : i32
      %dma_wait3A_155 = arith.constant 0 : i32
      %dma_wait3A_156 = tpu.memref_slice %arg2[%dma_wait3A_154, %dma_wait3A_155] : memref<10240x16xf32, #tpu.memory_space<hbm>> -> memref<10240x16xf32, #tpu.memory_space<hbm>>
      tpu.wait_indirect_dma semaphore(%arg12 : memref<!tpu.dma_semaphore, #tpu.memory_space<semaphore_mem>>) src(%dma_wait3A_156 : memref<10240x16xf32, #tpu.memory_space<hbm>>) dst(%dma_wait3A_150 : memref<80x16xf32, #tpu.memory_space<vmem>>)
      %add3A_157 = arith.constant 1 : i32
      %add3A_158 = arith.addi %mul3A_88, %add3A_157 : i32
      %mul3A_159 = arith.constant 80 : i32
      %mul3A_160 = arith.muli %add3A_158, %mul3A_159 : i32
      %add3A_161 = arith.addi %add3A, %mul3A_160 : i32
      %dma_wait3A_162 = arith.constant 1 : i32
      %dma_wait3A_163 = arith.constant 0 : i32
      %dma_wait3A_164 = tpu.memref_slice %arg7[%dma_wait3A_162, %dma_wait3A_163] : memref<2x80xi32, #tpu.memory_space<vmem>> -> memref<1x80xi32, #tpu.memory_space<vmem>>
      %dma_wait3A_165 = tpu.memref_squeeze %dma_wait3A_164 : memref<1x80xi32, #tpu.memory_space<vmem>> -> memref<80xi32, #tpu.memory_space<vmem>>
      %dma_wait3A_166 = tpu.memref_slice %arg3[%add3A_161] : memref<320000xi32, #tpu.memory_space<hbm>> -> memref<80xi32, #tpu.memory_space<hbm>>
      %dma_wait3A_167 = arith.constant 0 : i32
      %dma_wait3A_168 = tpu.memref_slice %arg7[%dma_wait3A_162, %dma_wait3A_167] : memref<2x80xi32, #tpu.memory_space<vmem>> -> memref<1x80xi32, #tpu.memory_space<vmem>>
      %dma_wait3A_169 = tpu.memref_squeeze %dma_wait3A_168 : memref<1x80xi32, #tpu.memory_space<vmem>> -> memref<80xi32, #tpu.memory_space<vmem>>
      %dma_wait3A_170 = tpu.memref_slice %arg3[%add3A_161] : memref<320000xi32, #tpu.memory_space<hbm>> -> memref<80xi32, #tpu.memory_space<hbm>>
      tpu.wait_dma2 semaphore(%arg11 : memref<!tpu.dma_semaphore, #tpu.memory_space<semaphore_mem>>) src(%dma_wait3A_170 : memref<80xi32, #tpu.memory_space<hbm>>) dst(%dma_wait3A_169 : memref<80xi32, #tpu.memory_space<vmem>>)
      %dma_wait3A_171 = arith.constant 1 : i32
      %dma_wait3A_172 = arith.constant 0 : i32
      %dma_wait3A_173 = tpu.memref_slice %arg8[%dma_wait3A_171, %dma_wait3A_172] : memref<2x80xi32, #tpu.memory_space<vmem>> -> memref<1x80xi32, #tpu.memory_space<vmem>>
      %dma_wait3A_174 = tpu.memref_squeeze %dma_wait3A_173 : memref<1x80xi32, #tpu.memory_space<vmem>> -> memref<80xi32, #tpu.memory_space<vmem>>
      %dma_wait3A_175 = tpu.memref_slice %arg4[%add3A_161] : memref<320000xi32, #tpu.memory_space<hbm>> -> memref<80xi32, #tpu.memory_space<hbm>>
      %dma_wait3A_176 = arith.constant 0 : i32
      %dma_wait3A_177 = tpu.memref_slice %arg8[%dma_wait3A_171, %dma_wait3A_176] : memref<2x80xi32, #tpu.memory_space<vmem>> -> memref<1x80xi32, #tpu.memory_space<vmem>>
      %dma_wait3A_178 = tpu.memref_squeeze %dma_wait3A_177 : memref<1x80xi32, #tpu.memory_space<vmem>> -> memref<80xi32, #tpu.memory_space<vmem>>
      %dma_wait3A_179 = tpu.memref_slice %arg4[%add3A_161] : memref<320000xi32, #tpu.memory_space<hbm>> -> memref<80xi32, #tpu.memory_space<hbm>>
      tpu.wait_dma2 semaphore(%arg11 : memref<!tpu.dma_semaphore, #tpu.memory_space<semaphore_mem>>) src(%dma_wait3A_179 : memref<80xi32, #tpu.memory_space<hbm>>) dst(%dma_wait3A_178 : memref<80xi32, #tpu.memory_space<vmem>>)
      %dma_start3A_180 = arith.constant 1 : i32
      %dma_start3A_181 = arith.constant 1 : i32
      %dma_start3A_182 = arith.constant 0 : i32
      %dma_start3A_183 = arith.constant 0 : i32
      %dma_start3A_184 = tpu.memref_slice %arg9[%dma_start3A_181, %dma_start3A_182, %dma_start3A_183] : memref<2x80x16xf32, #tpu.memory_space<vmem>> -> memref<1x80x16xf32, #tpu.memory_space<vmem>>
      %dma_start3A_185 = tpu.memref_squeeze %dma_start3A_184 : memref<1x80x16xf32, #tpu.memory_space<vmem>> -> memref<80x16xf32, #tpu.memory_space<vmem>>
      %dma_start3A_186 = arith.constant 0 : i32
      %dma_start3A_187 = tpu.memref_slice %arg7[%dma_start3A_180, %dma_start3A_186] : memref<2x80xi32, #tpu.memory_space<vmem>> -> memref<1x80xi32, #tpu.memory_space<vmem>>
      %dma_start3A_188 = tpu.memref_squeeze %dma_start3A_187 : memref<1x80xi32, #tpu.memory_space<vmem>> -> memref<80xi32, #tpu.memory_space<vmem>>
      %dma_start3A_189 = arith.constant 0 : i32
      %dma_start3A_190 = arith.constant 0 : i32
      %dma_start3A_191 = tpu.memref_slice %arg2[%dma_start3A_189, %dma_start3A_190] : memref<10240x16xf32, #tpu.memory_space<hbm>> -> memref<10240x16xf32, #tpu.memory_space<hbm>>
      tpu.enqueue_indirect_dma source(%dma_start3A_191 : memref<10240x16xf32, #tpu.memory_space<hbm>>) target(%dma_start3A_185 : memref<80x16xf32, #tpu.memory_space<vmem>>) offsets(%dma_start3A_188 : memref<80xi32, #tpu.memory_space<vmem>>) semaphore(%arg13 : memref<!tpu.dma_semaphore, #tpu.memory_space<semaphore_mem>>)
      %run_scoped3A_192 = arith.constant 0 : i32
      %run_scoped3A_193 = arith.constant 0 : i32
      "tpu.region"() ({
        %run_scoped3A_231 = tpu.sem_alloc : memref<!tpu.dma_semaphore, #tpu.memory_space<semaphore_mem>>
        %dma_start3A_232 = arith.constant 0 : i32
        %dma_start3A_233 = arith.constant 0 : i32
        %dma_start3A_234 = tpu.memref_slice %arg9[%run_scoped3A_192, %dma_start3A_232, %dma_start3A_233] : memref<2x80x16xf32, #tpu.memory_space<vmem>> -> memref<1x80x16xf32, #tpu.memory_space<vmem>>
        %dma_start3A_235 = tpu.memref_squeeze %dma_start3A_234 : memref<1x80x16xf32, #tpu.memory_space<vmem>> -> memref<80x16xf32, #tpu.memory_space<vmem>>
        %dma_start3A_236 = arith.constant 0 : i32
        %dma_start3A_237 = tpu.memref_slice %arg8[%run_scoped3A_193, %dma_start3A_236] : memref<2x80xi32, #tpu.memory_space<vmem>> -> memref<1x80xi32, #tpu.memory_space<vmem>>
        %dma_start3A_238 = tpu.memref_squeeze %dma_start3A_237 : memref<1x80xi32, #tpu.memory_space<vmem>> -> memref<80xi32, #tpu.memory_space<vmem>>
        %dma_start3A_239 = arith.constant 0 : i32
        %dma_start3A_240 = arith.constant 0 : i32
        %dma_start3A_241 = tpu.memref_slice %arg14[%dma_start3A_239, %dma_start3A_240] : memref<10240x16xf32, #tpu.memory_space<vmem_shared>> -> memref<10240x16xf32, #tpu.memory_space<vmem_shared>>
        tpu.enqueue_indirect_dma source(%dma_start3A_235 : memref<80x16xf32, #tpu.memory_space<vmem>>) target(%dma_start3A_241 : memref<10240x16xf32, #tpu.memory_space<vmem_shared>>) offsets(%dma_start3A_238 : memref<80xi32, #tpu.memory_space<vmem>>) semaphore(%run_scoped3A_231 : memref<!tpu.dma_semaphore, #tpu.memory_space<semaphore_mem>>) {add = true}
        %dma_wait3A_242 = arith.constant 0 : i32
        %dma_wait3A_243 = arith.constant 0 : i32
        %dma_wait3A_244 = tpu.memref_slice %arg9[%run_scoped3A_192, %dma_wait3A_242, %dma_wait3A_243] : memref<2x80x16xf32, #tpu.memory_space<vmem>> -> memref<1x80x16xf32, #tpu.memory_space<vmem>>
        %dma_wait3A_245 = tpu.memref_squeeze %dma_wait3A_244 : memref<1x80x16xf32, #tpu.memory_space<vmem>> -> memref<80x16xf32, #tpu.memory_space<vmem>>
        %dma_wait3A_246 = arith.constant 0 : i32
        %dma_wait3A_247 = tpu.memref_slice %arg8[%run_scoped3A_193, %dma_wait3A_246] : memref<2x80xi32, #tpu.memory_space<vmem>> -> memref<1x80xi32, #tpu.memory_space<vmem>>
        %dma_wait3A_248 = tpu.memref_squeeze %dma_wait3A_247 : memref<1x80xi32, #tpu.memory_space<vmem>> -> memref<80xi32, #tpu.memory_space<vmem>>
        %dma_wait3A_249 = arith.constant 0 : i32
        %dma_wait3A_250 = arith.constant 0 : i32
        %dma_wait3A_251 = tpu.memref_slice %arg14[%dma_wait3A_249, %dma_wait3A_250] : memref<10240x16xf32, #tpu.memory_space<vmem_shared>> -> memref<10240x16xf32, #tpu.memory_space<vmem_shared>>
        tpu.wait_indirect_dma semaphore(%run_scoped3A_231 : memref<!tpu.dma_semaphore, #tpu.memory_space<semaphore_mem>>) src(%dma_wait3A_245 : memref<80x16xf32, #tpu.memory_space<vmem>>) dst(%dma_wait3A_251 : memref<10240x16xf32, #tpu.memory_space<vmem_shared>>)
        tpu.yield
      }) : () -> ()
      %add3A_194 = arith.constant 2 : i32
      %add3A_195 = arith.addi %mul3A_88, %add3A_194 : i32
      %mul3A_196 = arith.constant 80 : i32
      %mul3A_197 = arith.muli %add3A_195, %mul3A_196 : i32
      %add3A_198 = arith.addi %add3A, %mul3A_197 : i32
      %dma_start3A_199 = arith.constant 0 : i32
      %dma_start3A_200 = arith.constant 0 : i32
      %dma_start3A_201 = tpu.memref_slice %arg7[%dma_start3A_199, %dma_start3A_200] : memref<2x80xi32, #tpu.memory_space<vmem>> -> memref<1x80xi32, #tpu.memory_space<vmem>>
      %dma_start3A_202 = tpu.memref_squeeze %dma_start3A_201 : memref<1x80xi32, #tpu.memory_space<vmem>> -> memref<80xi32, #tpu.memory_space<vmem>>
      %dma_start3A_203 = tpu.memref_slice %arg3[%add3A_198] : memref<320000xi32, #tpu.memory_space<hbm>> -> memref<80xi32, #tpu.memory_space<hbm>>
      %dma_start3A_204 = arith.constant 0 : i32
      %dma_start3A_205 = tpu.memref_slice %arg7[%dma_start3A_199, %dma_start3A_204] : memref<2x80xi32, #tpu.memory_space<vmem>> -> memref<1x80xi32, #tpu.memory_space<vmem>>
      %dma_start3A_206 = tpu.memref_squeeze %dma_start3A_205 : memref<1x80xi32, #tpu.memory_space<vmem>> -> memref<80xi32, #tpu.memory_space<vmem>>
      %dma_start3A_207 = tpu.memref_slice %arg3[%add3A_198] : memref<320000xi32, #tpu.memory_space<hbm>> -> memref<80xi32, #tpu.memory_space<hbm>>
      tpu.enqueue_dma source(%dma_start3A_207 : memref<80xi32, #tpu.memory_space<hbm>>) target(%dma_start3A_206 : memref<80xi32, #tpu.memory_space<vmem>>) target_semaphore(%arg10 : memref<!tpu.dma_semaphore, #tpu.memory_space<semaphore_mem>>)
      %dma_start3A_208 = arith.constant 0 : i32
      %dma_start3A_209 = arith.constant 0 : i32
      %dma_start3A_210 = tpu.memref_slice %arg8[%dma_start3A_208, %dma_start3A_209] : memref<2x80xi32, #tpu.memory_space<vmem>> -> memref<1x80xi32, #tpu.memory_space<vmem>>
      %dma_start3A_211 = tpu.memref_squeeze %dma_start3A_210 : memref<1x80xi32, #tpu.memory_space<vmem>> -> memref<80xi32, #tpu.memory_space<vmem>>
      %dma_start3A_212 = tpu.memref_slice %arg4[%add3A_198] : memref<320000xi32, #tpu.memory_space<hbm>> -> memref<80xi32, #tpu.memory_space<hbm>>
      %dma_start3A_213 = arith.constant 0 : i32
      %dma_start3A_214 = tpu.memref_slice %arg8[%dma_start3A_208, %dma_start3A_213] : memref<2x80xi32, #tpu.memory_space<vmem>> -> memref<1x80xi32, #tpu.memory_space<vmem>>
      %dma_start3A_215 = tpu.memref_squeeze %dma_start3A_214 : memref<1x80xi32, #tpu.memory_space<vmem>> -> memref<80xi32, #tpu.memory_space<vmem>>
      %dma_start3A_216 = tpu.memref_slice %arg4[%add3A_198] : memref<320000xi32, #tpu.memory_space<hbm>> -> memref<80xi32, #tpu.memory_space<hbm>>
      tpu.enqueue_dma source(%dma_start3A_216 : memref<80xi32, #tpu.memory_space<hbm>>) target(%dma_start3A_215 : memref<80xi32, #tpu.memory_space<vmem>>) target_semaphore(%arg10 : memref<!tpu.dma_semaphore, #tpu.memory_space<semaphore_mem>>)
      %dma_wait3A_217 = arith.constant 1 : i32
      %dma_wait3A_218 = arith.constant 1 : i32
      %dma_wait3A_219 = arith.constant 0 : i32
      %dma_wait3A_220 = arith.constant 0 : i32
      %dma_wait3A_221 = tpu.memref_slice %arg9[%dma_wait3A_218, %dma_wait3A_219, %dma_wait3A_220] : memref<2x80x16xf32, #tpu.memory_space<vmem>> -> memref<1x80x16xf32, #tpu.memory_space<vmem>>
      %dma_wait3A_222 = tpu.memref_squeeze %dma_wait3A_221 : memref<1x80x16xf32, #tpu.memory_space<vmem>> -> memref<80x16xf32, #tpu.memory_space<vmem>>
      %dma_wait3A_223 = arith.constant 0 : i32
      %dma_wait3A_224 = tpu.memref_slice %arg7[%dma_wait3A_217, %dma_wait3A_223] : memref<2x80xi32, #tpu.memory_space<vmem>> -> memref<1x80xi32, #tpu.memory_space<vmem>>
      %dma_wait3A_225 = tpu.memref_squeeze %dma_wait3A_224 : memref<1x80xi32, #tpu.memory_space<vmem>> -> memref<80xi32, #tpu.memory_space<vmem>>
      %dma_wait3A_226 = arith.constant 0 : i32
      %dma_wait3A_227 = arith.constant 0 : i32
      %dma_wait3A_228 = tpu.memref_slice %arg2[%dma_wait3A_226, %dma_wait3A_227] : memref<10240x16xf32, #tpu.memory_space<hbm>> -> memref<10240x16xf32, #tpu.memory_space<hbm>>
      tpu.wait_indirect_dma semaphore(%arg13 : memref<!tpu.dma_semaphore, #tpu.memory_space<semaphore_mem>>) src(%dma_wait3A_228 : memref<10240x16xf32, #tpu.memory_space<hbm>>) dst(%dma_wait3A_222 : memref<80x16xf32, #tpu.memory_space<vmem>>)
      %run_scoped3A_229 = arith.constant 1 : i32
      %run_scoped3A_230 = arith.constant 1 : i32
      "tpu.region"() ({
        %run_scoped3A_231 = tpu.sem_alloc : memref<!tpu.dma_semaphore, #tpu.memory_space<semaphore_mem>>
        %dma_start3A_232 = arith.constant 0 : i32
        %dma_start3A_233 = arith.constant 0 : i32
        %dma_start3A_234 = tpu.memref_slice %arg9[%run_scoped3A_229, %dma_start3A_232, %dma_start3A_233] : memref<2x80x16xf32, #tpu.memory_space<vmem>> -> memref<1x80x16xf32, #tpu.memory_space<vmem>>
        %dma_start3A_235 = tpu.memref_squeeze %dma_start3A_234 : memref<1x80x16xf32, #tpu.memory_space<vmem>> -> memref<80x16xf32, #tpu.memory_space<vmem>>
        %dma_start3A_236 = arith.constant 0 : i32
        %dma_start3A_237 = tpu.memref_slice %arg8[%run_scoped3A_230, %dma_start3A_236] : memref<2x80xi32, #tpu.memory_space<vmem>> -> memref<1x80xi32, #tpu.memory_space<vmem>>
        %dma_start3A_238 = tpu.memref_squeeze %dma_start3A_237 : memref<1x80xi32, #tpu.memory_space<vmem>> -> memref<80xi32, #tpu.memory_space<vmem>>
        %dma_start3A_239 = arith.constant 0 : i32
        %dma_start3A_240 = arith.constant 0 : i32
        %dma_start3A_241 = tpu.memref_slice %arg14[%dma_start3A_239, %dma_start3A_240] : memref<10240x16xf32, #tpu.memory_space<vmem_shared>> -> memref<10240x16xf32, #tpu.memory_space<vmem_shared>>
        tpu.enqueue_indirect_dma source(%dma_start3A_235 : memref<80x16xf32, #tpu.memory_space<vmem>>) target(%dma_start3A_241 : memref<10240x16xf32, #tpu.memory_space<vmem_shared>>) offsets(%dma_start3A_238 : memref<80xi32, #tpu.memory_space<vmem>>) semaphore(%run_scoped3A_231 : memref<!tpu.dma_semaphore, #tpu.memory_space<semaphore_mem>>) {add = true}
        %dma_wait3A_242 = arith.constant 0 : i32
        %dma_wait3A_243 = arith.constant 0 : i32
        %dma_wait3A_244 = tpu.memref_slice %arg9[%run_scoped3A_229, %dma_wait3A_242, %dma_wait3A_243] : memref<2x80x16xf32, #tpu.memory_space<vmem>> -> memref<1x80x16xf32, #tpu.memory_space<vmem>>
        %dma_wait3A_245 = tpu.memref_squeeze %dma_wait3A_244 : memref<1x80x16xf32, #tpu.memory_space<vmem>> -> memref<80x16xf32, #tpu.memory_space<vmem>>
        %dma_wait3A_246 = arith.constant 0 : i32
        %dma_wait3A_247 = tpu.memref_slice %arg8[%run_scoped3A_230, %dma_wait3A_246] : memref<2x80xi32, #tpu.memory_space<vmem>> -> memref<1x80xi32, #tpu.memory_space<vmem>>
        %dma_wait3A_248 = tpu.memref_squeeze %dma_wait3A_247 : memref<1x80xi32, #tpu.memory_space<vmem>> -> memref<80xi32, #tpu.memory_space<vmem>>
        %dma_wait3A_249 = arith.constant 0 : i32
        %dma_wait3A_250 = arith.constant 0 : i32
        %dma_wait3A_251 = tpu.memref_slice %arg14[%dma_wait3A_249, %dma_wait3A_250] : memref<10240x16xf32, #tpu.memory_space<vmem_shared>> -> memref<10240x16xf32, #tpu.memory_space<vmem_shared>>
        tpu.wait_indirect_dma semaphore(%run_scoped3A_231 : memref<!tpu.dma_semaphore, #tpu.memory_space<semaphore_mem>>) src(%dma_wait3A_245 : memref<80x16xf32, #tpu.memory_space<vmem>>) dst(%dma_wait3A_251 : memref<10240x16xf32, #tpu.memory_space<vmem_shared>>)
        tpu.yield
      }) : () -> ()
    }
    %scan3A_29 = arith.constant 62 : i32
    %add3A_30 = arith.constant 9920 : i32
    %add3A_31 = arith.addi %add3A, %add3A_30 : i32
    %dma_wait3A = arith.constant 0 : i32
    %dma_wait3A_32 = arith.constant 0 : i32
    %dma_wait3A_33 = tpu.memref_slice %arg7[%dma_wait3A, %dma_wait3A_32] : memref<2x80xi32, #tpu.memory_space<vmem>> -> memref<1x80xi32, #tpu.memory_space<vmem>>
    %dma_wait3A_34 = tpu.memref_squeeze %dma_wait3A_33 : memref<1x80xi32, #tpu.memory_space<vmem>> -> memref<80xi32, #tpu.memory_space<vmem>>
    %dma_wait3A_35 = tpu.memref_slice %arg3[%add3A_31] : memref<320000xi32, #tpu.memory_space<hbm>> -> memref<80xi32, #tpu.memory_space<hbm>>
    %dma_wait3A_36 = arith.constant 0 : i32
    %dma_wait3A_37 = tpu.memref_slice %arg7[%dma_wait3A, %dma_wait3A_36] : memref<2x80xi32, #tpu.memory_space<vmem>> -> memref<1x80xi32, #tpu.memory_space<vmem>>
    %dma_wait3A_38 = tpu.memref_squeeze %dma_wait3A_37 : memref<1x80xi32, #tpu.memory_space<vmem>> -> memref<80xi32, #tpu.memory_space<vmem>>
    %dma_wait3A_39 = tpu.memref_slice %arg3[%add3A_31] : memref<320000xi32, #tpu.memory_space<hbm>> -> memref<80xi32, #tpu.memory_space<hbm>>
    tpu.wait_dma2 semaphore(%arg10 : memref<!tpu.dma_semaphore, #tpu.memory_space<semaphore_mem>>) src(%dma_wait3A_39 : memref<80xi32, #tpu.memory_space<hbm>>) dst(%dma_wait3A_38 : memref<80xi32, #tpu.memory_space<vmem>>)
    %dma_wait3A_40 = arith.constant 0 : i32
    %dma_wait3A_41 = arith.constant 0 : i32
    %dma_wait3A_42 = tpu.memref_slice %arg8[%dma_wait3A_40, %dma_wait3A_41] : memref<2x80xi32, #tpu.memory_space<vmem>> -> memref<1x80xi32, #tpu.memory_space<vmem>>
    %dma_wait3A_43 = tpu.memref_squeeze %dma_wait3A_42 : memref<1x80xi32, #tpu.memory_space<vmem>> -> memref<80xi32, #tpu.memory_space<vmem>>
    %dma_wait3A_44 = tpu.memref_slice %arg4[%add3A_31] : memref<320000xi32, #tpu.memory_space<hbm>> -> memref<80xi32, #tpu.memory_space<hbm>>
    %dma_wait3A_45 = arith.constant 0 : i32
    %dma_wait3A_46 = tpu.memref_slice %arg8[%dma_wait3A_40, %dma_wait3A_45] : memref<2x80xi32, #tpu.memory_space<vmem>> -> memref<1x80xi32, #tpu.memory_space<vmem>>
    %dma_wait3A_47 = tpu.memref_squeeze %dma_wait3A_46 : memref<1x80xi32, #tpu.memory_space<vmem>> -> memref<80xi32, #tpu.memory_space<vmem>>
    %dma_wait3A_48 = tpu.memref_slice %arg4[%add3A_31] : memref<320000xi32, #tpu.memory_space<hbm>> -> memref<80xi32, #tpu.memory_space<hbm>>
    tpu.wait_dma2 semaphore(%arg10 : memref<!tpu.dma_semaphore, #tpu.memory_space<semaphore_mem>>) src(%dma_wait3A_48 : memref<80xi32, #tpu.memory_space<hbm>>) dst(%dma_wait3A_47 : memref<80xi32, #tpu.memory_space<vmem>>)
    %dma_start3A_49 = arith.constant 0 : i32
    %dma_start3A_50 = arith.constant 0 : i32
    %dma_start3A_51 = arith.constant 0 : i32
    %dma_start3A_52 = arith.constant 0 : i32
    %dma_start3A_53 = tpu.memref_slice %arg9[%dma_start3A_50, %dma_start3A_51, %dma_start3A_52] : memref<2x80x16xf32, #tpu.memory_space<vmem>> -> memref<1x80x16xf32, #tpu.memory_space<vmem>>
    %dma_start3A_54 = tpu.memref_squeeze %dma_start3A_53 : memref<1x80x16xf32, #tpu.memory_space<vmem>> -> memref<80x16xf32, #tpu.memory_space<vmem>>
    %dma_start3A_55 = arith.constant 0 : i32
    %dma_start3A_56 = tpu.memref_slice %arg7[%dma_start3A_49, %dma_start3A_55] : memref<2x80xi32, #tpu.memory_space<vmem>> -> memref<1x80xi32, #tpu.memory_space<vmem>>
    %dma_start3A_57 = tpu.memref_squeeze %dma_start3A_56 : memref<1x80xi32, #tpu.memory_space<vmem>> -> memref<80xi32, #tpu.memory_space<vmem>>
    %dma_start3A_58 = arith.constant 0 : i32
    %dma_start3A_59 = arith.constant 0 : i32
    %dma_start3A_60 = tpu.memref_slice %arg2[%dma_start3A_58, %dma_start3A_59] : memref<10240x16xf32, #tpu.memory_space<hbm>> -> memref<10240x16xf32, #tpu.memory_space<hbm>>
    tpu.enqueue_indirect_dma source(%dma_start3A_60 : memref<10240x16xf32, #tpu.memory_space<hbm>>) target(%dma_start3A_54 : memref<80x16xf32, #tpu.memory_space<vmem>>) offsets(%dma_start3A_57 : memref<80xi32, #tpu.memory_space<vmem>>) semaphore(%arg12 : memref<!tpu.dma_semaphore, #tpu.memory_space<semaphore_mem>>)
    %dma_wait3A_61 = arith.constant 0 : i32
    %dma_wait3A_62 = arith.constant 0 : i32
    %dma_wait3A_63 = arith.constant 0 : i32
    %dma_wait3A_64 = arith.constant 0 : i32
    %dma_wait3A_65 = tpu.memref_slice %arg9[%dma_wait3A_62, %dma_wait3A_63, %dma_wait3A_64] : memref<2x80x16xf32, #tpu.memory_space<vmem>> -> memref<1x80x16xf32, #tpu.memory_space<vmem>>
    %dma_wait3A_66 = tpu.memref_squeeze %dma_wait3A_65 : memref<1x80x16xf32, #tpu.memory_space<vmem>> -> memref<80x16xf32, #tpu.memory_space<vmem>>
    %dma_wait3A_67 = arith.constant 0 : i32
    %dma_wait3A_68 = tpu.memref_slice %arg7[%dma_wait3A_61, %dma_wait3A_67] : memref<2x80xi32, #tpu.memory_space<vmem>> -> memref<1x80xi32, #tpu.memory_space<vmem>>
    %dma_wait3A_69 = tpu.memref_squeeze %dma_wait3A_68 : memref<1x80xi32, #tpu.memory_space<vmem>> -> memref<80xi32, #tpu.memory_space<vmem>>
    %dma_wait3A_70 = arith.constant 0 : i32
    %dma_wait3A_71 = arith.constant 0 : i32
    %dma_wait3A_72 = tpu.memref_slice %arg2[%dma_wait3A_70, %dma_wait3A_71] : memref<10240x16xf32, #tpu.memory_space<hbm>> -> memref<10240x16xf32, #tpu.memory_space<hbm>>
    tpu.wait_indirect_dma semaphore(%arg12 : memref<!tpu.dma_semaphore, #tpu.memory_space<semaphore_mem>>) src(%dma_wait3A_72 : memref<10240x16xf32, #tpu.memory_space<hbm>>) dst(%dma_wait3A_66 : memref<80x16xf32, #tpu.memory_space<vmem>>)
    %run_scoped3A = arith.constant 0 : i32
    %run_scoped3A_73 = arith.constant 0 : i32
    "tpu.region"() ({
      %run_scoped3A_82 = tpu.sem_alloc : memref<!tpu.dma_semaphore, #tpu.memory_space<semaphore_mem>>
      %dma_start3A_83 = arith.constant 0 : i32
      %dma_start3A_84 = arith.constant 0 : i32
      %dma_start3A_85 = tpu.memref_slice %arg9[%run_scoped3A, %dma_start3A_83, %dma_start3A_84] : memref<2x80x16xf32, #tpu.memory_space<vmem>> -> memref<1x80x16xf32, #tpu.memory_space<vmem>>
      %dma_start3A_86 = tpu.memref_squeeze %dma_start3A_85 : memref<1x80x16xf32, #tpu.memory_space<vmem>> -> memref<80x16xf32, #tpu.memory_space<vmem>>
      %dma_start3A_87 = arith.constant 0 : i32
      %dma_start3A_88 = tpu.memref_slice %arg8[%run_scoped3A_73, %dma_start3A_87] : memref<2x80xi32, #tpu.memory_space<vmem>> -> memref<1x80xi32, #tpu.memory_space<vmem>>
      %dma_start3A_89 = tpu.memref_squeeze %dma_start3A_88 : memref<1x80xi32, #tpu.memory_space<vmem>> -> memref<80xi32, #tpu.memory_space<vmem>>
      %dma_start3A_90 = arith.constant 0 : i32
      %dma_start3A_91 = arith.constant 0 : i32
      %dma_start3A_92 = tpu.memref_slice %arg14[%dma_start3A_90, %dma_start3A_91] : memref<10240x16xf32, #tpu.memory_space<vmem_shared>> -> memref<10240x16xf32, #tpu.memory_space<vmem_shared>>
      tpu.enqueue_indirect_dma source(%dma_start3A_86 : memref<80x16xf32, #tpu.memory_space<vmem>>) target(%dma_start3A_92 : memref<10240x16xf32, #tpu.memory_space<vmem_shared>>) offsets(%dma_start3A_89 : memref<80xi32, #tpu.memory_space<vmem>>) semaphore(%run_scoped3A_82 : memref<!tpu.dma_semaphore, #tpu.memory_space<semaphore_mem>>) {add = true}
      %dma_wait3A_93 = arith.constant 0 : i32
      %dma_wait3A_94 = arith.constant 0 : i32
      %dma_wait3A_95 = tpu.memref_slice %arg9[%run_scoped3A, %dma_wait3A_93, %dma_wait3A_94] : memref<2x80x16xf32, #tpu.memory_space<vmem>> -> memref<1x80x16xf32, #tpu.memory_space<vmem>>
      %dma_wait3A_96 = tpu.memref_squeeze %dma_wait3A_95 : memref<1x80x16xf32, #tpu.memory_space<vmem>> -> memref<80x16xf32, #tpu.memory_space<vmem>>
      %dma_wait3A_97 = arith.constant 0 : i32
      %dma_wait3A_98 = tpu.memref_slice %arg8[%run_scoped3A_73, %dma_wait3A_97] : memref<2x80xi32, #tpu.memory_space<vmem>> -> memref<1x80xi32, #tpu.memory_space<vmem>>
      %dma_wait3A_99 = tpu.memref_squeeze %dma_wait3A_98 : memref<1x80xi32, #tpu.memory_space<vmem>> -> memref<80xi32, #tpu.memory_space<vmem>>
      %dma_wait3A_100 = arith.constant 0 : i32
      %dma_wait3A_101 = arith.constant 0 : i32
      %dma_wait3A_102 = tpu.memref_slice %arg14[%dma_wait3A_100, %dma_wait3A_101] : memref<10240x16xf32, #tpu.memory_space<vmem_shared>> -> memref<10240x16xf32, #tpu.memory_space<vmem_shared>>
      tpu.wait_indirect_dma semaphore(%run_scoped3A_82 : memref<!tpu.dma_semaphore, #tpu.memory_space<semaphore_mem>>) src(%dma_wait3A_96 : memref<80x16xf32, #tpu.memory_space<vmem>>) dst(%dma_wait3A_102 : memref<10240x16xf32, #tpu.memory_space<vmem_shared>>)
      tpu.yield
    }) : () -> ()
    %barrier3A_74 = arith.constant 0 : index
    tpu.barrier barrier_id(%barrier3A_74)
    %mul3A_75 = arith.constant 640 : i32
    %mul3A_76 = arith.muli %arg1, %mul3A_75 : i32
    %mul3A_77 = arith.constant 10240 : i32
    %mul3A_78 = arith.muli %arg0, %mul3A_77 : i32
    %mul3A_79 = arith.constant 640 : i32
    %mul3A_80 = arith.muli %arg1, %mul3A_79 : i32
    %add3A_81 = arith.addi %mul3A_78, %mul3A_80 : i32
    "tpu.region"() ({
      %run_scoped3A_82 = tpu.sem_alloc : memref<!tpu.dma_semaphore, #tpu.memory_space<semaphore_mem>>
      %dma_start3A_83 = arith.constant 0 : i32
      %dma_start3A_84 = tpu.memref_slice %arg6[%add3A_81, %dma_start3A_83] : memref<20480x16xf32, #tpu.memory_space<hbm>> -> memref<640x16xf32, #tpu.memory_space<hbm>>
      %dma_start3A_85 = arith.constant 0 : i32
      %dma_start3A_86 = tpu.memref_slice %arg14[%mul3A_76, %dma_start3A_85] : memref<10240x16xf32, #tpu.memory_space<vmem_shared>> -> memref<640x16xf32, #tpu.memory_space<vmem_shared>>
      tpu.enqueue_dma source(%dma_start3A_86 : memref<640x16xf32, #tpu.memory_space<vmem_shared>>) target(%dma_start3A_84 : memref<640x16xf32, #tpu.memory_space<hbm>>) target_semaphore(%run_scoped3A_82 : memref<!tpu.dma_semaphore, #tpu.memory_space<semaphore_mem>>)
      %dma_wait3A_87 = arith.constant 0 : i32
      %dma_wait3A_88 = tpu.memref_slice %arg6[%add3A_81, %dma_wait3A_87] : memref<20480x16xf32, #tpu.memory_space<hbm>> -> memref<640x16xf32, #tpu.memory_space<hbm>>
      %dma_wait3A_89 = arith.constant 0 : i32
      %dma_wait3A_90 = tpu.memref_slice %arg14[%mul3A_76, %dma_wait3A_89] : memref<10240x16xf32, #tpu.memory_space<vmem_shared>> -> memref<640x16xf32, #tpu.memory_space<vmem_shared>>
      tpu.wait_dma2 semaphore(%run_scoped3A_82 : memref<!tpu.dma_semaphore, #tpu.memory_space<semaphore_mem>>) src(%dma_wait3A_90 : memref<640x16xf32, #tpu.memory_space<vmem_shared>>) dst(%dma_wait3A_88 : memref<640x16xf32, #tpu.memory_space<hbm>>)
      tpu.yield
    }) : () -> ()
    return
  }
}

#map = affine_map<(d0, d1) -> (0, 0)>
#map1 = affine_map<(d0, d1) -> (0)>
module attributes {stable_mosaic.version = 14 : i64} {
  func.func @k(%arg0: i32, %arg1: i32, %arg2: memref<10240x112xf32, #tpu.memory_space<hbm>>, %arg3: memref<10240xi32, #tpu.memory_space<hbm>>, %arg4: memref<7680x112xf32, #tpu.memory_space<hbm>>, %arg5: memref<12800x112xf32, #tpu.memory_space<hbm>>, %arg6: memref<80xi32, #tpu.memory_space<vmem>>, %arg7: memref<80x112xf32, #tpu.memory_space<vmem>>, %arg8: memref<7680x112xf32, #tpu.memory_space<vmem_shared>>, %arg9: memref<!tpu.dma_semaphore, #tpu.memory_space<semaphore_mem>>) attributes {dimension_semantics = [#tpu.dimension_semantics<core_parallel>, #tpu.dimension_semantics<subcore_parallel>], iteration_bounds = array<i64: 2, 16>, scalar_prefetch = 0 : i64, scratch_operands = 4 : i64, tpu.core_type = #tpu.core_type<sc_vector_subcore>, window_params = [{transform_indices = #map}, {transform_indices = #map1}, {transform_indices = #map}, {transform_indices = #map}]} {
    %mul3A = arith.constant 480 : i32
    %mul3A_0 = arith.muli %arg1, %mul3A : i32
    %mul3A_1 = arith.constant 480 : i32
    %mul3A_2 = arith.muli %arg1, %mul3A_1 : i32
    "tpu.region"() ({
      %run_scoped3A = tpu.sem_alloc : memref<!tpu.dma_semaphore, #tpu.memory_space<semaphore_mem>>
      %dma_start3A = arith.constant 0 : i32
      %dma_start3A_19 = tpu.memref_slice %arg8[%mul3A_2, %dma_start3A] : memref<7680x112xf32, #tpu.memory_space<vmem_shared>> -> memref<480x112xf32, #tpu.memory_space<vmem_shared>>
      %dma_start3A_20 = arith.constant 0 : i32
      %dma_start3A_21 = tpu.memref_slice %arg4[%mul3A_0, %dma_start3A_20] : memref<7680x112xf32, #tpu.memory_space<hbm>> -> memref<480x112xf32, #tpu.memory_space<hbm>>
      tpu.enqueue_dma source(%dma_start3A_21 : memref<480x112xf32, #tpu.memory_space<hbm>>) target(%dma_start3A_19 : memref<480x112xf32, #tpu.memory_space<vmem_shared>>) target_semaphore(%run_scoped3A : memref<!tpu.dma_semaphore, #tpu.memory_space<semaphore_mem>>)
      %dma_wait3A = arith.constant 0 : i32
      %dma_wait3A_22 = tpu.memref_slice %arg8[%mul3A_2, %dma_wait3A] : memref<7680x112xf32, #tpu.memory_space<vmem_shared>> -> memref<480x112xf32, #tpu.memory_space<vmem_shared>>
      %dma_wait3A_23 = arith.constant 0 : i32
      %dma_wait3A_24 = tpu.memref_slice %arg4[%mul3A_0, %dma_wait3A_23] : memref<7680x112xf32, #tpu.memory_space<hbm>> -> memref<480x112xf32, #tpu.memory_space<hbm>>
      tpu.wait_dma2 semaphore(%run_scoped3A : memref<!tpu.dma_semaphore, #tpu.memory_space<semaphore_mem>>) src(%dma_wait3A_24 : memref<480x112xf32, #tpu.memory_space<hbm>>) dst(%dma_wait3A_22 : memref<480x112xf32, #tpu.memory_space<vmem_shared>>)
      tpu.yield
    }) : () -> ()
    %barrier3A = arith.constant 0 : index
    tpu.barrier barrier_id(%barrier3A)
    %mul3A_3 = arith.constant 5120 : i32
    %mul3A_4 = arith.muli %arg0, %mul3A_3 : i32
    %mul3A_5 = arith.constant 320 : i32
    %mul3A_6 = arith.muli %arg1, %mul3A_5 : i32
    %add3A = arith.addi %mul3A_4, %mul3A_6 : i32
    %scan3A = arith.constant 0 : i32
    %scan3A_7 = arith.constant 4 : i32
    %scan3A_8 = arith.addi %scan3A, %scan3A_7 : i32
    %scan3A_9 = arith.constant 1 : i32
    scf.for %scan3A_19 = %scan3A to %scan3A_8 step %scan3A_9  : i32 {
      %mul3A_20 = arith.constant 1 : i32
      %mul3A_21 = arith.muli %scan3A_19, %mul3A_20 : i32
      %add3A_22 = arith.constant 0 : i32
      %add3A_23 = arith.addi %add3A_22, %mul3A_21 : i32
      %mul3A_24 = arith.constant 80 : i32
      %mul3A_25 = arith.muli %add3A_23, %mul3A_24 : i32
      %add3A_26 = arith.addi %add3A, %mul3A_25 : i32
      "tpu.region"() ({
        %run_scoped3A = tpu.sem_alloc : memref<!tpu.dma_semaphore, #tpu.memory_space<semaphore_mem>>
        %dma_start3A = arith.constant 0 : i32
        %dma_start3A_30 = tpu.memref_slice %arg2[%add3A_26, %dma_start3A] : memref<10240x112xf32, #tpu.memory_space<hbm>> -> memref<80x112xf32, #tpu.memory_space<hbm>>
        %dma_start3A_31 = arith.constant 0 : i32
        %dma_start3A_32 = tpu.memref_slice %arg2[%add3A_26, %dma_start3A_31] : memref<10240x112xf32, #tpu.memory_space<hbm>> -> memref<80x112xf32, #tpu.memory_space<hbm>>
        tpu.enqueue_dma source(%dma_start3A_32 : memref<80x112xf32, #tpu.memory_space<hbm>>) target(%arg7 : memref<80x112xf32, #tpu.memory_space<vmem>>) target_semaphore(%run_scoped3A : memref<!tpu.dma_semaphore, #tpu.memory_space<semaphore_mem>>)
        %dma_wait3A = arith.constant 0 : i32
        %dma_wait3A_33 = tpu.memref_slice %arg2[%add3A_26, %dma_wait3A] : memref<10240x112xf32, #tpu.memory_space<hbm>> -> memref<80x112xf32, #tpu.memory_space<hbm>>
        %dma_wait3A_34 = arith.constant 0 : i32
        %dma_wait3A_35 = tpu.memref_slice %arg2[%add3A_26, %dma_wait3A_34] : memref<10240x112xf32, #tpu.memory_space<hbm>> -> memref<80x112xf32, #tpu.memory_space<hbm>>
        tpu.wait_dma2 semaphore(%run_scoped3A : memref<!tpu.dma_semaphore, #tpu.memory_space<semaphore_mem>>) src(%dma_wait3A_35 : memref<80x112xf32, #tpu.memory_space<hbm>>) dst(%arg7 : memref<80x112xf32, #tpu.memory_space<vmem>>)
        tpu.yield
      }) : () -> ()
      %mul3A_27 = arith.constant 80 : i32
      %mul3A_28 = arith.muli %add3A_23, %mul3A_27 : i32
      %add3A_29 = arith.addi %add3A, %mul3A_28 : i32
      "tpu.region"() ({
        %run_scoped3A = tpu.sem_alloc : memref<!tpu.dma_semaphore, #tpu.memory_space<semaphore_mem>>
        %dma_start3A = tpu.memref_slice %arg3[%add3A_29] : memref<10240xi32, #tpu.memory_space<hbm>> -> memref<80xi32, #tpu.memory_space<hbm>>
        %dma_start3A_30 = tpu.memref_slice %arg3[%add3A_29] : memref<10240xi32, #tpu.memory_space<hbm>> -> memref<80xi32, #tpu.memory_space<hbm>>
        tpu.enqueue_dma source(%dma_start3A_30 : memref<80xi32, #tpu.memory_space<hbm>>) target(%arg6 : memref<80xi32, #tpu.memory_space<vmem>>) target_semaphore(%run_scoped3A : memref<!tpu.dma_semaphore, #tpu.memory_space<semaphore_mem>>)
        %dma_wait3A = tpu.memref_slice %arg3[%add3A_29] : memref<10240xi32, #tpu.memory_space<hbm>> -> memref<80xi32, #tpu.memory_space<hbm>>
        %dma_wait3A_31 = tpu.memref_slice %arg3[%add3A_29] : memref<10240xi32, #tpu.memory_space<hbm>> -> memref<80xi32, #tpu.memory_space<hbm>>
        tpu.wait_dma2 semaphore(%run_scoped3A : memref<!tpu.dma_semaphore, #tpu.memory_space<semaphore_mem>>) src(%dma_wait3A_31 : memref<80xi32, #tpu.memory_space<hbm>>) dst(%arg6 : memref<80xi32, #tpu.memory_space<vmem>>)
        tpu.yield
      }) : () -> ()
      "tpu.region"() ({
        %run_scoped3A = tpu.sem_alloc : memref<!tpu.dma_semaphore, #tpu.memory_space<semaphore_mem>>
        %dma_start3A = arith.constant 0 : i32
        %dma_start3A_30 = arith.constant 0 : i32
        %dma_start3A_31 = tpu.memref_slice %arg8[%dma_start3A, %dma_start3A_30] : memref<7680x112xf32, #tpu.memory_space<vmem_shared>> -> memref<7680x112xf32, #tpu.memory_space<vmem_shared>>
        tpu.enqueue_indirect_dma source(%arg7 : memref<80x112xf32, #tpu.memory_space<vmem>>) target(%dma_start3A_31 : memref<7680x112xf32, #tpu.memory_space<vmem_shared>>) offsets(%arg6 : memref<80xi32, #tpu.memory_space<vmem>>) semaphore(%run_scoped3A : memref<!tpu.dma_semaphore, #tpu.memory_space<semaphore_mem>>) {add = true}
        %dma_wait3A = arith.constant 0 : i32
        %dma_wait3A_32 = arith.constant 0 : i32
        %dma_wait3A_33 = tpu.memref_slice %arg8[%dma_wait3A, %dma_wait3A_32] : memref<7680x112xf32, #tpu.memory_space<vmem_shared>> -> memref<7680x112xf32, #tpu.memory_space<vmem_shared>>
        tpu.wait_indirect_dma semaphore(%run_scoped3A : memref<!tpu.dma_semaphore, #tpu.memory_space<semaphore_mem>>) src(%arg7 : memref<80x112xf32, #tpu.memory_space<vmem>>) dst(%dma_wait3A_33 : memref<7680x112xf32, #tpu.memory_space<vmem_shared>>)
        tpu.yield
      }) : () -> ()
    }
    %scan3A_10 = arith.constant 4 : i32
    %barrier3A_11 = arith.constant 0 : index
    tpu.barrier barrier_id(%barrier3A_11)
    %mul3A_12 = arith.constant 400 : i32
    %mul3A_13 = arith.muli %arg1, %mul3A_12 : i32
    %mul3A_14 = arith.constant 6400 : i32
    %mul3A_15 = arith.muli %arg0, %mul3A_14 : i32
    %mul3A_16 = arith.constant 400 : i32
    %mul3A_17 = arith.muli %arg1, %mul3A_16 : i32
    %add3A_18 = arith.addi %mul3A_15, %mul3A_17 : i32
    "tpu.region"() ({
      %run_scoped3A = tpu.sem_alloc : memref<!tpu.dma_semaphore, #tpu.memory_space<semaphore_mem>>
      %dma_start3A = arith.constant 0 : i32
      %dma_start3A_19 = tpu.memref_slice %arg5[%add3A_18, %dma_start3A] : memref<12800x112xf32, #tpu.memory_space<hbm>> -> memref<400x112xf32, #tpu.memory_space<hbm>>
      %dma_start3A_20 = arith.constant 0 : i32
      %dma_start3A_21 = tpu.memref_slice %arg8[%mul3A_13, %dma_start3A_20] : memref<7680x112xf32, #tpu.memory_space<vmem_shared>> -> memref<400x112xf32, #tpu.memory_space<vmem_shared>>
      tpu.enqueue_dma source(%dma_start3A_21 : memref<400x112xf32, #tpu.memory_space<vmem_shared>>) target(%dma_start3A_19 : memref<400x112xf32, #tpu.memory_space<hbm>>) target_semaphore(%run_scoped3A : memref<!tpu.dma_semaphore, #tpu.memory_space<semaphore_mem>>)
      %dma_wait3A = arith.constant 0 : i32
      %dma_wait3A_22 = tpu.memref_slice %arg5[%add3A_18, %dma_wait3A] : memref<12800x112xf32, #tpu.memory_space<hbm>> -> memref<400x112xf32, #tpu.memory_space<hbm>>
      %dma_wait3A_23 = arith.constant 0 : i32
      %dma_wait3A_24 = tpu.memref_slice %arg8[%mul3A_13, %dma_wait3A_23] : memref<7680x112xf32, #tpu.memory_space<vmem_shared>> -> memref<400x112xf32, #tpu.memory_space<vmem_shared>>
      tpu.wait_dma2 semaphore(%run_scoped3A : memref<!tpu.dma_semaphore, #tpu.memory_space<semaphore_mem>>) src(%dma_wait3A_24 : memref<400x112xf32, #tpu.memory_space<vmem_shared>>) dst(%dma_wait3A_22 : memref<400x112xf32, #tpu.memory_space<hbm>>)
      tpu.yield
    }) : () -> ()
    return
  }
}

module attributes {stable_mosaic.version = 14 : i64} {
  func.func @body(%arg0: i32, %arg1: memref<2x1280x16xf32, #tpu.memory_space<vmem>>, %arg2: memref<1280x128xf32, #tpu.memory_space<vmem>>, %arg3: memref<128x32xf32, #tpu.memory_space<vmem>>, %arg4: memref<1280x1xf32, #tpu.memory_space<vmem>>, %arg5: memref<1280x32xf32, #tpu.memory_space<vmem>>) attributes {dimension_semantics = [#tpu.dimension_semantics<arbitrary>], iteration_bounds = array<i64: 8>, scalar_prefetch = 0 : i64, scratch_operands = 0 : i64, tpu.core_type = #tpu.core_type<tc>, window_params = [{transform_indices = @transform_0, window_bounds = array<i64: 2, 1280, 16>}, {transform_indices = @transform_1, window_bounds = array<i64: 1280, 128>}, {pipeline_mode = #tpu.pipeline_mode<synchronous>, transform_indices = @transform_2, window_bounds = array<i64: 128, 32>}, {transform_indices = @transform_3, window_bounds = array<i64: 1280, 1>}, {transform_indices = @transform_4, window_bounds = array<i64: 1280, 32>}]} {
    %get3A = arith.constant 0 : index
    %get3A_0 = arith.constant 0 : index
    %get3A_1 = arith.constant 0 : index
    %get3A_2 = vector.load %arg1[%get3A, %get3A_0, %get3A_1] : memref<2x1280x16xf32, #tpu.memory_space<vmem>>, vector<1x1280x1xf32>
    %get3A_3 = vector.shape_cast %get3A_2 : vector<1x1280x1xf32> to vector<1280xf32>
    %get3A_4 = arith.constant 1 : index
    %get3A_5 = arith.constant 0 : index
    %get3A_6 = arith.constant 0 : index
    %get3A_7 = vector.load %arg1[%get3A_4, %get3A_5, %get3A_6] : memref<2x1280x16xf32, #tpu.memory_space<vmem>>, vector<1x1280x1xf32>
    %get3A_8 = vector.shape_cast %get3A_7 : vector<1x1280x1xf32> to vector<1280xf32>
    %add3A = arith.addf %get3A_3, %get3A_8 : vector<1280xf32>
    %add3A_9 = arith.constant 1.000000e+00 : f32
    %add3A_10 = vector.broadcast %add3A_9 : f32 to vector<1280xf32>
    %add3A_11 = arith.addf %add3A, %add3A_10 : vector<1280xf32>
    %max3A = arith.constant 9.99999996E-13 : f32
    %max3A_12 = vector.broadcast %max3A : f32 to vector<1280xf32>
    %max3A_13 = arith.maximumf %add3A_11, %max3A_12 : vector<1280xf32>
    %rsqrt3A = math.rsqrt %max3A_13 : vector<1280xf32>
    %get3A_14 = arith.constant 0 : index
    %get3A_15 = arith.constant 0 : index
    %get3A_16 = vector.load %arg2[%get3A_14, %get3A_15] : memref<1280x128xf32, #tpu.memory_space<vmem>>, vector<1280x128xf32>
    %get3A_17 = arith.constant 0 : index
    %get3A_18 = arith.constant 0 : index
    %get3A_19 = vector.load %arg3[%get3A_17, %get3A_18] : memref<128x32xf32, #tpu.memory_space<vmem>>, vector<128x32xf32>
    %dot_general3A = arith.constant dense<0.000000e+00> : vector<1280x32xf32>
    %dot_general3A_20 = tpu.matmul %get3A_16, %get3A_19, %dot_general3A {dimension_numbers = #tpu.dot_dimension_numbers<[1], [0], [0], [1], [0, 0, 1, 1], [], []>, transpose_lhs_hint = false} : vector<1280x128xf32>, vector<128x32xf32>, vector<1280x32xf32> -> vector<1280x32xf32>
    %swap3A = arith.constant 0 : index
    %swap3A_21 = arith.constant 0 : index
    %swap3A_22 = vector.load %arg4[%swap3A, %swap3A_21] : memref<1280x1xf32, #tpu.memory_space<vmem>>, vector<1280x1xf32>
    %swap3A_23 = vector.shape_cast %swap3A_22 : vector<1280x1xf32> to vector<1280xf32>
    %swap3A_24 = vector.shape_cast %rsqrt3A : vector<1280xf32> to vector<1280x1xf32>
    tpu.vector_store %arg4[%swap3A, %swap3A_21], %swap3A_24 {strides = array<i32>} : memref<1280x1xf32, #tpu.memory_space<vmem>>, vector<1280x1xf32>,
    %broadcast_in_dim3A = vector.shape_cast %rsqrt3A : vector<1280xf32> to vector<1280x1xf32>
    %mul3A = vector.broadcast %broadcast_in_dim3A : vector<1280x1xf32> to vector<1280x32xf32>
    %mul3A_25 = arith.mulf %mul3A, %dot_general3A_20 : vector<1280x32xf32>
    %swap3A_26 = arith.constant 0 : index
    %swap3A_27 = arith.constant 0 : index
    %swap3A_28 = vector.load %arg5[%swap3A_26, %swap3A_27] : memref<1280x32xf32, #tpu.memory_space<vmem>>, vector<1280x32xf32>
    tpu.vector_store %arg5[%swap3A_26, %swap3A_27], %mul3A_25 {strides = array<i32>} : memref<1280x32xf32, #tpu.memory_space<vmem>>, vector<1280x32xf32>,
    return
  }
  func.func @transform_0(%arg0: i32) -> (i32, i32, i32) {
    %c0_i32 = arith.constant 0 : i32
    %c0_i32_0 = arith.constant 0 : i32
    %c0_i32_1 = arith.constant 0 : i32
    return %c0_i32, %arg0, %c0_i32_0 : i32, i32, i32
  }
  func.func @transform_1(%arg0: i32) -> (i32, i32) {
    %c0_i32 = arith.constant 0 : i32
    %c0_i32_0 = arith.constant 0 : i32
    return %arg0, %c0_i32 : i32, i32
  }
  func.func @transform_2(%arg0: i32) -> (i32, i32) {
    %c0_i32 = arith.constant 0 : i32
    %c0_i32_0 = arith.constant 0 : i32
    %c0_i32_1 = arith.constant 0 : i32
    return %c0_i32, %c0_i32_0 : i32, i32
  }
  func.func @transform_3(%arg0: i32) -> (i32, i32) {
    %c0_i32 = arith.constant 0 : i32
    %c0_i32_0 = arith.constant 0 : i32
    return %arg0, %c0_i32 : i32, i32
  }
  func.func @transform_4(%arg0: i32) -> (i32, i32) {
    %c0_i32 = arith.constant 0 : i32
    %c0_i32_0 = arith.constant 0 : i32
    return %arg0, %c0_i32 : i32, i32
  }
}

module attributes {stable_mosaic.version = 14 : i64} {
  func.func @body(%arg0: i32, %arg1: memref<2x1280x32xf32, #tpu.memory_space<vmem>>, %arg2: memref<1280x32xf32, #tpu.memory_space<vmem>>, %arg3: memref<1280x1xf32, #tpu.memory_space<vmem>>, %arg4: memref<1x32xf32, #tpu.memory_space<vmem>>, %arg5: memref<32x16xf32, #tpu.memory_space<vmem>>, %arg6: memref<1280x32xf32, #tpu.memory_space<vmem>>, %arg7: memref<1280x16xf32, #tpu.memory_space<vmem>>) attributes {dimension_semantics = [#tpu.dimension_semantics<arbitrary>], iteration_bounds = array<i64: 8>, scalar_prefetch = 0 : i64, scratch_operands = 0 : i64, tpu.core_type = #tpu.core_type<tc>, window_params = [{transform_indices = @transform_0, window_bounds = array<i64: 2, 1280, 32>}, {transform_indices = @transform_1, window_bounds = array<i64: 1280, 32>}, {transform_indices = @transform_2, window_bounds = array<i64: 1280, 1>}, {pipeline_mode = #tpu.pipeline_mode<synchronous>, transform_indices = @transform_3, window_bounds = array<i64: 1, 32>}, {pipeline_mode = #tpu.pipeline_mode<synchronous>, transform_indices = @transform_4, window_bounds = array<i64: 32, 16>}, {transform_indices = @transform_5, window_bounds = array<i64: 1280, 32>}, {transform_indices = @transform_6, window_bounds = array<i64: 1280, 16>}]} {
    %get3A = arith.constant 0 : index
    %get3A_0 = arith.constant 0 : index
    %get3A_1 = vector.load %arg3[%get3A, %get3A_0] : memref<1280x1xf32, #tpu.memory_space<vmem>>, vector<1280x1xf32>
    %get3A_2 = vector.shape_cast %get3A_1 : vector<1280x1xf32> to vector<1280xf32>
    %get3A_3 = arith.constant 0 : index
    %get3A_4 = arith.constant 0 : index
    %get3A_5 = arith.constant 0 : index
    %get3A_6 = vector.load %arg1[%get3A_3, %get3A_4, %get3A_5] : memref<2x1280x32xf32, #tpu.memory_space<vmem>>, vector<1x1280x32xf32>
    %get3A_7 = vector.shape_cast %get3A_6 : vector<1x1280x32xf32> to vector<1280x32xf32>
    %get3A_8 = arith.constant 1 : index
    %get3A_9 = arith.constant 0 : index
    %get3A_10 = arith.constant 0 : index
    %get3A_11 = vector.load %arg1[%get3A_8, %get3A_9, %get3A_10] : memref<2x1280x32xf32, #tpu.memory_space<vmem>>, vector<1x1280x32xf32>
    %get3A_12 = vector.shape_cast %get3A_11 : vector<1x1280x32xf32> to vector<1280x32xf32>
    %add3A = arith.addf %get3A_7, %get3A_12 : vector<1280x32xf32>
    %get3A_13 = arith.constant 0 : index
    %get3A_14 = arith.constant 0 : index
    %get3A_15 = vector.load %arg2[%get3A_13, %get3A_14] : memref<1280x32xf32, #tpu.memory_space<vmem>>, vector<1280x32xf32>
    %add3A_16 = arith.addf %add3A, %get3A_15 : vector<1280x32xf32>
    %broadcast_in_dim3A = vector.shape_cast %get3A_2 : vector<1280xf32> to vector<1280x1xf32>
    %mul3A = vector.broadcast %broadcast_in_dim3A : vector<1280x1xf32> to vector<1280x32xf32>
    %mul3A_17 = arith.mulf %mul3A, %add3A_16 : vector<1280x32xf32>
    %get3A_18 = arith.constant 0 : index
    %get3A_19 = arith.constant 0 : index
    %get3A_20 = vector.load %arg4[%get3A_18, %get3A_19] : memref<1x32xf32, #tpu.memory_space<vmem>>, vector<1x32xf32>
    %add3A_21 = vector.broadcast %get3A_20 : vector<1x32xf32> to vector<1280x32xf32>
    %add3A_22 = arith.addf %mul3A_17, %add3A_21 : vector<1280x32xf32>
    %tanh3A = math.tanh %add3A_22 : vector<1280x32xf32>
    %broadcast_in_dim3A_23 = vector.shape_cast %get3A_2 : vector<1280xf32> to vector<1280x1xf32>
    %get3A_24 = arith.constant 0 : index
    %get3A_25 = arith.constant 0 : index
    %get3A_26 = vector.load %arg5[%get3A_24, %get3A_25] : memref<32x16xf32, #tpu.memory_space<vmem>>, vector<32x16xf32>
    %dot_general3A = arith.constant dense<0.000000e+00> : vector<1280x16xf32>
    %dot_general3A_27 = tpu.matmul %tanh3A, %get3A_26, %dot_general3A {dimension_numbers = #tpu.dot_dimension_numbers<[1], [0], [0], [1], [0, 0, 1, 1], [], []>, transpose_lhs_hint = false} : vector<1280x32xf32>, vector<32x16xf32>, vector<1280x16xf32> -> vector<1280x16xf32>
    %mul3A_28 = vector.broadcast %broadcast_in_dim3A_23 : vector<1280x1xf32> to vector<1280x16xf32>
    %mul3A_29 = arith.mulf %mul3A_28, %dot_general3A_27 : vector<1280x16xf32>
    %swap3A = arith.constant 0 : index
    %swap3A_30 = arith.constant 0 : index
    %swap3A_31 = vector.load %arg7[%swap3A, %swap3A_30] : memref<1280x16xf32, #tpu.memory_space<vmem>>, vector<1280x16xf32>
    tpu.vector_store %arg7[%swap3A, %swap3A_30], %mul3A_29 {strides = array<i32>} : memref<1280x16xf32, #tpu.memory_space<vmem>>, vector<1280x16xf32>,
    %swap3A_32 = arith.constant 0 : index
    %swap3A_33 = arith.constant 0 : index
    %swap3A_34 = vector.load %arg6[%swap3A_32, %swap3A_33] : memref<1280x32xf32, #tpu.memory_space<vmem>>, vector<1280x32xf32>
    tpu.vector_store %arg6[%swap3A_32, %swap3A_33], %tanh3A {strides = array<i32>} : memref<1280x32xf32, #tpu.memory_space<vmem>>, vector<1280x32xf32>,
    return
  }
  func.func @transform_0(%arg0: i32) -> (i32, i32, i32) {
    %c0_i32 = arith.constant 0 : i32
    %c0_i32_0 = arith.constant 0 : i32
    %c0_i32_1 = arith.constant 0 : i32
    return %c0_i32, %arg0, %c0_i32_0 : i32, i32, i32
  }
  func.func @transform_1(%arg0: i32) -> (i32, i32) {
    %c0_i32 = arith.constant 0 : i32
    %c0_i32_0 = arith.constant 0 : i32
    return %arg0, %c0_i32 : i32, i32
  }
  func.func @transform_2(%arg0: i32) -> (i32, i32) {
    %c0_i32 = arith.constant 0 : i32
    %c0_i32_0 = arith.constant 0 : i32
    return %arg0, %c0_i32 : i32, i32
  }
  func.func @transform_3(%arg0: i32) -> (i32, i32) {
    %c0_i32 = arith.constant 0 : i32
    %c0_i32_0 = arith.constant 0 : i32
    %c0_i32_1 = arith.constant 0 : i32
    return %c0_i32, %c0_i32_0 : i32, i32
  }
  func.func @transform_4(%arg0: i32) -> (i32, i32) {
    %c0_i32 = arith.constant 0 : i32
    %c0_i32_0 = arith.constant 0 : i32
    %c0_i32_1 = arith.constant 0 : i32
    return %c0_i32, %c0_i32_0 : i32, i32
  }
  func.func @transform_5(%arg0: i32) -> (i32, i32) {
    %c0_i32 = arith.constant 0 : i32
    %c0_i32_0 = arith.constant 0 : i32
    return %arg0, %c0_i32 : i32, i32
  }
  func.func @transform_6(%arg0: i32) -> (i32, i32) {
    %c0_i32 = arith.constant 0 : i32
    %c0_i32_0 = arith.constant 0 : i32
    return %arg0, %c0_i32 : i32, i32
  }
}

module attributes {stable_mosaic.version = 14 : i64} {
  func.func @body(%arg0: i32, %arg1: memref<2x1280x32xf32, #tpu.memory_space<vmem>>, %arg2: memref<1280x32xf32, #tpu.memory_space<vmem>>, %arg3: memref<1280x1xf32, #tpu.memory_space<vmem>>, %arg4: memref<1x32xf32, #tpu.memory_space<vmem>>, %arg5: memref<32x32xf32, #tpu.memory_space<vmem>>, %arg6: memref<1280x32xf32, #tpu.memory_space<vmem>>, %arg7: memref<1280x32xf32, #tpu.memory_space<vmem>>) attributes {dimension_semantics = [#tpu.dimension_semantics<arbitrary>], iteration_bounds = array<i64: 8>, scalar_prefetch = 0 : i64, scratch_operands = 0 : i64, tpu.core_type = #tpu.core_type<tc>, window_params = [{transform_indices = @transform_0, window_bounds = array<i64: 2, 1280, 32>}, {transform_indices = @transform_1, window_bounds = array<i64: 1280, 32>}, {transform_indices = @transform_2, window_bounds = array<i64: 1280, 1>}, {pipeline_mode = #tpu.pipeline_mode<synchronous>, transform_indices = @transform_3, window_bounds = array<i64: 1, 32>}, {pipeline_mode = #tpu.pipeline_mode<synchronous>, transform_indices = @transform_4, window_bounds = array<i64: 32, 32>}, {transform_indices = @transform_5, window_bounds = array<i64: 1280, 32>}, {transform_indices = @transform_6, window_bounds = array<i64: 1280, 32>}]} {
    %get3A = arith.constant 0 : index
    %get3A_0 = arith.constant 0 : index
    %get3A_1 = vector.load %arg3[%get3A, %get3A_0] : memref<1280x1xf32, #tpu.memory_space<vmem>>, vector<1280x1xf32>
    %get3A_2 = vector.shape_cast %get3A_1 : vector<1280x1xf32> to vector<1280xf32>
    %get3A_3 = arith.constant 0 : index
    %get3A_4 = arith.constant 0 : index
    %get3A_5 = arith.constant 0 : index
    %get3A_6 = vector.load %arg1[%get3A_3, %get3A_4, %get3A_5] : memref<2x1280x32xf32, #tpu.memory_space<vmem>>, vector<1x1280x32xf32>
    %get3A_7 = vector.shape_cast %get3A_6 : vector<1x1280x32xf32> to vector<1280x32xf32>
    %get3A_8 = arith.constant 1 : index
    %get3A_9 = arith.constant 0 : index
    %get3A_10 = arith.constant 0 : index
    %get3A_11 = vector.load %arg1[%get3A_8, %get3A_9, %get3A_10] : memref<2x1280x32xf32, #tpu.memory_space<vmem>>, vector<1x1280x32xf32>
    %get3A_12 = vector.shape_cast %get3A_11 : vector<1x1280x32xf32> to vector<1280x32xf32>
    %add3A = arith.addf %get3A_7, %get3A_12 : vector<1280x32xf32>
    %get3A_13 = arith.constant 0 : index
    %get3A_14 = arith.constant 0 : index
    %get3A_15 = vector.load %arg2[%get3A_13, %get3A_14] : memref<1280x32xf32, #tpu.memory_space<vmem>>, vector<1280x32xf32>
    %add3A_16 = arith.addf %add3A, %get3A_15 : vector<1280x32xf32>
    %broadcast_in_dim3A = vector.shape_cast %get3A_2 : vector<1280xf32> to vector<1280x1xf32>
    %mul3A = vector.broadcast %broadcast_in_dim3A : vector<1280x1xf32> to vector<1280x32xf32>
    %mul3A_17 = arith.mulf %mul3A, %add3A_16 : vector<1280x32xf32>
    %get3A_18 = arith.constant 0 : index
    %get3A_19 = arith.constant 0 : index
    %get3A_20 = vector.load %arg4[%get3A_18, %get3A_19] : memref<1x32xf32, #tpu.memory_space<vmem>>, vector<1x32xf32>
    %add3A_21 = vector.broadcast %get3A_20 : vector<1x32xf32> to vector<1280x32xf32>
    %add3A_22 = arith.addf %mul3A_17, %add3A_21 : vector<1280x32xf32>
    %tanh3A = math.tanh %add3A_22 : vector<1280x32xf32>
    %broadcast_in_dim3A_23 = vector.shape_cast %get3A_2 : vector<1280xf32> to vector<1280x1xf32>
    %get3A_24 = arith.constant 0 : index
    %get3A_25 = arith.constant 0 : index
    %get3A_26 = vector.load %arg5[%get3A_24, %get3A_25] : memref<32x32xf32, #tpu.memory_space<vmem>>, vector<32x32xf32>
    %dot_general3A = arith.constant dense<0.000000e+00> : vector<1280x32xf32>
    %dot_general3A_27 = tpu.matmul %tanh3A, %get3A_26, %dot_general3A {dimension_numbers = #tpu.dot_dimension_numbers<[1], [0], [0], [1], [0, 0, 1, 1], [], []>, transpose_lhs_hint = false} : vector<1280x32xf32>, vector<32x32xf32>, vector<1280x32xf32> -> vector<1280x32xf32>
    %mul3A_28 = vector.broadcast %broadcast_in_dim3A_23 : vector<1280x1xf32> to vector<1280x32xf32>
    %mul3A_29 = arith.mulf %mul3A_28, %dot_general3A_27 : vector<1280x32xf32>
    %swap3A = arith.constant 0 : index
    %swap3A_30 = arith.constant 0 : index
    %swap3A_31 = vector.load %arg7[%swap3A, %swap3A_30] : memref<1280x32xf32, #tpu.memory_space<vmem>>, vector<1280x32xf32>
    tpu.vector_store %arg7[%swap3A, %swap3A_30], %mul3A_29 {strides = array<i32>} : memref<1280x32xf32, #tpu.memory_space<vmem>>, vector<1280x32xf32>,
    %swap3A_32 = arith.constant 0 : index
    %swap3A_33 = arith.constant 0 : index
    %swap3A_34 = vector.load %arg6[%swap3A_32, %swap3A_33] : memref<1280x32xf32, #tpu.memory_space<vmem>>, vector<1280x32xf32>
    tpu.vector_store %arg6[%swap3A_32, %swap3A_33], %tanh3A {strides = array<i32>} : memref<1280x32xf32, #tpu.memory_space<vmem>>, vector<1280x32xf32>,
    return
  }
  func.func @transform_0(%arg0: i32) -> (i32, i32, i32) {
    %c0_i32 = arith.constant 0 : i32
    %c0_i32_0 = arith.constant 0 : i32
    %c0_i32_1 = arith.constant 0 : i32
    return %c0_i32, %arg0, %c0_i32_0 : i32, i32, i32
  }
  func.func @transform_1(%arg0: i32) -> (i32, i32) {
    %c0_i32 = arith.constant 0 : i32
    %c0_i32_0 = arith.constant 0 : i32
    return %arg0, %c0_i32 : i32, i32
  }
  func.func @transform_2(%arg0: i32) -> (i32, i32) {
    %c0_i32 = arith.constant 0 : i32
    %c0_i32_0 = arith.constant 0 : i32
    return %arg0, %c0_i32 : i32, i32
  }
  func.func @transform_3(%arg0: i32) -> (i32, i32) {
    %c0_i32 = arith.constant 0 : i32
    %c0_i32_0 = arith.constant 0 : i32
    %c0_i32_1 = arith.constant 0 : i32
    return %c0_i32, %c0_i32_0 : i32, i32
  }
  func.func @transform_4(%arg0: i32) -> (i32, i32) {
    %c0_i32 = arith.constant 0 : i32
    %c0_i32_0 = arith.constant 0 : i32
    %c0_i32_1 = arith.constant 0 : i32
    return %c0_i32, %c0_i32_0 : i32, i32
  }
  func.func @transform_5(%arg0: i32) -> (i32, i32) {
    %c0_i32 = arith.constant 0 : i32
    %c0_i32_0 = arith.constant 0 : i32
    return %arg0, %c0_i32 : i32, i32
  }
  func.func @transform_6(%arg0: i32) -> (i32, i32) {
    %c0_i32 = arith.constant 0 : i32
    %c0_i32_0 = arith.constant 0 : i32
    return %arg0, %c0_i32 : i32, i32
  }
}

module attributes {stable_mosaic.version = 14 : i64} {
  func.func @body(%arg0: i32, %arg1: memref<1280x32xf32, #tpu.memory_space<vmem>>, %arg2: memref<1280x32xf32, #tpu.memory_space<vmem>>, %arg3: memref<1280x32xf32, #tpu.memory_space<vmem>>, %arg4: memref<2x1280x16xf32, #tpu.memory_space<vmem>>, %arg5: memref<1280x16xf32, #tpu.memory_space<vmem>>, %arg6: memref<1280x1xf32, #tpu.memory_space<vmem>>, %arg7: memref<1x1xf32, #tpu.memory_space<vmem>>, %arg8: memref<1280x112xf32, #tpu.memory_space<vmem>>, %arg9: memref<1280x1xf32, #tpu.memory_space<vmem>>) attributes {dimension_semantics = [#tpu.dimension_semantics<arbitrary>], iteration_bounds = array<i64: 8>, scalar_prefetch = 0 : i64, scratch_operands = 0 : i64, tpu.core_type = #tpu.core_type<tc>, window_params = [{transform_indices = @transform_0, window_bounds = array<i64: 1280, 32>}, {transform_indices = @transform_1, window_bounds = array<i64: 1280, 32>}, {transform_indices = @transform_2, window_bounds = array<i64: 1280, 32>}, {transform_indices = @transform_3, window_bounds = array<i64: 2, 1280, 16>}, {transform_indices = @transform_4, window_bounds = array<i64: 1280, 16>}, {transform_indices = @transform_5, window_bounds = array<i64: 1280, 1>}, {pipeline_mode = #tpu.pipeline_mode<synchronous>, transform_indices = @transform_6, window_bounds = array<i64: 1, 1>}, {transform_indices = @transform_7, window_bounds = array<i64: 1280, 112>}, {transform_indices = @transform_8, window_bounds = array<i64: 1280, 1>}]} {
    %get3A = arith.constant 0 : index
    %get3A_0 = arith.constant 0 : index
    %get3A_1 = vector.load %arg6[%get3A, %get3A_0] : memref<1280x1xf32, #tpu.memory_space<vmem>>, vector<1280x1xf32>
    %get3A_2 = vector.shape_cast %get3A_1 : vector<1280x1xf32> to vector<1280xf32>
    %get3A_3 = arith.constant 0 : index
    %get3A_4 = arith.constant 0 : index
    %get3A_5 = arith.constant 0 : index
    %get3A_6 = vector.load %arg4[%get3A_3, %get3A_4, %get3A_5] : memref<2x1280x16xf32, #tpu.memory_space<vmem>>, vector<1x1280x16xf32>
    %get3A_7 = vector.shape_cast %get3A_6 : vector<1x1280x16xf32> to vector<1280x16xf32>
    %get3A_8 = arith.constant 1 : index
    %get3A_9 = arith.constant 0 : index
    %get3A_10 = arith.constant 0 : index
    %get3A_11 = vector.load %arg4[%get3A_8, %get3A_9, %get3A_10] : memref<2x1280x16xf32, #tpu.memory_space<vmem>>, vector<1x1280x16xf32>
    %get3A_12 = vector.shape_cast %get3A_11 : vector<1x1280x16xf32> to vector<1280x16xf32>
    %add3A = arith.addf %get3A_7, %get3A_12 : vector<1280x16xf32>
    %get3A_13 = arith.constant 0 : index
    %get3A_14 = arith.constant 0 : index
    %get3A_15 = vector.load %arg5[%get3A_13, %get3A_14] : memref<1280x16xf32, #tpu.memory_space<vmem>>, vector<1280x16xf32>
    %add3A_16 = arith.addf %add3A, %get3A_15 : vector<1280x16xf32>
    %broadcast_in_dim3A = vector.shape_cast %get3A_2 : vector<1280xf32> to vector<1280x1xf32>
    %mul3A = vector.broadcast %broadcast_in_dim3A : vector<1280x1xf32> to vector<1280x16xf32>
    %mul3A_17 = arith.mulf %mul3A, %add3A_16 : vector<1280x16xf32>
    %get3A_18 = arith.constant 0 : index
    %get3A_19 = arith.constant 0 : index
    %get3A_20 = vector.load %arg7[%get3A_18, %get3A_19] : memref<1x1xf32, #tpu.memory_space<vmem>>, vector<1x1xf32>
    %get3A_21 = vector.extract %get3A_20[0, 0] : f32 from vector<1x1xf32>
    %add3A_22 = vector.broadcast %get3A_21 : f32 to vector<1280x16xf32>
    %add3A_23 = arith.addf %mul3A_17, %add3A_22 : vector<1280x16xf32>
    %tanh3A = math.tanh %add3A_23 : vector<1280x16xf32>
    %get3A_24 = arith.constant 0 : index
    %get3A_25 = arith.constant 0 : index
    %get3A_26 = vector.load %arg1[%get3A_24, %get3A_25] : memref<1280x32xf32, #tpu.memory_space<vmem>>, vector<1280x32xf32>
    %swap3A = arith.constant 0 : index
    %swap3A_27 = arith.constant 0 : index
    %swap3A_28 = vector.load %arg8[%swap3A, %swap3A_27] : memref<1280x112xf32, #tpu.memory_space<vmem>>, vector<1280x32xf32>
    tpu.vector_store %arg8[%swap3A, %swap3A_27], %get3A_26 {strides = array<i32>} : memref<1280x112xf32, #tpu.memory_space<vmem>>, vector<1280x32xf32>,
    %get3A_29 = arith.constant 0 : index
    %get3A_30 = arith.constant 0 : index
    %get3A_31 = vector.load %arg2[%get3A_29, %get3A_30] : memref<1280x32xf32, #tpu.memory_space<vmem>>, vector<1280x32xf32>
    %swap3A_32 = arith.constant 0 : index
    %swap3A_33 = arith.constant 32 : index
    %swap3A_34 = vector.load %arg8[%swap3A_32, %swap3A_33] : memref<1280x112xf32, #tpu.memory_space<vmem>>, vector<1280x32xf32>
    tpu.vector_store %arg8[%swap3A_32, %swap3A_33], %get3A_31 {strides = array<i32>} : memref<1280x112xf32, #tpu.memory_space<vmem>>, vector<1280x32xf32>,
    %get3A_35 = arith.constant 0 : index
    %get3A_36 = arith.constant 0 : index
    %get3A_37 = vector.load %arg3[%get3A_35, %get3A_36] : memref<1280x32xf32, #tpu.memory_space<vmem>>, vector<1280x32xf32>
    %swap3A_38 = arith.constant 0 : index
    %swap3A_39 = arith.constant 64 : index
    %swap3A_40 = vector.load %arg8[%swap3A_38, %swap3A_39] : memref<1280x112xf32, #tpu.memory_space<vmem>>, vector<1280x32xf32>
    tpu.vector_store %arg8[%swap3A_38, %swap3A_39], %get3A_37 {strides = array<i32>} : memref<1280x112xf32, #tpu.memory_space<vmem>>, vector<1280x32xf32>,
    %iota3A = tpu.iota {dimensions = array<i32: 1>} : vector<1280x16xi32>
    %eq3A = arith.constant 0 : i32
    %eq3A_41 = vector.broadcast %eq3A : i32 to vector<1280x16xi32>
    %eq3A_42 = arith.cmpi eq, %iota3A, %eq3A_41 : vector<1280x16xi32>
    %jit3A = arith.constant 0.000000e+00 : f32
    %broadcast_in_dim3A_43 = vector.broadcast %jit3A : f32 to vector<1280x16xf32>
    %select_n3A = arith.select %eq3A_42, %tanh3A, %broadcast_in_dim3A_43 : vector<1280x16xi1>, vector<1280x16xf32>
    %swap3A_44 = arith.constant 0 : index
    %swap3A_45 = arith.constant 96 : index
    %swap3A_46 = vector.load %arg8[%swap3A_44, %swap3A_45] : memref<1280x112xf32, #tpu.memory_space<vmem>>, vector<1280x16xf32>
    tpu.vector_store %arg8[%swap3A_44, %swap3A_45], %select_n3A {strides = array<i32>} : memref<1280x112xf32, #tpu.memory_space<vmem>>, vector<1280x16xf32>,
    %slice3A = vector.extract_strided_slice %tanh3A {offsets = [0, 0], sizes = [1280, 1], strides = [1, 1]} : vector<1280x16xf32> to vector<1280x1xf32>
    %squeeze3A = vector.shape_cast %slice3A : vector<1280x1xf32> to vector<1280xf32>
    %swap3A_47 = arith.constant 0 : index
    %swap3A_48 = arith.constant 0 : index
    %swap3A_49 = vector.load %arg9[%swap3A_47, %swap3A_48] : memref<1280x1xf32, #tpu.memory_space<vmem>>, vector<1280x1xf32>
    %swap3A_50 = vector.shape_cast %swap3A_49 : vector<1280x1xf32> to vector<1280xf32>
    %swap3A_51 = vector.shape_cast %squeeze3A : vector<1280xf32> to vector<1280x1xf32>
    tpu.vector_store %arg9[%swap3A_47, %swap3A_48], %swap3A_51 {strides = array<i32>} : memref<1280x1xf32, #tpu.memory_space<vmem>>, vector<1280x1xf32>,
    return
  }
  func.func @transform_0(%arg0: i32) -> (i32, i32) {
    %c0_i32 = arith.constant 0 : i32
    %c0_i32_0 = arith.constant 0 : i32
    return %arg0, %c0_i32 : i32, i32
  }
  func.func @transform_1(%arg0: i32) -> (i32, i32) {
    %c0_i32 = arith.constant 0 : i32
    %c0_i32_0 = arith.constant 0 : i32
    return %arg0, %c0_i32 : i32, i32
  }
  func.func @transform_2(%arg0: i32) -> (i32, i32) {
    %c0_i32 = arith.constant 0 : i32
    %c0_i32_0 = arith.constant 0 : i32
    return %arg0, %c0_i32 : i32, i32
  }
  func.func @transform_3(%arg0: i32) -> (i32, i32, i32) {
    %c0_i32 = arith.constant 0 : i32
    %c0_i32_0 = arith.constant 0 : i32
    %c0_i32_1 = arith.constant 0 : i32
    return %c0_i32, %arg0, %c0_i32_0 : i32, i32, i32
  }
  func.func @transform_4(%arg0: i32) -> (i32, i32) {
    %c0_i32 = arith.constant 0 : i32
    %c0_i32_0 = arith.constant 0 : i32
    return %arg0, %c0_i32 : i32, i32
  }
  func.func @transform_5(%arg0: i32) -> (i32, i32) {
    %c0_i32 = arith.constant 0 : i32
    %c0_i32_0 = arith.constant 0 : i32
    return %arg0, %c0_i32 : i32, i32
  }
  func.func @transform_6(%arg0: i32) -> (i32, i32) {
    %c0_i32 = arith.constant 0 : i32
    %c0_i32_0 = arith.constant 0 : i32
    %c0_i32_1 = arith.constant 0 : i32
    return %c0_i32, %c0_i32_0 : i32, i32
  }
  func.func @transform_7(%arg0: i32) -> (i32, i32) {
    %c0_i32 = arith.constant 0 : i32
    %c0_i32_0 = arith.constant 0 : i32
    return %arg0, %c0_i32 : i32, i32
  }
  func.func @transform_8(%arg0: i32) -> (i32, i32) {
    %c0_i32 = arith.constant 0 : i32
    %c0_i32_0 = arith.constant 0 : i32
    return %arg0, %c0_i32 : i32, i32
  }
}

module attributes {stable_mosaic.version = 14 : i64} {
  func.func @body(%arg0: i32, %arg1: memref<256x1xf32, #tpu.memory_space<vmem>>, %arg2: memref<256x1xi32, #tpu.memory_space<vmem>>, %arg3: memref<1x10240xf32, #tpu.memory_space<vmem>>, %arg4: memref<1x10240xi32, #tpu.memory_space<vmem>>, %arg5: memref<256x1xi32, #tpu.memory_space<vmem>>) attributes {dimension_semantics = [#tpu.dimension_semantics<arbitrary>], iteration_bounds = array<i64: 40>, scalar_prefetch = 0 : i64, scratch_operands = 0 : i64, tpu.core_type = #tpu.core_type<tc>, window_params = [{transform_indices = @transform_0, window_bounds = array<i64: 256, 1>}, {transform_indices = @transform_1, window_bounds = array<i64: 256, 1>}, {pipeline_mode = #tpu.pipeline_mode<synchronous>, transform_indices = @transform_2, window_bounds = array<i64: 1, 10240>}, {pipeline_mode = #tpu.pipeline_mode<synchronous>, transform_indices = @transform_3, window_bounds = array<i64: 1, 10240>}, {transform_indices = @transform_4, window_bounds = array<i64: 256, 1>}]} {
    %mul3A = arith.constant 256 : i32
    %mul3A_0 = arith.muli %arg0, %mul3A : i32
    %get3A = arith.constant 0 : index
    %get3A_1 = arith.constant 0 : index
    %get3A_2 = vector.load %arg1[%get3A, %get3A_1] : memref<256x1xf32, #tpu.memory_space<vmem>>, vector<256x1xf32>
    %get3A_3 = arith.constant 0 : index
    %get3A_4 = arith.constant 0 : index
    %get3A_5 = vector.load %arg2[%get3A_3, %get3A_4] : memref<256x1xi32, #tpu.memory_space<vmem>>, vector<256x1xi32>
    %iota3A = tpu.iota {dimensions = array<i32: 0>} : vector<256x1xi32>
    %add3A = vector.broadcast %mul3A_0 : i32 to vector<256x1xi32>
    %add3A_6 = arith.addi %add3A, %iota3A : vector<256x1xi32>
    %get3A_7 = arith.constant 0 : index
    %get3A_8 = arith.constant 0 : index
    %get3A_9 = vector.load %arg4[%get3A_7, %get3A_8] : memref<1x10240xi32, #tpu.memory_space<vmem>>, vector<1x10240xi32>
    %reduce_min3A = vector.shape_cast %get3A_5 : vector<256x1xi32> to vector<1x256x1xi32>
    %reduce_min3A_10 = arith.constant dense<2147483647> : vector<1xi32>
    %reduce_min3A_11 = vector.multi_reduction <minsi>, %reduce_min3A, %reduce_min3A_10 [1, 2] : vector<1x256x1xi32> to vector<1xi32>
    %reduce_min3A_12 = vector.shape_cast %reduce_min3A_11 : vector<1xi32> to vector<1x1x1xi32>
    %reduce_min3A_13 = vector.extract %reduce_min3A_12[0, 0, 0] : i32 from vector<1x1x1xi32>
    %reduce_max3A = vector.shape_cast %get3A_5 : vector<256x1xi32> to vector<1x256x1xi32>
    %reduce_max3A_14 = arith.constant dense<-2147483648> : vector<1xi32>
    %reduce_max3A_15 = vector.multi_reduction <maxsi>, %reduce_max3A, %reduce_max3A_14 [1, 2] : vector<1x256x1xi32> to vector<1xi32>
    %reduce_max3A_16 = vector.shape_cast %reduce_max3A_15 : vector<1xi32> to vector<1x1x1xi32>
    %reduce_max3A_17 = vector.extract %reduce_max3A_16[0, 0, 0] : i32 from vector<1x1x1xi32>
    %lt3A = vector.broadcast %reduce_min3A_13 : i32 to vector<1x10240xi32>
    %lt3A_18 = arith.cmpi slt, %get3A_9, %lt3A : vector<1x10240xi32>
    %convert_element_type3A = arith.extui %lt3A_18 : vector<1x10240xi1> to vector<1x10240xi32>
    %reduce_sum3A = vector.shape_cast %convert_element_type3A : vector<1x10240xi32> to vector<1x1x10240xi32>
    %reduce_sum3A_19 = arith.constant dense<0> : vector<1xi32>
    %reduce_sum3A_20 = vector.multi_reduction <add>, %reduce_sum3A, %reduce_sum3A_19 [1, 2] : vector<1x1x10240xi32> to vector<1xi32>
    %reduce_sum3A_21 = vector.shape_cast %reduce_sum3A_20 : vector<1xi32> to vector<1x1x1xi32>
    %reduce_sum3A_22 = vector.extract %reduce_sum3A_21[0, 0, 0] : i32 from vector<1x1x1xi32>
    %le3A = vector.broadcast %reduce_max3A_17 : i32 to vector<1x10240xi32>
    %le3A_23 = arith.cmpi sle, %get3A_9, %le3A : vector<1x10240xi32>
    %convert_element_type3A_24 = arith.extui %le3A_23 : vector<1x10240xi1> to vector<1x10240xi32>
    %reduce_sum3A_25 = vector.shape_cast %convert_element_type3A_24 : vector<1x10240xi32> to vector<1x1x10240xi32>
    %reduce_sum3A_26 = arith.constant dense<0> : vector<1xi32>
    %reduce_sum3A_27 = vector.multi_reduction <add>, %reduce_sum3A_25, %reduce_sum3A_26 [1, 2] : vector<1x1x10240xi32> to vector<1xi32>
    %reduce_sum3A_28 = vector.shape_cast %reduce_sum3A_27 : vector<1xi32> to vector<1x1x1xi32>
    %reduce_sum3A_29 = vector.extract %reduce_sum3A_28[0, 0, 0] : i32 from vector<1x1x1xi32>
    %jit3A = arith.constant 512 : i32
    %div3A = arith.divsi %reduce_sum3A_22, %jit3A : i32
    %sign3A = arith.constant 0 : i32
    %sign3A_30 = arith.cmpi sgt, %reduce_sum3A_22, %sign3A : i32
    %sign3A_31 = arith.extui %sign3A_30 : i1 to i32
    %sign3A_32 = arith.constant 0 : i32
    %sign3A_33 = arith.cmpi slt, %reduce_sum3A_22, %sign3A_32 : i32
    %sign3A_34 = arith.extui %sign3A_33 : i1 to i32
    %sign3A_35 = arith.subi %sign3A_31, %sign3A_34 : i32
    %sign3A_36 = arith.constant 0 : i32
    %sign3A_37 = arith.cmpi sgt, %jit3A, %sign3A_36 : i32
    %sign3A_38 = arith.extui %sign3A_37 : i1 to i32
    %sign3A_39 = arith.constant 0 : i32
    %sign3A_40 = arith.cmpi slt, %jit3A, %sign3A_39 : i32
    %sign3A_41 = arith.extui %sign3A_40 : i1 to i32
    %sign3A_42 = arith.subi %sign3A_38, %sign3A_41 : i32
    %ne3A = arith.cmpi ne, %sign3A_35, %sign3A_42 : i32
    %rem3A = arith.remsi %reduce_sum3A_22, %jit3A : i32
    %ne3A_43 = arith.constant 0 : i32
    %ne3A_44 = arith.cmpi ne, %rem3A, %ne3A_43 : i32
    %and3A = arith.andi %ne3A, %ne3A_44 : i1
    %sub3A = arith.constant 1 : i32
    %sub3A_45 = arith.subi %div3A, %sub3A : i32
    %select_n3A = arith.select %and3A, %sub3A_45, %div3A : i32
    %add3A_46 = arith.constant 512 : i32
    %add3A_47 = arith.addi %reduce_sum3A_29, %add3A_46 : i32
    %sub3A_48 = arith.constant 1 : i32
    %sub3A_49 = arith.subi %add3A_47, %sub3A_48 : i32
    %jit3A_50 = arith.constant 512 : i32
    %div3A_51 = arith.divsi %sub3A_49, %jit3A_50 : i32
    %sign3A_52 = arith.constant 0 : i32
    %sign3A_53 = arith.cmpi sgt, %sub3A_49, %sign3A_52 : i32
    %sign3A_54 = arith.extui %sign3A_53 : i1 to i32
    %sign3A_55 = arith.constant 0 : i32
    %sign3A_56 = arith.cmpi slt, %sub3A_49, %sign3A_55 : i32
    %sign3A_57 = arith.extui %sign3A_56 : i1 to i32
    %sign3A_58 = arith.subi %sign3A_54, %sign3A_57 : i32
    %sign3A_59 = arith.constant 0 : i32
    %sign3A_60 = arith.cmpi sgt, %jit3A_50, %sign3A_59 : i32
    %sign3A_61 = arith.extui %sign3A_60 : i1 to i32
    %sign3A_62 = arith.constant 0 : i32
    %sign3A_63 = arith.cmpi slt, %jit3A_50, %sign3A_62 : i32
    %sign3A_64 = arith.extui %sign3A_63 : i1 to i32
    %sign3A_65 = arith.subi %sign3A_61, %sign3A_64 : i32
    %ne3A_66 = arith.cmpi ne, %sign3A_58, %sign3A_65 : i32
    %rem3A_67 = arith.remsi %sub3A_49, %jit3A_50 : i32
    %ne3A_68 = arith.constant 0 : i32
    %ne3A_69 = arith.cmpi ne, %rem3A_67, %ne3A_68 : i32
    %and3A_70 = arith.andi %ne3A_66, %ne3A_69 : i1
    %sub3A_71 = arith.constant 1 : i32
    %sub3A_72 = arith.subi %div3A_51, %sub3A_71 : i32
    %select_n3A_73 = arith.select %and3A_70, %sub3A_72, %div3A_51 : i32
    %broadcast_in_dim3A = arith.constant 0 : i32
    %broadcast_in_dim3A_74 = vector.broadcast %broadcast_in_dim3A : i32 to vector<256x1xi32>
    %while3A = arith.subi %select_n3A_73, %select_n3A : i32
    %while3A_75 = arith.addi %select_n3A, %while3A : i32
    %while3A_76 = arith.constant 1 : i32
    %while3A_77 = arith.divsi %while3A, %while3A_76 : i32
    %while3A_78 = arith.muli %while3A_77, %while3A_76 : i32
    %while3A_79 = arith.addi %select_n3A, %while3A_78 : i32
    %while3A_80 = arith.constant 1 : i32
    %while3A_81 = scf.for %while3A_104 = %select_n3A to %while3A_79 step %while3A_80 iter_args(%while3A_105 = %broadcast_in_dim3A_74) -> (vector<256x1xi32>)  : i32 {
      %mul3A_106 = arith.constant 512 : i32
      %mul3A_107 = arith.muli %while3A_104, %mul3A_106 : i32
      %get3A_108 = arith.constant 0 : index
      %get3A_109 = arith.index_cast %mul3A_107 : i32 to index
      %get3A_110 = vector.load %arg3[%get3A_108, %get3A_109] : memref<1x10240xf32, #tpu.memory_space<vmem>>, vector<1x512xf32>
      %get3A_111 = arith.constant 0 : index
      %get3A_112 = arith.index_cast %mul3A_107 : i32 to index
      %get3A_113 = vector.load %arg4[%get3A_111, %get3A_112] : memref<1x10240xi32, #tpu.memory_space<vmem>>, vector<1x512xi32>
      %iota3A_114 = tpu.iota {dimensions = array<i32: 1>} : vector<1x512xi32>
      %add3A_115 = vector.broadcast %mul3A_107 : i32 to vector<1x512xi32>
      %add3A_116 = arith.addi %add3A_115, %iota3A_114 : vector<1x512xi32>
      %eq3A = vector.broadcast %get3A_113 : vector<1x512xi32> to vector<256x512xi32>
      %eq3A_117 = vector.broadcast %get3A_5 : vector<256x1xi32> to vector<256x512xi32>
      %eq3A_118 = arith.cmpi eq, %eq3A, %eq3A_117 : vector<256x512xi32>
      %gt3A = vector.broadcast %get3A_110 : vector<1x512xf32> to vector<256x512xf32>
      %gt3A_119 = vector.broadcast %get3A_2 : vector<256x1xf32> to vector<256x512xf32>
      %gt3A_120 = arith.cmpf ogt, %gt3A, %gt3A_119 : vector<256x512xf32>
      %eq3A_121 = vector.broadcast %get3A_110 : vector<1x512xf32> to vector<256x512xf32>
      %eq3A_122 = vector.broadcast %get3A_2 : vector<256x1xf32> to vector<256x512xf32>
      %eq3A_123 = arith.cmpf oeq, %eq3A_121, %eq3A_122 : vector<256x512xf32>
      %lt3A_124 = vector.broadcast %add3A_116 : vector<1x512xi32> to vector<256x512xi32>
      %lt3A_125 = vector.broadcast %add3A_6 : vector<256x1xi32> to vector<256x512xi32>
      %lt3A_126 = arith.cmpi slt, %lt3A_124, %lt3A_125 : vector<256x512xi32>
      %and3A_127 = arith.andi %eq3A_123, %lt3A_126 : vector<256x512xi1>
      %or3A = arith.ori %gt3A_120, %and3A_127 : vector<256x512xi1>
      %and3A_128 = arith.andi %eq3A_118, %or3A : vector<256x512xi1>
      %convert_element_type3A_129 = arith.extui %and3A_128 : vector<256x512xi1> to vector<256x512xi32>
      %reduce_sum3A_130 = arith.constant dense<0> : vector<256xi32>
      %reduce_sum3A_131 = vector.multi_reduction <add>, %convert_element_type3A_129, %reduce_sum3A_130 [1] : vector<256x512xi32> to vector<256xi32>
      %broadcast_in_dim3A_132 = vector.shape_cast %reduce_sum3A_131 : vector<256xi32> to vector<256x1xi32>
      %add3A_133 = arith.addi %while3A_105, %broadcast_in_dim3A_132 : vector<256x1xi32>
      scf.yield %add3A_133 : vector<256x1xi32>
    }
    %while3A_82 = arith.constant 1 : i32
    %while3A_83 = scf.for %while3A_104 = %while3A_79 to %while3A_75 step %while3A_82 iter_args(%while3A_105 = %while3A_81) -> (vector<256x1xi32>)  : i32 {
      %mul3A_106 = arith.constant 512 : i32
      %mul3A_107 = arith.muli %while3A_104, %mul3A_106 : i32
      %get3A_108 = arith.constant 0 : index
      %get3A_109 = arith.index_cast %mul3A_107 : i32 to index
      %get3A_110 = vector.load %arg3[%get3A_108, %get3A_109] : memref<1x10240xf32, #tpu.memory_space<vmem>>, vector<1x512xf32>
      %get3A_111 = arith.constant 0 : index
      %get3A_112 = arith.index_cast %mul3A_107 : i32 to index
      %get3A_113 = vector.load %arg4[%get3A_111, %get3A_112] : memref<1x10240xi32, #tpu.memory_space<vmem>>, vector<1x512xi32>
      %iota3A_114 = tpu.iota {dimensions = array<i32: 1>} : vector<1x512xi32>
      %add3A_115 = vector.broadcast %mul3A_107 : i32 to vector<1x512xi32>
      %add3A_116 = arith.addi %add3A_115, %iota3A_114 : vector<1x512xi32>
      %eq3A = vector.broadcast %get3A_113 : vector<1x512xi32> to vector<256x512xi32>
      %eq3A_117 = vector.broadcast %get3A_5 : vector<256x1xi32> to vector<256x512xi32>
      %eq3A_118 = arith.cmpi eq, %eq3A, %eq3A_117 : vector<256x512xi32>
      %gt3A = vector.broadcast %get3A_110 : vector<1x512xf32> to vector<256x512xf32>
      %gt3A_119 = vector.broadcast %get3A_2 : vector<256x1xf32> to vector<256x512xf32>
      %gt3A_120 = arith.cmpf ogt, %gt3A, %gt3A_119 : vector<256x512xf32>
      %eq3A_121 = vector.broadcast %get3A_110 : vector<1x512xf32> to vector<256x512xf32>
      %eq3A_122 = vector.broadcast %get3A_2 : vector<256x1xf32> to vector<256x512xf32>
      %eq3A_123 = arith.cmpf oeq, %eq3A_121, %eq3A_122 : vector<256x512xf32>
      %lt3A_124 = vector.broadcast %add3A_116 : vector<1x512xi32> to vector<256x512xi32>
      %lt3A_125 = vector.broadcast %add3A_6 : vector<256x1xi32> to vector<256x512xi32>
      %lt3A_126 = arith.cmpi slt, %lt3A_124, %lt3A_125 : vector<256x512xi32>
      %and3A_127 = arith.andi %eq3A_123, %lt3A_126 : vector<256x512xi1>
      %or3A = arith.ori %gt3A_120, %and3A_127 : vector<256x512xi1>
      %and3A_128 = arith.andi %eq3A_118, %or3A : vector<256x512xi1>
      %convert_element_type3A_129 = arith.extui %and3A_128 : vector<256x512xi1> to vector<256x512xi32>
      %reduce_sum3A_130 = arith.constant dense<0> : vector<256xi32>
      %reduce_sum3A_131 = vector.multi_reduction <add>, %convert_element_type3A_129, %reduce_sum3A_130 [1] : vector<256x512xi32> to vector<256xi32>
      %broadcast_in_dim3A_132 = vector.shape_cast %reduce_sum3A_131 : vector<256xi32> to vector<256x1xi32>
      %add3A_133 = arith.addi %while3A_105, %broadcast_in_dim3A_132 : vector<256x1xi32>
      scf.yield %add3A_133 : vector<256x1xi32>
    }
    %lt3A_84 = arith.constant 100 : i32
    %lt3A_85 = vector.broadcast %lt3A_84 : i32 to vector<256x1xi32>
    %lt3A_86 = arith.cmpi slt, %while3A_83, %lt3A_85 : vector<256x1xi32>
    %lt3A_87 = arith.constant 10000 : i32
    %lt3A_88 = vector.broadcast %lt3A_87 : i32 to vector<256x1xi32>
    %lt3A_89 = arith.cmpi slt, %add3A_6, %lt3A_88 : vector<256x1xi32>
    %and3A_90 = arith.andi %lt3A_86, %lt3A_89 : vector<256x1xi1>
    %and3A_91 = arith.constant 1023 : i32
    %and3A_92 = vector.broadcast %and3A_91 : i32 to vector<256x1xi32>
    %and3A_93 = arith.andi %add3A_6, %and3A_92 : vector<256x1xi32>
    %add3A_94 = arith.constant 6400 : i32
    %add3A_95 = vector.broadcast %add3A_94 : i32 to vector<256x1xi32>
    %add3A_96 = arith.addi %add3A_95, %and3A_93 : vector<256x1xi32>
    %mul3A_97 = arith.constant 100 : i32
    %mul3A_98 = vector.broadcast %mul3A_97 : i32 to vector<256x1xi32>
    %mul3A_99 = arith.muli %get3A_5, %mul3A_98 : vector<256x1xi32>
    %add3A_100 = arith.addi %mul3A_99, %while3A_83 : vector<256x1xi32>
    %select_n3A_101 = arith.select %and3A_90, %add3A_100, %add3A_96 : vector<256x1xi1>, vector<256x1xi32>
    %swap3A = arith.constant 0 : index
    %swap3A_102 = arith.constant 0 : index
    %swap3A_103 = vector.load %arg5[%swap3A, %swap3A_102] : memref<256x1xi32, #tpu.memory_space<vmem>>, vector<256x1xi32>
    tpu.vector_store %arg5[%swap3A, %swap3A_102], %select_n3A_101 {strides = array<i32>} : memref<256x1xi32, #tpu.memory_space<vmem>>, vector<256x1xi32>,
    return
  }
  func.func @transform_0(%arg0: i32) -> (i32, i32) {
    %c0_i32 = arith.constant 0 : i32
    %c0_i32_0 = arith.constant 0 : i32
    return %arg0, %c0_i32 : i32, i32
  }
  func.func @transform_1(%arg0: i32) -> (i32, i32) {
    %c0_i32 = arith.constant 0 : i32
    %c0_i32_0 = arith.constant 0 : i32
    return %arg0, %c0_i32 : i32, i32
  }
  func.func @transform_2(%arg0: i32) -> (i32, i32) {
    %c0_i32 = arith.constant 0 : i32
    %c0_i32_0 = arith.constant 0 : i32
    %c0_i32_1 = arith.constant 0 : i32
    return %c0_i32, %c0_i32_0 : i32, i32
  }
  func.func @transform_3(%arg0: i32) -> (i32, i32) {
    %c0_i32 = arith.constant 0 : i32
    %c0_i32_0 = arith.constant 0 : i32
    %c0_i32_1 = arith.constant 0 : i32
    return %c0_i32, %c0_i32_0 : i32, i32
  }
  func.func @transform_4(%arg0: i32) -> (i32, i32) {
    %c0_i32 = arith.constant 0 : i32
    %c0_i32_0 = arith.constant 0 : i32
    return %arg0, %c0_i32 : i32, i32
  }
}

module attributes {stable_mosaic.version = 14 : i64} {
  func.func @body(%arg0: memref<2x3200x224xf32, #tpu.memory_space<vmem>>, %arg1: memref<224x32xf32, #tpu.memory_space<vmem>>, %arg2: memref<1x32xf32, #tpu.memory_space<vmem>>, %arg3: memref<5x16x32xf32, #tpu.memory_space<vmem>>, %arg4: memref<1x32xf32, #tpu.memory_space<vmem>>, %arg5: memref<3200x32xf32, #tpu.memory_space<vmem>>) attributes {dimension_semantics = [], scalar_prefetch = 0 : i64, scratch_operands = 0 : i64, tpu.core_type = #tpu.core_type<tc>} {
    %get3A = arith.constant 0 : index
    %get3A_0 = arith.constant 0 : index
    %get3A_1 = arith.constant 0 : index
    %get3A_2 = vector.load %arg0[%get3A, %get3A_0, %get3A_1] : memref<2x3200x224xf32, #tpu.memory_space<vmem>>, vector<1x3200x224xf32>
    %get3A_3 = vector.shape_cast %get3A_2 : vector<1x3200x224xf32> to vector<3200x224xf32>
    %get3A_4 = arith.constant 1 : index
    %get3A_5 = arith.constant 0 : index
    %get3A_6 = arith.constant 0 : index
    %get3A_7 = vector.load %arg0[%get3A_4, %get3A_5, %get3A_6] : memref<2x3200x224xf32, #tpu.memory_space<vmem>>, vector<1x3200x224xf32>
    %get3A_8 = vector.shape_cast %get3A_7 : vector<1x3200x224xf32> to vector<3200x224xf32>
    %add3A = arith.addf %get3A_3, %get3A_8 : vector<3200x224xf32>
    %get3A_9 = arith.constant 0 : index
    %get3A_10 = arith.constant 0 : index
    %get3A_11 = vector.load %arg1[%get3A_9, %get3A_10] : memref<224x32xf32, #tpu.memory_space<vmem>>, vector<224x32xf32>
    %dot_general3A = arith.constant dense<0.000000e+00> : vector<3200x32xf32>
    %dot_general3A_12 = tpu.matmul %add3A, %get3A_11, %dot_general3A {dimension_numbers = #tpu.dot_dimension_numbers<[1], [0], [0], [1], [0, 0, 1, 1], [], []>, transpose_lhs_hint = false} : vector<3200x224xf32>, vector<224x32xf32>, vector<3200x32xf32> -> vector<3200x32xf32>
    %get3A_13 = arith.constant 0 : index
    %get3A_14 = arith.constant 0 : index
    %get3A_15 = vector.load %arg2[%get3A_13, %get3A_14] : memref<1x32xf32, #tpu.memory_space<vmem>>, vector<1x32xf32>
    %add3A_16 = vector.broadcast %get3A_15 : vector<1x32xf32> to vector<3200x32xf32>
    %add3A_17 = arith.addf %dot_general3A_12, %add3A_16 : vector<3200x32xf32>
    %max3A = arith.constant 0.000000e+00 : f32
    %max3A_18 = vector.broadcast %max3A : f32 to vector<3200x32xf32>
    %max3A_19 = arith.maximumf %add3A_17, %max3A_18 : vector<3200x32xf32>
    %slice3A = vector.extract_strided_slice %max3A_19 {offsets = [0, 0], sizes = [3200, 16], strides = [1, 1]} : vector<3200x32xf32> to vector<3200x16xf32>
    %slice3A_20 = vector.extract_strided_slice %max3A_19 {offsets = [0, 16], sizes = [3200, 16], strides = [1, 1]} : vector<3200x32xf32> to vector<3200x16xf32>
    %max3A_21 = arith.maximumf %slice3A, %slice3A_20 : vector<3200x16xf32>
    %broadcast_in_dim3A = arith.constant 0.000000e+00 : f32
    %broadcast_in_dim3A_22 = vector.broadcast %broadcast_in_dim3A : f32 to vector<3200x32xf32>
    %get3A_23 = arith.constant 0 : index
    %get3A_24 = arith.constant 0 : index
    %get3A_25 = arith.constant 0 : index
    %get3A_26 = vector.load %arg3[%get3A_23, %get3A_24, %get3A_25] : memref<5x16x32xf32, #tpu.memory_space<vmem>>, vector<1x16x32xf32>
    %get3A_27 = vector.shape_cast %get3A_26 : vector<1x16x32xf32> to vector<16x32xf32>
    %dot_general3A_28 = arith.constant dense<0.000000e+00> : vector<3200x32xf32>
    %dot_general3A_29 = tpu.matmul %max3A_21, %get3A_27, %dot_general3A_28 {dimension_numbers = #tpu.dot_dimension_numbers<[1], [0], [0], [1], [0, 0, 1, 1], [], []>, transpose_lhs_hint = false} : vector<3200x16xf32>, vector<16x32xf32>, vector<3200x32xf32> -> vector<3200x32xf32>
    %add3A_30 = arith.addf %broadcast_in_dim3A_22, %dot_general3A_29 : vector<3200x32xf32>
    %slice3A_31 = vector.extract_strided_slice %max3A_21 {offsets = [1, 0], sizes = [3199, 16], strides = [1, 1]} : vector<3200x16xf32> to vector<3199x16xf32>
    %broadcast_in_dim3A_32 = arith.constant 0.000000e+00 : f32
    %broadcast_in_dim3A_33 = vector.broadcast %broadcast_in_dim3A_32 : f32 to vector<1x16xf32>
    %concatenate3A = tpu.concatenate %slice3A_31, %broadcast_in_dim3A_33 in 0 : vector<3199x16xf32>, vector<1x16xf32> -> vector<3200x16xf32>
    %get3A_34 = arith.constant 1 : index
    %get3A_35 = arith.constant 0 : index
    %get3A_36 = arith.constant 0 : index
    %get3A_37 = vector.load %arg3[%get3A_34, %get3A_35, %get3A_36] : memref<5x16x32xf32, #tpu.memory_space<vmem>>, vector<1x16x32xf32>
    %get3A_38 = vector.shape_cast %get3A_37 : vector<1x16x32xf32> to vector<16x32xf32>
    %dot_general3A_39 = arith.constant dense<0.000000e+00> : vector<3200x32xf32>
    %dot_general3A_40 = tpu.matmul %concatenate3A, %get3A_38, %dot_general3A_39 {dimension_numbers = #tpu.dot_dimension_numbers<[1], [0], [0], [1], [0, 0, 1, 1], [], []>, transpose_lhs_hint = false} : vector<3200x16xf32>, vector<16x32xf32>, vector<3200x32xf32> -> vector<3200x32xf32>
    %add3A_41 = arith.addf %add3A_30, %dot_general3A_40 : vector<3200x32xf32>
    %slice3A_42 = vector.extract_strided_slice %max3A_21 {offsets = [2, 0], sizes = [3198, 16], strides = [1, 1]} : vector<3200x16xf32> to vector<3198x16xf32>
    %broadcast_in_dim3A_43 = arith.constant 0.000000e+00 : f32
    %broadcast_in_dim3A_44 = vector.broadcast %broadcast_in_dim3A_43 : f32 to vector<2x16xf32>
    %concatenate3A_45 = tpu.concatenate %slice3A_42, %broadcast_in_dim3A_44 in 0 : vector<3198x16xf32>, vector<2x16xf32> -> vector<3200x16xf32>
    %get3A_46 = arith.constant 2 : index
    %get3A_47 = arith.constant 0 : index
    %get3A_48 = arith.constant 0 : index
    %get3A_49 = vector.load %arg3[%get3A_46, %get3A_47, %get3A_48] : memref<5x16x32xf32, #tpu.memory_space<vmem>>, vector<1x16x32xf32>
    %get3A_50 = vector.shape_cast %get3A_49 : vector<1x16x32xf32> to vector<16x32xf32>
    %dot_general3A_51 = arith.constant dense<0.000000e+00> : vector<3200x32xf32>
    %dot_general3A_52 = tpu.matmul %concatenate3A_45, %get3A_50, %dot_general3A_51 {dimension_numbers = #tpu.dot_dimension_numbers<[1], [0], [0], [1], [0, 0, 1, 1], [], []>, transpose_lhs_hint = false} : vector<3200x16xf32>, vector<16x32xf32>, vector<3200x32xf32> -> vector<3200x32xf32>
    %add3A_53 = arith.addf %add3A_41, %dot_general3A_52 : vector<3200x32xf32>
    %slice3A_54 = vector.extract_strided_slice %max3A_21 {offsets = [3, 0], sizes = [3197, 16], strides = [1, 1]} : vector<3200x16xf32> to vector<3197x16xf32>
    %broadcast_in_dim3A_55 = arith.constant 0.000000e+00 : f32
    %broadcast_in_dim3A_56 = vector.broadcast %broadcast_in_dim3A_55 : f32 to vector<3x16xf32>
    %concatenate3A_57 = tpu.concatenate %slice3A_54, %broadcast_in_dim3A_56 in 0 : vector<3197x16xf32>, vector<3x16xf32> -> vector<3200x16xf32>
    %get3A_58 = arith.constant 3 : index
    %get3A_59 = arith.constant 0 : index
    %get3A_60 = arith.constant 0 : index
    %get3A_61 = vector.load %arg3[%get3A_58, %get3A_59, %get3A_60] : memref<5x16x32xf32, #tpu.memory_space<vmem>>, vector<1x16x32xf32>
    %get3A_62 = vector.shape_cast %get3A_61 : vector<1x16x32xf32> to vector<16x32xf32>
    %dot_general3A_63 = arith.constant dense<0.000000e+00> : vector<3200x32xf32>
    %dot_general3A_64 = tpu.matmul %concatenate3A_57, %get3A_62, %dot_general3A_63 {dimension_numbers = #tpu.dot_dimension_numbers<[1], [0], [0], [1], [0, 0, 1, 1], [], []>, transpose_lhs_hint = false} : vector<3200x16xf32>, vector<16x32xf32>, vector<3200x32xf32> -> vector<3200x32xf32>
    %add3A_65 = arith.addf %add3A_53, %dot_general3A_64 : vector<3200x32xf32>
    %slice3A_66 = vector.extract_strided_slice %max3A_21 {offsets = [4, 0], sizes = [3196, 16], strides = [1, 1]} : vector<3200x16xf32> to vector<3196x16xf32>
    %broadcast_in_dim3A_67 = arith.constant 0.000000e+00 : f32
    %broadcast_in_dim3A_68 = vector.broadcast %broadcast_in_dim3A_67 : f32 to vector<4x16xf32>
    %concatenate3A_69 = tpu.concatenate %slice3A_66, %broadcast_in_dim3A_68 in 0 : vector<3196x16xf32>, vector<4x16xf32> -> vector<3200x16xf32>
    %get3A_70 = arith.constant 4 : index
    %get3A_71 = arith.constant 0 : index
    %get3A_72 = arith.constant 0 : index
    %get3A_73 = vector.load %arg3[%get3A_70, %get3A_71, %get3A_72] : memref<5x16x32xf32, #tpu.memory_space<vmem>>, vector<1x16x32xf32>
    %get3A_74 = vector.shape_cast %get3A_73 : vector<1x16x32xf32> to vector<16x32xf32>
    %dot_general3A_75 = arith.constant dense<0.000000e+00> : vector<3200x32xf32>
    %dot_general3A_76 = tpu.matmul %concatenate3A_69, %get3A_74, %dot_general3A_75 {dimension_numbers = #tpu.dot_dimension_numbers<[1], [0], [0], [1], [0, 0, 1, 1], [], []>, transpose_lhs_hint = false} : vector<3200x16xf32>, vector<16x32xf32>, vector<3200x32xf32> -> vector<3200x32xf32>
    %add3A_77 = arith.addf %add3A_65, %dot_general3A_76 : vector<3200x32xf32>
    %get3A_78 = arith.constant 0 : index
    %get3A_79 = arith.constant 0 : index
    %get3A_80 = vector.load %arg4[%get3A_78, %get3A_79] : memref<1x32xf32, #tpu.memory_space<vmem>>, vector<1x32xf32>
    %add3A_81 = vector.broadcast %get3A_80 : vector<1x32xf32> to vector<3200x32xf32>
    %add3A_82 = arith.addf %add3A_77, %add3A_81 : vector<3200x32xf32>
    %max3A_83 = arith.constant 0.000000e+00 : f32
    %max3A_84 = vector.broadcast %max3A_83 : f32 to vector<3200x32xf32>
    %max3A_85 = arith.maximumf %add3A_82, %max3A_84 : vector<3200x32xf32>
    %swap3A = arith.constant 0 : index
    %swap3A_86 = arith.constant 0 : index
    %swap3A_87 = vector.load %arg5[%swap3A, %swap3A_86] : memref<3200x32xf32, #tpu.memory_space<vmem>>, vector<3200x32xf32>
    tpu.vector_store %arg5[%swap3A, %swap3A_86], %max3A_85 {strides = array<i32>} : memref<3200x32xf32, #tpu.memory_space<vmem>>, vector<3200x32xf32>,
    return
  }
}

module attributes {stable_mosaic.version = 14 : i64} {
  func.func @body(%arg0: memref<64x1600xf32, #tpu.memory_space<vmem>>, %arg1: memref<1600x32xf32, #tpu.memory_space<vmem>>, %arg2: memref<1x32xf32, #tpu.memory_space<vmem>>, %arg3: memref<32x2xf32, #tpu.memory_space<vmem>>, %arg4: memref<1x2xf32, #tpu.memory_space<vmem>>, %arg5: memref<64x2xf32, #tpu.memory_space<vmem>>) attributes {dimension_semantics = [], scalar_prefetch = 0 : i64, scratch_operands = 0 : i64, tpu.core_type = #tpu.core_type<tc>} {
    %get3A = arith.constant 0 : index
    %get3A_0 = arith.constant 0 : index
    %get3A_1 = vector.load %arg0[%get3A, %get3A_0] : memref<64x1600xf32, #tpu.memory_space<vmem>>, vector<64x1600xf32>
    %get3A_2 = arith.constant 0 : index
    %get3A_3 = arith.constant 0 : index
    %get3A_4 = vector.load %arg1[%get3A_2, %get3A_3] : memref<1600x32xf32, #tpu.memory_space<vmem>>, vector<1600x32xf32>
    %dot_general3A = arith.constant dense<0.000000e+00> : vector<64x32xf32>
    %dot_general3A_5 = tpu.matmul %get3A_1, %get3A_4, %dot_general3A {dimension_numbers = #tpu.dot_dimension_numbers<[1], [0], [0], [1], [0, 0, 1, 1], [], []>, transpose_lhs_hint = false} : vector<64x1600xf32>, vector<1600x32xf32>, vector<64x32xf32> -> vector<64x32xf32>
    %get3A_6 = arith.constant 0 : index
    %get3A_7 = arith.constant 0 : index
    %get3A_8 = vector.load %arg2[%get3A_6, %get3A_7] : memref<1x32xf32, #tpu.memory_space<vmem>>, vector<1x32xf32>
    %add3A = vector.broadcast %get3A_8 : vector<1x32xf32> to vector<64x32xf32>
    %add3A_9 = arith.addf %dot_general3A_5, %add3A : vector<64x32xf32>
    %max3A = arith.constant 0.000000e+00 : f32
    %max3A_10 = vector.broadcast %max3A : f32 to vector<64x32xf32>
    %max3A_11 = arith.maximumf %add3A_9, %max3A_10 : vector<64x32xf32>
    %get3A_12 = arith.constant 0 : index
    %get3A_13 = arith.constant 0 : index
    %get3A_14 = vector.load %arg3[%get3A_12, %get3A_13] : memref<32x2xf32, #tpu.memory_space<vmem>>, vector<32x2xf32>
    %dot_general3A_15 = arith.constant dense<0.000000e+00> : vector<64x2xf32>
    %dot_general3A_16 = tpu.matmul %max3A_11, %get3A_14, %dot_general3A_15 {dimension_numbers = #tpu.dot_dimension_numbers<[1], [0], [0], [1], [0, 0, 1, 1], [], []>, transpose_lhs_hint = false} : vector<64x32xf32>, vector<32x2xf32>, vector<64x2xf32> -> vector<64x2xf32>
    %get3A_17 = arith.constant 0 : index
    %get3A_18 = arith.constant 0 : index
    %get3A_19 = vector.load %arg4[%get3A_17, %get3A_18] : memref<1x2xf32, #tpu.memory_space<vmem>>, vector<1x2xf32>
    %add3A_20 = vector.broadcast %get3A_19 : vector<1x2xf32> to vector<64x2xf32>
    %add3A_21 = arith.addf %dot_general3A_16, %add3A_20 : vector<64x2xf32>
    %swap3A = arith.constant 0 : index
    %swap3A_22 = arith.constant 0 : index
    %swap3A_23 = vector.load %arg5[%swap3A, %swap3A_22] : memref<64x2xf32, #tpu.memory_space<vmem>>, vector<64x2xf32>
    tpu.vector_store %arg5[%swap3A, %swap3A_22], %add3A_21 {strides = array<i32>} : memref<64x2xf32, #tpu.memory_space<vmem>>, vector<64x2xf32>,
    return
  }
}

</mosaic_0001>

<sc_bundles>
// kernel: kernel.16.cloned.1.call-start
scs
__scs_entry_jumppad:
0x0: {  	(pc) =	sbr.rel $0x88, $3  }
0x1: {  	(tag) =	ssettag $0x0;
	lr =	simm.s32 $0x1  }
0x2: {  	[smem:$0x3F8E] =	sst lr;
	_ =	strace $0xD0000000  }
0x3: {  	_ = 	snop  }
0x4: {  	_ = 	snop  }
0x5: {  	_ = 	snop  }
0x6: {  	_ = 	snop  }
0x7: {  	_ = 	snop  }
__scs_overlays_trampoline_lowered:
0x8: {  	[smem:$0x3F9D] =	sst s0  }
0x9: {  	[smem:$0x3F9E] =	sst s1  }
0xa: {  	[smem:$0x3F9F] =	sst s2  }
0xb: {  	[smem:$0x3FA0] =	sst s3  }
0xc: {  	[smem:$0x3FA1] =	sst s4  }
0xd: {  	[smem:$0x3FA2] =	sst s5  }
0xe: {  	[smem:$0x3FA3] =	sst s6  }
0xf: {  	[smem:$0x3FA4] =	sst s7  }
0x10: {  	[smem:$0x3FA5] =	sst s8  }
0x11: {  	[smem:$0x3FA6] =	sst s9;
	s0 =	simm.s32 @!p0 $0x0  }
0x12: {  	s1 =	sld [smem:$0x3F8C];
	s0 =	simm.s32 @p0 $0x1  }
0x13: {  	[smem:$0x3FA7] =	sst s0;
	s0 =	simm.s32 @!p1 $0x0  }
0x14: {  	s2 =	sld [smem:$0x3F8B];
	s0 =	simm.s32 @p1 $0x1  }
0x15: {  	[smem:$0x3FA8] =	sst s0;
	s0 =	simm.s32 @!p2 $0x0  }
0x16: {  	s3 =	sld [smem:$0x3FDB];
	s0 =	simm.s32 @p2 $0x1  }
0x17: {  	s4 =	simm.s32 $0x1BF5;
	[smem:$0x3FAA] =	sst s0  }
0x18: {  	s0 =	sld [smem:$0x3F8D];
	_ =	swait.ge [sflag:s4], $0x0  }
0x19: {  	s7 =	sld [smem:$0x3F8E]  }
0x1a: {  	s8 =	sadd.s32 $0xFFFFE003, lr  }
0x1b: {  	s9 =	sadd.s32 $0xFFFFFEF7, lr;
	s5 =	simm.s32 $0xFFFFFFFF;
	p2 =	slt.u32 s8, $0xFFFFF086  }
0x1c: {  	p1 =	slt.u32 s9, $0xF7A;
	s5 =	simm.s32 @!p2 $0x0  }
0x1d: {  	s5 =	simm.s32 @p1 $0x1;
	p0 =	seq.s32 s7, s2  }
0x1e: {  	s7 =	smul.u32 @!p0 $0xF7A, s2;
	p2 =	seq.s32 @!p0 s5, $0x0  }
0x1f: {  	s9 =	smul.u32 $0xF7A, s1;
	s8 =	simm.s32 @!p0 $0x1BF5;
	p2 =	por !p2, p0  }
0x20: {  	[sflag:s8] =	ssyncset.s32 @!p0 $0xFFFFF086;
	s6 =	sadd.s32 @!p0 s3, s7;
	s7 =	simm.s32 @!p0 $0x108  }
0x21: {  	s3 =	sadd.s32 s3, s9;
	s6 =	sadd.s32 @!p0 $0x88, s6;
	s7 =	simm.s32 @p2 $0x1082  }
0x22: {  	[simem:s7], [sflag:s8] =	dma.local @!p0 [hbm:s6], $0xF7A  }
0x23: {  	s9 =	sor.u32 $0xD0000000, s2;
	s6 =	simm.s32 $0x108;
	_ =	swait.ge @!p0 [sflag:s8], $0x0  }
0x24: {  	s3 =	sadd.s32 $0x88, s3;
	s6 =	simm.s32 @!p1 $0x1082;
	[sflag:s4] =	ssyncset.s32 $0xFFFFF086  }
0x25: {  	[simem:s6], [sflag:s4] =	dma.local [hbm:s3], $0xF7A  }
0x26: {  	[smem:$0x3F8E] =	sst s1;
	(tag) =	ssettag s2;
	_ =	strace s9  }
0x27: {  	s1 =	sld [smem:$0x3F9E]  }
0x28: {  	s2 =	sld [smem:$0x3F9F]  }
0x29: {  	s4 =	sld [smem:$0x3FA1]  }
0x2a: {  	p0 =	seq.s32 s5, $0x0;
	s5 =	sld [smem:$0x3FA2]  }
0x2b: {  	s6 =	sld [smem:$0x3FA3]  }
0x2c: {  	s7 =	sld [smem:$0x3FA4]  }
0x2d: {  	s3 =	simm.s32 $0x108;
	s8 =	sld [smem:$0x3FA5]  }
0x2e: {  	s3 =	simm.s32 @!p0 $0x1082;
	s9 =	sld [smem:$0x3FA6]  }
0x2f: {  	lr =	sadd.s32 s0, s3;
	s0 =	sld [smem:$0x3F9D]  }
0x30: {  	s3 =	sld [smem:$0x3FA0]  }
0x31: {  	[smem:$0x3FA9] =	sst s10  }
0x32: {  	s10 =	sld [smem:$0x3FA7];
	_ =	sdelay $0x3  }
0x33: {  	p0 =	seq.s32 s10, $0x1;
	s10 =	sld [smem:$0x3FA9];
	_ =	sdelay $0x3  }
0x34: {  	[smem:$0x3FA9] =	sst s10  }
0x35: {  	s10 =	sld [smem:$0x3FA8];
	_ =	sdelay $0x3  }
0x36: {  	p1 =	seq.s32 s10, $0x1;
	s10 =	sld [smem:$0x3FA9];
	_ =	sdelay $0x3  }
0x37: {  	[smem:$0x3FA9] =	sst s10  }
0x38: {  	s10 =	sld [smem:$0x3FAA]  }
0x39: {  	_ = 	snop;
	(pc) =	sbr.ind lr, $3  }
0x3a: {  	_ = 	snop  }
0x3b: {  	_ = 	snop  }
0x3c: {  	p2 =	seq.s32 s10, $0x1;
	s10 =	sld [smem:$0x3FA9]  }
0x3d: {  	_ =	shalt  }
0x3e: {  	_ =	shalt  }
0x3f: {  	_ =	shalt  }
0x40: {  	_ =	shalt  }
0x41: {  	_ =	shalt  }
0x42: {  	_ =	shalt  }
0x43: {  	_ =	shalt  }
0x44: {  	_ =	shalt  }
0x45: {  	_ =	shalt  }
0x46: {  	_ =	shalt  }
0x47: {  	_ =	shalt  }
0x48: {  	_ =	shalt  }
0x49: {  	_ =	shalt  }
0x4a: {  	_ =	shalt  }
0x4b: {  	_ =	shalt  }
0x4c: {  	_ =	shalt  }
0x4d: {  	_ =	shalt  }
0x4e: {  	_ =	shalt  }
0x4f: {  	_ =	shalt  }
0x50: {  	_ =	shalt  }
0x51: {  	_ =	shalt  }
0x52: {  	_ =	shalt  }
0x53: {  	_ =	shalt  }
0x54: {  	_ =	shalt  }
0x55: {  	_ =	shalt  }
0x56: {  	_ =	shalt  }
0x57: {  	_ =	shalt  }
0x58: {  	_ =	shalt  }
0x59: {  	_ =	shalt  }
0x5a: {  	_ =	shalt  }
0x5b: {  	_ =	shalt  }
0x5c: {  	_ =	shalt  }
0x5d: {  	_ =	shalt  }
0x5e: {  	_ =	shalt  }
0x5f: {  	_ =	shalt  }
0x60: {  	_ =	shalt  }
0x61: {  	_ =	shalt  }
0x62: {  	_ =	shalt  }
0x63: {  	_ =	shalt  }
0x64: {  	_ =	shalt  }
0x65: {  	_ =	shalt  }
0x66: {  	_ =	shalt  }
0x67: {  	_ =	shalt  }
0x68: {  	_ =	shalt  }
0x69: {  	_ =	shalt  }
0x6a: {  	_ =	shalt  }
0x6b: {  	_ =	shalt  }
0x6c: {  	_ =	shalt  }
0x6d: {  	_ =	shalt  }
0x6e: {  	_ =	shalt  }
0x6f: {  	_ =	shalt  }
0x70: {  	_ =	shalt  }
0x71: {  	_ =	shalt  }
0x72: {  	_ =	shalt  }
0x73: {  	_ =	shalt  }
0x74: {  	_ =	shalt  }
0x75: {  	_ =	shalt  }
0x76: {  	_ =	shalt  }
0x77: {  	_ =	shalt  }
0x78: {  	_ =	shalt  }
0x79: {  	_ =	shalt  }
0x7a: {  	_ =	shalt  }
0x7b: {  	_ =	shalt  }
0x7c: {  	_ =	shalt  }
0x7d: {  	_ =	shalt  }
0x7e: {  	_ =	shalt  }
0x7f: {  	_ =	shalt  }
0x80: {  	_ =	shalt  }
0x81: {  	_ =	shalt  }
0x82: {  	_ =	shalt  }
0x83: {  	_ =	shalt  }
0x84: {  	_ =	shalt  }
0x85: {  	_ =	shalt  }
0x86: {  	_ =	shalt  }
0x87: {  	_ =	shalt  }
.Lfunc_end0:
.L_simem_size_0:
called_computation_lowered:
.L_overlay_start_0:
0x88: {  	s2 =	sld [smem:$0x3FD9]  }
0x89: {  	s3 =	sld [smem:$0x3FFE];
	_ =	sdelay $0x1  }
0x8a: {  	s1 =	srdreg.scid  }
0x8b: {  	s0 =	sand.u32 $0x1, s1  }
0x8c: {  	s16 =	sshll.u32 s0, $0xA;
	s2 =	sadd.s32 s3, s2  }
0x8d: {  	s2 =	sadd.s32 s2, s16  }
0x8e: {  	[smem:$0x3FB5] =	sst s2  }
0x8f: {  	_ = 	snop  }
0x90: {  	(tm) =	ssettm $0x1  }
0x91: {  	s17 =	sld [smem:$0x3FFB];
	_ =	sdelay $0x3  }
0x92: {  	_ =	strace s17  }
0x93: {  	s2 =	sld [smem:$0x3FFC];
	_ =	sdelay $0x3  }
0x94: {  	_ =	strace s2  }
0x95: {  	s2 =	sld [smem:$0x3FFD];
	_ =	sdelay $0x3  }
0x96: {  	_ =	strace s2  }
0x97: {  	_ =	strace $0x8FFFFFFF  }
0x98: {  	s18 =	sld [smem:$0x3FDB];
	_ =	sdelay $0x1  }
0x99: {  	s19 =	simm.s32 $_scs_section_size  }
0x9a: {  	s4 =	simm.s32 $_size__tile_overlayer_lowered;
	s5 =	simm.s32 $_tile_overlayer_lowered  }
0x9b: {  	s22 =	simm.s32 $0x1BFF;
	s21 =	sshll.u32 s5, $0x1;
	s2 =	sadd.s32 s19, s18  }
0x9c: {  	s6 =	simm.s32 $0x0;
	s20 =	sshll.u32 s4, $0x1;
	s4 =	sadd.s32 s21, s2  }
0x9d: {  	[timem:s6], [sflag:s22] =	dma.local [hbm:s4], s20  }
0x9e: {  	_ =	swait.ge [sflag:s22], s20  }
0x9f: {  	s3 =	ssub.s32 $0x0, s20;
	[sflag:s22] =	ssyncset.done $0x0  }
0xa0: {  	[sflag:s22] =	ssyncadd.s32 s3;
	_ =	sdelay $0x1  }
0xa1: {  	s23 =	simm.s32 $0x1B8B  }
0xa2: {  	_ =	swait.ge [sflag:s23], $0x1  }
0xa3: {  	[sflag:s23] =	ssyncset.done $0x0  }
0xa4: {  	s25 =	simm.s32 $0x1B8E;
	s24 =	sld [smem:$0x3FFE];
	[sflag:s23] =	ssyncadd.s32 $0xFFFFFFFF  }
0xa5: {  	s26 =	simm.s32 $execute0_lowered;
	[smem:$0x3FD2] =	sst s25  }
0xa6: {  	s4 =	sshll.u32 s26, $0x1;
	_ =	strace $0x80000046;
	[dreg:$0x1] =	wrdreg $0xFFFFFFFF  }
0xa7: {  	s28 =	simm.s32 $_size_execute0_lowered;
	s2 =	sadd.s32 s2, s4;
	[dreg:$0x0] =	wrdreg $0x0  }
0xa8: {  	s4 =	sshll.u32 s28, $0x1;
	[dreg:$0x2] =	wrdreg s2  }
0xa9: {  	[dreg:$0x3] =	wrdreg s4  }
0xaa: {  	[dreg:$0x4] =	wrdreg $0xC0  }
0xab: {  	_ =	task [dreg:s6], $0x5FFFF  }
0xac: {  	[dreg:$0x1] =	wrdreg $0xFFFFFFFF  }
0xad: {  	[dreg:$0x0] =	wrdreg $0x60  }
0xae: {  	[dreg:$0x2] =	wrdreg s24  }
0xaf: {  	[dreg:$0x3] =	wrdreg $0x5500  }
0xb0: {  	[dreg:$0x4] =	wrdreg $0x9  }
0xb1: {  	_ =	task.clear_ibuf [dreg:s6], $0x5FFFF;
	_ =	strace $0x90000046  }
0xb2: {  	s29 =	simm.s32 $0x9;
	_ =	strace $0x80000048  }
0xb3: {  	_ =	swait.ge [sflag:s29], $0x1  }
0xb4: {  	[sflag:s29] =	ssyncadd.s32 $0xFFFFFFFF  }
0xb5: {  	_ =	strace $0x90000048  }
0xb6: {  	_ =	sfence  }
0xb7: {  	s30 =	sld [smem:$0x0];
	_ =	sdelay $0x2  }
0xb8: {  	s31 =	sshll.u32 s1, $0xD;
	s1 =	sshrl.u32 s1, $0x2  }
0xb9: {  	s3 =	sand.u32 $0x4000, s31;
	s1 =	sadd.s32 s1, s30  }
0xba: {  	s0 =	sor.u32 s3, s0;
	s1 =	sshll.u32 s1, $0x11  }
0xbb: {  	s0 =	sor.u32 s1, s0  }
0xbc: {  	s0 =	sadd.s32 $0x8F2B, s0  }
0xbd: {  	[sflag:s0] =	ssyncadd.remote.s32 $0x1  }
0xbe: {  	_ =	sfence.sel $0xFFFF  }
0xbf: {  	[dreg:$0x0] =	wrdreg $0xFFFFFFFF;
	(pc) =	sbr.abs _section_cstart, $3  }
0xc0: {  	[dreg:$0x1] =	wrdreg $0xFFFFFFFF  }
0xc1: {  	_ =	task.clear_ibuf [dreg:s6], $0x2FFFF;
	_ =	strace $0x9FFFFFFF  }
0xc2: {  	(tm) =	ssettm $0x7FFFFFFF  }
0xc3: {  	_ =	shalt  }
tec
execute0_lowered:
.L_overlay_start_1:
0x0: {  	(tag) =	ssettag $0x1  }
0x1: {  	s0 =	srdreg.scid  }
0x2: {  	s5 =	rddreg [dreg:$0x0];
	s6 =	sand.u32 $0x1, s0  }
0x3: {  	s0 =	stileid.u32;
	s4 =	smul.u32 $0x27100, s6  }
0x4: {  	s2 =	rddreg [dreg:$0x1];
	s7 =	smul.u32 $0x2710, s0  }
0x5: {  	s1 =	rddreg [dreg:$0x2];
	s8 =	smul.u32 $0x2800, s0  }
0x6: {  	s3 =	simm.s32 $0x0;
	s13 =	simm.s32 $0x0;
	s26 =	smul.u32 $0x500, s0  }
0x7: {  	[smem:$0x7FF] =	sst s3;
	s9 =	smul.u32 $0x5000, s6;
	s6 =	ssub.s32 $0x2, s6  }
0x8: {  	_ =	strace $0x80000047;
	s31 =	sshll.u32 s0, $0x6;
	s29 =	sshrl.u32 s6, $0x1  }
0x9: {  	s4 =	sadd.s32 s7, s4;
	s11 =	sshrl.u32 s8, $0x3;
	s7 =	sadd.s32 s26, s9  }
0xa: {  	s30 =	ssub.s32 s6, s29;
	s12 =	sadd.s32 s8, s2;
	s9 =	simm.s32 $0x50  }
0xb: {  	s4 =	sshrl.u32 s4, $0x3;
	s28 =	sadd.s32 s11, s5;
	s7 =	sadd.s32 s7, s5  }
0xc: {  	s11 =	sor.u32 $0x1C01, s31;
	s12 =	sshrl.u32 s12, $0x3;
	s10 =	sadd.s32 s4, s5  }
0xd: {  	s4 =	sadd.s32 $0x1D200, s5;
	s5 =	sadd.s32 $0x18200, s28;
	s6 =	sadd.s32 $0x1D400, s7  }
0xe: {  	s7 =	smax.u32 s30, $0x1;
	s8 =	sadd.s32 $0xE400, s10;
	s10 =	simm.s32 $0x1  }
.LBB2_1:
0xf: {  	[tilespmem:s9], [sflag:$0x1] =	stream.linear.gather [hbm4b:s4+s3], $0x500, $0x38;
	[tilespmem:$0x2D50] =	vst v63  }
0x10: {  	_ =	swait.ge [sflag:s10], $0x500  }
0x11: {  	[sflag:s10] =	ssyncset.done $0x0  }
0x12: {  	[sflag:s10] =	ssyncadd.s32 $0xFFFFFB00  }
0x13: {  	[spmem:s12], [sflag:s11] =	dma.local [hbm:s5], $0x500  }
0x14: {  	_ =	swait.ge [sflag:s10], $0x500  }
0x15: {  	[sflag:s10] =	ssyncset.done $0x0  }
0x16: {  	[sflag:s10] =	ssyncadd.s32 $0xFFFFFB00  }
0x17: {  	s14 =	sadd.s32 $0x0, s8;
	[bflag:$0x0] =	sbarrier.arrive $0xFFFF  }
0x18: {  	[tilespmem:s3], [sflag:$0x1] =	stream.linear.gather [hbm4b:s14+s3], $0x50, $0x38;
	[tilespmem:$0x2D50] =	vst v63  }
0x19: {  	_ =	swait.ge [sflag:s10], $0x50  }
0x1a: {  	[sflag:s10] =	ssyncset.done $0x0  }
0x1b: {  	[sflag:s10] =	ssyncadd.s32 $0xFFFFFFB0  }
0x1c: {  	[spmem:s2] =	stream.indirect.scatter.add.f32 [tilespmem:s9], [sflag:$0x1], $0x10, s3, s9, $0xb8;
	[tilespmem:$0x2D50] =	vst v63  }
0x1d: {  	_ =	swait.ge [sflag:s10], $0x500  }
0x1e: {  	s15 =	simm.s32 $0x14;
	s14 =	simm.s32 $0xA;
	[sflag:s10] =	ssyncset.done $0x0  }
.LBB2_2:
0x1f: {  	s16 =	sadd.s32 s14, s8  }
0x20: {  	[sflag:s10] =	ssyncadd.s32 $0xFFFFFB00;
	s14 =	smov.u32 s15;
	s17 =	sadd.s32 $0xA, s15  }
0x21: {  	[tilespmem:s3], [sflag:$0x1] =	stream.linear.gather [hbm4b:s16+s3], $0x50, $0x38;
	[tilespmem:$0x2D50] =	vst v63  }
0x22: {  	p0 =	sne.s32 s15, $0x4D8;
	_ =	swait.ge [sflag:s10], $0x50  }
.Ltmp0:
0x23: {  	[sflag:s10] =	ssyncset.done $0x0;
	(pc) =	sbr.rel @p0 .LBB2_2-.Ltmp0, $4  }
0x24: {  	[sflag:s10] =	ssyncadd.s32 $0xFFFFFFB0  }
0x25: {  	[spmem:s2] =	stream.indirect.scatter.add.f32 [tilespmem:s9], [sflag:$0x1], $0x10, s3, s9, $0xb8;
	[tilespmem:$0x2D50] =	vst v63  }
0x26: {  	_ =	swait.ge [sflag:s10], $0x500  }
0x27: {  	s15 =	smov.u32 s17;
	[sflag:s10] =	ssyncset.done $0x0  }
0x28: {  	s14 =	sadd.s32 s14, s8;
	[sflag:s10] =	ssyncadd.s32 $0xFFFFFB00  }
0x29: {  	[tilespmem:s3], [sflag:$0x1] =	stream.linear.gather [hbm4b:s14+s3], $0x50, $0x38;
	[tilespmem:$0x2D50] =	vst v63  }
0x2a: {  	_ =	swait.ge [sflag:s10], $0x50  }
0x2b: {  	[sflag:s10] =	ssyncset.done $0x0  }
0x2c: {  	[sflag:s10] =	ssyncadd.s32 $0xFFFFFFB0  }
0x2d: {  	[spmem:s2] =	stream.indirect.scatter.add.f32 [tilespmem:s9], [sflag:$0x1], $0x10, s3, s9, $0xb8;
	[tilespmem:$0x2D50] =	vst v63  }
0x2e: {  	_ =	swait.ge [sflag:s10], $0x500  }
0x2f: {  	s13 =	sadd.s32 $0x1, s13;
	[sflag:s10] =	ssyncset.done $0x0  }
0x30: {  	p0 =	sne.s32 s13, s7;
	[sflag:s10] =	ssyncadd.s32 $0xFFFFFB00  }
.Ltmp1:
0x31: {  	[bflag:$0x0] =	sbarrier.arrive $0xFFFF;
	(pc) =	sbr.rel @p0 .LBB2_1-.Ltmp1, $4  }
0x32: {  	[hbm:s6], [sflag:s11] =	dma.local [spmem:s12], $0x500  }
0x33: {  	_ =	swait.ge [sflag:s10], $0x500  }
0x34: {  	[sflag:s10] =	ssyncset.done $0x0  }
0x35: {  	[sflag:s10] =	ssyncadd.s32 $0xFFFFFB00  }
0x36: {  	_ =	sfence.sel $0x180000  }
0x37: {  	[bflag:$0x0] =	sbarrier.arrive $0xFFFF  }
0x38: {  	p0 =	sne.s32 s0, $0x0;
	_ =	strace $0x90000047  }
0x39: {  	s0 =	sadd.s32 @!p0 $0x100000, s1;
	[bflag:$0x2] =	sbarrier.arrive $0xFFFF  }
0x3a: {  	[sflag:s0] =	ssyncadd.tile.s32 @!p0 $0x1;
	_ =	shalt  }
.Lfunc_end2:
_tile_overlayer_lowered:
.L_overlay_start_2:
0x3b: {  	(tag) =	ssettag $0x2  }
0x3c: {  	s0 =	rddreg [dreg:$0x0];
	s2 =	stileid.u32  }
0x3d: {  	s1 =	rddreg [dreg:$0x1];
	p0 =	sne.s32 s2, $0x0  }
0x3e: {  	s3 =	rddreg [dreg:$0x2];
	[bflag:$0x3] =	sbarrier.arrive $0xFFFF;
	s2 =	simm.s32 @!p0 $0x1C01  }
0x3f: {  	[timem:s3], [sflag:s2] =	dma.local @!p0 [hbm:s0], s1  }
0x40: {  	s0 =	simm.s32 @!p0 $0x1  }
0x41: {  	_ =	swait.ge @!p0 [sflag:s0], s1  }
0x42: {  	s1 =	ssub.s32 @!p0 $0x0, s1;
	[sflag:s0] =	ssyncset.done @!p0 $0x0  }
0x43: {  	[sflag:s0] =	ssyncadd.s32 @!p0 s1  }
0x44: {  	[bflag:$0x3] =	sbarrier.arrive $0xFFFF  }
0x45: {  	_ =	shalt  }

// kernel: kernel.19.cloned.1.call-start
scs
__scs_entry_jumppad:
0x0: {  	(pc) =	sbr.rel $0x88, $3  }
0x1: {  	(tag) =	ssettag $0x0;
	lr =	simm.s32 $0x1  }
0x2: {  	[smem:$0x3F8E] =	sst lr;
	_ =	strace $0xD0000000  }
0x3: {  	_ = 	snop  }
0x4: {  	_ = 	snop  }
0x5: {  	_ = 	snop  }
0x6: {  	_ = 	snop  }
0x7: {  	_ = 	snop  }
__scs_overlays_trampoline_lowered:
0x8: {  	[smem:$0x3F9D] =	sst s0  }
0x9: {  	[smem:$0x3F9E] =	sst s1  }
0xa: {  	[smem:$0x3F9F] =	sst s2  }
0xb: {  	[smem:$0x3FA0] =	sst s3  }
0xc: {  	[smem:$0x3FA1] =	sst s4  }
0xd: {  	[smem:$0x3FA2] =	sst s5  }
0xe: {  	[smem:$0x3FA3] =	sst s6  }
0xf: {  	[smem:$0x3FA4] =	sst s7  }
0x10: {  	[smem:$0x3FA5] =	sst s8  }
0x11: {  	[smem:$0x3FA6] =	sst s9;
	s0 =	simm.s32 @!p0 $0x0  }
0x12: {  	s1 =	sld [smem:$0x3F8C];
	s0 =	simm.s32 @p0 $0x1  }
0x13: {  	[smem:$0x3FA7] =	sst s0;
	s0 =	simm.s32 @!p1 $0x0  }
0x14: {  	s2 =	sld [smem:$0x3F8B];
	s0 =	simm.s32 @p1 $0x1  }
0x15: {  	[smem:$0x3FA8] =	sst s0;
	s0 =	simm.s32 @!p2 $0x0  }
0x16: {  	s3 =	sld [smem:$0x3FDB];
	s0 =	simm.s32 @p2 $0x1  }
0x17: {  	s4 =	simm.s32 $0x1BF5;
	[smem:$0x3FAA] =	sst s0  }
0x18: {  	s0 =	sld [smem:$0x3F8D];
	_ =	swait.ge [sflag:s4], $0x0  }
0x19: {  	s7 =	sld [smem:$0x3F8E]  }
0x1a: {  	s8 =	sadd.s32 $0xFFFFE003, lr  }
0x1b: {  	s9 =	sadd.s32 $0xFFFFFEF7, lr;
	s5 =	simm.s32 $0xFFFFFFFF;
	p2 =	slt.u32 s8, $0xFFFFF086  }
0x1c: {  	p1 =	slt.u32 s9, $0xF7A;
	s5 =	simm.s32 @!p2 $0x0  }
0x1d: {  	s5 =	simm.s32 @p1 $0x1;
	p0 =	seq.s32 s7, s2  }
0x1e: {  	s7 =	smul.u32 @!p0 $0xF7A, s2;
	p2 =	seq.s32 @!p0 s5, $0x0  }
0x1f: {  	s9 =	smul.u32 $0xF7A, s1;
	s8 =	simm.s32 @!p0 $0x1BF5;
	p2 =	por !p2, p0  }
0x20: {  	[sflag:s8] =	ssyncset.s32 @!p0 $0xFFFFF086;
	s6 =	sadd.s32 @!p0 s3, s7;
	s7 =	simm.s32 @!p0 $0x108  }
0x21: {  	s3 =	sadd.s32 s3, s9;
	s6 =	sadd.s32 @!p0 $0x88, s6;
	s7 =	simm.s32 @p2 $0x1082  }
0x22: {  	[simem:s7], [sflag:s8] =	dma.local @!p0 [hbm:s6], $0xF7A  }
0x23: {  	s9 =	sor.u32 $0xD0000000, s2;
	s6 =	simm.s32 $0x108;
	_ =	swait.ge @!p0 [sflag:s8], $0x0  }
0x24: {  	s3 =	sadd.s32 $0x88, s3;
	s6 =	simm.s32 @!p1 $0x1082;
	[sflag:s4] =	ssyncset.s32 $0xFFFFF086  }
0x25: {  	[simem:s6], [sflag:s4] =	dma.local [hbm:s3], $0xF7A  }
0x26: {  	[smem:$0x3F8E] =	sst s1;
	(tag) =	ssettag s2;
	_ =	strace s9  }
0x27: {  	s1 =	sld [smem:$0x3F9E]  }
0x28: {  	s2 =	sld [smem:$0x3F9F]  }
0x29: {  	s4 =	sld [smem:$0x3FA1]  }
0x2a: {  	p0 =	seq.s32 s5, $0x0;
	s5 =	sld [smem:$0x3FA2]  }
0x2b: {  	s6 =	sld [smem:$0x3FA3]  }
0x2c: {  	s7 =	sld [smem:$0x3FA4]  }
0x2d: {  	s3 =	simm.s32 $0x108;
	s8 =	sld [smem:$0x3FA5]  }
0x2e: {  	s3 =	simm.s32 @!p0 $0x1082;
	s9 =	sld [smem:$0x3FA6]  }
0x2f: {  	lr =	sadd.s32 s0, s3;
	s0 =	sld [smem:$0x3F9D]  }
0x30: {  	s3 =	sld [smem:$0x3FA0]  }
0x31: {  	[smem:$0x3FA9] =	sst s10  }
0x32: {  	s10 =	sld [smem:$0x3FA7];
	_ =	sdelay $0x3  }
0x33: {  	p0 =	seq.s32 s10, $0x1;
	s10 =	sld [smem:$0x3FA9];
	_ =	sdelay $0x3  }
0x34: {  	[smem:$0x3FA9] =	sst s10  }
0x35: {  	s10 =	sld [smem:$0x3FA8];
	_ =	sdelay $0x3  }
0x36: {  	p1 =	seq.s32 s10, $0x1;
	s10 =	sld [smem:$0x3FA9];
	_ =	sdelay $0x3  }
0x37: {  	[smem:$0x3FA9] =	sst s10  }
0x38: {  	s10 =	sld [smem:$0x3FAA]  }
0x39: {  	_ = 	snop;
	(pc) =	sbr.ind lr, $3  }
0x3a: {  	_ = 	snop  }
0x3b: {  	_ = 	snop  }
0x3c: {  	p2 =	seq.s32 s10, $0x1;
	s10 =	sld [smem:$0x3FA9]  }
0x3d: {  	_ =	shalt  }
0x3e: {  	_ =	shalt  }
0x3f: {  	_ =	shalt  }
0x40: {  	_ =	shalt  }
0x41: {  	_ =	shalt  }
0x42: {  	_ =	shalt  }
0x43: {  	_ =	shalt  }
0x44: {  	_ =	shalt  }
0x45: {  	_ =	shalt  }
0x46: {  	_ =	shalt  }
0x47: {  	_ =	shalt  }
0x48: {  	_ =	shalt  }
0x49: {  	_ =	shalt  }
0x4a: {  	_ =	shalt  }
0x4b: {  	_ =	shalt  }
0x4c: {  	_ =	shalt  }
0x4d: {  	_ =	shalt  }
0x4e: {  	_ =	shalt  }
0x4f: {  	_ =	shalt  }
0x50: {  	_ =	shalt  }
0x51: {  	_ =	shalt  }
0x52: {  	_ =	shalt  }
0x53: {  	_ =	shalt  }
0x54: {  	_ =	shalt  }
0x55: {  	_ =	shalt  }
0x56: {  	_ =	shalt  }
0x57: {  	_ =	shalt  }
0x58: {  	_ =	shalt  }
0x59: {  	_ =	shalt  }
0x5a: {  	_ =	shalt  }
0x5b: {  	_ =	shalt  }
0x5c: {  	_ =	shalt  }
0x5d: {  	_ =	shalt  }
0x5e: {  	_ =	shalt  }
0x5f: {  	_ =	shalt  }
0x60: {  	_ =	shalt  }
0x61: {  	_ =	shalt  }
0x62: {  	_ =	shalt  }
0x63: {  	_ =	shalt  }
0x64: {  	_ =	shalt  }
0x65: {  	_ =	shalt  }
0x66: {  	_ =	shalt  }
0x67: {  	_ =	shalt  }
0x68: {  	_ =	shalt  }
0x69: {  	_ =	shalt  }
0x6a: {  	_ =	shalt  }
0x6b: {  	_ =	shalt  }
0x6c: {  	_ =	shalt  }
0x6d: {  	_ =	shalt  }
0x6e: {  	_ =	shalt  }
0x6f: {  	_ =	shalt  }
0x70: {  	_ =	shalt  }
0x71: {  	_ =	shalt  }
0x72: {  	_ =	shalt  }
0x73: {  	_ =	shalt  }
0x74: {  	_ =	shalt  }
0x75: {  	_ =	shalt  }
0x76: {  	_ =	shalt  }
0x77: {  	_ =	shalt  }
0x78: {  	_ =	shalt  }
0x79: {  	_ =	shalt  }
0x7a: {  	_ =	shalt  }
0x7b: {  	_ =	shalt  }
0x7c: {  	_ =	shalt  }
0x7d: {  	_ =	shalt  }
0x7e: {  	_ =	shalt  }
0x7f: {  	_ =	shalt  }
0x80: {  	_ =	shalt  }
0x81: {  	_ =	shalt  }
0x82: {  	_ =	shalt  }
0x83: {  	_ =	shalt  }
0x84: {  	_ =	shalt  }
0x85: {  	_ =	shalt  }
0x86: {  	_ =	shalt  }
0x87: {  	_ =	shalt  }
.Lfunc_end0:
.L_simem_size_0:
called_computation.1_lowered:
.L_overlay_start_0:
0x88: {  	s2 =	sld [smem:$0x3FD9]  }
0x89: {  	s3 =	sld [smem:$0x3FFE];
	_ =	sdelay $0x1  }
0x8a: {  	s1 =	srdreg.scid  }
0x8b: {  	s0 =	sand.u32 $0x1, s1  }
0x8c: {  	s16 =	sshll.u32 s0, $0xA;
	s2 =	sadd.s32 s3, s2  }
0x8d: {  	s2 =	sadd.s32 s2, s16  }
0x8e: {  	[smem:$0x3FB5] =	sst s2  }
0x8f: {  	_ = 	snop  }
0x90: {  	(tm) =	ssettm $0x1  }
0x91: {  	s17 =	sld [smem:$0x3FFB];
	_ =	sdelay $0x3  }
0x92: {  	_ =	strace s17  }
0x93: {  	s2 =	sld [smem:$0x3FFC];
	_ =	sdelay $0x3  }
0x94: {  	_ =	strace s2  }
0x95: {  	s2 =	sld [smem:$0x3FFD];
	_ =	sdelay $0x3  }
0x96: {  	_ =	strace s2  }
0x97: {  	_ =	strace $0x8FFFFFFF  }
0x98: {  	s18 =	sld [smem:$0x3FDB];
	_ =	sdelay $0x1  }
0x99: {  	s19 =	simm.s32 $_scs_section_size  }
0x9a: {  	s4 =	simm.s32 $_size__tile_overlayer_lowered;
	s5 =	simm.s32 $_tile_overlayer_lowered  }
0x9b: {  	s22 =	simm.s32 $0x1BFF;
	s21 =	sshll.u32 s5, $0x1;
	s2 =	sadd.s32 s19, s18  }
0x9c: {  	s6 =	simm.s32 $0x0;
	s20 =	sshll.u32 s4, $0x1;
	s4 =	sadd.s32 s21, s2  }
0x9d: {  	[timem:s6], [sflag:s22] =	dma.local [hbm:s4], s20  }
0x9e: {  	_ =	swait.ge [sflag:s22], s20  }
0x9f: {  	s3 =	ssub.s32 $0x0, s20;
	[sflag:s22] =	ssyncset.done $0x0  }
0xa0: {  	[sflag:s22] =	ssyncadd.s32 s3;
	_ =	sdelay $0x1  }
0xa1: {  	s23 =	simm.s32 $0x1B8B  }
0xa2: {  	_ =	swait.ge [sflag:s23], $0x1  }
0xa3: {  	[sflag:s23] =	ssyncset.done $0x0  }
0xa4: {  	s25 =	simm.s32 $0x1B8E;
	s24 =	sld [smem:$0x3FFE];
	[sflag:s23] =	ssyncadd.s32 $0xFFFFFFFF  }
0xa5: {  	s26 =	simm.s32 $execute0_lowered;
	[smem:$0x3FD2] =	sst s25  }
0xa6: {  	s4 =	sshll.u32 s26, $0x1;
	_ =	strace $0x80000049;
	[dreg:$0x1] =	wrdreg $0xFFFFFFFF  }
0xa7: {  	s28 =	simm.s32 $_size_execute0_lowered;
	s2 =	sadd.s32 s2, s4;
	[dreg:$0x0] =	wrdreg $0x0  }
0xa8: {  	s4 =	sshll.u32 s28, $0x1;
	[dreg:$0x2] =	wrdreg s2  }
0xa9: {  	[dreg:$0x3] =	wrdreg s4  }
0xaa: {  	[dreg:$0x4] =	wrdreg $0xC0  }
0xab: {  	_ =	task [dreg:s6], $0x5FFFF  }
0xac: {  	[dreg:$0x1] =	wrdreg $0xFFFFFFFF  }
0xad: {  	[dreg:$0x0] =	wrdreg $0x60  }
0xae: {  	[dreg:$0x2] =	wrdreg s24  }
0xaf: {  	[dreg:$0x3] =	wrdreg $0x15400  }
0xb0: {  	[dreg:$0x4] =	wrdreg $0x9  }
0xb1: {  	_ =	task.clear_ibuf [dreg:s6], $0x5FFFF;
	_ =	strace $0x90000049  }
0xb2: {  	s29 =	simm.s32 $0x9;
	_ =	strace $0x8000004B  }
0xb3: {  	_ =	swait.ge [sflag:s29], $0x1  }
0xb4: {  	[sflag:s29] =	ssyncadd.s32 $0xFFFFFFFF  }
0xb5: {  	_ =	strace $0x9000004B  }
0xb6: {  	_ =	sfence  }
0xb7: {  	s30 =	sld [smem:$0x0];
	_ =	sdelay $0x2  }
0xb8: {  	s31 =	sshll.u32 s1, $0xD;
	s1 =	sshrl.u32 s1, $0x2  }
0xb9: {  	s3 =	sand.u32 $0x4000, s31;
	s1 =	sadd.s32 s1, s30  }
0xba: {  	s0 =	sor.u32 s3, s0;
	s1 =	sshll.u32 s1, $0x11  }
0xbb: {  	s0 =	sor.u32 s1, s0  }
0xbc: {  	s0 =	sadd.s32 $0x8F2B, s0  }
0xbd: {  	[sflag:s0] =	ssyncadd.remote.s32 $0x1  }
0xbe: {  	_ =	sfence.sel $0xFFFF  }
0xbf: {  	[dreg:$0x0] =	wrdreg $0xFFFFFFFF;
	(pc) =	sbr.abs _section_cstart, $3  }
0xc0: {  	[dreg:$0x1] =	wrdreg $0xFFFFFFFF  }
0xc1: {  	_ =	task.clear_ibuf [dreg:s6], $0x2FFFF;
	_ =	strace $0x9FFFFFFF  }
0xc2: {  	(tm) =	ssettm $0x7FFFFFFF  }
0xc3: {  	_ =	shalt  }
tec
execute0_lowered:
.L_overlay_start_1:
0x0: {  	(tag) =	ssettag $0x1  }
0x1: {  	s7 =	rddreg [dreg:$0x0]  }
0x2: {  	s2 =	rddreg [dreg:$0x1]  }
0x3: {  	s3 =	simm.s32 $0x0;
	s1 =	stileid.u32;
	s5 =	srdreg.scid  }
0x4: {  	s18 =	simm.s32 $0xA0;
	s19 =	simm.s32 $0x1;
	s20 =	simm.s32 $0x50  }
0x5: {  	s21 =	simm.s32 $0x140;
	s22 =	simm.s32 $0xF0;
	s23 =	simm.s32 $0x3  }
0x6: {  	s24 =	simm.s32 $0x2;
	s25 =	simm.s32 $0xB40;
	s28 =	simm.s32 $0x0  }
0x7: {  	[smem:$0x7FF] =	sst s3;
	s8 =	smul.u32 $0x5000, s1;
	s4 =	sadd.s32 $0x45200, s7  }
0x8: {  	s9 =	sand.u32 $0x1, s5;
	s10 =	smul.u32 $0xA00, s1;
	s5 =	sadd.s32 $0x4600, s7  }
0x9: {  	s6 =	sadd.s32 $0xE400, s7;
	s14 =	smul.u32 $0x2710, s1;
	s29 =	sshll.u32 s1, $0x6  }
0xa: {  	_ =	strace $0x8000004A;
	s11 =	smul.u32 $0xA000, s9;
	s13 =	ssub.s32 $0x2, s9  }
0xb: {  	s9 =	smul.u32 $0x27100, s9;
	s12 =	sshrl.u32 s8, $0x3;
	s26 =	sshrl.u32 s13, $0x1  }
0xc: {  	s16 =	sadd.s32 s8, s2;
	s8 =	sor.u32 $0x1C05, s29;
	s10 =	sadd.s32 s10, s11  }
0xd: {  	s12 =	sadd.s32 s12, s7;
	s13 =	ssub.s32 s13, s26;
	s14 =	sadd.s32 s14, s9  }
0xe: {  	s16 =	sshrl.u32 s16, $0x3;
	s26 =	simm.s32 $0x4;
	s15 =	sadd.s32 s10, s7  }
0xf: {  	s7 =	sadd.s32 $0x4F200, s12;
	s30 =	sshrl.u32 s14, $0x3;
	s17 =	sadd.s32 $0x50, s14  }
0x10: {  	s12 =	smax.u32 s13, $0x1;
	s13 =	sadd.s32 $0xA0, s14;
	s9 =	sadd.s32 s5, s30  }
0x11: {  	s10 =	sadd.s32 s6, s30;
	s11 =	sadd.s32 $0x59200, s15;
	s31 =	sshrl.u32 s17, $0x3  }
0x12: {  	s17 =	simm.s32 $0x5;
	s14 =	sadd.s32 s31, s6;
	s15 =	sadd.s32 s31, s5  }
.LBB2_1:
0x13: {  	[spmem:s16], [sflag:s8] =	dma.local [hbm:s7], $0xA00  }
0x14: {  	_ =	swait.ge [sflag:s17], $0xA00  }
0x15: {  	[sflag:s17] =	ssyncset.done $0x0  }
0x16: {  	[sflag:s17] =	ssyncadd.s32 $0xFFFFF600  }
0x17: {  	[bflag:$0x0] =	sbarrier.arrive $0xFFFF  }
0x18: {  	[tilespmem:s3], [sflag:$0x1] =	stream.linear.gather [hbm4b:s9+s3], $0x50, $0x38;
	[tilespmem:$0x6540] =	vst v63  }
0x19: {  	_ = 	snop  }
0x1a: {  	[tilespmem:s18], [sflag:$0x1] =	stream.linear.gather [hbm4b:s10+s3], $0x50, $0x38;
	[tilespmem:$0x6540] =	vst v63  }
0x1b: {  	_ =	swait.ge [sflag:s19], $0x50  }
0x1c: {  	[sflag:s19] =	ssyncset.done $0x0  }
0x1d: {  	[sflag:s19] =	ssyncadd.s32 $0xFFFFFFB0  }
0x1e: {  	_ =	swait.ge [sflag:s19], $0x50  }
0x1f: {  	[sflag:s19] =	ssyncset.done $0x0  }
0x20: {  	[sflag:s19] =	ssyncadd.s32 $0xFFFFFFB0  }
0x21: {  	[tilespmem:s21], [sflag:$0x3] =	stream.indirect.gather [hbm4b:s4+s20], $0x20, s3, s20, $0xb8;
	[tilespmem:$0x6540] =	vst v63  }
0x22: {  	s29 =	sadd.s32 $0x0, s15  }
0x23: {  	[tilespmem:s20], [sflag:$0x2] =	stream.linear.gather [hbm4b:s29+s3], $0x50, $0x38;
	[tilespmem:$0x6540] =	vst v63  }
0x24: {  	s29 =	sadd.s32 $0x0, s14  }
0x25: {  	[tilespmem:s22], [sflag:$0x2] =	stream.linear.gather [hbm4b:s29+s3], $0x50, $0x38;
	[tilespmem:$0x6540] =	vst v63  }
0x26: {  	_ =	swait.ge [sflag:s23], $0xA00  }
0x27: {  	[sflag:s23] =	ssyncset.done $0x0  }
0x28: {  	[sflag:s23] =	ssyncadd.s32 $0xFFFFF600  }
0x29: {  	_ =	swait.ge [sflag:s24], $0x50  }
0x2a: {  	[sflag:s24] =	ssyncset.done $0x0  }
0x2b: {  	[sflag:s24] =	ssyncadd.s32 $0xFFFFFFB0  }
0x2c: {  	_ =	swait.ge [sflag:s24], $0x50  }
0x2d: {  	[sflag:s24] =	ssyncset.done $0x0  }
0x2e: {  	[sflag:s24] =	ssyncadd.s32 $0xFFFFFFB0  }
0x2f: {  	[tilespmem:s25], [sflag:$0x4] =	stream.indirect.gather [hbm4b:s4+s20], $0x20, s20, s20, $0xb8;
	[tilespmem:$0x6540] =	vst v63  }
0x30: {  	_ = 	snop  }
0x31: {  	[spmem:s2] =	stream.indirect.scatter.add.f32 [tilespmem:s21], [sflag:$0x5], $0x20, s18, s20, $0xb8;
	[tilespmem:$0x6540] =	vst v63  }
0x32: {  	_ =	swait.ge [sflag:s17], $0xA00  }
0x33: {  	s29 =	sshrl.u32 s13, $0x3;
	[sflag:s17] =	ssyncset.done $0x0  }
0x34: {  	s30 =	sadd.s32 s5, s29;
	[sflag:s17] =	ssyncadd.s32 $0xFFFFF600  }
0x35: {  	[tilespmem:s3], [sflag:$0x1] =	stream.linear.gather [hbm4b:s30+s3], $0x50, $0x38;
	[tilespmem:$0x6540] =	vst v63  }
0x36: {  	s29 =	sadd.s32 s6, s29  }
0x37: {  	[tilespmem:s18], [sflag:$0x1] =	stream.linear.gather [hbm4b:s29+s3], $0x50, $0x38;
	[tilespmem:$0x6540] =	vst v63  }
0x38: {  	_ =	swait.ge [sflag:s26], $0xA00  }
0x39: {  	[sflag:s26] =	ssyncset.done $0x0  }
0x3a: {  	[sflag:s26] =	ssyncadd.s32 $0xFFFFF600  }
0x3b: {  	[spmem:s2] =	stream.indirect.scatter.add.f32 [tilespmem:s25], [sflag:$0x5], $0x20, s22, s20, $0xb8;
	[tilespmem:$0x6540] =	vst v63  }
0x3c: {  	_ =	swait.ge [sflag:s17], $0xA00  }
0x3d: {  	s30 =	smov.u32 s13;
	s29 =	simm.s32 $0x14;
	[sflag:s17] =	ssyncset.done $0x0  }
.LBB2_2:
0x3e: {  	p0 =	sne.s32 s29, $0x4C4;
	[sflag:s17] =	ssyncadd.s32 $0xFFFFF600;
	s30 =	sadd.s32 $0xA0, s30  }
0x3f: {  	s31 =	smov.u32 s29;
	s29 =	sadd.s32 $0x14, s29;
	_ =	swait.ge [sflag:s19], $0x50  }
0x40: {  	[sflag:s19] =	ssyncset.done $0x0  }
0x41: {  	[sflag:s19] =	ssyncadd.s32 $0xFFFFFFB0  }
0x42: {  	_ =	swait.ge [sflag:s19], $0x50  }
0x43: {  	[sflag:s19] =	ssyncset.done $0x0  }
0x44: {  	[sflag:s19] =	ssyncadd.s32 $0xFFFFFFB0  }
0x45: {  	[tilespmem:s21], [sflag:$0x3] =	stream.indirect.gather [hbm4b:s4+s20], $0x20, s3, s20, $0xb8;
	[tilespmem:$0x6540] =	vst v63  }
0x46: {  	s0 =	sadd.s32 s31, s15  }
0x47: {  	[tilespmem:s20], [sflag:$0x2] =	stream.linear.gather [hbm4b:s0+s3], $0x50, $0x38;
	[tilespmem:$0x6540] =	vst v63  }
0x48: {  	s0 =	sadd.s32 s31, s14  }
0x49: {  	[tilespmem:s22], [sflag:$0x2] =	stream.linear.gather [hbm4b:s0+s3], $0x50, $0x38;
	[tilespmem:$0x6540] =	vst v63  }
0x4a: {  	_ =	swait.ge [sflag:s23], $0xA00  }
0x4b: {  	[sflag:s23] =	ssyncset.done $0x0  }
0x4c: {  	[sflag:s23] =	ssyncadd.s32 $0xFFFFF600  }
0x4d: {  	_ =	swait.ge [sflag:s24], $0x50  }
0x4e: {  	[sflag:s24] =	ssyncset.done $0x0  }
0x4f: {  	[sflag:s24] =	ssyncadd.s32 $0xFFFFFFB0  }
0x50: {  	_ =	swait.ge [sflag:s24], $0x50  }
0x51: {  	[sflag:s24] =	ssyncset.done $0x0  }
0x52: {  	[sflag:s24] =	ssyncadd.s32 $0xFFFFFFB0  }
0x53: {  	[tilespmem:s25], [sflag:$0x4] =	stream.indirect.gather [hbm4b:s4+s20], $0x20, s20, s20, $0xb8;
	[tilespmem:$0x6540] =	vst v63  }
0x54: {  	_ = 	snop  }
0x55: {  	[spmem:s2] =	stream.indirect.scatter.add.f32 [tilespmem:s21], [sflag:$0x5], $0x20, s18, s20, $0xb8;
	[tilespmem:$0x6540] =	vst v63  }
0x56: {  	_ =	swait.ge [sflag:s17], $0xA00  }
0x57: {  	s0 =	sshrl.u32 s30, $0x3;
	[sflag:s17] =	ssyncset.done $0x0  }
0x58: {  	s31 =	sadd.s32 s5, s0;
	[sflag:s17] =	ssyncadd.s32 $0xFFFFF600  }
0x59: {  	[tilespmem:s3], [sflag:$0x1] =	stream.linear.gather [hbm4b:s31+s3], $0x50, $0x38;
	[tilespmem:$0x6540] =	vst v63  }
0x5a: {  	s0 =	sadd.s32 s6, s0  }
0x5b: {  	[tilespmem:s18], [sflag:$0x1] =	stream.linear.gather [hbm4b:s0+s3], $0x50, $0x38;
	[tilespmem:$0x6540] =	vst v63  }
0x5c: {  	_ =	swait.ge [sflag:s26], $0xA00  }
.Ltmp0:
0x5d: {  	[sflag:s26] =	ssyncset.done $0x0;
	(pc) =	sbr.rel @p0 .LBB2_2-.Ltmp0, $4  }
0x5e: {  	[sflag:s26] =	ssyncadd.s32 $0xFFFFF600  }
0x5f: {  	[spmem:s2] =	stream.indirect.scatter.add.f32 [tilespmem:s25], [sflag:$0x5], $0x20, s22, s20, $0xb8;
	[tilespmem:$0x6540] =	vst v63  }
0x60: {  	_ =	swait.ge [sflag:s17], $0xA00  }
0x61: {  	[sflag:s17] =	ssyncset.done $0x0  }
0x62: {  	[sflag:s17] =	ssyncadd.s32 $0xFFFFF600  }
0x63: {  	_ =	swait.ge [sflag:s19], $0x50  }
0x64: {  	[sflag:s19] =	ssyncset.done $0x0  }
0x65: {  	[sflag:s19] =	ssyncadd.s32 $0xFFFFFFB0  }
0x66: {  	_ =	swait.ge [sflag:s19], $0x50  }
0x67: {  	[sflag:s19] =	ssyncset.done $0x0  }
0x68: {  	[sflag:s19] =	ssyncadd.s32 $0xFFFFFFB0  }
0x69: {  	[tilespmem:s21], [sflag:$0x3] =	stream.indirect.gather [hbm4b:s4+s20], $0x20, s3, s20, $0xb8;
	[tilespmem:$0x6540] =	vst v63  }
0x6a: {  	_ =	swait.ge [sflag:s23], $0xA00  }
0x6b: {  	[sflag:s23] =	ssyncset.done $0x0  }
0x6c: {  	[sflag:s23] =	ssyncadd.s32 $0xFFFFF600  }
0x6d: {  	[spmem:s2] =	stream.indirect.scatter.add.f32 [tilespmem:s21], [sflag:$0x5], $0x20, s18, s20, $0xb8;
	[tilespmem:$0x6540] =	vst v63  }
0x6e: {  	_ =	swait.ge [sflag:s17], $0xA00  }
0x6f: {  	s28 =	sadd.s32 $0x1, s28;
	[sflag:s17] =	ssyncset.done $0x0  }
0x70: {  	p0 =	sne.s32 s28, s12;
	[sflag:s17] =	ssyncadd.s32 $0xFFFFF600  }
.Ltmp1:
0x71: {  	[bflag:$0x0] =	sbarrier.arrive $0xFFFF;
	(pc) =	sbr.rel @p0 .LBB2_1-.Ltmp1, $4  }
0x72: {  	[hbm:s11], [sflag:s8] =	dma.local [spmem:s16], $0xA00  }
0x73: {  	_ =	swait.ge [sflag:s17], $0xA00  }
0x74: {  	[sflag:s17] =	ssyncset.done $0x0  }
0x75: {  	[sflag:s17] =	ssyncadd.s32 $0xFFFFF600  }
0x76: {  	_ =	sfence.sel $0x180000  }
0x77: {  	[bflag:$0x0] =	sbarrier.arrive $0xFFFF  }
0x78: {  	_ =	strace $0x9000004A  }
0x79: {  	[bflag:$0x2] =	sbarrier.arrive $0xFFFF  }
0x7a: {  	p0 =	sne.s32 s1, $0x0;
	s0 =	rddreg [dreg:$0x2]  }
0x7b: {  	s0 =	sadd.s32 @!p0 $0x100000, s0  }
0x7c: {  	[sflag:s0] =	ssyncadd.tile.s32 @!p0 $0x1;
	_ =	shalt  }
.Lfunc_end2:
_tile_overlayer_lowered:
.L_overlay_start_2:
0x7d: {  	(tag) =	ssettag $0x2  }
0x7e: {  	s0 =	rddreg [dreg:$0x0];
	s2 =	stileid.u32  }
0x7f: {  	s1 =	rddreg [dreg:$0x1];
	p0 =	sne.s32 s2, $0x0  }
0x80: {  	s3 =	rddreg [dreg:$0x2];
	[bflag:$0x3] =	sbarrier.arrive $0xFFFF;
	s2 =	simm.s32 @!p0 $0x1C05  }
0x81: {  	[timem:s3], [sflag:s2] =	dma.local @!p0 [hbm:s0], s1  }
0x82: {  	s0 =	simm.s32 @!p0 $0x5  }
0x83: {  	_ =	swait.ge @!p0 [sflag:s0], s1  }
0x84: {  	s1 =	ssub.s32 @!p0 $0x0, s1;
	[sflag:s0] =	ssyncset.done @!p0 $0x0  }
0x85: {  	[sflag:s0] =	ssyncadd.s32 @!p0 s1  }
0x86: {  	[bflag:$0x3] =	sbarrier.arrive $0xFFFF  }
0x87: {  	_ =	shalt  }

// kernel: kernel.22.cloned.1.call-start
scs
__scs_entry_jumppad:
0x0: {  	(pc) =	sbr.rel $0x88, $3  }
0x1: {  	(tag) =	ssettag $0x0;
	lr =	simm.s32 $0x1  }
0x2: {  	[smem:$0x3F8E] =	sst lr;
	_ =	strace $0xD0000000  }
0x3: {  	_ = 	snop  }
0x4: {  	_ = 	snop  }
0x5: {  	_ = 	snop  }
0x6: {  	_ = 	snop  }
0x7: {  	_ = 	snop  }
__scs_overlays_trampoline_lowered:
0x8: {  	[smem:$0x3F9D] =	sst s0  }
0x9: {  	[smem:$0x3F9E] =	sst s1  }
0xa: {  	[smem:$0x3F9F] =	sst s2  }
0xb: {  	[smem:$0x3FA0] =	sst s3  }
0xc: {  	[smem:$0x3FA1] =	sst s4  }
0xd: {  	[smem:$0x3FA2] =	sst s5  }
0xe: {  	[smem:$0x3FA3] =	sst s6  }
0xf: {  	[smem:$0x3FA4] =	sst s7  }
0x10: {  	[smem:$0x3FA5] =	sst s8  }
0x11: {  	[smem:$0x3FA6] =	sst s9;
	s0 =	simm.s32 @!p0 $0x0  }
0x12: {  	s1 =	sld [smem:$0x3F8C];
	s0 =	simm.s32 @p0 $0x1  }
0x13: {  	[smem:$0x3FA7] =	sst s0;
	s0 =	simm.s32 @!p1 $0x0  }
0x14: {  	s2 =	sld [smem:$0x3F8B];
	s0 =	simm.s32 @p1 $0x1  }
0x15: {  	[smem:$0x3FA8] =	sst s0;
	s0 =	simm.s32 @!p2 $0x0  }
0x16: {  	s3 =	sld [smem:$0x3FDB];
	s0 =	simm.s32 @p2 $0x1  }
0x17: {  	s4 =	simm.s32 $0x1BF5;
	[smem:$0x3FAA] =	sst s0  }
0x18: {  	s0 =	sld [smem:$0x3F8D];
	_ =	swait.ge [sflag:s4], $0x0  }
0x19: {  	s7 =	sld [smem:$0x3F8E]  }
0x1a: {  	s8 =	sadd.s32 $0xFFFFE003, lr  }
0x1b: {  	s9 =	sadd.s32 $0xFFFFFEF7, lr;
	s5 =	simm.s32 $0xFFFFFFFF;
	p2 =	slt.u32 s8, $0xFFFFF086  }
0x1c: {  	p1 =	slt.u32 s9, $0xF7A;
	s5 =	simm.s32 @!p2 $0x0  }
0x1d: {  	s5 =	simm.s32 @p1 $0x1;
	p0 =	seq.s32 s7, s2  }
0x1e: {  	s7 =	smul.u32 @!p0 $0xF7A, s2;
	p2 =	seq.s32 @!p0 s5, $0x0  }
0x1f: {  	s9 =	smul.u32 $0xF7A, s1;
	s8 =	simm.s32 @!p0 $0x1BF5;
	p2 =	por !p2, p0  }
0x20: {  	[sflag:s8] =	ssyncset.s32 @!p0 $0xFFFFF086;
	s6 =	sadd.s32 @!p0 s3, s7;
	s7 =	simm.s32 @!p0 $0x108  }
0x21: {  	s3 =	sadd.s32 s3, s9;
	s6 =	sadd.s32 @!p0 $0x88, s6;
	s7 =	simm.s32 @p2 $0x1082  }
0x22: {  	[simem:s7], [sflag:s8] =	dma.local @!p0 [hbm:s6], $0xF7A  }
0x23: {  	s9 =	sor.u32 $0xD0000000, s2;
	s6 =	simm.s32 $0x108;
	_ =	swait.ge @!p0 [sflag:s8], $0x0  }
0x24: {  	s3 =	sadd.s32 $0x88, s3;
	s6 =	simm.s32 @!p1 $0x1082;
	[sflag:s4] =	ssyncset.s32 $0xFFFFF086  }
0x25: {  	[simem:s6], [sflag:s4] =	dma.local [hbm:s3], $0xF7A  }
0x26: {  	[smem:$0x3F8E] =	sst s1;
	(tag) =	ssettag s2;
	_ =	strace s9  }
0x27: {  	s1 =	sld [smem:$0x3F9E]  }
0x28: {  	s2 =	sld [smem:$0x3F9F]  }
0x29: {  	s4 =	sld [smem:$0x3FA1]  }
0x2a: {  	p0 =	seq.s32 s5, $0x0;
	s5 =	sld [smem:$0x3FA2]  }
0x2b: {  	s6 =	sld [smem:$0x3FA3]  }
0x2c: {  	s7 =	sld [smem:$0x3FA4]  }
0x2d: {  	s3 =	simm.s32 $0x108;
	s8 =	sld [smem:$0x3FA5]  }
0x2e: {  	s3 =	simm.s32 @!p0 $0x1082;
	s9 =	sld [smem:$0x3FA6]  }
0x2f: {  	lr =	sadd.s32 s0, s3;
	s0 =	sld [smem:$0x3F9D]  }
0x30: {  	s3 =	sld [smem:$0x3FA0]  }
0x31: {  	[smem:$0x3FA9] =	sst s10  }
0x32: {  	s10 =	sld [smem:$0x3FA7];
	_ =	sdelay $0x3  }
0x33: {  	p0 =	seq.s32 s10, $0x1;
	s10 =	sld [smem:$0x3FA9];
	_ =	sdelay $0x3  }
0x34: {  	[smem:$0x3FA9] =	sst s10  }
0x35: {  	s10 =	sld [smem:$0x3FA8];
	_ =	sdelay $0x3  }
0x36: {  	p1 =	seq.s32 s10, $0x1;
	s10 =	sld [smem:$0x3FA9];
	_ =	sdelay $0x3  }
0x37: {  	[smem:$0x3FA9] =	sst s10  }
0x38: {  	s10 =	sld [smem:$0x3FAA]  }
0x39: {  	_ = 	snop;
	(pc) =	sbr.ind lr, $3  }
0x3a: {  	_ = 	snop  }
0x3b: {  	_ = 	snop  }
0x3c: {  	p2 =	seq.s32 s10, $0x1;
	s10 =	sld [smem:$0x3FA9]  }
0x3d: {  	_ =	shalt  }
0x3e: {  	_ =	shalt  }
0x3f: {  	_ =	shalt  }
0x40: {  	_ =	shalt  }
0x41: {  	_ =	shalt  }
0x42: {  	_ =	shalt  }
0x43: {  	_ =	shalt  }
0x44: {  	_ =	shalt  }
0x45: {  	_ =	shalt  }
0x46: {  	_ =	shalt  }
0x47: {  	_ =	shalt  }
0x48: {  	_ =	shalt  }
0x49: {  	_ =	shalt  }
0x4a: {  	_ =	shalt  }
0x4b: {  	_ =	shalt  }
0x4c: {  	_ =	shalt  }
0x4d: {  	_ =	shalt  }
0x4e: {  	_ =	shalt  }
0x4f: {  	_ =	shalt  }
0x50: {  	_ =	shalt  }
0x51: {  	_ =	shalt  }
0x52: {  	_ =	shalt  }
0x53: {  	_ =	shalt  }
0x54: {  	_ =	shalt  }
0x55: {  	_ =	shalt  }
0x56: {  	_ =	shalt  }
0x57: {  	_ =	shalt  }
0x58: {  	_ =	shalt  }
0x59: {  	_ =	shalt  }
0x5a: {  	_ =	shalt  }
0x5b: {  	_ =	shalt  }
0x5c: {  	_ =	shalt  }
0x5d: {  	_ =	shalt  }
0x5e: {  	_ =	shalt  }
0x5f: {  	_ =	shalt  }
0x60: {  	_ =	shalt  }
0x61: {  	_ =	shalt  }
0x62: {  	_ =	shalt  }
0x63: {  	_ =	shalt  }
0x64: {  	_ =	shalt  }
0x65: {  	_ =	shalt  }
0x66: {  	_ =	shalt  }
0x67: {  	_ =	shalt  }
0x68: {  	_ =	shalt  }
0x69: {  	_ =	shalt  }
0x6a: {  	_ =	shalt  }
0x6b: {  	_ =	shalt  }
0x6c: {  	_ =	shalt  }
0x6d: {  	_ =	shalt  }
0x6e: {  	_ =	shalt  }
0x6f: {  	_ =	shalt  }
0x70: {  	_ =	shalt  }
0x71: {  	_ =	shalt  }
0x72: {  	_ =	shalt  }
0x73: {  	_ =	shalt  }
0x74: {  	_ =	shalt  }
0x75: {  	_ =	shalt  }
0x76: {  	_ =	shalt  }
0x77: {  	_ =	shalt  }
0x78: {  	_ =	shalt  }
0x79: {  	_ =	shalt  }
0x7a: {  	_ =	shalt  }
0x7b: {  	_ =	shalt  }
0x7c: {  	_ =	shalt  }
0x7d: {  	_ =	shalt  }
0x7e: {  	_ =	shalt  }
0x7f: {  	_ =	shalt  }
0x80: {  	_ =	shalt  }
0x81: {  	_ =	shalt  }
0x82: {  	_ =	shalt  }
0x83: {  	_ =	shalt  }
0x84: {  	_ =	shalt  }
0x85: {  	_ =	shalt  }
0x86: {  	_ =	shalt  }
0x87: {  	_ =	shalt  }
.Lfunc_end0:
.L_simem_size_0:
called_computation.2_lowered:
.L_overlay_start_0:
0x88: {  	s2 =	sld [smem:$0x3FD9]  }
0x89: {  	s3 =	sld [smem:$0x3FFE];
	_ =	sdelay $0x1  }
0x8a: {  	s1 =	srdreg.scid  }
0x8b: {  	s0 =	sand.u32 $0x1, s1  }
0x8c: {  	s16 =	sshll.u32 s0, $0xA;
	s2 =	sadd.s32 s3, s2  }
0x8d: {  	s2 =	sadd.s32 s2, s16  }
0x8e: {  	[smem:$0x3FB5] =	sst s2  }
0x8f: {  	_ = 	snop  }
0x90: {  	(tm) =	ssettm $0x1  }
0x91: {  	s17 =	sld [smem:$0x3FFB];
	_ =	sdelay $0x3  }
0x92: {  	_ =	strace s17  }
0x93: {  	s2 =	sld [smem:$0x3FFC];
	_ =	sdelay $0x3  }
0x94: {  	_ =	strace s2  }
0x95: {  	s2 =	sld [smem:$0x3FFD];
	_ =	sdelay $0x3  }
0x96: {  	_ =	strace s2  }
0x97: {  	_ =	strace $0x8FFFFFFF  }
0x98: {  	s18 =	sld [smem:$0x3FDB];
	_ =	sdelay $0x1  }
0x99: {  	s19 =	simm.s32 $_scs_section_size  }
0x9a: {  	s4 =	simm.s32 $_size__tile_overlayer_lowered;
	s5 =	simm.s32 $_tile_overlayer_lowered  }
0x9b: {  	s22 =	simm.s32 $0x1BFF;
	s21 =	sshll.u32 s5, $0x1;
	s2 =	sadd.s32 s19, s18  }
0x9c: {  	s6 =	simm.s32 $0x0;
	s20 =	sshll.u32 s4, $0x1;
	s4 =	sadd.s32 s21, s2  }
0x9d: {  	[timem:s6], [sflag:s22] =	dma.local [hbm:s4], s20  }
0x9e: {  	_ =	swait.ge [sflag:s22], s20  }
0x9f: {  	s3 =	ssub.s32 $0x0, s20;
	[sflag:s22] =	ssyncset.done $0x0  }
0xa0: {  	[sflag:s22] =	ssyncadd.s32 s3;
	_ =	sdelay $0x1  }
0xa1: {  	s23 =	simm.s32 $0x1B8B  }
0xa2: {  	_ =	swait.ge [sflag:s23], $0x1  }
0xa3: {  	[sflag:s23] =	ssyncset.done $0x0  }
0xa4: {  	s25 =	simm.s32 $0x1B8E;
	s24 =	sld [smem:$0x3FFE];
	[sflag:s23] =	ssyncadd.s32 $0xFFFFFFFF  }
0xa5: {  	s26 =	simm.s32 $execute0_lowered;
	[smem:$0x3FD2] =	sst s25  }
0xa6: {  	s4 =	sshll.u32 s26, $0x1;
	_ =	strace $0x8000004C;
	[dreg:$0x1] =	wrdreg $0xFFFFFFFF  }
0xa7: {  	s28 =	simm.s32 $_size_execute0_lowered;
	s2 =	sadd.s32 s2, s4;
	[dreg:$0x0] =	wrdreg $0x0  }
0xa8: {  	s4 =	sshll.u32 s28, $0x1;
	[dreg:$0x2] =	wrdreg s2  }
0xa9: {  	[dreg:$0x3] =	wrdreg s4  }
0xaa: {  	[dreg:$0x4] =	wrdreg $0xC0  }
0xab: {  	_ =	task [dreg:s6], $0x5FFFF  }
0xac: {  	[dreg:$0x1] =	wrdreg $0xFFFFFFFF  }
0xad: {  	[dreg:$0x0] =	wrdreg $0x60  }
0xae: {  	[dreg:$0x2] =	wrdreg s24  }
0xaf: {  	[dreg:$0x3] =	wrdreg $0x15400  }
0xb0: {  	[dreg:$0x4] =	wrdreg $0x9  }
0xb1: {  	_ =	task.clear_ibuf [dreg:s6], $0x5FFFF;
	_ =	strace $0x9000004C  }
0xb2: {  	s29 =	simm.s32 $0x9;
	_ =	strace $0x8000004E  }
0xb3: {  	_ =	swait.ge [sflag:s29], $0x1  }
0xb4: {  	[sflag:s29] =	ssyncadd.s32 $0xFFFFFFFF  }
0xb5: {  	_ =	strace $0x9000004E  }
0xb6: {  	_ =	sfence  }
0xb7: {  	s30 =	sld [smem:$0x0];
	_ =	sdelay $0x2  }
0xb8: {  	s31 =	sshll.u32 s1, $0xD;
	s1 =	sshrl.u32 s1, $0x2  }
0xb9: {  	s3 =	sand.u32 $0x4000, s31;
	s1 =	sadd.s32 s1, s30  }
0xba: {  	s0 =	sor.u32 s3, s0;
	s1 =	sshll.u32 s1, $0x11  }
0xbb: {  	s0 =	sor.u32 s1, s0  }
0xbc: {  	s0 =	sadd.s32 $0x8F2B, s0  }
0xbd: {  	[sflag:s0] =	ssyncadd.remote.s32 $0x1  }
0xbe: {  	_ =	sfence.sel $0xFFFF  }
0xbf: {  	[dreg:$0x0] =	wrdreg $0xFFFFFFFF;
	(pc) =	sbr.abs _section_cstart, $3  }
0xc0: {  	[dreg:$0x1] =	wrdreg $0xFFFFFFFF  }
0xc1: {  	_ =	task.clear_ibuf [dreg:s6], $0x2FFFF;
	_ =	strace $0x9FFFFFFF  }
0xc2: {  	(tm) =	ssettm $0x7FFFFFFF  }
0xc3: {  	_ =	shalt  }
tec
execute0_lowered:
.L_overlay_start_1:
0x0: {  	(tag) =	ssettag $0x1  }
0x1: {  	s7 =	rddreg [dreg:$0x0]  }
0x2: {  	s2 =	rddreg [dreg:$0x1]  }
0x3: {  	s3 =	simm.s32 $0x0;
	s1 =	stileid.u32;
	s5 =	srdreg.scid  }
0x4: {  	s18 =	simm.s32 $0xA0;
	s19 =	simm.s32 $0x1;
	s20 =	simm.s32 $0x50  }
0x5: {  	s21 =	simm.s32 $0x140;
	s22 =	simm.s32 $0xF0;
	s23 =	simm.s32 $0x3  }
0x6: {  	s24 =	simm.s32 $0x2;
	s25 =	simm.s32 $0xB40;
	s28 =	simm.s32 $0x0  }
0x7: {  	[smem:$0x7FF] =	sst s3;
	s8 =	smul.u32 $0x5000, s1;
	s4 =	sadd.s32 $0x45200, s7  }
0x8: {  	s9 =	sand.u32 $0x1, s5;
	s10 =	smul.u32 $0xA00, s1;
	s5 =	sadd.s32 $0x4600, s7  }
0x9: {  	s6 =	sadd.s32 $0xE400, s7;
	s14 =	smul.u32 $0x2710, s1;
	s29 =	sshll.u32 s1, $0x6  }
0xa: {  	_ =	strace $0x8000004D;
	s11 =	smul.u32 $0xA000, s9;
	s13 =	ssub.s32 $0x2, s9  }
0xb: {  	s9 =	smul.u32 $0x27100, s9;
	s12 =	sshrl.u32 s8, $0x3;
	s26 =	sshrl.u32 s13, $0x1  }
0xc: {  	s16 =	sadd.s32 s8, s2;
	s8 =	sor.u32 $0x1C05, s29;
	s10 =	sadd.s32 s10, s11  }
0xd: {  	s12 =	sadd.s32 s12, s7;
	s13 =	ssub.s32 s13, s26;
	s14 =	sadd.s32 s14, s9  }
0xe: {  	s16 =	sshrl.u32 s16, $0x3;
	s26 =	simm.s32 $0x4;
	s15 =	sadd.s32 s10, s7  }
0xf: {  	s7 =	sadd.s32 $0x4F200, s12;
	s30 =	sshrl.u32 s14, $0x3;
	s17 =	sadd.s32 $0x50, s14  }
0x10: {  	s12 =	smax.u32 s13, $0x1;
	s13 =	sadd.s32 $0xA0, s14;
	s9 =	sadd.s32 s5, s30  }
0x11: {  	s10 =	sadd.s32 s6, s30;
	s11 =	sadd.s32 $0x81200, s15;
	s31 =	sshrl.u32 s17, $0x3  }
0x12: {  	s17 =	simm.s32 $0x5;
	s14 =	sadd.s32 s31, s6;
	s15 =	sadd.s32 s31, s5  }
.LBB2_1:
0x13: {  	[spmem:s16], [sflag:s8] =	dma.local [hbm:s7], $0xA00  }
0x14: {  	_ =	swait.ge [sflag:s17], $0xA00  }
0x15: {  	[sflag:s17] =	ssyncset.done $0x0  }
0x16: {  	[sflag:s17] =	ssyncadd.s32 $0xFFFFF600  }
0x17: {  	[bflag:$0x0] =	sbarrier.arrive $0xFFFF  }
0x18: {  	[tilespmem:s3], [sflag:$0x1] =	stream.linear.gather [hbm4b:s9+s3], $0x50, $0x38;
	[tilespmem:$0x6540] =	vst v63  }
0x19: {  	_ = 	snop  }
0x1a: {  	[tilespmem:s18], [sflag:$0x1] =	stream.linear.gather [hbm4b:s10+s3], $0x50, $0x38;
	[tilespmem:$0x6540] =	vst v63  }
0x1b: {  	_ =	swait.ge [sflag:s19], $0x50  }
0x1c: {  	[sflag:s19] =	ssyncset.done $0x0  }
0x1d: {  	[sflag:s19] =	ssyncadd.s32 $0xFFFFFFB0  }
0x1e: {  	_ =	swait.ge [sflag:s19], $0x50  }
0x1f: {  	[sflag:s19] =	ssyncset.done $0x0  }
0x20: {  	[sflag:s19] =	ssyncadd.s32 $0xFFFFFFB0  }
0x21: {  	[tilespmem:s21], [sflag:$0x3] =	stream.indirect.gather [hbm4b:s4+s20], $0x20, s3, s20, $0xb8;
	[tilespmem:$0x6540] =	vst v63  }
0x22: {  	s29 =	sadd.s32 $0x0, s15  }
0x23: {  	[tilespmem:s20], [sflag:$0x2] =	stream.linear.gather [hbm4b:s29+s3], $0x50, $0x38;
	[tilespmem:$0x6540] =	vst v63  }
0x24: {  	s29 =	sadd.s32 $0x0, s14  }
0x25: {  	[tilespmem:s22], [sflag:$0x2] =	stream.linear.gather [hbm4b:s29+s3], $0x50, $0x38;
	[tilespmem:$0x6540] =	vst v63  }
0x26: {  	_ =	swait.ge [sflag:s23], $0xA00  }
0x27: {  	[sflag:s23] =	ssyncset.done $0x0  }
0x28: {  	[sflag:s23] =	ssyncadd.s32 $0xFFFFF600  }
0x29: {  	_ =	swait.ge [sflag:s24], $0x50  }
0x2a: {  	[sflag:s24] =	ssyncset.done $0x0  }
0x2b: {  	[sflag:s24] =	ssyncadd.s32 $0xFFFFFFB0  }
0x2c: {  	_ =	swait.ge [sflag:s24], $0x50  }
0x2d: {  	[sflag:s24] =	ssyncset.done $0x0  }
0x2e: {  	[sflag:s24] =	ssyncadd.s32 $0xFFFFFFB0  }
0x2f: {  	[tilespmem:s25], [sflag:$0x4] =	stream.indirect.gather [hbm4b:s4+s20], $0x20, s20, s20, $0xb8;
	[tilespmem:$0x6540] =	vst v63  }
0x30: {  	_ = 	snop  }
0x31: {  	[spmem:s2] =	stream.indirect.scatter.add.f32 [tilespmem:s21], [sflag:$0x5], $0x20, s18, s20, $0xb8;
	[tilespmem:$0x6540] =	vst v63  }
0x32: {  	_ =	swait.ge [sflag:s17], $0xA00  }
0x33: {  	s29 =	sshrl.u32 s13, $0x3;
	[sflag:s17] =	ssyncset.done $0x0  }
0x34: {  	s30 =	sadd.s32 s5, s29;
	[sflag:s17] =	ssyncadd.s32 $0xFFFFF600  }
0x35: {  	[tilespmem:s3], [sflag:$0x1] =	stream.linear.gather [hbm4b:s30+s3], $0x50, $0x38;
	[tilespmem:$0x6540] =	vst v63  }
0x36: {  	s29 =	sadd.s32 s6, s29  }
0x37: {  	[tilespmem:s18], [sflag:$0x1] =	stream.linear.gather [hbm4b:s29+s3], $0x50, $0x38;
	[tilespmem:$0x6540] =	vst v63  }
0x38: {  	_ =	swait.ge [sflag:s26], $0xA00  }
0x39: {  	[sflag:s26] =	ssyncset.done $0x0  }
0x3a: {  	[sflag:s26] =	ssyncadd.s32 $0xFFFFF600  }
0x3b: {  	[spmem:s2] =	stream.indirect.scatter.add.f32 [tilespmem:s25], [sflag:$0x5], $0x20, s22, s20, $0xb8;
	[tilespmem:$0x6540] =	vst v63  }
0x3c: {  	_ =	swait.ge [sflag:s17], $0xA00  }
0x3d: {  	s30 =	smov.u32 s13;
	s29 =	simm.s32 $0x14;
	[sflag:s17] =	ssyncset.done $0x0  }
.LBB2_2:
0x3e: {  	p0 =	sne.s32 s29, $0x4C4;
	[sflag:s17] =	ssyncadd.s32 $0xFFFFF600;
	s30 =	sadd.s32 $0xA0, s30  }
0x3f: {  	s31 =	smov.u32 s29;
	s29 =	sadd.s32 $0x14, s29;
	_ =	swait.ge [sflag:s19], $0x50  }
0x40: {  	[sflag:s19] =	ssyncset.done $0x0  }
0x41: {  	[sflag:s19] =	ssyncadd.s32 $0xFFFFFFB0  }
0x42: {  	_ =	swait.ge [sflag:s19], $0x50  }
0x43: {  	[sflag:s19] =	ssyncset.done $0x0  }
0x44: {  	[sflag:s19] =	ssyncadd.s32 $0xFFFFFFB0  }
0x45: {  	[tilespmem:s21], [sflag:$0x3] =	stream.indirect.gather [hbm4b:s4+s20], $0x20, s3, s20, $0xb8;
	[tilespmem:$0x6540] =	vst v63  }
0x46: {  	s0 =	sadd.s32 s31, s15  }
0x47: {  	[tilespmem:s20], [sflag:$0x2] =	stream.linear.gather [hbm4b:s0+s3], $0x50, $0x38;
	[tilespmem:$0x6540] =	vst v63  }
0x48: {  	s0 =	sadd.s32 s31, s14  }
0x49: {  	[tilespmem:s22], [sflag:$0x2] =	stream.linear.gather [hbm4b:s0+s3], $0x50, $0x38;
	[tilespmem:$0x6540] =	vst v63  }
0x4a: {  	_ =	swait.ge [sflag:s23], $0xA00  }
0x4b: {  	[sflag:s23] =	ssyncset.done $0x0  }
0x4c: {  	[sflag:s23] =	ssyncadd.s32 $0xFFFFF600  }
0x4d: {  	_ =	swait.ge [sflag:s24], $0x50  }
0x4e: {  	[sflag:s24] =	ssyncset.done $0x0  }
0x4f: {  	[sflag:s24] =	ssyncadd.s32 $0xFFFFFFB0  }
0x50: {  	_ =	swait.ge [sflag:s24], $0x50  }
0x51: {  	[sflag:s24] =	ssyncset.done $0x0  }
0x52: {  	[sflag:s24] =	ssyncadd.s32 $0xFFFFFFB0  }
0x53: {  	[tilespmem:s25], [sflag:$0x4] =	stream.indirect.gather [hbm4b:s4+s20], $0x20, s20, s20, $0xb8;
	[tilespmem:$0x6540] =	vst v63  }
0x54: {  	_ = 	snop  }
0x55: {  	[spmem:s2] =	stream.indirect.scatter.add.f32 [tilespmem:s21], [sflag:$0x5], $0x20, s18, s20, $0xb8;
	[tilespmem:$0x6540] =	vst v63  }
0x56: {  	_ =	swait.ge [sflag:s17], $0xA00  }
0x57: {  	s0 =	sshrl.u32 s30, $0x3;
	[sflag:s17] =	ssyncset.done $0x0  }
0x58: {  	s31 =	sadd.s32 s5, s0;
	[sflag:s17] =	ssyncadd.s32 $0xFFFFF600  }
0x59: {  	[tilespmem:s3], [sflag:$0x1] =	stream.linear.gather [hbm4b:s31+s3], $0x50, $0x38;
	[tilespmem:$0x6540] =	vst v63  }
0x5a: {  	s0 =	sadd.s32 s6, s0  }
0x5b: {  	[tilespmem:s18], [sflag:$0x1] =	stream.linear.gather [hbm4b:s0+s3], $0x50, $0x38;
	[tilespmem:$0x6540] =	vst v63  }
0x5c: {  	_ =	swait.ge [sflag:s26], $0xA00  }
.Ltmp0:
0x5d: {  	[sflag:s26] =	ssyncset.done $0x0;
	(pc) =	sbr.rel @p0 .LBB2_2-.Ltmp0, $4  }
0x5e: {  	[sflag:s26] =	ssyncadd.s32 $0xFFFFF600  }
0x5f: {  	[spmem:s2] =	stream.indirect.scatter.add.f32 [tilespmem:s25], [sflag:$0x5], $0x20, s22, s20, $0xb8;
	[tilespmem:$0x6540] =	vst v63  }
0x60: {  	_ =	swait.ge [sflag:s17], $0xA00  }
0x61: {  	[sflag:s17] =	ssyncset.done $0x0  }
0x62: {  	[sflag:s17] =	ssyncadd.s32 $0xFFFFF600  }
0x63: {  	_ =	swait.ge [sflag:s19], $0x50  }
0x64: {  	[sflag:s19] =	ssyncset.done $0x0  }
0x65: {  	[sflag:s19] =	ssyncadd.s32 $0xFFFFFFB0  }
0x66: {  	_ =	swait.ge [sflag:s19], $0x50  }
0x67: {  	[sflag:s19] =	ssyncset.done $0x0  }
0x68: {  	[sflag:s19] =	ssyncadd.s32 $0xFFFFFFB0  }
0x69: {  	[tilespmem:s21], [sflag:$0x3] =	stream.indirect.gather [hbm4b:s4+s20], $0x20, s3, s20, $0xb8;
	[tilespmem:$0x6540] =	vst v63  }
0x6a: {  	_ =	swait.ge [sflag:s23], $0xA00  }
0x6b: {  	[sflag:s23] =	ssyncset.done $0x0  }
0x6c: {  	[sflag:s23] =	ssyncadd.s32 $0xFFFFF600  }
0x6d: {  	[spmem:s2] =	stream.indirect.scatter.add.f32 [tilespmem:s21], [sflag:$0x5], $0x20, s18, s20, $0xb8;
	[tilespmem:$0x6540] =	vst v63  }
0x6e: {  	_ =	swait.ge [sflag:s17], $0xA00  }
0x6f: {  	s28 =	sadd.s32 $0x1, s28;
	[sflag:s17] =	ssyncset.done $0x0  }
0x70: {  	p0 =	sne.s32 s28, s12;
	[sflag:s17] =	ssyncadd.s32 $0xFFFFF600  }
.Ltmp1:
0x71: {  	[bflag:$0x0] =	sbarrier.arrive $0xFFFF;
	(pc) =	sbr.rel @p0 .LBB2_1-.Ltmp1, $4  }
0x72: {  	[hbm:s11], [sflag:s8] =	dma.local [spmem:s16], $0xA00  }
0x73: {  	_ =	swait.ge [sflag:s17], $0xA00  }
0x74: {  	[sflag:s17] =	ssyncset.done $0x0  }
0x75: {  	[sflag:s17] =	ssyncadd.s32 $0xFFFFF600  }
0x76: {  	_ =	sfence.sel $0x180000  }
0x77: {  	[bflag:$0x0] =	sbarrier.arrive $0xFFFF  }
0x78: {  	_ =	strace $0x9000004D  }
0x79: {  	[bflag:$0x2] =	sbarrier.arrive $0xFFFF  }
0x7a: {  	p0 =	sne.s32 s1, $0x0;
	s0 =	rddreg [dreg:$0x2]  }
0x7b: {  	s0 =	sadd.s32 @!p0 $0x100000, s0  }
0x7c: {  	[sflag:s0] =	ssyncadd.tile.s32 @!p0 $0x1;
	_ =	shalt  }
.Lfunc_end2:
_tile_overlayer_lowered:
.L_overlay_start_2:
0x7d: {  	(tag) =	ssettag $0x2  }
0x7e: {  	s0 =	rddreg [dreg:$0x0];
	s2 =	stileid.u32  }
0x7f: {  	s1 =	rddreg [dreg:$0x1];
	p0 =	sne.s32 s2, $0x0  }
0x80: {  	s3 =	rddreg [dreg:$0x2];
	[bflag:$0x3] =	sbarrier.arrive $0xFFFF;
	s2 =	simm.s32 @!p0 $0x1C05  }
0x81: {  	[timem:s3], [sflag:s2] =	dma.local @!p0 [hbm:s0], s1  }
0x82: {  	s0 =	simm.s32 @!p0 $0x5  }
0x83: {  	_ =	swait.ge @!p0 [sflag:s0], s1  }
0x84: {  	s1 =	ssub.s32 @!p0 $0x0, s1;
	[sflag:s0] =	ssyncset.done @!p0 $0x0  }
0x85: {  	[sflag:s0] =	ssyncadd.s32 @!p0 s1  }
0x86: {  	[bflag:$0x3] =	sbarrier.arrive $0xFFFF  }
0x87: {  	_ =	shalt  }

// kernel: kernel.25.cloned.1.call-start
scs
__scs_entry_jumppad:
0x0: {  	(pc) =	sbr.rel $0x88, $3  }
0x1: {  	(tag) =	ssettag $0x0;
	lr =	simm.s32 $0x1  }
0x2: {  	[smem:$0x3F8E] =	sst lr;
	_ =	strace $0xD0000000  }
0x3: {  	_ = 	snop  }
0x4: {  	_ = 	snop  }
0x5: {  	_ = 	snop  }
0x6: {  	_ = 	snop  }
0x7: {  	_ = 	snop  }
__scs_overlays_trampoline_lowered:
0x8: {  	[smem:$0x3F9D] =	sst s0  }
0x9: {  	[smem:$0x3F9E] =	sst s1  }
0xa: {  	[smem:$0x3F9F] =	sst s2  }
0xb: {  	[smem:$0x3FA0] =	sst s3  }
0xc: {  	[smem:$0x3FA1] =	sst s4  }
0xd: {  	[smem:$0x3FA2] =	sst s5  }
0xe: {  	[smem:$0x3FA3] =	sst s6  }
0xf: {  	[smem:$0x3FA4] =	sst s7  }
0x10: {  	[smem:$0x3FA5] =	sst s8  }
0x11: {  	[smem:$0x3FA6] =	sst s9;
	s0 =	simm.s32 @!p0 $0x0  }
0x12: {  	s1 =	sld [smem:$0x3F8C];
	s0 =	simm.s32 @p0 $0x1  }
0x13: {  	[smem:$0x3FA7] =	sst s0;
	s0 =	simm.s32 @!p1 $0x0  }
0x14: {  	s2 =	sld [smem:$0x3F8B];
	s0 =	simm.s32 @p1 $0x1  }
0x15: {  	[smem:$0x3FA8] =	sst s0;
	s0 =	simm.s32 @!p2 $0x0  }
0x16: {  	s3 =	sld [smem:$0x3FDB];
	s0 =	simm.s32 @p2 $0x1  }
0x17: {  	s4 =	simm.s32 $0x1BF5;
	[smem:$0x3FAA] =	sst s0  }
0x18: {  	s0 =	sld [smem:$0x3F8D];
	_ =	swait.ge [sflag:s4], $0x0  }
0x19: {  	s7 =	sld [smem:$0x3F8E]  }
0x1a: {  	s8 =	sadd.s32 $0xFFFFE003, lr  }
0x1b: {  	s9 =	sadd.s32 $0xFFFFFEF7, lr;
	s5 =	simm.s32 $0xFFFFFFFF;
	p2 =	slt.u32 s8, $0xFFFFF086  }
0x1c: {  	p1 =	slt.u32 s9, $0xF7A;
	s5 =	simm.s32 @!p2 $0x0  }
0x1d: {  	s5 =	simm.s32 @p1 $0x1;
	p0 =	seq.s32 s7, s2  }
0x1e: {  	s7 =	smul.u32 @!p0 $0xF7A, s2;
	p2 =	seq.s32 @!p0 s5, $0x0  }
0x1f: {  	s9 =	smul.u32 $0xF7A, s1;
	s8 =	simm.s32 @!p0 $0x1BF5;
	p2 =	por !p2, p0  }
0x20: {  	[sflag:s8] =	ssyncset.s32 @!p0 $0xFFFFF086;
	s6 =	sadd.s32 @!p0 s3, s7;
	s7 =	simm.s32 @!p0 $0x108  }
0x21: {  	s3 =	sadd.s32 s3, s9;
	s6 =	sadd.s32 @!p0 $0x88, s6;
	s7 =	simm.s32 @p2 $0x1082  }
0x22: {  	[simem:s7], [sflag:s8] =	dma.local @!p0 [hbm:s6], $0xF7A  }
0x23: {  	s9 =	sor.u32 $0xD0000000, s2;
	s6 =	simm.s32 $0x108;
	_ =	swait.ge @!p0 [sflag:s8], $0x0  }
0x24: {  	s3 =	sadd.s32 $0x88, s3;
	s6 =	simm.s32 @!p1 $0x1082;
	[sflag:s4] =	ssyncset.s32 $0xFFFFF086  }
0x25: {  	[simem:s6], [sflag:s4] =	dma.local [hbm:s3], $0xF7A  }
0x26: {  	[smem:$0x3F8E] =	sst s1;
	(tag) =	ssettag s2;
	_ =	strace s9  }
0x27: {  	s1 =	sld [smem:$0x3F9E]  }
0x28: {  	s2 =	sld [smem:$0x3F9F]  }
0x29: {  	s4 =	sld [smem:$0x3FA1]  }
0x2a: {  	p0 =	seq.s32 s5, $0x0;
	s5 =	sld [smem:$0x3FA2]  }
0x2b: {  	s6 =	sld [smem:$0x3FA3]  }
0x2c: {  	s7 =	sld [smem:$0x3FA4]  }
0x2d: {  	s3 =	simm.s32 $0x108;
	s8 =	sld [smem:$0x3FA5]  }
0x2e: {  	s3 =	simm.s32 @!p0 $0x1082;
	s9 =	sld [smem:$0x3FA6]  }
0x2f: {  	lr =	sadd.s32 s0, s3;
	s0 =	sld [smem:$0x3F9D]  }
0x30: {  	s3 =	sld [smem:$0x3FA0]  }
0x31: {  	[smem:$0x3FA9] =	sst s10  }
0x32: {  	s10 =	sld [smem:$0x3FA7];
	_ =	sdelay $0x3  }
0x33: {  	p0 =	seq.s32 s10, $0x1;
	s10 =	sld [smem:$0x3FA9];
	_ =	sdelay $0x3  }
0x34: {  	[smem:$0x3FA9] =	sst s10  }
0x35: {  	s10 =	sld [smem:$0x3FA8];
	_ =	sdelay $0x3  }
0x36: {  	p1 =	seq.s32 s10, $0x1;
	s10 =	sld [smem:$0x3FA9];
	_ =	sdelay $0x3  }
0x37: {  	[smem:$0x3FA9] =	sst s10  }
0x38: {  	s10 =	sld [smem:$0x3FAA]  }
0x39: {  	_ = 	snop;
	(pc) =	sbr.ind lr, $3  }
0x3a: {  	_ = 	snop  }
0x3b: {  	_ = 	snop  }
0x3c: {  	p2 =	seq.s32 s10, $0x1;
	s10 =	sld [smem:$0x3FA9]  }
0x3d: {  	_ =	shalt  }
0x3e: {  	_ =	shalt  }
0x3f: {  	_ =	shalt  }
0x40: {  	_ =	shalt  }
0x41: {  	_ =	shalt  }
0x42: {  	_ =	shalt  }
0x43: {  	_ =	shalt  }
0x44: {  	_ =	shalt  }
0x45: {  	_ =	shalt  }
0x46: {  	_ =	shalt  }
0x47: {  	_ =	shalt  }
0x48: {  	_ =	shalt  }
0x49: {  	_ =	shalt  }
0x4a: {  	_ =	shalt  }
0x4b: {  	_ =	shalt  }
0x4c: {  	_ =	shalt  }
0x4d: {  	_ =	shalt  }
0x4e: {  	_ =	shalt  }
0x4f: {  	_ =	shalt  }
0x50: {  	_ =	shalt  }
0x51: {  	_ =	shalt  }
0x52: {  	_ =	shalt  }
0x53: {  	_ =	shalt  }
0x54: {  	_ =	shalt  }
0x55: {  	_ =	shalt  }
0x56: {  	_ =	shalt  }
0x57: {  	_ =	shalt  }
0x58: {  	_ =	shalt  }
0x59: {  	_ =	shalt  }
0x5a: {  	_ =	shalt  }
0x5b: {  	_ =	shalt  }
0x5c: {  	_ =	shalt  }
0x5d: {  	_ =	shalt  }
0x5e: {  	_ =	shalt  }
0x5f: {  	_ =	shalt  }
0x60: {  	_ =	shalt  }
0x61: {  	_ =	shalt  }
0x62: {  	_ =	shalt  }
0x63: {  	_ =	shalt  }
0x64: {  	_ =	shalt  }
0x65: {  	_ =	shalt  }
0x66: {  	_ =	shalt  }
0x67: {  	_ =	shalt  }
0x68: {  	_ =	shalt  }
0x69: {  	_ =	shalt  }
0x6a: {  	_ =	shalt  }
0x6b: {  	_ =	shalt  }
0x6c: {  	_ =	shalt  }
0x6d: {  	_ =	shalt  }
0x6e: {  	_ =	shalt  }
0x6f: {  	_ =	shalt  }
0x70: {  	_ =	shalt  }
0x71: {  	_ =	shalt  }
0x72: {  	_ =	shalt  }
0x73: {  	_ =	shalt  }
0x74: {  	_ =	shalt  }
0x75: {  	_ =	shalt  }
0x76: {  	_ =	shalt  }
0x77: {  	_ =	shalt  }
0x78: {  	_ =	shalt  }
0x79: {  	_ =	shalt  }
0x7a: {  	_ =	shalt  }
0x7b: {  	_ =	shalt  }
0x7c: {  	_ =	shalt  }
0x7d: {  	_ =	shalt  }
0x7e: {  	_ =	shalt  }
0x7f: {  	_ =	shalt  }
0x80: {  	_ =	shalt  }
0x81: {  	_ =	shalt  }
0x82: {  	_ =	shalt  }
0x83: {  	_ =	shalt  }
0x84: {  	_ =	shalt  }
0x85: {  	_ =	shalt  }
0x86: {  	_ =	shalt  }
0x87: {  	_ =	shalt  }
.Lfunc_end0:
.L_simem_size_0:
called_computation.3_lowered:
.L_overlay_start_0:
0x88: {  	s2 =	sld [smem:$0x3FD9]  }
0x89: {  	s3 =	sld [smem:$0x3FFE];
	_ =	sdelay $0x1  }
0x8a: {  	s1 =	srdreg.scid  }
0x8b: {  	s0 =	sand.u32 $0x1, s1  }
0x8c: {  	s16 =	sshll.u32 s0, $0xA;
	s2 =	sadd.s32 s3, s2  }
0x8d: {  	s2 =	sadd.s32 s2, s16  }
0x8e: {  	[smem:$0x3FB5] =	sst s2  }
0x8f: {  	_ = 	snop  }
0x90: {  	(tm) =	ssettm $0x1  }
0x91: {  	s17 =	sld [smem:$0x3FFB];
	_ =	sdelay $0x3  }
0x92: {  	_ =	strace s17  }
0x93: {  	s2 =	sld [smem:$0x3FFC];
	_ =	sdelay $0x3  }
0x94: {  	_ =	strace s2  }
0x95: {  	s2 =	sld [smem:$0x3FFD];
	_ =	sdelay $0x3  }
0x96: {  	_ =	strace s2  }
0x97: {  	_ =	strace $0x8FFFFFFF  }
0x98: {  	s18 =	sld [smem:$0x3FDB];
	_ =	sdelay $0x1  }
0x99: {  	s19 =	simm.s32 $_scs_section_size  }
0x9a: {  	s4 =	simm.s32 $_size__tile_overlayer_lowered;
	s5 =	simm.s32 $_tile_overlayer_lowered  }
0x9b: {  	s22 =	simm.s32 $0x1BFF;
	s21 =	sshll.u32 s5, $0x1;
	s2 =	sadd.s32 s19, s18  }
0x9c: {  	s6 =	simm.s32 $0x0;
	s20 =	sshll.u32 s4, $0x1;
	s4 =	sadd.s32 s21, s2  }
0x9d: {  	[timem:s6], [sflag:s22] =	dma.local [hbm:s4], s20  }
0x9e: {  	_ =	swait.ge [sflag:s22], s20  }
0x9f: {  	s3 =	ssub.s32 $0x0, s20;
	[sflag:s22] =	ssyncset.done $0x0  }
0xa0: {  	[sflag:s22] =	ssyncadd.s32 s3;
	_ =	sdelay $0x1  }
0xa1: {  	s23 =	simm.s32 $0x1B8B  }
0xa2: {  	_ =	swait.ge [sflag:s23], $0x1  }
0xa3: {  	[sflag:s23] =	ssyncset.done $0x0  }
0xa4: {  	s25 =	simm.s32 $0x1B8E;
	s24 =	sld [smem:$0x3FFE];
	[sflag:s23] =	ssyncadd.s32 $0xFFFFFFFF  }
0xa5: {  	s26 =	simm.s32 $execute0_lowered;
	[smem:$0x3FD2] =	sst s25  }
0xa6: {  	s4 =	sshll.u32 s26, $0x1;
	_ =	strace $0x8000004F;
	[dreg:$0x1] =	wrdreg $0xFFFFFFFF  }
0xa7: {  	s28 =	simm.s32 $_size_execute0_lowered;
	s2 =	sadd.s32 s2, s4;
	[dreg:$0x0] =	wrdreg $0x0  }
0xa8: {  	s4 =	sshll.u32 s28, $0x1;
	[dreg:$0x2] =	wrdreg s2  }
0xa9: {  	[dreg:$0x3] =	wrdreg s4  }
0xaa: {  	[dreg:$0x4] =	wrdreg $0xC0  }
0xab: {  	_ =	task [dreg:s6], $0x5FFFF  }
0xac: {  	[dreg:$0x1] =	wrdreg $0xFFFFFFFF  }
0xad: {  	[dreg:$0x0] =	wrdreg $0x60  }
0xae: {  	[dreg:$0x2] =	wrdreg s24  }
0xaf: {  	[dreg:$0x3] =	wrdreg $0x15400  }
0xb0: {  	[dreg:$0x4] =	wrdreg $0x9  }
0xb1: {  	_ =	task.clear_ibuf [dreg:s6], $0x5FFFF;
	_ =	strace $0x9000004F  }
0xb2: {  	s29 =	simm.s32 $0x9;
	_ =	strace $0x80000051  }
0xb3: {  	_ =	swait.ge [sflag:s29], $0x1  }
0xb4: {  	[sflag:s29] =	ssyncadd.s32 $0xFFFFFFFF  }
0xb5: {  	_ =	strace $0x90000051  }
0xb6: {  	_ =	sfence  }
0xb7: {  	s30 =	sld [smem:$0x0];
	_ =	sdelay $0x2  }
0xb8: {  	s31 =	sshll.u32 s1, $0xD;
	s1 =	sshrl.u32 s1, $0x2  }
0xb9: {  	s3 =	sand.u32 $0x4000, s31;
	s1 =	sadd.s32 s1, s30  }
0xba: {  	s0 =	sor.u32 s3, s0;
	s1 =	sshll.u32 s1, $0x11  }
0xbb: {  	s0 =	sor.u32 s1, s0  }
0xbc: {  	s0 =	sadd.s32 $0x8F2B, s0  }
0xbd: {  	[sflag:s0] =	ssyncadd.remote.s32 $0x1  }
0xbe: {  	_ =	sfence.sel $0xFFFF  }
0xbf: {  	[dreg:$0x0] =	wrdreg $0xFFFFFFFF;
	(pc) =	sbr.abs _section_cstart, $3  }
0xc0: {  	[dreg:$0x1] =	wrdreg $0xFFFFFFFF  }
0xc1: {  	_ =	task.clear_ibuf [dreg:s6], $0x2FFFF;
	_ =	strace $0x9FFFFFFF  }
0xc2: {  	(tm) =	ssettm $0x7FFFFFFF  }
0xc3: {  	_ =	shalt  }
tec
execute0_lowered:
.L_overlay_start_1:
0x0: {  	(tag) =	ssettag $0x1  }
0x1: {  	s7 =	rddreg [dreg:$0x0]  }
0x2: {  	s2 =	rddreg [dreg:$0x1]  }
0x3: {  	s3 =	simm.s32 $0x0;
	s1 =	stileid.u32;
	s5 =	srdreg.scid  }
0x4: {  	s18 =	simm.s32 $0xA0;
	s19 =	simm.s32 $0x1;
	s20 =	simm.s32 $0x50  }
0x5: {  	s21 =	simm.s32 $0x140;
	s22 =	simm.s32 $0xF0;
	s23 =	simm.s32 $0x3  }
0x6: {  	s24 =	simm.s32 $0x2;
	s25 =	simm.s32 $0xB40;
	s28 =	simm.s32 $0x0  }
0x7: {  	[smem:$0x7FF] =	sst s3;
	s8 =	smul.u32 $0x5000, s1;
	s4 =	sadd.s32 $0x45200, s7  }
0x8: {  	s9 =	sand.u32 $0x1, s5;
	s10 =	smul.u32 $0xA00, s1;
	s5 =	sadd.s32 $0x4600, s7  }
0x9: {  	s6 =	sadd.s32 $0xE400, s7;
	s14 =	smul.u32 $0x2710, s1;
	s29 =	sshll.u32 s1, $0x6  }
0xa: {  	_ =	strace $0x80000050;
	s11 =	smul.u32 $0xA000, s9;
	s13 =	ssub.s32 $0x2, s9  }
0xb: {  	s9 =	smul.u32 $0x27100, s9;
	s12 =	sshrl.u32 s8, $0x3;
	s26 =	sshrl.u32 s13, $0x1  }
0xc: {  	s16 =	sadd.s32 s8, s2;
	s8 =	sor.u32 $0x1C05, s29;
	s10 =	sadd.s32 s10, s11  }
0xd: {  	s12 =	sadd.s32 s12, s7;
	s13 =	ssub.s32 s13, s26;
	s14 =	sadd.s32 s14, s9  }
0xe: {  	s16 =	sshrl.u32 s16, $0x3;
	s26 =	simm.s32 $0x4;
	s15 =	sadd.s32 s10, s7  }
0xf: {  	s7 =	sadd.s32 $0x4F200, s12;
	s30 =	sshrl.u32 s14, $0x3;
	s17 =	sadd.s32 $0x50, s14  }
0x10: {  	s12 =	smax.u32 s13, $0x1;
	s13 =	sadd.s32 $0xA0, s14;
	s9 =	sadd.s32 s5, s30  }
0x11: {  	s10 =	sadd.s32 s6, s30;
	s11 =	sadd.s32 $0x81200, s15;
	s31 =	sshrl.u32 s17, $0x3  }
0x12: {  	s17 =	simm.s32 $0x5;
	s14 =	sadd.s32 s31, s6;
	s15 =	sadd.s32 s31, s5  }
.LBB2_1:
0x13: {  	[spmem:s16], [sflag:s8] =	dma.local [hbm:s7], $0xA00  }
0x14: {  	_ =	swait.ge [sflag:s17], $0xA00  }
0x15: {  	[sflag:s17] =	ssyncset.done $0x0  }
0x16: {  	[sflag:s17] =	ssyncadd.s32 $0xFFFFF600  }
0x17: {  	[bflag:$0x0] =	sbarrier.arrive $0xFFFF  }
0x18: {  	[tilespmem:s3], [sflag:$0x1] =	stream.linear.gather [hbm4b:s9+s3], $0x50, $0x38;
	[tilespmem:$0x6540] =	vst v63  }
0x19: {  	_ = 	snop  }
0x1a: {  	[tilespmem:s18], [sflag:$0x1] =	stream.linear.gather [hbm4b:s10+s3], $0x50, $0x38;
	[tilespmem:$0x6540] =	vst v63  }
0x1b: {  	_ =	swait.ge [sflag:s19], $0x50  }
0x1c: {  	[sflag:s19] =	ssyncset.done $0x0  }
0x1d: {  	[sflag:s19] =	ssyncadd.s32 $0xFFFFFFB0  }
0x1e: {  	_ =	swait.ge [sflag:s19], $0x50  }
0x1f: {  	[sflag:s19] =	ssyncset.done $0x0  }
0x20: {  	[sflag:s19] =	ssyncadd.s32 $0xFFFFFFB0  }
0x21: {  	[tilespmem:s21], [sflag:$0x3] =	stream.indirect.gather [hbm4b:s4+s20], $0x20, s3, s20, $0xb8;
	[tilespmem:$0x6540] =	vst v63  }
0x22: {  	s29 =	sadd.s32 $0x0, s15  }
0x23: {  	[tilespmem:s20], [sflag:$0x2] =	stream.linear.gather [hbm4b:s29+s3], $0x50, $0x38;
	[tilespmem:$0x6540] =	vst v63  }
0x24: {  	s29 =	sadd.s32 $0x0, s14  }
0x25: {  	[tilespmem:s22], [sflag:$0x2] =	stream.linear.gather [hbm4b:s29+s3], $0x50, $0x38;
	[tilespmem:$0x6540] =	vst v63  }
0x26: {  	_ =	swait.ge [sflag:s23], $0xA00  }
0x27: {  	[sflag:s23] =	ssyncset.done $0x0  }
0x28: {  	[sflag:s23] =	ssyncadd.s32 $0xFFFFF600  }
0x29: {  	_ =	swait.ge [sflag:s24], $0x50  }
0x2a: {  	[sflag:s24] =	ssyncset.done $0x0  }
0x2b: {  	[sflag:s24] =	ssyncadd.s32 $0xFFFFFFB0  }
0x2c: {  	_ =	swait.ge [sflag:s24], $0x50  }
0x2d: {  	[sflag:s24] =	ssyncset.done $0x0  }
0x2e: {  	[sflag:s24] =	ssyncadd.s32 $0xFFFFFFB0  }
0x2f: {  	[tilespmem:s25], [sflag:$0x4] =	stream.indirect.gather [hbm4b:s4+s20], $0x20, s20, s20, $0xb8;
	[tilespmem:$0x6540] =	vst v63  }
0x30: {  	_ = 	snop  }
0x31: {  	[spmem:s2] =	stream.indirect.scatter.add.f32 [tilespmem:s21], [sflag:$0x5], $0x20, s18, s20, $0xb8;
	[tilespmem:$0x6540] =	vst v63  }
0x32: {  	_ =	swait.ge [sflag:s17], $0xA00  }
0x33: {  	s29 =	sshrl.u32 s13, $0x3;
	[sflag:s17] =	ssyncset.done $0x0  }
0x34: {  	s30 =	sadd.s32 s5, s29;
	[sflag:s17] =	ssyncadd.s32 $0xFFFFF600  }
0x35: {  	[tilespmem:s3], [sflag:$0x1] =	stream.linear.gather [hbm4b:s30+s3], $0x50, $0x38;
	[tilespmem:$0x6540] =	vst v63  }
0x36: {  	s29 =	sadd.s32 s6, s29  }
0x37: {  	[tilespmem:s18], [sflag:$0x1] =	stream.linear.gather [hbm4b:s29+s3], $0x50, $0x38;
	[tilespmem:$0x6540] =	vst v63  }
0x38: {  	_ =	swait.ge [sflag:s26], $0xA00  }
0x39: {  	[sflag:s26] =	ssyncset.done $0x0  }
0x3a: {  	[sflag:s26] =	ssyncadd.s32 $0xFFFFF600  }
0x3b: {  	[spmem:s2] =	stream.indirect.scatter.add.f32 [tilespmem:s25], [sflag:$0x5], $0x20, s22, s20, $0xb8;
	[tilespmem:$0x6540] =	vst v63  }
0x3c: {  	_ =	swait.ge [sflag:s17], $0xA00  }
0x3d: {  	s30 =	smov.u32 s13;
	s29 =	simm.s32 $0x14;
	[sflag:s17] =	ssyncset.done $0x0  }
.LBB2_2:
0x3e: {  	p0 =	sne.s32 s29, $0x4C4;
	[sflag:s17] =	ssyncadd.s32 $0xFFFFF600;
	s30 =	sadd.s32 $0xA0, s30  }
0x3f: {  	s31 =	smov.u32 s29;
	s29 =	sadd.s32 $0x14, s29;
	_ =	swait.ge [sflag:s19], $0x50  }
0x40: {  	[sflag:s19] =	ssyncset.done $0x0  }
0x41: {  	[sflag:s19] =	ssyncadd.s32 $0xFFFFFFB0  }
0x42: {  	_ =	swait.ge [sflag:s19], $0x50  }
0x43: {  	[sflag:s19] =	ssyncset.done $0x0  }
0x44: {  	[sflag:s19] =	ssyncadd.s32 $0xFFFFFFB0  }
0x45: {  	[tilespmem:s21], [sflag:$0x3] =	stream.indirect.gather [hbm4b:s4+s20], $0x20, s3, s20, $0xb8;
	[tilespmem:$0x6540] =	vst v63  }
0x46: {  	s0 =	sadd.s32 s31, s15  }
0x47: {  	[tilespmem:s20], [sflag:$0x2] =	stream.linear.gather [hbm4b:s0+s3], $0x50, $0x38;
	[tilespmem:$0x6540] =	vst v63  }
0x48: {  	s0 =	sadd.s32 s31, s14  }
0x49: {  	[tilespmem:s22], [sflag:$0x2] =	stream.linear.gather [hbm4b:s0+s3], $0x50, $0x38;
	[tilespmem:$0x6540] =	vst v63  }
0x4a: {  	_ =	swait.ge [sflag:s23], $0xA00  }
0x4b: {  	[sflag:s23] =	ssyncset.done $0x0  }
0x4c: {  	[sflag:s23] =	ssyncadd.s32 $0xFFFFF600  }
0x4d: {  	_ =	swait.ge [sflag:s24], $0x50  }
0x4e: {  	[sflag:s24] =	ssyncset.done $0x0  }
0x4f: {  	[sflag:s24] =	ssyncadd.s32 $0xFFFFFFB0  }
0x50: {  	_ =	swait.ge [sflag:s24], $0x50  }
0x51: {  	[sflag:s24] =	ssyncset.done $0x0  }
0x52: {  	[sflag:s24] =	ssyncadd.s32 $0xFFFFFFB0  }
0x53: {  	[tilespmem:s25], [sflag:$0x4] =	stream.indirect.gather [hbm4b:s4+s20], $0x20, s20, s20, $0xb8;
	[tilespmem:$0x6540] =	vst v63  }
0x54: {  	_ = 	snop  }
0x55: {  	[spmem:s2] =	stream.indirect.scatter.add.f32 [tilespmem:s21], [sflag:$0x5], $0x20, s18, s20, $0xb8;
	[tilespmem:$0x6540] =	vst v63  }
0x56: {  	_ =	swait.ge [sflag:s17], $0xA00  }
0x57: {  	s0 =	sshrl.u32 s30, $0x3;
	[sflag:s17] =	ssyncset.done $0x0  }
0x58: {  	s31 =	sadd.s32 s5, s0;
	[sflag:s17] =	ssyncadd.s32 $0xFFFFF600  }
0x59: {  	[tilespmem:s3], [sflag:$0x1] =	stream.linear.gather [hbm4b:s31+s3], $0x50, $0x38;
	[tilespmem:$0x6540] =	vst v63  }
0x5a: {  	s0 =	sadd.s32 s6, s0  }
0x5b: {  	[tilespmem:s18], [sflag:$0x1] =	stream.linear.gather [hbm4b:s0+s3], $0x50, $0x38;
	[tilespmem:$0x6540] =	vst v63  }
0x5c: {  	_ =	swait.ge [sflag:s26], $0xA00  }
.Ltmp0:
0x5d: {  	[sflag:s26] =	ssyncset.done $0x0;
	(pc) =	sbr.rel @p0 .LBB2_2-.Ltmp0, $4  }
0x5e: {  	[sflag:s26] =	ssyncadd.s32 $0xFFFFF600  }
0x5f: {  	[spmem:s2] =	stream.indirect.scatter.add.f32 [tilespmem:s25], [sflag:$0x5], $0x20, s22, s20, $0xb8;
	[tilespmem:$0x6540] =	vst v63  }
0x60: {  	_ =	swait.ge [sflag:s17], $0xA00  }
0x61: {  	[sflag:s17] =	ssyncset.done $0x0  }
0x62: {  	[sflag:s17] =	ssyncadd.s32 $0xFFFFF600  }
0x63: {  	_ =	swait.ge [sflag:s19], $0x50  }
0x64: {  	[sflag:s19] =	ssyncset.done $0x0  }
0x65: {  	[sflag:s19] =	ssyncadd.s32 $0xFFFFFFB0  }
0x66: {  	_ =	swait.ge [sflag:s19], $0x50  }
0x67: {  	[sflag:s19] =	ssyncset.done $0x0  }
0x68: {  	[sflag:s19] =	ssyncadd.s32 $0xFFFFFFB0  }
0x69: {  	[tilespmem:s21], [sflag:$0x3] =	stream.indirect.gather [hbm4b:s4+s20], $0x20, s3, s20, $0xb8;
	[tilespmem:$0x6540] =	vst v63  }
0x6a: {  	_ =	swait.ge [sflag:s23], $0xA00  }
0x6b: {  	[sflag:s23] =	ssyncset.done $0x0  }
0x6c: {  	[sflag:s23] =	ssyncadd.s32 $0xFFFFF600  }
0x6d: {  	[spmem:s2] =	stream.indirect.scatter.add.f32 [tilespmem:s21], [sflag:$0x5], $0x20, s18, s20, $0xb8;
	[tilespmem:$0x6540] =	vst v63  }
0x6e: {  	_ =	swait.ge [sflag:s17], $0xA00  }
0x6f: {  	s28 =	sadd.s32 $0x1, s28;
	[sflag:s17] =	ssyncset.done $0x0  }
0x70: {  	p0 =	sne.s32 s28, s12;
	[sflag:s17] =	ssyncadd.s32 $0xFFFFF600  }
.Ltmp1:
0x71: {  	[bflag:$0x0] =	sbarrier.arrive $0xFFFF;
	(pc) =	sbr.rel @p0 .LBB2_1-.Ltmp1, $4  }
0x72: {  	[hbm:s11], [sflag:s8] =	dma.local [spmem:s16], $0xA00  }
0x73: {  	_ =	swait.ge [sflag:s17], $0xA00  }
0x74: {  	[sflag:s17] =	ssyncset.done $0x0  }
0x75: {  	[sflag:s17] =	ssyncadd.s32 $0xFFFFF600  }
0x76: {  	_ =	sfence.sel $0x180000  }
0x77: {  	[bflag:$0x0] =	sbarrier.arrive $0xFFFF  }
0x78: {  	_ =	strace $0x90000050  }
0x79: {  	[bflag:$0x2] =	sbarrier.arrive $0xFFFF  }
0x7a: {  	p0 =	sne.s32 s1, $0x0;
	s0 =	rddreg [dreg:$0x2]  }
0x7b: {  	s0 =	sadd.s32 @!p0 $0x100000, s0  }
0x7c: {  	[sflag:s0] =	ssyncadd.tile.s32 @!p0 $0x1;
	_ =	shalt  }
.Lfunc_end2:
_tile_overlayer_lowered:
.L_overlay_start_2:
0x7d: {  	(tag) =	ssettag $0x2  }
0x7e: {  	s0 =	rddreg [dreg:$0x0];
	s2 =	stileid.u32  }
0x7f: {  	s1 =	rddreg [dreg:$0x1];
	p0 =	sne.s32 s2, $0x0  }
0x80: {  	s3 =	rddreg [dreg:$0x2];
	[bflag:$0x3] =	sbarrier.arrive $0xFFFF;
	s2 =	simm.s32 @!p0 $0x1C05  }
0x81: {  	[timem:s3], [sflag:s2] =	dma.local @!p0 [hbm:s0], s1  }
0x82: {  	s0 =	simm.s32 @!p0 $0x5  }
0x83: {  	_ =	swait.ge @!p0 [sflag:s0], s1  }
0x84: {  	s1 =	ssub.s32 @!p0 $0x0, s1;
	[sflag:s0] =	ssyncset.done @!p0 $0x0  }
0x85: {  	[sflag:s0] =	ssyncadd.s32 @!p0 s1  }
0x86: {  	[bflag:$0x3] =	sbarrier.arrive $0xFFFF  }
0x87: {  	_ =	shalt  }

// kernel: kernel.28.cloned.1.call-start
scs
__scs_entry_jumppad:
0x0: {  	(pc) =	sbr.rel $0x88, $3  }
0x1: {  	(tag) =	ssettag $0x0;
	lr =	simm.s32 $0x1  }
0x2: {  	[smem:$0x3F8E] =	sst lr;
	_ =	strace $0xD0000000  }
0x3: {  	_ = 	snop  }
0x4: {  	_ = 	snop  }
0x5: {  	_ = 	snop  }
0x6: {  	_ = 	snop  }
0x7: {  	_ = 	snop  }
__scs_overlays_trampoline_lowered:
0x8: {  	[smem:$0x3F9D] =	sst s0  }
0x9: {  	[smem:$0x3F9E] =	sst s1  }
0xa: {  	[smem:$0x3F9F] =	sst s2  }
0xb: {  	[smem:$0x3FA0] =	sst s3  }
0xc: {  	[smem:$0x3FA1] =	sst s4  }
0xd: {  	[smem:$0x3FA2] =	sst s5  }
0xe: {  	[smem:$0x3FA3] =	sst s6  }
0xf: {  	[smem:$0x3FA4] =	sst s7  }
0x10: {  	[smem:$0x3FA5] =	sst s8  }
0x11: {  	[smem:$0x3FA6] =	sst s9;
	s0 =	simm.s32 @!p0 $0x0  }
0x12: {  	s1 =	sld [smem:$0x3F8C];
	s0 =	simm.s32 @p0 $0x1  }
0x13: {  	[smem:$0x3FA7] =	sst s0;
	s0 =	simm.s32 @!p1 $0x0  }
0x14: {  	s2 =	sld [smem:$0x3F8B];
	s0 =	simm.s32 @p1 $0x1  }
0x15: {  	[smem:$0x3FA8] =	sst s0;
	s0 =	simm.s32 @!p2 $0x0  }
0x16: {  	s3 =	sld [smem:$0x3FDB];
	s0 =	simm.s32 @p2 $0x1  }
0x17: {  	s4 =	simm.s32 $0x1BF5;
	[smem:$0x3FAA] =	sst s0  }
0x18: {  	s0 =	sld [smem:$0x3F8D];
	_ =	swait.ge [sflag:s4], $0x0  }
0x19: {  	s7 =	sld [smem:$0x3F8E]  }
0x1a: {  	s8 =	sadd.s32 $0xFFFFE003, lr  }
0x1b: {  	s9 =	sadd.s32 $0xFFFFFEF7, lr;
	s5 =	simm.s32 $0xFFFFFFFF;
	p2 =	slt.u32 s8, $0xFFFFF086  }
0x1c: {  	p1 =	slt.u32 s9, $0xF7A;
	s5 =	simm.s32 @!p2 $0x0  }
0x1d: {  	s5 =	simm.s32 @p1 $0x1;
	p0 =	seq.s32 s7, s2  }
0x1e: {  	s7 =	smul.u32 @!p0 $0xF7A, s2;
	p2 =	seq.s32 @!p0 s5, $0x0  }
0x1f: {  	s9 =	smul.u32 $0xF7A, s1;
	s8 =	simm.s32 @!p0 $0x1BF5;
	p2 =	por !p2, p0  }
0x20: {  	[sflag:s8] =	ssyncset.s32 @!p0 $0xFFFFF086;
	s6 =	sadd.s32 @!p0 s3, s7;
	s7 =	simm.s32 @!p0 $0x108  }
0x21: {  	s3 =	sadd.s32 s3, s9;
	s6 =	sadd.s32 @!p0 $0x88, s6;
	s7 =	simm.s32 @p2 $0x1082  }
0x22: {  	[simem:s7], [sflag:s8] =	dma.local @!p0 [hbm:s6], $0xF7A  }
0x23: {  	s9 =	sor.u32 $0xD0000000, s2;
	s6 =	simm.s32 $0x108;
	_ =	swait.ge @!p0 [sflag:s8], $0x0  }
0x24: {  	s3 =	sadd.s32 $0x88, s3;
	s6 =	simm.s32 @!p1 $0x1082;
	[sflag:s4] =	ssyncset.s32 $0xFFFFF086  }
0x25: {  	[simem:s6], [sflag:s4] =	dma.local [hbm:s3], $0xF7A  }
0x26: {  	[smem:$0x3F8E] =	sst s1;
	(tag) =	ssettag s2;
	_ =	strace s9  }
0x27: {  	s1 =	sld [smem:$0x3F9E]  }
0x28: {  	s2 =	sld [smem:$0x3F9F]  }
0x29: {  	s4 =	sld [smem:$0x3FA1]  }
0x2a: {  	p0 =	seq.s32 s5, $0x0;
	s5 =	sld [smem:$0x3FA2]  }
0x2b: {  	s6 =	sld [smem:$0x3FA3]  }
0x2c: {  	s7 =	sld [smem:$0x3FA4]  }
0x2d: {  	s3 =	simm.s32 $0x108;
	s8 =	sld [smem:$0x3FA5]  }
0x2e: {  	s3 =	simm.s32 @!p0 $0x1082;
	s9 =	sld [smem:$0x3FA6]  }
0x2f: {  	lr =	sadd.s32 s0, s3;
	s0 =	sld [smem:$0x3F9D]  }
0x30: {  	s3 =	sld [smem:$0x3FA0]  }
0x31: {  	[smem:$0x3FA9] =	sst s10  }
0x32: {  	s10 =	sld [smem:$0x3FA7];
	_ =	sdelay $0x3  }
0x33: {  	p0 =	seq.s32 s10, $0x1;
	s10 =	sld [smem:$0x3FA9];
	_ =	sdelay $0x3  }
0x34: {  	[smem:$0x3FA9] =	sst s10  }
0x35: {  	s10 =	sld [smem:$0x3FA8];
	_ =	sdelay $0x3  }
0x36: {  	p1 =	seq.s32 s10, $0x1;
	s10 =	sld [smem:$0x3FA9];
	_ =	sdelay $0x3  }
0x37: {  	[smem:$0x3FA9] =	sst s10  }
0x38: {  	s10 =	sld [smem:$0x3FAA]  }
0x39: {  	_ = 	snop;
	(pc) =	sbr.ind lr, $3  }
0x3a: {  	_ = 	snop  }
0x3b: {  	_ = 	snop  }
0x3c: {  	p2 =	seq.s32 s10, $0x1;
	s10 =	sld [smem:$0x3FA9]  }
0x3d: {  	_ =	shalt  }
0x3e: {  	_ =	shalt  }
0x3f: {  	_ =	shalt  }
0x40: {  	_ =	shalt  }
0x41: {  	_ =	shalt  }
0x42: {  	_ =	shalt  }
0x43: {  	_ =	shalt  }
0x44: {  	_ =	shalt  }
0x45: {  	_ =	shalt  }
0x46: {  	_ =	shalt  }
0x47: {  	_ =	shalt  }
0x48: {  	_ =	shalt  }
0x49: {  	_ =	shalt  }
0x4a: {  	_ =	shalt  }
0x4b: {  	_ =	shalt  }
0x4c: {  	_ =	shalt  }
0x4d: {  	_ =	shalt  }
0x4e: {  	_ =	shalt  }
0x4f: {  	_ =	shalt  }
0x50: {  	_ =	shalt  }
0x51: {  	_ =	shalt  }
0x52: {  	_ =	shalt  }
0x53: {  	_ =	shalt  }
0x54: {  	_ =	shalt  }
0x55: {  	_ =	shalt  }
0x56: {  	_ =	shalt  }
0x57: {  	_ =	shalt  }
0x58: {  	_ =	shalt  }
0x59: {  	_ =	shalt  }
0x5a: {  	_ =	shalt  }
0x5b: {  	_ =	shalt  }
0x5c: {  	_ =	shalt  }
0x5d: {  	_ =	shalt  }
0x5e: {  	_ =	shalt  }
0x5f: {  	_ =	shalt  }
0x60: {  	_ =	shalt  }
0x61: {  	_ =	shalt  }
0x62: {  	_ =	shalt  }
0x63: {  	_ =	shalt  }
0x64: {  	_ =	shalt  }
0x65: {  	_ =	shalt  }
0x66: {  	_ =	shalt  }
0x67: {  	_ =	shalt  }
0x68: {  	_ =	shalt  }
0x69: {  	_ =	shalt  }
0x6a: {  	_ =	shalt  }
0x6b: {  	_ =	shalt  }
0x6c: {  	_ =	shalt  }
0x6d: {  	_ =	shalt  }
0x6e: {  	_ =	shalt  }
0x6f: {  	_ =	shalt  }
0x70: {  	_ =	shalt  }
0x71: {  	_ =	shalt  }
0x72: {  	_ =	shalt  }
0x73: {  	_ =	shalt  }
0x74: {  	_ =	shalt  }
0x75: {  	_ =	shalt  }
0x76: {  	_ =	shalt  }
0x77: {  	_ =	shalt  }
0x78: {  	_ =	shalt  }
0x79: {  	_ =	shalt  }
0x7a: {  	_ =	shalt  }
0x7b: {  	_ =	shalt  }
0x7c: {  	_ =	shalt  }
0x7d: {  	_ =	shalt  }
0x7e: {  	_ =	shalt  }
0x7f: {  	_ =	shalt  }
0x80: {  	_ =	shalt  }
0x81: {  	_ =	shalt  }
0x82: {  	_ =	shalt  }
0x83: {  	_ =	shalt  }
0x84: {  	_ =	shalt  }
0x85: {  	_ =	shalt  }
0x86: {  	_ =	shalt  }
0x87: {  	_ =	shalt  }
.Lfunc_end0:
.L_simem_size_0:
called_computation.4_lowered:
.L_overlay_start_0:
0x88: {  	s2 =	sld [smem:$0x3FD9]  }
0x89: {  	s3 =	sld [smem:$0x3FFE];
	_ =	sdelay $0x1  }
0x8a: {  	s1 =	srdreg.scid  }
0x8b: {  	s0 =	sand.u32 $0x1, s1  }
0x8c: {  	s16 =	sshll.u32 s0, $0xA;
	s2 =	sadd.s32 s3, s2  }
0x8d: {  	s2 =	sadd.s32 s2, s16  }
0x8e: {  	[smem:$0x3FB5] =	sst s2  }
0x8f: {  	_ = 	snop  }
0x90: {  	(tm) =	ssettm $0x1  }
0x91: {  	s17 =	sld [smem:$0x3FFB];
	_ =	sdelay $0x3  }
0x92: {  	_ =	strace s17  }
0x93: {  	s2 =	sld [smem:$0x3FFC];
	_ =	sdelay $0x3  }
0x94: {  	_ =	strace s2  }
0x95: {  	s2 =	sld [smem:$0x3FFD];
	_ =	sdelay $0x3  }
0x96: {  	_ =	strace s2  }
0x97: {  	_ =	strace $0x8FFFFFFF  }
0x98: {  	s18 =	sld [smem:$0x3FDB];
	_ =	sdelay $0x1  }
0x99: {  	s19 =	simm.s32 $_scs_section_size  }
0x9a: {  	s4 =	simm.s32 $_size__tile_overlayer_lowered;
	s5 =	simm.s32 $_tile_overlayer_lowered  }
0x9b: {  	s22 =	simm.s32 $0x1BFF;
	s21 =	sshll.u32 s5, $0x1;
	s2 =	sadd.s32 s19, s18  }
0x9c: {  	s6 =	simm.s32 $0x0;
	s20 =	sshll.u32 s4, $0x1;
	s4 =	sadd.s32 s21, s2  }
0x9d: {  	[timem:s6], [sflag:s22] =	dma.local [hbm:s4], s20  }
0x9e: {  	_ =	swait.ge [sflag:s22], s20  }
0x9f: {  	s3 =	ssub.s32 $0x0, s20;
	[sflag:s22] =	ssyncset.done $0x0  }
0xa0: {  	[sflag:s22] =	ssyncadd.s32 s3;
	_ =	sdelay $0x1  }
0xa1: {  	s23 =	simm.s32 $0x1B8B  }
0xa2: {  	_ =	swait.ge [sflag:s23], $0x1  }
0xa3: {  	[sflag:s23] =	ssyncset.done $0x0  }
0xa4: {  	s25 =	simm.s32 $0x1B8E;
	s24 =	sld [smem:$0x3FFE];
	[sflag:s23] =	ssyncadd.s32 $0xFFFFFFFF  }
0xa5: {  	s26 =	simm.s32 $execute0_lowered;
	[smem:$0x3FD2] =	sst s25  }
0xa6: {  	s4 =	sshll.u32 s26, $0x1;
	_ =	strace $0x80000052;
	[dreg:$0x1] =	wrdreg $0xFFFFFFFF  }
0xa7: {  	s28 =	simm.s32 $_size_execute0_lowered;
	s2 =	sadd.s32 s2, s4;
	[dreg:$0x0] =	wrdreg $0x0  }
0xa8: {  	s4 =	sshll.u32 s28, $0x1;
	[dreg:$0x2] =	wrdreg s2  }
0xa9: {  	[dreg:$0x3] =	wrdreg s4  }
0xaa: {  	[dreg:$0x4] =	wrdreg $0xC0  }
0xab: {  	_ =	task [dreg:s6], $0x5FFFF  }
0xac: {  	[dreg:$0x1] =	wrdreg $0xFFFFFFFF  }
0xad: {  	[dreg:$0x0] =	wrdreg $0x60  }
0xae: {  	[dreg:$0x2] =	wrdreg s24  }
0xaf: {  	[dreg:$0x3] =	wrdreg $0xB400  }
0xb0: {  	[dreg:$0x4] =	wrdreg $0x9  }
0xb1: {  	_ =	task.clear_ibuf [dreg:s6], $0x5FFFF;
	_ =	strace $0x90000052  }
0xb2: {  	s29 =	simm.s32 $0x9;
	_ =	strace $0x80000054  }
0xb3: {  	_ =	swait.ge [sflag:s29], $0x1  }
0xb4: {  	[sflag:s29] =	ssyncadd.s32 $0xFFFFFFFF  }
0xb5: {  	_ =	strace $0x90000054  }
0xb6: {  	_ =	sfence  }
0xb7: {  	s30 =	sld [smem:$0x0];
	_ =	sdelay $0x2  }
0xb8: {  	s31 =	sshll.u32 s1, $0xD;
	s1 =	sshrl.u32 s1, $0x2  }
0xb9: {  	s3 =	sand.u32 $0x4000, s31;
	s1 =	sadd.s32 s1, s30  }
0xba: {  	s0 =	sor.u32 s3, s0;
	s1 =	sshll.u32 s1, $0x11  }
0xbb: {  	s0 =	sor.u32 s1, s0  }
0xbc: {  	s0 =	sadd.s32 $0x8F2B, s0  }
0xbd: {  	[sflag:s0] =	ssyncadd.remote.s32 $0x1  }
0xbe: {  	_ =	sfence.sel $0xFFFF  }
0xbf: {  	[dreg:$0x0] =	wrdreg $0xFFFFFFFF;
	(pc) =	sbr.abs _section_cstart, $3  }
0xc0: {  	[dreg:$0x1] =	wrdreg $0xFFFFFFFF  }
0xc1: {  	_ =	task.clear_ibuf [dreg:s6], $0x2FFFF;
	_ =	strace $0x9FFFFFFF  }
0xc2: {  	(tm) =	ssettm $0x7FFFFFFF  }
0xc3: {  	_ =	shalt  }
tec
execute0_lowered:
.L_overlay_start_1:
0x0: {  	(tag) =	ssettag $0x1  }
0x1: {  	s7 =	rddreg [dreg:$0x0]  }
0x2: {  	s2 =	rddreg [dreg:$0x1]  }
0x3: {  	s3 =	simm.s32 $0x0;
	s1 =	stileid.u32;
	s5 =	srdreg.scid  }
0x4: {  	s18 =	simm.s32 $0xA0;
	s19 =	simm.s32 $0x1;
	s20 =	simm.s32 $0x50  }
0x5: {  	s21 =	simm.s32 $0x140;
	s22 =	simm.s32 $0xF0;
	s23 =	simm.s32 $0x3  }
0x6: {  	s24 =	simm.s32 $0x2;
	s25 =	simm.s32 $0x640;
	s28 =	simm.s32 $0x0  }
0x7: {  	[smem:$0x7FF] =	sst s3;
	s8 =	smul.u32 $0x2800, s1;
	s4 =	sadd.s32 $0x45200, s7  }
0x8: {  	s9 =	sand.u32 $0x1, s5;
	s10 =	smul.u32 $0x500, s1;
	s5 =	sadd.s32 $0x4600, s7  }
0x9: {  	s6 =	sadd.s32 $0xE400, s7;
	s14 =	smul.u32 $0x2710, s1;
	s29 =	sshll.u32 s1, $0x6  }
0xa: {  	_ =	strace $0x80000053;
	s11 =	smul.u32 $0x5000, s9;
	s13 =	ssub.s32 $0x2, s9  }
0xb: {  	s9 =	smul.u32 $0x27100, s9;
	s12 =	sshrl.u32 s8, $0x3;
	s26 =	sshrl.u32 s13, $0x1  }
0xc: {  	s16 =	sadd.s32 s8, s2;
	s8 =	sor.u32 $0x1C05, s29;
	s10 =	sadd.s32 s10, s11  }
0xd: {  	s12 =	sadd.s32 s12, s7;
	s13 =	ssub.s32 s13, s26;
	s14 =	sadd.s32 s14, s9  }
0xe: {  	s16 =	sshrl.u32 s16, $0x3;
	s26 =	simm.s32 $0x4;
	s15 =	sadd.s32 s10, s7  }
0xf: {  	s7 =	sadd.s32 $0x18200, s12;
	s30 =	sshrl.u32 s14, $0x3;
	s17 =	sadd.s32 $0x50, s14  }
0x10: {  	s12 =	smax.u32 s13, $0x1;
	s13 =	sadd.s32 $0xA0, s14;
	s9 =	sadd.s32 s5, s30  }
0x11: {  	s10 =	sadd.s32 s6, s30;
	s11 =	sadd.s32 $0x4A200, s15;
	s31 =	sshrl.u32 s17, $0x3  }
0x12: {  	s17 =	simm.s32 $0x5;
	s14 =	sadd.s32 s31, s6;
	s15 =	sadd.s32 s31, s5  }
.LBB2_1:
0x13: {  	[spmem:s16], [sflag:s8] =	dma.local [hbm:s7], $0x500  }
0x14: {  	_ =	swait.ge [sflag:s17], $0x500  }
0x15: {  	[sflag:s17] =	ssyncset.done $0x0  }
0x16: {  	[sflag:s17] =	ssyncadd.s32 $0xFFFFFB00  }
0x17: {  	[bflag:$0x0] =	sbarrier.arrive $0xFFFF  }
0x18: {  	[tilespmem:s3], [sflag:$0x1] =	stream.linear.gather [hbm4b:s9+s3], $0x50, $0x38;
	[tilespmem:$0x3340] =	vst v63  }
0x19: {  	_ = 	snop  }
0x1a: {  	[tilespmem:s18], [sflag:$0x1] =	stream.linear.gather [hbm4b:s10+s3], $0x50, $0x38;
	[tilespmem:$0x3340] =	vst v63  }
0x1b: {  	_ =	swait.ge [sflag:s19], $0x50  }
0x1c: {  	[sflag:s19] =	ssyncset.done $0x0  }
0x1d: {  	[sflag:s19] =	ssyncadd.s32 $0xFFFFFFB0  }
0x1e: {  	_ =	swait.ge [sflag:s19], $0x50  }
0x1f: {  	[sflag:s19] =	ssyncset.done $0x0  }
0x20: {  	[sflag:s19] =	ssyncadd.s32 $0xFFFFFFB0  }
0x21: {  	[tilespmem:s21], [sflag:$0x3] =	stream.indirect.gather [hbm4b:s4+s20], $0x10, s3, s20, $0xb8;
	[tilespmem:$0x3340] =	vst v63  }
0x22: {  	s29 =	sadd.s32 $0x0, s15  }
0x23: {  	[tilespmem:s20], [sflag:$0x2] =	stream.linear.gather [hbm4b:s29+s3], $0x50, $0x38;
	[tilespmem:$0x3340] =	vst v63  }
0x24: {  	s29 =	sadd.s32 $0x0, s14  }
0x25: {  	[tilespmem:s22], [sflag:$0x2] =	stream.linear.gather [hbm4b:s29+s3], $0x50, $0x38;
	[tilespmem:$0x3340] =	vst v63  }
0x26: {  	_ =	swait.ge [sflag:s23], $0x500  }
0x27: {  	[sflag:s23] =	ssyncset.done $0x0  }
0x28: {  	[sflag:s23] =	ssyncadd.s32 $0xFFFFFB00  }
0x29: {  	_ =	swait.ge [sflag:s24], $0x50  }
0x2a: {  	[sflag:s24] =	ssyncset.done $0x0  }
0x2b: {  	[sflag:s24] =	ssyncadd.s32 $0xFFFFFFB0  }
0x2c: {  	_ =	swait.ge [sflag:s24], $0x50  }
0x2d: {  	[sflag:s24] =	ssyncset.done $0x0  }
0x2e: {  	[sflag:s24] =	ssyncadd.s32 $0xFFFFFFB0  }
0x2f: {  	[tilespmem:s25], [sflag:$0x4] =	stream.indirect.gather [hbm4b:s4+s20], $0x10, s20, s20, $0xb8;
	[tilespmem:$0x3340] =	vst v63  }
0x30: {  	_ = 	snop  }
0x31: {  	[spmem:s2] =	stream.indirect.scatter.add.f32 [tilespmem:s21], [sflag:$0x5], $0x10, s18, s20, $0xb8;
	[tilespmem:$0x3340] =	vst v63  }
0x32: {  	_ =	swait.ge [sflag:s17], $0x500  }
0x33: {  	s29 =	sshrl.u32 s13, $0x3;
	[sflag:s17] =	ssyncset.done $0x0  }
0x34: {  	s30 =	sadd.s32 s5, s29;
	[sflag:s17] =	ssyncadd.s32 $0xFFFFFB00  }
0x35: {  	[tilespmem:s3], [sflag:$0x1] =	stream.linear.gather [hbm4b:s30+s3], $0x50, $0x38;
	[tilespmem:$0x3340] =	vst v63  }
0x36: {  	s29 =	sadd.s32 s6, s29  }
0x37: {  	[tilespmem:s18], [sflag:$0x1] =	stream.linear.gather [hbm4b:s29+s3], $0x50, $0x38;
	[tilespmem:$0x3340] =	vst v63  }
0x38: {  	_ =	swait.ge [sflag:s26], $0x500  }
0x39: {  	[sflag:s26] =	ssyncset.done $0x0  }
0x3a: {  	[sflag:s26] =	ssyncadd.s32 $0xFFFFFB00  }
0x3b: {  	[spmem:s2] =	stream.indirect.scatter.add.f32 [tilespmem:s25], [sflag:$0x5], $0x10, s22, s20, $0xb8;
	[tilespmem:$0x3340] =	vst v63  }
0x3c: {  	_ =	swait.ge [sflag:s17], $0x500  }
0x3d: {  	s30 =	smov.u32 s13;
	s29 =	simm.s32 $0x14;
	[sflag:s17] =	ssyncset.done $0x0  }
.LBB2_2:
0x3e: {  	p0 =	sne.s32 s29, $0x4C4;
	[sflag:s17] =	ssyncadd.s32 $0xFFFFFB00;
	s30 =	sadd.s32 $0xA0, s30  }
0x3f: {  	s31 =	smov.u32 s29;
	s29 =	sadd.s32 $0x14, s29;
	_ =	swait.ge [sflag:s19], $0x50  }
0x40: {  	[sflag:s19] =	ssyncset.done $0x0  }
0x41: {  	[sflag:s19] =	ssyncadd.s32 $0xFFFFFFB0  }
0x42: {  	_ =	swait.ge [sflag:s19], $0x50  }
0x43: {  	[sflag:s19] =	ssyncset.done $0x0  }
0x44: {  	[sflag:s19] =	ssyncadd.s32 $0xFFFFFFB0  }
0x45: {  	[tilespmem:s21], [sflag:$0x3] =	stream.indirect.gather [hbm4b:s4+s20], $0x10, s3, s20, $0xb8;
	[tilespmem:$0x3340] =	vst v63  }
0x46: {  	s0 =	sadd.s32 s31, s15  }
0x47: {  	[tilespmem:s20], [sflag:$0x2] =	stream.linear.gather [hbm4b:s0+s3], $0x50, $0x38;
	[tilespmem:$0x3340] =	vst v63  }
0x48: {  	s0 =	sadd.s32 s31, s14  }
0x49: {  	[tilespmem:s22], [sflag:$0x2] =	stream.linear.gather [hbm4b:s0+s3], $0x50, $0x38;
	[tilespmem:$0x3340] =	vst v63  }
0x4a: {  	_ =	swait.ge [sflag:s23], $0x500  }
0x4b: {  	[sflag:s23] =	ssyncset.done $0x0  }
0x4c: {  	[sflag:s23] =	ssyncadd.s32 $0xFFFFFB00  }
0x4d: {  	_ =	swait.ge [sflag:s24], $0x50  }
0x4e: {  	[sflag:s24] =	ssyncset.done $0x0  }
0x4f: {  	[sflag:s24] =	ssyncadd.s32 $0xFFFFFFB0  }
0x50: {  	_ =	swait.ge [sflag:s24], $0x50  }
0x51: {  	[sflag:s24] =	ssyncset.done $0x0  }
0x52: {  	[sflag:s24] =	ssyncadd.s32 $0xFFFFFFB0  }
0x53: {  	[tilespmem:s25], [sflag:$0x4] =	stream.indirect.gather [hbm4b:s4+s20], $0x10, s20, s20, $0xb8;
	[tilespmem:$0x3340] =	vst v63  }
0x54: {  	_ = 	snop  }
0x55: {  	[spmem:s2] =	stream.indirect.scatter.add.f32 [tilespmem:s21], [sflag:$0x5], $0x10, s18, s20, $0xb8;
	[tilespmem:$0x3340] =	vst v63  }
0x56: {  	_ =	swait.ge [sflag:s17], $0x500  }
0x57: {  	s0 =	sshrl.u32 s30, $0x3;
	[sflag:s17] =	ssyncset.done $0x0  }
0x58: {  	s31 =	sadd.s32 s5, s0;
	[sflag:s17] =	ssyncadd.s32 $0xFFFFFB00  }
0x59: {  	[tilespmem:s3], [sflag:$0x1] =	stream.linear.gather [hbm4b:s31+s3], $0x50, $0x38;
	[tilespmem:$0x3340] =	vst v63  }
0x5a: {  	s0 =	sadd.s32 s6, s0  }
0x5b: {  	[tilespmem:s18], [sflag:$0x1] =	stream.linear.gather [hbm4b:s0+s3], $0x50, $0x38;
	[tilespmem:$0x3340] =	vst v63  }
0x5c: {  	_ =	swait.ge [sflag:s26], $0x500  }
.Ltmp0:
0x5d: {  	[sflag:s26] =	ssyncset.done $0x0;
	(pc) =	sbr.rel @p0 .LBB2_2-.Ltmp0, $4  }
0x5e: {  	[sflag:s26] =	ssyncadd.s32 $0xFFFFFB00  }
0x5f: {  	[spmem:s2] =	stream.indirect.scatter.add.f32 [tilespmem:s25], [sflag:$0x5], $0x10, s22, s20, $0xb8;
	[tilespmem:$0x3340] =	vst v63  }
0x60: {  	_ =	swait.ge [sflag:s17], $0x500  }
0x61: {  	[sflag:s17] =	ssyncset.done $0x0  }
0x62: {  	[sflag:s17] =	ssyncadd.s32 $0xFFFFFB00  }
0x63: {  	_ =	swait.ge [sflag:s19], $0x50  }
0x64: {  	[sflag:s19] =	ssyncset.done $0x0  }
0x65: {  	[sflag:s19] =	ssyncadd.s32 $0xFFFFFFB0  }
0x66: {  	_ =	swait.ge [sflag:s19], $0x50  }
0x67: {  	[sflag:s19] =	ssyncset.done $0x0  }
0x68: {  	[sflag:s19] =	ssyncadd.s32 $0xFFFFFFB0  }
0x69: {  	[tilespmem:s21], [sflag:$0x3] =	stream.indirect.gather [hbm4b:s4+s20], $0x10, s3, s20, $0xb8;
	[tilespmem:$0x3340] =	vst v63  }
0x6a: {  	_ =	swait.ge [sflag:s23], $0x500  }
0x6b: {  	[sflag:s23] =	ssyncset.done $0x0  }
0x6c: {  	[sflag:s23] =	ssyncadd.s32 $0xFFFFFB00  }
0x6d: {  	[spmem:s2] =	stream.indirect.scatter.add.f32 [tilespmem:s21], [sflag:$0x5], $0x10, s18, s20, $0xb8;
	[tilespmem:$0x3340] =	vst v63  }
0x6e: {  	_ =	swait.ge [sflag:s17], $0x500  }
0x6f: {  	s28 =	sadd.s32 $0x1, s28;
	[sflag:s17] =	ssyncset.done $0x0  }
0x70: {  	p0 =	sne.s32 s28, s12;
	[sflag:s17] =	ssyncadd.s32 $0xFFFFFB00  }
.Ltmp1:
0x71: {  	[bflag:$0x0] =	sbarrier.arrive $0xFFFF;
	(pc) =	sbr.rel @p0 .LBB2_1-.Ltmp1, $4  }
0x72: {  	[hbm:s11], [sflag:s8] =	dma.local [spmem:s16], $0x500  }
0x73: {  	_ =	swait.ge [sflag:s17], $0x500  }
0x74: {  	[sflag:s17] =	ssyncset.done $0x0  }
0x75: {  	[sflag:s17] =	ssyncadd.s32 $0xFFFFFB00  }
0x76: {  	_ =	sfence.sel $0x180000  }
0x77: {  	[bflag:$0x0] =	sbarrier.arrive $0xFFFF  }
0x78: {  	_ =	strace $0x90000053  }
0x79: {  	[bflag:$0x2] =	sbarrier.arrive $0xFFFF  }
0x7a: {  	p0 =	sne.s32 s1, $0x0;
	s0 =	rddreg [dreg:$0x2]  }
0x7b: {  	s0 =	sadd.s32 @!p0 $0x100000, s0  }
0x7c: {  	[sflag:s0] =	ssyncadd.tile.s32 @!p0 $0x1;
	_ =	shalt  }
.Lfunc_end2:
_tile_overlayer_lowered:
.L_overlay_start_2:
0x7d: {  	(tag) =	ssettag $0x2  }
0x7e: {  	s0 =	rddreg [dreg:$0x0];
	s2 =	stileid.u32  }
0x7f: {  	s1 =	rddreg [dreg:$0x1];
	p0 =	sne.s32 s2, $0x0  }
0x80: {  	s3 =	rddreg [dreg:$0x2];
	[bflag:$0x3] =	sbarrier.arrive $0xFFFF;
	s2 =	simm.s32 @!p0 $0x1C05  }
0x81: {  	[timem:s3], [sflag:s2] =	dma.local @!p0 [hbm:s0], s1  }
0x82: {  	s0 =	simm.s32 @!p0 $0x5  }
0x83: {  	_ =	swait.ge @!p0 [sflag:s0], s1  }
0x84: {  	s1 =	ssub.s32 @!p0 $0x0, s1;
	[sflag:s0] =	ssyncset.done @!p0 $0x0  }
0x85: {  	[sflag:s0] =	ssyncadd.s32 @!p0 s1  }
0x86: {  	[bflag:$0x3] =	sbarrier.arrive $0xFFFF  }
0x87: {  	_ =	shalt  }

// kernel: kernel.31.cloned.1.call-start
scs
__scs_entry_jumppad:
0x0: {  	(pc) =	sbr.rel $0x88, $3  }
0x1: {  	(tag) =	ssettag $0x0;
	lr =	simm.s32 $0x1  }
0x2: {  	[smem:$0x3F8E] =	sst lr;
	_ =	strace $0xD0000000  }
0x3: {  	_ = 	snop  }
0x4: {  	_ = 	snop  }
0x5: {  	_ = 	snop  }
0x6: {  	_ = 	snop  }
0x7: {  	_ = 	snop  }
__scs_overlays_trampoline_lowered:
0x8: {  	[smem:$0x3F9D] =	sst s0  }
0x9: {  	[smem:$0x3F9E] =	sst s1  }
0xa: {  	[smem:$0x3F9F] =	sst s2  }
0xb: {  	[smem:$0x3FA0] =	sst s3  }
0xc: {  	[smem:$0x3FA1] =	sst s4  }
0xd: {  	[smem:$0x3FA2] =	sst s5  }
0xe: {  	[smem:$0x3FA3] =	sst s6  }
0xf: {  	[smem:$0x3FA4] =	sst s7  }
0x10: {  	[smem:$0x3FA5] =	sst s8  }
0x11: {  	[smem:$0x3FA6] =	sst s9;
	s0 =	simm.s32 @!p0 $0x0  }
0x12: {  	s1 =	sld [smem:$0x3F8C];
	s0 =	simm.s32 @p0 $0x1  }
0x13: {  	[smem:$0x3FA7] =	sst s0;
	s0 =	simm.s32 @!p1 $0x0  }
0x14: {  	s2 =	sld [smem:$0x3F8B];
	s0 =	simm.s32 @p1 $0x1  }
0x15: {  	[smem:$0x3FA8] =	sst s0;
	s0 =	simm.s32 @!p2 $0x0  }
0x16: {  	s3 =	sld [smem:$0x3FDB];
	s0 =	simm.s32 @p2 $0x1  }
0x17: {  	s4 =	simm.s32 $0x1BF5;
	[smem:$0x3FAA] =	sst s0  }
0x18: {  	s0 =	sld [smem:$0x3F8D];
	_ =	swait.ge [sflag:s4], $0x0  }
0x19: {  	s7 =	sld [smem:$0x3F8E]  }
0x1a: {  	s8 =	sadd.s32 $0xFFFFE003, lr  }
0x1b: {  	s9 =	sadd.s32 $0xFFFFFEF7, lr;
	s5 =	simm.s32 $0xFFFFFFFF;
	p2 =	slt.u32 s8, $0xFFFFF086  }
0x1c: {  	p1 =	slt.u32 s9, $0xF7A;
	s5 =	simm.s32 @!p2 $0x0  }
0x1d: {  	s5 =	simm.s32 @p1 $0x1;
	p0 =	seq.s32 s7, s2  }
0x1e: {  	s7 =	smul.u32 @!p0 $0xF7A, s2;
	p2 =	seq.s32 @!p0 s5, $0x0  }
0x1f: {  	s9 =	smul.u32 $0xF7A, s1;
	s8 =	simm.s32 @!p0 $0x1BF5;
	p2 =	por !p2, p0  }
0x20: {  	[sflag:s8] =	ssyncset.s32 @!p0 $0xFFFFF086;
	s6 =	sadd.s32 @!p0 s3, s7;
	s7 =	simm.s32 @!p0 $0x108  }
0x21: {  	s3 =	sadd.s32 s3, s9;
	s6 =	sadd.s32 @!p0 $0x88, s6;
	s7 =	simm.s32 @p2 $0x1082  }
0x22: {  	[simem:s7], [sflag:s8] =	dma.local @!p0 [hbm:s6], $0xF7A  }
0x23: {  	s9 =	sor.u32 $0xD0000000, s2;
	s6 =	simm.s32 $0x108;
	_ =	swait.ge @!p0 [sflag:s8], $0x0  }
0x24: {  	s3 =	sadd.s32 $0x88, s3;
	s6 =	simm.s32 @!p1 $0x1082;
	[sflag:s4] =	ssyncset.s32 $0xFFFFF086  }
0x25: {  	[simem:s6], [sflag:s4] =	dma.local [hbm:s3], $0xF7A  }
0x26: {  	[smem:$0x3F8E] =	sst s1;
	(tag) =	ssettag s2;
	_ =	strace s9  }
0x27: {  	s1 =	sld [smem:$0x3F9E]  }
0x28: {  	s2 =	sld [smem:$0x3F9F]  }
0x29: {  	s4 =	sld [smem:$0x3FA1]  }
0x2a: {  	p0 =	seq.s32 s5, $0x0;
	s5 =	sld [smem:$0x3FA2]  }
0x2b: {  	s6 =	sld [smem:$0x3FA3]  }
0x2c: {  	s7 =	sld [smem:$0x3FA4]  }
0x2d: {  	s3 =	simm.s32 $0x108;
	s8 =	sld [smem:$0x3FA5]  }
0x2e: {  	s3 =	simm.s32 @!p0 $0x1082;
	s9 =	sld [smem:$0x3FA6]  }
0x2f: {  	lr =	sadd.s32 s0, s3;
	s0 =	sld [smem:$0x3F9D]  }
0x30: {  	s3 =	sld [smem:$0x3FA0]  }
0x31: {  	[smem:$0x3FA9] =	sst s10  }
0x32: {  	s10 =	sld [smem:$0x3FA7];
	_ =	sdelay $0x3  }
0x33: {  	p0 =	seq.s32 s10, $0x1;
	s10 =	sld [smem:$0x3FA9];
	_ =	sdelay $0x3  }
0x34: {  	[smem:$0x3FA9] =	sst s10  }
0x35: {  	s10 =	sld [smem:$0x3FA8];
	_ =	sdelay $0x3  }
0x36: {  	p1 =	seq.s32 s10, $0x1;
	s10 =	sld [smem:$0x3FA9];
	_ =	sdelay $0x3  }
0x37: {  	[smem:$0x3FA9] =	sst s10  }
0x38: {  	s10 =	sld [smem:$0x3FAA]  }
0x39: {  	_ = 	snop;
	(pc) =	sbr.ind lr, $3  }
0x3a: {  	_ = 	snop  }
0x3b: {  	_ = 	snop  }
0x3c: {  	p2 =	seq.s32 s10, $0x1;
	s10 =	sld [smem:$0x3FA9]  }
0x3d: {  	_ =	shalt  }
0x3e: {  	_ =	shalt  }
0x3f: {  	_ =	shalt  }
0x40: {  	_ =	shalt  }
0x41: {  	_ =	shalt  }
0x42: {  	_ =	shalt  }
0x43: {  	_ =	shalt  }
0x44: {  	_ =	shalt  }
0x45: {  	_ =	shalt  }
0x46: {  	_ =	shalt  }
0x47: {  	_ =	shalt  }
0x48: {  	_ =	shalt  }
0x49: {  	_ =	shalt  }
0x4a: {  	_ =	shalt  }
0x4b: {  	_ =	shalt  }
0x4c: {  	_ =	shalt  }
0x4d: {  	_ =	shalt  }
0x4e: {  	_ =	shalt  }
0x4f: {  	_ =	shalt  }
0x50: {  	_ =	shalt  }
0x51: {  	_ =	shalt  }
0x52: {  	_ =	shalt  }
0x53: {  	_ =	shalt  }
0x54: {  	_ =	shalt  }
0x55: {  	_ =	shalt  }
0x56: {  	_ =	shalt  }
0x57: {  	_ =	shalt  }
0x58: {  	_ =	shalt  }
0x59: {  	_ =	shalt  }
0x5a: {  	_ =	shalt  }
0x5b: {  	_ =	shalt  }
0x5c: {  	_ =	shalt  }
0x5d: {  	_ =	shalt  }
0x5e: {  	_ =	shalt  }
0x5f: {  	_ =	shalt  }
0x60: {  	_ =	shalt  }
0x61: {  	_ =	shalt  }
0x62: {  	_ =	shalt  }
0x63: {  	_ =	shalt  }
0x64: {  	_ =	shalt  }
0x65: {  	_ =	shalt  }
0x66: {  	_ =	shalt  }
0x67: {  	_ =	shalt  }
0x68: {  	_ =	shalt  }
0x69: {  	_ =	shalt  }
0x6a: {  	_ =	shalt  }
0x6b: {  	_ =	shalt  }
0x6c: {  	_ =	shalt  }
0x6d: {  	_ =	shalt  }
0x6e: {  	_ =	shalt  }
0x6f: {  	_ =	shalt  }
0x70: {  	_ =	shalt  }
0x71: {  	_ =	shalt  }
0x72: {  	_ =	shalt  }
0x73: {  	_ =	shalt  }
0x74: {  	_ =	shalt  }
0x75: {  	_ =	shalt  }
0x76: {  	_ =	shalt  }
0x77: {  	_ =	shalt  }
0x78: {  	_ =	shalt  }
0x79: {  	_ =	shalt  }
0x7a: {  	_ =	shalt  }
0x7b: {  	_ =	shalt  }
0x7c: {  	_ =	shalt  }
0x7d: {  	_ =	shalt  }
0x7e: {  	_ =	shalt  }
0x7f: {  	_ =	shalt  }
0x80: {  	_ =	shalt  }
0x81: {  	_ =	shalt  }
0x82: {  	_ =	shalt  }
0x83: {  	_ =	shalt  }
0x84: {  	_ =	shalt  }
0x85: {  	_ =	shalt  }
0x86: {  	_ =	shalt  }
0x87: {  	_ =	shalt  }
.Lfunc_end0:
.L_simem_size_0:
called_computation.5_lowered:
.L_overlay_start_0:
0x88: {  	s2 =	sld [smem:$0x3FD9]  }
0x89: {  	s3 =	sld [smem:$0x3FFE];
	_ =	sdelay $0x1  }
0x8a: {  	s1 =	srdreg.scid  }
0x8b: {  	s0 =	sand.u32 $0x1, s1  }
0x8c: {  	s16 =	sshll.u32 s0, $0xA;
	s2 =	sadd.s32 s3, s2  }
0x8d: {  	s2 =	sadd.s32 s2, s16  }
0x8e: {  	[smem:$0x3FB5] =	sst s2  }
0x8f: {  	_ = 	snop  }
0x90: {  	(tm) =	ssettm $0x1  }
0x91: {  	s17 =	sld [smem:$0x3FFB];
	_ =	sdelay $0x3  }
0x92: {  	_ =	strace s17  }
0x93: {  	s2 =	sld [smem:$0x3FFC];
	_ =	sdelay $0x3  }
0x94: {  	_ =	strace s2  }
0x95: {  	s2 =	sld [smem:$0x3FFD];
	_ =	sdelay $0x3  }
0x96: {  	_ =	strace s2  }
0x97: {  	_ =	strace $0x8FFFFFFF  }
0x98: {  	s18 =	sld [smem:$0x3FDB];
	_ =	sdelay $0x1  }
0x99: {  	s19 =	simm.s32 $_scs_section_size  }
0x9a: {  	s4 =	simm.s32 $_size__tile_overlayer_lowered;
	s5 =	simm.s32 $_tile_overlayer_lowered  }
0x9b: {  	s22 =	simm.s32 $0x1BFF;
	s21 =	sshll.u32 s5, $0x1;
	s2 =	sadd.s32 s19, s18  }
0x9c: {  	s6 =	simm.s32 $0x0;
	s20 =	sshll.u32 s4, $0x1;
	s4 =	sadd.s32 s21, s2  }
0x9d: {  	[timem:s6], [sflag:s22] =	dma.local [hbm:s4], s20  }
0x9e: {  	_ =	swait.ge [sflag:s22], s20  }
0x9f: {  	s3 =	ssub.s32 $0x0, s20;
	[sflag:s22] =	ssyncset.done $0x0  }
0xa0: {  	[sflag:s22] =	ssyncadd.s32 s3;
	_ =	sdelay $0x1  }
0xa1: {  	s23 =	simm.s32 $0x1B8B  }
0xa2: {  	_ =	swait.ge [sflag:s23], $0x1  }
0xa3: {  	[sflag:s23] =	ssyncset.done $0x0  }
0xa4: {  	s25 =	simm.s32 $0x1B8E;
	s24 =	sld [smem:$0x3FFE];
	[sflag:s23] =	ssyncadd.s32 $0xFFFFFFFF  }
0xa5: {  	s26 =	simm.s32 $execute0_lowered;
	[smem:$0x3FD2] =	sst s25  }
0xa6: {  	s4 =	sshll.u32 s26, $0x1;
	_ =	strace $0x80000055;
	[dreg:$0x1] =	wrdreg $0xFFFFFFFF  }
0xa7: {  	s28 =	simm.s32 $_size_execute0_lowered;
	s2 =	sadd.s32 s2, s4;
	[dreg:$0x0] =	wrdreg $0x0  }
0xa8: {  	s4 =	sshll.u32 s28, $0x1;
	[dreg:$0x2] =	wrdreg s2  }
0xa9: {  	[dreg:$0x3] =	wrdreg s4  }
0xaa: {  	[dreg:$0x4] =	wrdreg $0xC0  }
0xab: {  	_ =	task [dreg:s6], $0x5FFFF  }
0xac: {  	[dreg:$0x1] =	wrdreg $0xFFFFFFFF  }
0xad: {  	[dreg:$0x0] =	wrdreg $0x60  }
0xae: {  	[dreg:$0x2] =	wrdreg s24  }
0xaf: {  	[dreg:$0x3] =	wrdreg $0x23500  }
0xb0: {  	[dreg:$0x4] =	wrdreg $0x9  }
0xb1: {  	_ =	task.clear_ibuf [dreg:s6], $0x5FFFF;
	_ =	strace $0x90000055  }
0xb2: {  	s29 =	simm.s32 $0x9;
	_ =	strace $0x80000057  }
0xb3: {  	_ =	swait.ge [sflag:s29], $0x1  }
0xb4: {  	[sflag:s29] =	ssyncadd.s32 $0xFFFFFFFF  }
0xb5: {  	_ =	strace $0x90000057  }
0xb6: {  	_ =	sfence  }
0xb7: {  	s30 =	sld [smem:$0x0];
	_ =	sdelay $0x2  }
0xb8: {  	s31 =	sshll.u32 s1, $0xD;
	s1 =	sshrl.u32 s1, $0x2  }
0xb9: {  	s3 =	sand.u32 $0x4000, s31;
	s1 =	sadd.s32 s1, s30  }
0xba: {  	s0 =	sor.u32 s3, s0;
	s1 =	sshll.u32 s1, $0x11  }
0xbb: {  	s0 =	sor.u32 s1, s0  }
0xbc: {  	s0 =	sadd.s32 $0x8F2B, s0  }
0xbd: {  	[sflag:s0] =	ssyncadd.remote.s32 $0x1  }
0xbe: {  	_ =	sfence.sel $0xFFFF  }
0xbf: {  	[dreg:$0x0] =	wrdreg $0xFFFFFFFF;
	(pc) =	sbr.abs _section_cstart, $3  }
0xc0: {  	[dreg:$0x1] =	wrdreg $0xFFFFFFFF  }
0xc1: {  	_ =	task.clear_ibuf [dreg:s6], $0x2FFFF;
	_ =	strace $0x9FFFFFFF  }
0xc2: {  	(tm) =	ssettm $0x7FFFFFFF  }
0xc3: {  	_ =	shalt  }
tec
execute0_lowered:
.L_overlay_start_1:
0x0: {  	(tag) =	ssettag $0x1  }
0x1: {  	s0 =	srdreg.scid  }
0x2: {  	s17 =	rddreg [dreg:$0x0];
	s18 =	sand.u32 $0x1, s0  }
0x3: {  	s0 =	stileid.u32;
	s4 =	smul.u32 $0x1400, s18  }
0x4: {  	s2 =	rddreg [dreg:$0x1];
	s3 =	simm.s32 $0x0;
	s5 =	smul.u32 $0xD200, s0  }
0x5: {  	[smem:$0x7FF] =	sst s3;
	s6 =	smul.u32 $0x140, s0  }
0x6: {  	s1 =	rddreg [dreg:$0x2];
	_ =	strace $0x80000056  }
0x7: {  	s26 =	sshll.u32 s0, $0x6;
	s7 =	sshrl.u32 s5, $0x3;
	s10 =	sadd.s32 s6, s4  }
0x8: {  	s25 =	sadd.s32 s5, s2;
	s5 =	sor.u32 $0x1C01, s26;
	s24 =	sadd.s32 s7, s17  }
0x9: {  	s6 =	simm.s32 $0x1;
	s7 =	sshrl.u32 s25, $0x3;
	s4 =	sadd.s32 $0x27C00, s24  }
0xa: {  	[spmem:s7], [sflag:s5] =	dma.local [hbm:s4], $0x1A40  }
0xb: {  	s8 =	smul.u32 $0xE, s10;
	_ =	swait.ge [sflag:s6], $0x1A40  }
0xc: {  	[sflag:s6] =	ssyncset.done $0x0  }
0xd: {  	s15 =	sadd.s32 s8, s17;
	[sflag:s6] =	ssyncadd.s32 $0xFFFFE5C0  }
0xe: {  	s9 =	simm.s32 $0x50;
	s8 =	sadd.s32 $0x4600, s15;
	[bflag:$0x0] =	sbarrier.arrive $0xFFFF  }
0xf: {  	[tilespmem:s9], [sflag:$0x1] =	stream.linear.gather [hbm4b:s8+s3], $0x2300, $0x38;
	[tilespmem:$0xF550] =	vst v63  }
0x10: {  	_ =	swait.ge [sflag:s6], $0x2300  }
0x11: {  	s11 =	sadd.s32 $0x27600, s17;
	s10 =	sshrl.u32 s10, $0x3;
	[sflag:s6] =	ssyncset.done $0x0  }
0x12: {  	s10 =	sadd.s32 s11, s10;
	[sflag:s6] =	ssyncadd.s32 $0xFFFFDD00  }
0x13: {  	[tilespmem:s3], [sflag:$0x1] =	stream.linear.gather [hbm4b:s10+s3], $0x50, $0x38;
	[tilespmem:$0xF550] =	vst v63  }
0x14: {  	_ =	swait.ge [sflag:s6], $0x50  }
0x15: {  	[sflag:s6] =	ssyncset.done $0x0  }
0x16: {  	[sflag:s6] =	ssyncadd.s32 $0xFFFFFFB0  }
0x17: {  	[spmem:s2] =	stream.indirect.scatter.add.f32 [tilespmem:s9], [sflag:$0x1], $0x70, s3, s9, $0xb8;
	[tilespmem:$0xF550] =	vst v63  }
0x18: {  	_ =	swait.ge [sflag:s6], $0x2300  }
0x19: {  	[sflag:s6] =	ssyncset.done $0x0  }
0x1a: {  	s11 =	sadd.s32 $0x4A60, s15;
	[sflag:s6] =	ssyncadd.s32 $0xFFFFDD00  }
0x1b: {  	[tilespmem:s9], [sflag:$0x1] =	stream.linear.gather [hbm4b:s11+s3], $0x2300, $0x38;
	[tilespmem:$0xF550] =	vst v63  }
0x1c: {  	_ =	swait.ge [sflag:s6], $0x2300  }
0x1d: {  	[sflag:s6] =	ssyncset.done $0x0  }
0x1e: {  	s12 =	sadd.s32 $0xA, s10;
	[sflag:s6] =	ssyncadd.s32 $0xFFFFDD00  }
0x1f: {  	[tilespmem:s3], [sflag:$0x1] =	stream.linear.gather [hbm4b:s12+s3], $0x50, $0x38;
	[tilespmem:$0xF550] =	vst v63  }
0x20: {  	_ =	swait.ge [sflag:s6], $0x50  }
0x21: {  	[sflag:s6] =	ssyncset.done $0x0  }
0x22: {  	[sflag:s6] =	ssyncadd.s32 $0xFFFFFFB0  }
0x23: {  	[spmem:s2] =	stream.indirect.scatter.add.f32 [tilespmem:s9], [sflag:$0x1], $0x70, s3, s9, $0xb8;
	[tilespmem:$0xF550] =	vst v63  }
0x24: {  	_ =	swait.ge [sflag:s6], $0x2300  }
0x25: {  	[sflag:s6] =	ssyncset.done $0x0  }
0x26: {  	s13 =	sadd.s32 $0x4EC0, s15;
	[sflag:s6] =	ssyncadd.s32 $0xFFFFDD00  }
0x27: {  	[tilespmem:s9], [sflag:$0x1] =	stream.linear.gather [hbm4b:s13+s3], $0x2300, $0x38;
	[tilespmem:$0xF550] =	vst v63  }
0x28: {  	_ =	swait.ge [sflag:s6], $0x2300  }
0x29: {  	[sflag:s6] =	ssyncset.done $0x0  }
0x2a: {  	s14 =	sadd.s32 $0x14, s10;
	[sflag:s6] =	ssyncadd.s32 $0xFFFFDD00  }
0x2b: {  	[tilespmem:s3], [sflag:$0x1] =	stream.linear.gather [hbm4b:s14+s3], $0x50, $0x38;
	[tilespmem:$0xF550] =	vst v63  }
0x2c: {  	_ =	swait.ge [sflag:s6], $0x50  }
0x2d: {  	[sflag:s6] =	ssyncset.done $0x0  }
0x2e: {  	[sflag:s6] =	ssyncadd.s32 $0xFFFFFFB0  }
0x2f: {  	[spmem:s2] =	stream.indirect.scatter.add.f32 [tilespmem:s9], [sflag:$0x1], $0x70, s3, s9, $0xb8;
	[tilespmem:$0xF550] =	vst v63  }
0x30: {  	_ =	swait.ge [sflag:s6], $0x2300  }
0x31: {  	[sflag:s6] =	ssyncset.done $0x0  }
0x32: {  	s15 =	sadd.s32 $0x5320, s15;
	[sflag:s6] =	ssyncadd.s32 $0xFFFFDD00  }
0x33: {  	[tilespmem:s9], [sflag:$0x1] =	stream.linear.gather [hbm4b:s15+s3], $0x2300, $0x38;
	[tilespmem:$0xF550] =	vst v63  }
0x34: {  	_ =	swait.ge [sflag:s6], $0x2300  }
0x35: {  	[sflag:s6] =	ssyncset.done $0x0  }
0x36: {  	s19 =	smul.u32 $0x15E00, s18;
	s16 =	sadd.s32 $0x1E, s10;
	[sflag:s6] =	ssyncadd.s32 $0xFFFFDD00  }
0x37: {  	[tilespmem:s3], [sflag:$0x1] =	stream.linear.gather [hbm4b:s16+s3], $0x50, $0x38;
	[tilespmem:$0xF550] =	vst v63  }
0x38: {  	s20 =	smul.u32 $0x15E0, s0;
	s18 =	ssub.s32 $0x2, s18;
	_ =	swait.ge [sflag:s6], $0x50  }
0x39: {  	s28 =	smul.u32 $0x2BC00, s0;
	s29 =	sshrl.u32 s18, $0x1;
	[sflag:s6] =	ssyncset.done $0x0  }
0x3a: {  	s19 =	sadd.s32 s20, s19;
	s18 =	ssub.s32 s18, s29;
	[sflag:s6] =	ssyncadd.s32 $0xFFFFFFB0  }
0x3b: {  	[spmem:s2] =	stream.indirect.scatter.add.f32 [tilespmem:s9], [sflag:$0x1], $0x70, s3, s9, $0xb8;
	[tilespmem:$0xF550] =	vst v63  }
0x3c: {  	s30 =	sshrl.u32 s28, $0x2;
	s31 =	smax.u32 s18, $0x1;
	_ =	swait.ge [sflag:s6], $0x2300  }
0x3d: {  	p0 =	sne.s32 s31, $0x1;
	s17 =	sadd.s32 s19, s17;
	[sflag:s6] =	ssyncset.done $0x0  }
.Ltmp0:
0x3e: {  	s19 =	sadd.s32 s30, s2;
	[sflag:s6] =	ssyncadd.s32 $0xFFFFDD00;
	(pc) =	sbr.rel @!p0 .LBB2_2-.Ltmp0, $4  }
0x3f: {  	s17 =	sadd.s32 $0x42000, s17;
	s18 =	sshrl.u32 s19, $0x3;
	[bflag:$0x0] =	sbarrier.arrive $0xFFFF  }
0x40: {  	[hbm:s17], [sflag:s5] =	dma.local [spmem:s18], $0x15E0  }
0x41: {  	_ =	swait.ge [sflag:s6], $0x15E0  }
0x42: {  	s19 =	sadd.s32 $0xFFFFFFFF, s31;
	[sflag:s6] =	ssyncset.done $0x0  }
.LBB2_1:
0x43: {  	p0 =	sne.s32 s19, $0x1;
	s19 =	sadd.s32 $0xFFFFFFFF, s19;
	[sflag:s6] =	ssyncadd.s32 $0xFFFFEA20  }
0x44: {  	[spmem:s7], [sflag:s5] =	dma.local [hbm:s4], $0x1A40  }
0x45: {  	_ =	swait.ge [sflag:s6], $0x1A40  }
0x46: {  	[sflag:s6] =	ssyncset.done $0x0  }
0x47: {  	[sflag:s6] =	ssyncadd.s32 $0xFFFFE5C0  }
0x48: {  	[bflag:$0x0] =	sbarrier.arrive $0xFFFF  }
0x49: {  	[tilespmem:s9], [sflag:$0x1] =	stream.linear.gather [hbm4b:s8+s3], $0x2300, $0x38;
	[tilespmem:$0xF550] =	vst v63  }
0x4a: {  	_ =	swait.ge [sflag:s6], $0x2300  }
0x4b: {  	[sflag:s6] =	ssyncset.done $0x0  }
0x4c: {  	[sflag:s6] =	ssyncadd.s32 $0xFFFFDD00  }
0x4d: {  	[tilespmem:s3], [sflag:$0x1] =	stream.linear.gather [hbm4b:s10+s3], $0x50, $0x38;
	[tilespmem:$0xF550] =	vst v63  }
0x4e: {  	_ =	swait.ge [sflag:s6], $0x50  }
0x4f: {  	[sflag:s6] =	ssyncset.done $0x0  }
0x50: {  	[sflag:s6] =	ssyncadd.s32 $0xFFFFFFB0  }
0x51: {  	[spmem:s2] =	stream.indirect.scatter.add.f32 [tilespmem:s9], [sflag:$0x1], $0x70, s3, s9, $0xb8;
	[tilespmem:$0xF550] =	vst v63  }
0x52: {  	_ =	swait.ge [sflag:s6], $0x2300  }
0x53: {  	[sflag:s6] =	ssyncset.done $0x0  }
0x54: {  	[sflag:s6] =	ssyncadd.s32 $0xFFFFDD00  }
0x55: {  	[tilespmem:s9], [sflag:$0x1] =	stream.linear.gather [hbm4b:s11+s3], $0x2300, $0x38;
	[tilespmem:$0xF550] =	vst v63  }
0x56: {  	_ =	swait.ge [sflag:s6], $0x2300  }
0x57: {  	[sflag:s6] =	ssyncset.done $0x0  }
0x58: {  	[sflag:s6] =	ssyncadd.s32 $0xFFFFDD00  }
0x59: {  	[tilespmem:s3], [sflag:$0x1] =	stream.linear.gather [hbm4b:s12+s3], $0x50, $0x38;
	[tilespmem:$0xF550] =	vst v63  }
0x5a: {  	_ =	swait.ge [sflag:s6], $0x50  }
0x5b: {  	[sflag:s6] =	ssyncset.done $0x0  }
0x5c: {  	[sflag:s6] =	ssyncadd.s32 $0xFFFFFFB0  }
0x5d: {  	[spmem:s2] =	stream.indirect.scatter.add.f32 [tilespmem:s9], [sflag:$0x1], $0x70, s3, s9, $0xb8;
	[tilespmem:$0xF550] =	vst v63  }
0x5e: {  	_ =	swait.ge [sflag:s6], $0x2300  }
0x5f: {  	[sflag:s6] =	ssyncset.done $0x0  }
0x60: {  	[sflag:s6] =	ssyncadd.s32 $0xFFFFDD00  }
0x61: {  	[tilespmem:s9], [sflag:$0x1] =	stream.linear.gather [hbm4b:s13+s3], $0x2300, $0x38;
	[tilespmem:$0xF550] =	vst v63  }
0x62: {  	_ =	swait.ge [sflag:s6], $0x2300  }
0x63: {  	[sflag:s6] =	ssyncset.done $0x0  }
0x64: {  	[sflag:s6] =	ssyncadd.s32 $0xFFFFDD00  }
0x65: {  	[tilespmem:s3], [sflag:$0x1] =	stream.linear.gather [hbm4b:s14+s3], $0x50, $0x38;
	[tilespmem:$0xF550] =	vst v63  }
0x66: {  	_ =	swait.ge [sflag:s6], $0x50  }
0x67: {  	[sflag:s6] =	ssyncset.done $0x0  }
0x68: {  	[sflag:s6] =	ssyncadd.s32 $0xFFFFFFB0  }
0x69: {  	[spmem:s2] =	stream.indirect.scatter.add.f32 [tilespmem:s9], [sflag:$0x1], $0x70, s3, s9, $0xb8;
	[tilespmem:$0xF550] =	vst v63  }
0x6a: {  	_ =	swait.ge [sflag:s6], $0x2300  }
0x6b: {  	[sflag:s6] =	ssyncset.done $0x0  }
0x6c: {  	[sflag:s6] =	ssyncadd.s32 $0xFFFFDD00  }
0x6d: {  	[tilespmem:s9], [sflag:$0x1] =	stream.linear.gather [hbm4b:s15+s3], $0x2300, $0x38;
	[tilespmem:$0xF550] =	vst v63  }
0x6e: {  	_ =	swait.ge [sflag:s6], $0x2300  }
0x6f: {  	[sflag:s6] =	ssyncset.done $0x0  }
0x70: {  	[sflag:s6] =	ssyncadd.s32 $0xFFFFDD00  }
0x71: {  	[tilespmem:s3], [sflag:$0x1] =	stream.linear.gather [hbm4b:s16+s3], $0x50, $0x38;
	[tilespmem:$0xF550] =	vst v63  }
0x72: {  	_ =	swait.ge [sflag:s6], $0x50  }
0x73: {  	[sflag:s6] =	ssyncset.done $0x0  }
0x74: {  	[sflag:s6] =	ssyncadd.s32 $0xFFFFFFB0  }
0x75: {  	[spmem:s2] =	stream.indirect.scatter.add.f32 [tilespmem:s9], [sflag:$0x1], $0x70, s3, s9, $0xb8;
	[tilespmem:$0xF550] =	vst v63  }
0x76: {  	_ =	swait.ge [sflag:s6], $0x2300  }
0x77: {  	[sflag:s6] =	ssyncset.done $0x0  }
.Ltmp1:
0x78: {  	[sflag:s6] =	ssyncadd.s32 $0xFFFFDD00;
	(pc) =	sbr.rel @p0 .LBB2_1-.Ltmp1, $4  }
0x79: {  	[bflag:$0x0] =	sbarrier.arrive $0xFFFF  }
0x7a: {  	[hbm:s17], [sflag:s5] =	dma.local [spmem:s18], $0x15E0  }
0x7b: {  	_ =	swait.ge [sflag:s6], $0x15E0  }
0x7c: {  	[sflag:s6] =	ssyncset.done $0x0  }
.LBB2_2:
0x7d: {  	[sflag:s6] =	ssyncadd.s32 $0xFFFFEA20  }
0x7e: {  	_ =	sfence.sel $0x180000  }
0x7f: {  	[bflag:$0x0] =	sbarrier.arrive $0xFFFF  }
0x80: {  	p0 =	sne.s32 s0, $0x0;
	_ =	strace $0x90000056  }
0x81: {  	s0 =	sadd.s32 @!p0 $0x100000, s1;
	[bflag:$0x2] =	sbarrier.arrive $0xFFFF  }
0x82: {  	[sflag:s0] =	ssyncadd.tile.s32 @!p0 $0x1;
	_ =	shalt  }
.Lfunc_end2:
_tile_overlayer_lowered:
.L_overlay_start_2:
0x83: {  	(tag) =	ssettag $0x2  }
0x84: {  	s0 =	rddreg [dreg:$0x0];
	s2 =	stileid.u32  }
0x85: {  	s1 =	rddreg [dreg:$0x1];
	p0 =	sne.s32 s2, $0x0  }
0x86: {  	s3 =	rddreg [dreg:$0x2];
	[bflag:$0x3] =	sbarrier.arrive $0xFFFF;
	s2 =	simm.s32 @!p0 $0x1C01  }
0x87: {  	[timem:s3], [sflag:s2] =	dma.local @!p0 [hbm:s0], s1  }
0x88: {  	s0 =	simm.s32 @!p0 $0x1  }
0x89: {  	_ =	swait.ge @!p0 [sflag:s0], s1  }
0x8a: {  	s1 =	ssub.s32 @!p0 $0x0, s1;
	[sflag:s0] =	ssyncset.done @!p0 $0x0  }
0x8b: {  	[sflag:s0] =	ssyncadd.s32 @!p0 s1  }
0x8c: {  	[bflag:$0x3] =	sbarrier.arrive $0xFFFF  }
0x8d: {  	_ =	shalt  }

</sc_bundles>
